<compile_context>
chip_gen: v7x
topology: tpu7x:2x2x1
jax: 0.10.2.dev20260603
libtpu: 0.0.44.dev20260713+nightly
codegen_flags: <defaults>
</compile_context>

<pallas_src>
import functools

import jax
import jax.numpy as jnp
import numpy as np
from jax import lax
from jax.experimental import pallas as pl
from jax.experimental.pallas import tpu as pltpu
from jax.experimental.pallas import tpu_sc as plsc

N = 10000
H = 128
E = 320000
L = 3
XPAD = 256

NW = 32
CHUNK = 128
CH = 80
HCH = CH // 2
EPAD = NW * CH * CHUNK
CHA = 160
SGA = 40
NSA = 4
NPAD = 10112
RPT = NPAD // 16

BN = 2000
NB = N // BN

_MESH = plsc.VectorSubcoreMesh(core_axis_name="c", subcore_axis_name="s")


@functools.partial(
    pl.kernel,
    out_type=jax.ShapeDtypeStruct((NPAD, H), jnp.float32),
    mesh=_MESH,
    scratch_types=[
        pltpu.VMEM((SGA, CHUNK), jnp.int32),
        pltpu.VMEM((SGA, CHUNK), jnp.int32),
        pltpu.VMEM((CHUNK, H), jnp.float32),
        pltpu.VMEM((CHUNK, H), jnp.float32),
        pltpu.VMEM_SHARED((NPAD, H), jnp.float32),
        pltpu.SemaphoreType.DMA,
    ],
)
def _sc_segsum(hid_hbm, src_hbm, dst_hbm,
               out_hbm, src_v, dst_v, rows0_v, rows1_v, agg_s, sem):
    cid = lax.axis_index("c")
    sid = lax.axis_index("s")
    base = sid * RPT

    @pl.when(cid == 0)
    def _core_values():
        def zrow(r, carry):
            for k in range(H // 16):
                rows0_v[r, pl.ds(k * 16, 16)] = jnp.zeros((16,), jnp.float32)
            return carry

        lax.fori_loop(0, CHUNK, zrow, 0)
        for blk in range(RPT // CHUNK):
            pltpu.sync_copy(rows0_v, agg_s.at[pl.ds(base + blk * CHUNK, CHUNK)])
        pltpu.sync_copy(rows0_v.at[pl.ds(0, RPT % CHUNK)],
                        agg_s.at[pl.ds(base + (RPT // CHUNK) * CHUNK, RPT % CHUNK)])
        plsc.subcore_barrier()
        for hlf in range(NSA):
            pltpu.sync_copy(src_hbm.at[sid, pl.ds(hlf * SGA, SGA)],
                            src_v.at[pl.ds(0, SGA)])
            pltpu.sync_copy(dst_hbm.at[sid, pl.ds(hlf * SGA, SGA)],
                            dst_v.at[pl.ds(0, SGA)])
            pltpu.async_copy(hid_hbm.at[src_v.at[0]], rows0_v, sem)

            def body(j2, carry):
                j = 2 * j2
                pltpu.async_copy(hid_hbm.at[src_v.at[j + 1]], rows1_v, sem)
                pltpu.make_async_copy(hid_hbm.at[src_v.at[j]], rows0_v, sem).wait()
                pltpu.sync_copy(rows0_v, agg_s.at[dst_v.at[j]], add=True)
                nxt = jnp.minimum(j + 2, SGA - 1)
                pltpu.async_copy(hid_hbm.at[src_v.at[nxt]], rows0_v, sem)
                pltpu.make_async_copy(hid_hbm.at[src_v.at[j + 1]], rows1_v, sem).wait()
                pltpu.sync_copy(rows1_v, agg_s.at[dst_v.at[j + 1]], add=True)
                return carry

            lax.fori_loop(0, SGA // 2, body, 0)
            pltpu.make_async_copy(hid_hbm.at[src_v.at[SGA - 1]], rows0_v, sem).wait()
        plsc.subcore_barrier()
        pltpu.sync_copy(agg_s.at[pl.ds(base, RPT)], out_hbm.at[pl.ds(base, RPT)])


@functools.partial(
    pl.kernel,
    out_type=jax.ShapeDtypeStruct((2, NPAD, H), jnp.float32),
    mesh=_MESH,
    scratch_types=[
        pltpu.VMEM((CH, CHUNK), jnp.int32),
        pltpu.VMEM((CHUNK, H), jnp.float32),
        pltpu.VMEM_SHARED((NPAD, H), jnp.float32),
    ],
)
def _sc_degree(dst_hbm, out_hbm, dst_v, ones_v, deg_s):
    cid = lax.axis_index("c")
    sid = lax.axis_index("s")
    wid = sid * 2 + cid
    base = sid * RPT

    def fill(r, carry):
        for k in range(H // 16):
            ones_v[r, pl.ds(k * 16, 16)] = jnp.zeros((16,), jnp.float32)
        return carry

    lax.fori_loop(0, CHUNK, fill, 0)
    for blk in range(RPT // CHUNK):
        pltpu.sync_copy(ones_v, deg_s.at[pl.ds(base + blk * CHUNK, CHUNK)])
    pltpu.sync_copy(ones_v.at[pl.ds(0, RPT % CHUNK)],
                    deg_s.at[pl.ds(base + (RPT // CHUNK) * CHUNK, RPT % CHUNK)])

    def fill1(r, carry):
        for k in range(H // 16):
            ones_v[r, pl.ds(k * 16, 16)] = jnp.ones((16,), jnp.float32)
        return carry

    lax.fori_loop(0, CHUNK, fill1, 0)
    pltpu.sync_copy(dst_hbm.at[wid], dst_v)
    plsc.subcore_barrier()

    def body(j, carry):
        pltpu.sync_copy(ones_v, deg_s.at[dst_v.at[j]], add=True)
        return carry

    lax.fori_loop(0, CH, body, 0)
    plsc.subcore_barrier()
    pltpu.sync_copy(deg_s.at[pl.ds(base, RPT)], out_hbm.at[cid, pl.ds(base, RPT)])


def _dot(a, b):
    return lax.dot_general(a, b, (((1,), (0,)), ((), ())),
                           preferred_element_type=jnp.float32)


def _tc_pre_body(x_ref, w_ref, b_ref, o_ref):
    o_ref[...] = jnp.maximum(_dot(x_ref[...], w_ref[...]) + b_ref[...], 0.0)


def _tc_pre(x, wpt, b):
    xd = x.shape[1]
    return pl.pallas_call(
        _tc_pre_body,
        grid=(NB,),
        in_specs=[
            pl.BlockSpec((BN, xd), lambda i: (i, 0)),
            pl.BlockSpec((xd, H), lambda i: (0, 0)),
            pl.BlockSpec((1, H), lambda i: (0, 0)),
        ],
        out_specs=pl.BlockSpec((BN, H), lambda i: (i, 0)),
        out_shape=jax.ShapeDtypeStruct((N, H), jnp.float32),
    )(x, wpt, b)


def _tc_layer_body(p, d0, d1, h, wl, wr, b, o_ref, s_ref, q_ref):
    i = pl.program_id(0)
    cnt = d0[:, 0:1] + d1[:, 0:1]
    inv = 1.0 / jnp.maximum(cnt, 1.0)
    agg = p[...] * inv
    o = jnp.maximum(_dot(agg, wl[...]) + _dot(h[...], wr[...]) + b[...], 0.0)
    o_ref[...] = o

    @pl.when(i == 0)
    def _init():
        s_ref[...] = jnp.zeros_like(s_ref)
        q_ref[...] = jnp.zeros_like(q_ref)

    s_ref[...] += jnp.sum(o)
    q_ref[...] += jnp.sum(o * o)


def _tc_layer(p, d0, d1, h, wlt, wrt, b):
    return pl.pallas_call(
        _tc_layer_body,
        grid=(NB,),
        in_specs=[
            pl.BlockSpec((BN, H), lambda i: (i, 0)),
            pl.BlockSpec((BN, 16), lambda i: (i, 0)),
            pl.BlockSpec((BN, 16), lambda i: (i, 0)),
            pl.BlockSpec((BN, H), lambda i: (i, 0)),
            pl.BlockSpec((H, H), lambda i: (0, 0)),
            pl.BlockSpec((H, H), lambda i: (0, 0)),
            pl.BlockSpec((1, H), lambda i: (0, 0)),
        ],
        out_specs=[
            pl.BlockSpec((BN, H), lambda i: (i, 0)),
            pl.BlockSpec((1, 1), lambda i: (0, 0)),
            pl.BlockSpec((1, 1), lambda i: (0, 0)),
        ],
        out_shape=[
            jax.ShapeDtypeStruct((N, H), jnp.float32),
            jax.ShapeDtypeStruct((1, 1), jnp.float32),
            jax.ShapeDtypeStruct((1, 1), jnp.float32),
        ],
    )(p, d0, d1, h, wlt, wrt, b)


def _tc_norm_body(o, s, q, w, bb, h_ref):
    scale = 1.0 / (N * H)
    mu = s[...] * scale
    var = q[...] * scale - mu * mu
    inv = lax.rsqrt(var + 1e-5)
    h_ref[...] = (o[...] - mu) * inv * w[...] + bb[...]


def _tc_norm(o, s, q, lnw, lnb):
    return pl.pallas_call(
        _tc_norm_body,
        grid=(NB,),
        in_specs=[
            pl.BlockSpec((BN, H), lambda i: (i, 0)),
            pl.BlockSpec((1, 1), lambda i: (0, 0)),
            pl.BlockSpec((1, 1), lambda i: (0, 0)),
            pl.BlockSpec((1, H), lambda i: (0, 0)),
            pl.BlockSpec((1, H), lambda i: (0, 0)),
        ],
        out_specs=pl.BlockSpec((BN, H), lambda i: (i, 0)),
        out_shape=jax.ShapeDtypeStruct((N, H), jnp.float32),
    )(o, s, q, lnw, lnb)


def kernel(x, edge_index, edge_attr, W_pre, b_pre, Wl, Wr, b_conv, ln_w, ln_b):
    src = edge_index[0]
    dst = edge_index[1]
    pad = EPAD - E
    src_flat = jnp.concatenate([src, jnp.zeros((pad,), jnp.int32)])
    trash = N + jnp.mod(jnp.arange(pad, dtype=jnp.int32), NPAD - N)
    dst_flat = jnp.concatenate([dst, trash])
    dst_p32 = dst_flat.reshape(NW, CH, CHUNK)
    src_p = src_flat.reshape(16, CHA, CHUNK)
    dst_p = dst_flat.reshape(16, CHA, CHUNK)

    hidden = _tc_pre(x, W_pre.T, b_pre[None, :])

    dp = _sc_degree(dst_p32)
    d0 = dp[0, :N, :16]
    d1 = dp[1, :N, :16]

    for i in range(L):
        part = _sc_segsum(hidden, src_p, dst_p)
        o, s, q = _tc_layer(part, d0, d1, hidden,
                            Wl[i].T, Wr[i].T, b_conv[i][None, :])
        hidden = _tc_norm(o, s, q, ln_w[None, :], ln_b[None, :])
    return hidden

# --- scband reference (transcript-rebuilt; emitter-appended) ---
"""Pipeline reference for scband-nctmodel-75196287418939 (READ-ONLY COPY).

The authoritative reference and input builder live on the scoring server;
editing this copy changes nothing except your own understanding.
"""

import jax, jax.numpy as jnp
import numpy as np

N = 10000
E = 320000
XD = 143
H = 128
L = 3
EDGE_LABEL = {'self_note': 0, 'overlap': 1, 'neighbor': 2}

def _xavier(key, shape, gain):
    fan_out, fan_in = shape
    a = gain * np.sqrt(6.0 / (fan_in + fan_out))
    return jax.random.uniform(key, shape, jnp.float32, -a, a)

def setup_inputs(seed: int = 0):
    key = jax.random.key(seed)
    ks = jax.random.split(key, 8)
    gain = float(np.sqrt(2.0))
    x = jax.random.normal(ks[0], (N, XD), dtype=jnp.float32)
    edge_index = jax.random.randint(ks[1], (2, E), 0, N, dtype=jnp.int32)
    edge_attr = jax.random.uniform(ks[2], (E, 4), dtype=jnp.float32)
    W_pre = _xavier(ks[3], (H, XD), gain)
    b_pre = jnp.zeros((H,), jnp.float32)
    Wl = jnp.stack([_xavier(jax.random.fold_in(ks[4], i), (H, H), gain) for i in range(L)])
    Wr = jnp.stack([_xavier(jax.random.fold_in(ks[5], i), (H, H), gain) for i in range(L)])
    b_conv = jnp.zeros((L, H), jnp.float32)
    ln_w = jnp.ones((H,), jnp.float32)
    ln_b = jnp.zeros((H,), jnp.float32)
    return {"x": x, "edge_index": edge_index, "edge_attr": edge_attr, "W_pre": W_pre, "b_pre": b_pre, "Wl": Wl, "Wr": Wr, "b_conv": b_conv, "ln_w": ln_w, "ln_b": ln_b}

def _edge_positions(edge_attr):
    lbl = edge_attr[:, 0].astype(jnp.int32)
    group_key = jnp.mod(lbl + 2, 3)
    perm = jnp.argsort(group_key, stable=True)
    return perm, lbl

def _rebuild_edge_attr(edge_attr, perm, lbl):
    ea = edge_attr[perm]
    onehot = jax.nn.one_hot(lbl[perm], 3, dtype=jnp.float32)
    return jnp.concatenate([onehot, ea[:, 1:2]], axis=-1)

def _forward(x, edge_attr, W_pre, b_pre, Wl, Wr, b_conv, ln_w, ln_b, edge_index, perm, lbl):
    ei = edge_index[:, perm]
    ea = _rebuild_edge_attr(edge_attr, perm, lbl)
    # pre_enc_layer: Linear + ReLU (+ Dropout in eval mode = identity)
    hidden = jax.nn.relu(x @ W_pre.T + b_pre)
    src = ei[0]
    dst = ei[1]
    ones = jnp.ones((src.shape[0], 1), jnp.float32)
    deg = jnp.maximum(jax.ops.segment_sum(ones, dst, num_segments=N), 1.0)
    for i in range(L):
        # SAGEConv: W_l * mean_{j in N(i)} h_j + W_r * h_i + b
        agg = jax.ops.segment_sum(hidden[src], dst, num_segments=N) / deg
        out = agg @ Wl[i].T + hidden @ Wr[i].T + b_conv[i]
        out = jax.nn.relu(out)
        # gnn.LayerNorm(mode='graph'): normalize over all nodes and features of the graph
        mu = out.mean()
        var = ((out - mu) ** 2).mean()
        hidden = (out - mu) / jnp.sqrt(var + 1e-5) * ln_w + ln_b
    return hidden

def reference(x, edge_index, edge_attr, W_pre, b_pre, Wl, Wr, b_conv, ln_w, ln_b):
    perm, lbl = _edge_positions(edge_attr)
    return _forward(x, edge_attr, W_pre, b_pre, Wl, Wr, b_conv, ln_w, ln_b, edge_index, perm, lbl)

if __name__ == "__main__":
    import jax
    _d = setup_inputs()
    print(jax.jit(kernel)(*tuple(_d.values())))

</pallas_src>

<mosaic_0001>
#map = affine_map<(d0, d1) -> (0, 0, 0)>
module attributes {stable_mosaic.version = 14 : i64} {
  func.func @_sc_degree(%arg0: i32, %arg1: i32, %arg2: memref<32x80x128xi32, #tpu.memory_space<hbm>>, %arg3: memref<2x10112x128xf32, #tpu.memory_space<hbm>>, %arg4: memref<80x128xi32, #tpu.memory_space<vmem>>, %arg5: memref<128x128xf32, #tpu.memory_space<vmem>>, %arg6: memref<10112x128xf32, #tpu.memory_space<vmem_shared>>) attributes {dimension_semantics = [#tpu.dimension_semantics<core_parallel>, #tpu.dimension_semantics<subcore_parallel>], iteration_bounds = array<i64: 2, 16>, scalar_prefetch = 0 : i64, scratch_operands = 3 : i64, tpu.core_type = #tpu.core_type<sc_vector_subcore>, window_params = [{transform_indices = #map}, {transform_indices = #map}]} {
    %mul3A = arith.constant 2 : i32
    %mul3A_0 = arith.muli %arg1, %mul3A : i32
    %add3A = arith.addi %mul3A_0, %arg0 : i32
    %mul3A_1 = arith.constant 632 : i32
    %mul3A_2 = arith.muli %arg1, %mul3A_1 : i32
    %scan3A = arith.constant 0 : i32
    %scan3A_3 = arith.constant 0 : i32
    %scan3A_4 = arith.constant 128 : i32
    %scan3A_5 = arith.addi %scan3A_3, %scan3A_4 : i32
    %scan3A_6 = arith.constant 1 : i32
    scf.for %scan3A_31 = %scan3A_3 to %scan3A_5 step %scan3A_6  : i32 {
      %broadcast_in_dim3A = arith.constant 0.000000e+00 : f32
      %broadcast_in_dim3A_32 = vector.broadcast %broadcast_in_dim3A : f32 to vector<16xf32>
      %swap3A = arith.index_cast %scan3A_31 : i32 to index
      %swap3A_33 = arith.constant 0 : index
      %swap3A_34 = tpu.vector_load %arg5[%swap3A, %swap3A_33] {strides = array<i32>} : memref<128x128xf32, #tpu.memory_space<vmem>>, vector<1x16xf32>,
      %swap3A_35 = vector.shape_cast %swap3A_34 : vector<1x16xf32> to vector<16xf32>
      %swap3A_36 = vector.shape_cast %broadcast_in_dim3A_32 : vector<16xf32> to vector<1x16xf32>
      tpu.vector_store %arg5[%swap3A, %swap3A_33], %swap3A_36 {strides = array<i32>} : memref<128x128xf32, #tpu.memory_space<vmem>>, vector<1x16xf32>,
      %broadcast_in_dim3A_37 = arith.constant 0.000000e+00 : f32
      %broadcast_in_dim3A_38 = vector.broadcast %broadcast_in_dim3A_37 : f32 to vector<16xf32>
      %swap3A_39 = arith.index_cast %scan3A_31 : i32 to index
      %swap3A_40 = arith.constant 16 : index
      %swap3A_41 = tpu.vector_load %arg5[%swap3A_39, %swap3A_40] {strides = array<i32>} : memref<128x128xf32, #tpu.memory_space<vmem>>, vector<1x16xf32>,
      %swap3A_42 = vector.shape_cast %swap3A_41 : vector<1x16xf32> to vector<16xf32>
      %swap3A_43 = vector.shape_cast %broadcast_in_dim3A_38 : vector<16xf32> to vector<1x16xf32>
      tpu.vector_store %arg5[%swap3A_39, %swap3A_40], %swap3A_43 {strides = array<i32>} : memref<128x128xf32, #tpu.memory_space<vmem>>, vector<1x16xf32>,
      %broadcast_in_dim3A_44 = arith.constant 0.000000e+00 : f32
      %broadcast_in_dim3A_45 = vector.broadcast %broadcast_in_dim3A_44 : f32 to vector<16xf32>
      %swap3A_46 = arith.index_cast %scan3A_31 : i32 to index
      %swap3A_47 = arith.constant 32 : index
      %swap3A_48 = tpu.vector_load %arg5[%swap3A_46, %swap3A_47] {strides = array<i32>} : memref<128x128xf32, #tpu.memory_space<vmem>>, vector<1x16xf32>,
      %swap3A_49 = vector.shape_cast %swap3A_48 : vector<1x16xf32> to vector<16xf32>
      %swap3A_50 = vector.shape_cast %broadcast_in_dim3A_45 : vector<16xf32> to vector<1x16xf32>
      tpu.vector_store %arg5[%swap3A_46, %swap3A_47], %swap3A_50 {strides = array<i32>} : memref<128x128xf32, #tpu.memory_space<vmem>>, vector<1x16xf32>,
      %broadcast_in_dim3A_51 = arith.constant 0.000000e+00 : f32
      %broadcast_in_dim3A_52 = vector.broadcast %broadcast_in_dim3A_51 : f32 to vector<16xf32>
      %swap3A_53 = arith.index_cast %scan3A_31 : i32 to index
      %swap3A_54 = arith.constant 48 : index
      %swap3A_55 = tpu.vector_load %arg5[%swap3A_53, %swap3A_54] {strides = array<i32>} : memref<128x128xf32, #tpu.memory_space<vmem>>, vector<1x16xf32>,
      %swap3A_56 = vector.shape_cast %swap3A_55 : vector<1x16xf32> to vector<16xf32>
      %swap3A_57 = vector.shape_cast %broadcast_in_dim3A_52 : vector<16xf32> to vector<1x16xf32>
      tpu.vector_store %arg5[%swap3A_53, %swap3A_54], %swap3A_57 {strides = array<i32>} : memref<128x128xf32, #tpu.memory_space<vmem>>, vector<1x16xf32>,
      %broadcast_in_dim3A_58 = arith.constant 0.000000e+00 : f32
      %broadcast_in_dim3A_59 = vector.broadcast %broadcast_in_dim3A_58 : f32 to vector<16xf32>
      %swap3A_60 = arith.index_cast %scan3A_31 : i32 to index
      %swap3A_61 = arith.constant 64 : index
      %swap3A_62 = tpu.vector_load %arg5[%swap3A_60, %swap3A_61] {strides = array<i32>} : memref<128x128xf32, #tpu.memory_space<vmem>>, vector<1x16xf32>,
      %swap3A_63 = vector.shape_cast %swap3A_62 : vector<1x16xf32> to vector<16xf32>
      %swap3A_64 = vector.shape_cast %broadcast_in_dim3A_59 : vector<16xf32> to vector<1x16xf32>
      tpu.vector_store %arg5[%swap3A_60, %swap3A_61], %swap3A_64 {strides = array<i32>} : memref<128x128xf32, #tpu.memory_space<vmem>>, vector<1x16xf32>,
      %broadcast_in_dim3A_65 = arith.constant 0.000000e+00 : f32
      %broadcast_in_dim3A_66 = vector.broadcast %broadcast_in_dim3A_65 : f32 to vector<16xf32>
      %swap3A_67 = arith.index_cast %scan3A_31 : i32 to index
      %swap3A_68 = arith.constant 80 : index
      %swap3A_69 = tpu.vector_load %arg5[%swap3A_67, %swap3A_68] {strides = array<i32>} : memref<128x128xf32, #tpu.memory_space<vmem>>, vector<1x16xf32>,
      %swap3A_70 = vector.shape_cast %swap3A_69 : vector<1x16xf32> to vector<16xf32>
      %swap3A_71 = vector.shape_cast %broadcast_in_dim3A_66 : vector<16xf32> to vector<1x16xf32>
      tpu.vector_store %arg5[%swap3A_67, %swap3A_68], %swap3A_71 {strides = array<i32>} : memref<128x128xf32, #tpu.memory_space<vmem>>, vector<1x16xf32>,
      %broadcast_in_dim3A_72 = arith.constant 0.000000e+00 : f32
      %broadcast_in_dim3A_73 = vector.broadcast %broadcast_in_dim3A_72 : f32 to vector<16xf32>
      %swap3A_74 = arith.index_cast %scan3A_31 : i32 to index
      %swap3A_75 = arith.constant 96 : index
      %swap3A_76 = tpu.vector_load %arg5[%swap3A_74, %swap3A_75] {strides = array<i32>} : memref<128x128xf32, #tpu.memory_space<vmem>>, vector<1x16xf32>,
      %swap3A_77 = vector.shape_cast %swap3A_76 : vector<1x16xf32> to vector<16xf32>
      %swap3A_78 = vector.shape_cast %broadcast_in_dim3A_73 : vector<16xf32> to vector<1x16xf32>
      tpu.vector_store %arg5[%swap3A_74, %swap3A_75], %swap3A_78 {strides = array<i32>} : memref<128x128xf32, #tpu.memory_space<vmem>>, vector<1x16xf32>,
      %broadcast_in_dim3A_79 = arith.constant 0.000000e+00 : f32
      %broadcast_in_dim3A_80 = vector.broadcast %broadcast_in_dim3A_79 : f32 to vector<16xf32>
      %swap3A_81 = arith.index_cast %scan3A_31 : i32 to index
      %swap3A_82 = arith.constant 112 : index
      %swap3A_83 = tpu.vector_load %arg5[%swap3A_81, %swap3A_82] {strides = array<i32>} : memref<128x128xf32, #tpu.memory_space<vmem>>, vector<1x16xf32>,
      %swap3A_84 = vector.shape_cast %swap3A_83 : vector<1x16xf32> to vector<16xf32>
      %swap3A_85 = vector.shape_cast %broadcast_in_dim3A_80 : vector<16xf32> to vector<1x16xf32>
      tpu.vector_store %arg5[%swap3A_81, %swap3A_82], %swap3A_85 {strides = array<i32>} : memref<128x128xf32, #tpu.memory_space<vmem>>, vector<1x16xf32>,
    }
    %scan3A_7 = arith.constant 128 : i32
    %add3A_8 = arith.constant 0 : i32
    %add3A_9 = arith.addi %mul3A_2, %add3A_8 : i32
    "tpu.region"() ({
      %run_scoped3A = tpu.sem_alloc : memref<!tpu.dma_semaphore, #tpu.memory_space<semaphore_mem>>
      %dma_start3A = arith.constant 0 : i32
      %dma_start3A_31 = tpu.memref_slice %arg6[%add3A_9, %dma_start3A] : memref<10112x128xf32, #tpu.memory_space<vmem_shared>> -> memref<128x128xf32, #tpu.memory_space<vmem_shared>>
      %dma_start3A_32 = arith.constant 0 : i32
      %dma_start3A_33 = tpu.memref_slice %arg6[%add3A_9, %dma_start3A_32] : memref<10112x128xf32, #tpu.memory_space<vmem_shared>> -> memref<128x128xf32, #tpu.memory_space<vmem_shared>>
      tpu.enqueue_dma source(%arg5 : memref<128x128xf32, #tpu.memory_space<vmem>>) target(%dma_start3A_33 : memref<128x128xf32, #tpu.memory_space<vmem_shared>>) target_semaphore(%run_scoped3A : memref<!tpu.dma_semaphore, #tpu.memory_space<semaphore_mem>>)
      %dma_wait3A = arith.constant 0 : i32
      %dma_wait3A_34 = tpu.memref_slice %arg6[%add3A_9, %dma_wait3A] : memref<10112x128xf32, #tpu.memory_space<vmem_shared>> -> memref<128x128xf32, #tpu.memory_space<vmem_shared>>
      %dma_wait3A_35 = arith.constant 0 : i32
      %dma_wait3A_36 = tpu.memref_slice %arg6[%add3A_9, %dma_wait3A_35] : memref<10112x128xf32, #tpu.memory_space<vmem_shared>> -> memref<128x128xf32, #tpu.memory_space<vmem_shared>>
      tpu.wait_dma2 semaphore(%run_scoped3A : memref<!tpu.dma_semaphore, #tpu.memory_space<semaphore_mem>>) src(%arg5 : memref<128x128xf32, #tpu.memory_space<vmem>>) dst(%dma_wait3A_36 : memref<128x128xf32, #tpu.memory_space<vmem_shared>>)
      tpu.yield
    }) : () -> ()
    %add3A_10 = arith.constant 128 : i32
    %add3A_11 = arith.addi %mul3A_2, %add3A_10 : i32
    "tpu.region"() ({
      %run_scoped3A = tpu.sem_alloc : memref<!tpu.dma_semaphore, #tpu.memory_space<semaphore_mem>>
      %dma_start3A = arith.constant 0 : i32
      %dma_start3A_31 = tpu.memref_slice %arg6[%add3A_11, %dma_start3A] : memref<10112x128xf32, #tpu.memory_space<vmem_shared>> -> memref<128x128xf32, #tpu.memory_space<vmem_shared>>
      %dma_start3A_32 = arith.constant 0 : i32
      %dma_start3A_33 = tpu.memref_slice %arg6[%add3A_11, %dma_start3A_32] : memref<10112x128xf32, #tpu.memory_space<vmem_shared>> -> memref<128x128xf32, #tpu.memory_space<vmem_shared>>
      tpu.enqueue_dma source(%arg5 : memref<128x128xf32, #tpu.memory_space<vmem>>) target(%dma_start3A_33 : memref<128x128xf32, #tpu.memory_space<vmem_shared>>) target_semaphore(%run_scoped3A : memref<!tpu.dma_semaphore, #tpu.memory_space<semaphore_mem>>)
      %dma_wait3A = arith.constant 0 : i32
      %dma_wait3A_34 = tpu.memref_slice %arg6[%add3A_11, %dma_wait3A] : memref<10112x128xf32, #tpu.memory_space<vmem_shared>> -> memref<128x128xf32, #tpu.memory_space<vmem_shared>>
      %dma_wait3A_35 = arith.constant 0 : i32
      %dma_wait3A_36 = tpu.memref_slice %arg6[%add3A_11, %dma_wait3A_35] : memref<10112x128xf32, #tpu.memory_space<vmem_shared>> -> memref<128x128xf32, #tpu.memory_space<vmem_shared>>
      tpu.wait_dma2 semaphore(%run_scoped3A : memref<!tpu.dma_semaphore, #tpu.memory_space<semaphore_mem>>) src(%arg5 : memref<128x128xf32, #tpu.memory_space<vmem>>) dst(%dma_wait3A_36 : memref<128x128xf32, #tpu.memory_space<vmem_shared>>)
      tpu.yield
    }) : () -> ()
    %add3A_12 = arith.constant 256 : i32
    %add3A_13 = arith.addi %mul3A_2, %add3A_12 : i32
    "tpu.region"() ({
      %run_scoped3A = tpu.sem_alloc : memref<!tpu.dma_semaphore, #tpu.memory_space<semaphore_mem>>
      %dma_start3A = arith.constant 0 : i32
      %dma_start3A_31 = tpu.memref_slice %arg6[%add3A_13, %dma_start3A] : memref<10112x128xf32, #tpu.memory_space<vmem_shared>> -> memref<128x128xf32, #tpu.memory_space<vmem_shared>>
      %dma_start3A_32 = arith.constant 0 : i32
      %dma_start3A_33 = tpu.memref_slice %arg6[%add3A_13, %dma_start3A_32] : memref<10112x128xf32, #tpu.memory_space<vmem_shared>> -> memref<128x128xf32, #tpu.memory_space<vmem_shared>>
      tpu.enqueue_dma source(%arg5 : memref<128x128xf32, #tpu.memory_space<vmem>>) target(%dma_start3A_33 : memref<128x128xf32, #tpu.memory_space<vmem_shared>>) target_semaphore(%run_scoped3A : memref<!tpu.dma_semaphore, #tpu.memory_space<semaphore_mem>>)
      %dma_wait3A = arith.constant 0 : i32
      %dma_wait3A_34 = tpu.memref_slice %arg6[%add3A_13, %dma_wait3A] : memref<10112x128xf32, #tpu.memory_space<vmem_shared>> -> memref<128x128xf32, #tpu.memory_space<vmem_shared>>
      %dma_wait3A_35 = arith.constant 0 : i32
      %dma_wait3A_36 = tpu.memref_slice %arg6[%add3A_13, %dma_wait3A_35] : memref<10112x128xf32, #tpu.memory_space<vmem_shared>> -> memref<128x128xf32, #tpu.memory_space<vmem_shared>>
      tpu.wait_dma2 semaphore(%run_scoped3A : memref<!tpu.dma_semaphore, #tpu.memory_space<semaphore_mem>>) src(%arg5 : memref<128x128xf32, #tpu.memory_space<vmem>>) dst(%dma_wait3A_36 : memref<128x128xf32, #tpu.memory_space<vmem_shared>>)
      tpu.yield
    }) : () -> ()
    %add3A_14 = arith.constant 384 : i32
    %add3A_15 = arith.addi %mul3A_2, %add3A_14 : i32
    "tpu.region"() ({
      %run_scoped3A = tpu.sem_alloc : memref<!tpu.dma_semaphore, #tpu.memory_space<semaphore_mem>>
      %dma_start3A = arith.constant 0 : i32
      %dma_start3A_31 = tpu.memref_slice %arg6[%add3A_15, %dma_start3A] : memref<10112x128xf32, #tpu.memory_space<vmem_shared>> -> memref<128x128xf32, #tpu.memory_space<vmem_shared>>
      %dma_start3A_32 = arith.constant 0 : i32
      %dma_start3A_33 = tpu.memref_slice %arg6[%add3A_15, %dma_start3A_32] : memref<10112x128xf32, #tpu.memory_space<vmem_shared>> -> memref<128x128xf32, #tpu.memory_space<vmem_shared>>
      tpu.enqueue_dma source(%arg5 : memref<128x128xf32, #tpu.memory_space<vmem>>) target(%dma_start3A_33 : memref<128x128xf32, #tpu.memory_space<vmem_shared>>) target_semaphore(%run_scoped3A : memref<!tpu.dma_semaphore, #tpu.memory_space<semaphore_mem>>)
      %dma_wait3A = arith.constant 0 : i32
      %dma_wait3A_34 = tpu.memref_slice %arg6[%add3A_15, %dma_wait3A] : memref<10112x128xf32, #tpu.memory_space<vmem_shared>> -> memref<128x128xf32, #tpu.memory_space<vmem_shared>>
      %dma_wait3A_35 = arith.constant 0 : i32
      %dma_wait3A_36 = tpu.memref_slice %arg6[%add3A_15, %dma_wait3A_35] : memref<10112x128xf32, #tpu.memory_space<vmem_shared>> -> memref<128x128xf32, #tpu.memory_space<vmem_shared>>
      tpu.wait_dma2 semaphore(%run_scoped3A : memref<!tpu.dma_semaphore, #tpu.memory_space<semaphore_mem>>) src(%arg5 : memref<128x128xf32, #tpu.memory_space<vmem>>) dst(%dma_wait3A_36 : memref<128x128xf32, #tpu.memory_space<vmem_shared>>)
      tpu.yield
    }) : () -> ()
    %add3A_16 = arith.constant 512 : i32
    %add3A_17 = arith.addi %mul3A_2, %add3A_16 : i32
    "tpu.region"() ({
      %run_scoped3A = tpu.sem_alloc : memref<!tpu.dma_semaphore, #tpu.memory_space<semaphore_mem>>
      %dma_start3A = arith.constant 0 : i32
      %dma_start3A_31 = arith.constant 0 : i32
      %dma_start3A_32 = tpu.memref_slice %arg5[%dma_start3A, %dma_start3A_31] : memref<128x128xf32, #tpu.memory_space<vmem>> -> memref<120x128xf32, #tpu.memory_space<vmem>>
      %dma_start3A_33 = arith.constant 0 : i32
      %dma_start3A_34 = tpu.memref_slice %arg6[%add3A_17, %dma_start3A_33] : memref<10112x128xf32, #tpu.memory_space<vmem_shared>> -> memref<120x128xf32, #tpu.memory_space<vmem_shared>>
      %dma_start3A_35 = arith.constant 0 : i32
      %dma_start3A_36 = tpu.memref_slice %arg6[%add3A_17, %dma_start3A_35] : memref<10112x128xf32, #tpu.memory_space<vmem_shared>> -> memref<120x128xf32, #tpu.memory_space<vmem_shared>>
      %dma_start3A_37 = arith.constant 0 : i32
      %dma_start3A_38 = arith.constant 0 : i32
      %dma_start3A_39 = tpu.memref_slice %arg5[%dma_start3A_37, %dma_start3A_38] : memref<128x128xf32, #tpu.memory_space<vmem>> -> memref<120x128xf32, #tpu.memory_space<vmem>>
      tpu.enqueue_dma source(%dma_start3A_39 : memref<120x128xf32, #tpu.memory_space<vmem>>) target(%dma_start3A_36 : memref<120x128xf32, #tpu.memory_space<vmem_shared>>) target_semaphore(%run_scoped3A : memref<!tpu.dma_semaphore, #tpu.memory_space<semaphore_mem>>)
      %dma_wait3A = arith.constant 0 : i32
      %dma_wait3A_40 = arith.constant 0 : i32
      %dma_wait3A_41 = tpu.memref_slice %arg5[%dma_wait3A, %dma_wait3A_40] : memref<128x128xf32, #tpu.memory_space<vmem>> -> memref<120x128xf32, #tpu.memory_space<vmem>>
      %dma_wait3A_42 = arith.constant 0 : i32
      %dma_wait3A_43 = tpu.memref_slice %arg6[%add3A_17, %dma_wait3A_42] : memref<10112x128xf32, #tpu.memory_space<vmem_shared>> -> memref<120x128xf32, #tpu.memory_space<vmem_shared>>
      %dma_wait3A_44 = arith.constant 0 : i32
      %dma_wait3A_45 = tpu.memref_slice %arg6[%add3A_17, %dma_wait3A_44] : memref<10112x128xf32, #tpu.memory_space<vmem_shared>> -> memref<120x128xf32, #tpu.memory_space<vmem_shared>>
      %dma_wait3A_46 = arith.constant 0 : i32
      %dma_wait3A_47 = arith.constant 0 : i32
      %dma_wait3A_48 = tpu.memref_slice %arg5[%dma_wait3A_46, %dma_wait3A_47] : memref<128x128xf32, #tpu.memory_space<vmem>> -> memref<120x128xf32, #tpu.memory_space<vmem>>
      tpu.wait_dma2 semaphore(%run_scoped3A : memref<!tpu.dma_semaphore, #tpu.memory_space<semaphore_mem>>) src(%dma_wait3A_48 : memref<120x128xf32, #tpu.memory_space<vmem>>) dst(%dma_wait3A_45 : memref<120x128xf32, #tpu.memory_space<vmem_shared>>)
      tpu.yield
    }) : () -> ()
    %scan3A_18 = arith.constant 0 : i32
    %scan3A_19 = arith.constant 0 : i32
    %scan3A_20 = arith.constant 128 : i32
    %scan3A_21 = arith.addi %scan3A_19, %scan3A_20 : i32
    %scan3A_22 = arith.constant 1 : i32
    scf.for %scan3A_31 = %scan3A_19 to %scan3A_21 step %scan3A_22  : i32 {
      %broadcast_in_dim3A = arith.constant 1.000000e+00 : f32
      %broadcast_in_dim3A_32 = vector.broadcast %broadcast_in_dim3A : f32 to vector<16xf32>
      %swap3A = arith.index_cast %scan3A_31 : i32 to index
      %swap3A_33 = arith.constant 0 : index
      %swap3A_34 = tpu.vector_load %arg5[%swap3A, %swap3A_33] {strides = array<i32>} : memref<128x128xf32, #tpu.memory_space<vmem>>, vector<1x16xf32>,
      %swap3A_35 = vector.shape_cast %swap3A_34 : vector<1x16xf32> to vector<16xf32>
      %swap3A_36 = vector.shape_cast %broadcast_in_dim3A_32 : vector<16xf32> to vector<1x16xf32>
      tpu.vector_store %arg5[%swap3A, %swap3A_33], %swap3A_36 {strides = array<i32>} : memref<128x128xf32, #tpu.memory_space<vmem>>, vector<1x16xf32>,
      %broadcast_in_dim3A_37 = arith.constant 1.000000e+00 : f32
      %broadcast_in_dim3A_38 = vector.broadcast %broadcast_in_dim3A_37 : f32 to vector<16xf32>
      %swap3A_39 = arith.index_cast %scan3A_31 : i32 to index
      %swap3A_40 = arith.constant 16 : index
      %swap3A_41 = tpu.vector_load %arg5[%swap3A_39, %swap3A_40] {strides = array<i32>} : memref<128x128xf32, #tpu.memory_space<vmem>>, vector<1x16xf32>,
      %swap3A_42 = vector.shape_cast %swap3A_41 : vector<1x16xf32> to vector<16xf32>
      %swap3A_43 = vector.shape_cast %broadcast_in_dim3A_38 : vector<16xf32> to vector<1x16xf32>
      tpu.vector_store %arg5[%swap3A_39, %swap3A_40], %swap3A_43 {strides = array<i32>} : memref<128x128xf32, #tpu.memory_space<vmem>>, vector<1x16xf32>,
      %broadcast_in_dim3A_44 = arith.constant 1.000000e+00 : f32
      %broadcast_in_dim3A_45 = vector.broadcast %broadcast_in_dim3A_44 : f32 to vector<16xf32>
      %swap3A_46 = arith.index_cast %scan3A_31 : i32 to index
      %swap3A_47 = arith.constant 32 : index
      %swap3A_48 = tpu.vector_load %arg5[%swap3A_46, %swap3A_47] {strides = array<i32>} : memref<128x128xf32, #tpu.memory_space<vmem>>, vector<1x16xf32>,
      %swap3A_49 = vector.shape_cast %swap3A_48 : vector<1x16xf32> to vector<16xf32>
      %swap3A_50 = vector.shape_cast %broadcast_in_dim3A_45 : vector<16xf32> to vector<1x16xf32>
      tpu.vector_store %arg5[%swap3A_46, %swap3A_47], %swap3A_50 {strides = array<i32>} : memref<128x128xf32, #tpu.memory_space<vmem>>, vector<1x16xf32>,
      %broadcast_in_dim3A_51 = arith.constant 1.000000e+00 : f32
      %broadcast_in_dim3A_52 = vector.broadcast %broadcast_in_dim3A_51 : f32 to vector<16xf32>
      %swap3A_53 = arith.index_cast %scan3A_31 : i32 to index
      %swap3A_54 = arith.constant 48 : index
      %swap3A_55 = tpu.vector_load %arg5[%swap3A_53, %swap3A_54] {strides = array<i32>} : memref<128x128xf32, #tpu.memory_space<vmem>>, vector<1x16xf32>,
      %swap3A_56 = vector.shape_cast %swap3A_55 : vector<1x16xf32> to vector<16xf32>
      %swap3A_57 = vector.shape_cast %broadcast_in_dim3A_52 : vector<16xf32> to vector<1x16xf32>
      tpu.vector_store %arg5[%swap3A_53, %swap3A_54], %swap3A_57 {strides = array<i32>} : memref<128x128xf32, #tpu.memory_space<vmem>>, vector<1x16xf32>,
      %broadcast_in_dim3A_58 = arith.constant 1.000000e+00 : f32
      %broadcast_in_dim3A_59 = vector.broadcast %broadcast_in_dim3A_58 : f32 to vector<16xf32>
      %swap3A_60 = arith.index_cast %scan3A_31 : i32 to index
      %swap3A_61 = arith.constant 64 : index
      %swap3A_62 = tpu.vector_load %arg5[%swap3A_60, %swap3A_61] {strides = array<i32>} : memref<128x128xf32, #tpu.memory_space<vmem>>, vector<1x16xf32>,
      %swap3A_63 = vector.shape_cast %swap3A_62 : vector<1x16xf32> to vector<16xf32>
      %swap3A_64 = vector.shape_cast %broadcast_in_dim3A_59 : vector<16xf32> to vector<1x16xf32>
      tpu.vector_store %arg5[%swap3A_60, %swap3A_61], %swap3A_64 {strides = array<i32>} : memref<128x128xf32, #tpu.memory_space<vmem>>, vector<1x16xf32>,
      %broadcast_in_dim3A_65 = arith.constant 1.000000e+00 : f32
      %broadcast_in_dim3A_66 = vector.broadcast %broadcast_in_dim3A_65 : f32 to vector<16xf32>
      %swap3A_67 = arith.index_cast %scan3A_31 : i32 to index
      %swap3A_68 = arith.constant 80 : index
      %swap3A_69 = tpu.vector_load %arg5[%swap3A_67, %swap3A_68] {strides = array<i32>} : memref<128x128xf32, #tpu.memory_space<vmem>>, vector<1x16xf32>,
      %swap3A_70 = vector.shape_cast %swap3A_69 : vector<1x16xf32> to vector<16xf32>
      %swap3A_71 = vector.shape_cast %broadcast_in_dim3A_66 : vector<16xf32> to vector<1x16xf32>
      tpu.vector_store %arg5[%swap3A_67, %swap3A_68], %swap3A_71 {strides = array<i32>} : memref<128x128xf32, #tpu.memory_space<vmem>>, vector<1x16xf32>,
      %broadcast_in_dim3A_72 = arith.constant 1.000000e+00 : f32
      %broadcast_in_dim3A_73 = vector.broadcast %broadcast_in_dim3A_72 : f32 to vector<16xf32>
      %swap3A_74 = arith.index_cast %scan3A_31 : i32 to index
      %swap3A_75 = arith.constant 96 : index
      %swap3A_76 = tpu.vector_load %arg5[%swap3A_74, %swap3A_75] {strides = array<i32>} : memref<128x128xf32, #tpu.memory_space<vmem>>, vector<1x16xf32>,
      %swap3A_77 = vector.shape_cast %swap3A_76 : vector<1x16xf32> to vector<16xf32>
      %swap3A_78 = vector.shape_cast %broadcast_in_dim3A_73 : vector<16xf32> to vector<1x16xf32>
      tpu.vector_store %arg5[%swap3A_74, %swap3A_75], %swap3A_78 {strides = array<i32>} : memref<128x128xf32, #tpu.memory_space<vmem>>, vector<1x16xf32>,
      %broadcast_in_dim3A_79 = arith.constant 1.000000e+00 : f32
      %broadcast_in_dim3A_80 = vector.broadcast %broadcast_in_dim3A_79 : f32 to vector<16xf32>
      %swap3A_81 = arith.index_cast %scan3A_31 : i32 to index
      %swap3A_82 = arith.constant 112 : index
      %swap3A_83 = tpu.vector_load %arg5[%swap3A_81, %swap3A_82] {strides = array<i32>} : memref<128x128xf32, #tpu.memory_space<vmem>>, vector<1x16xf32>,
      %swap3A_84 = vector.shape_cast %swap3A_83 : vector<1x16xf32> to vector<16xf32>
      %swap3A_85 = vector.shape_cast %broadcast_in_dim3A_80 : vector<16xf32> to vector<1x16xf32>
      tpu.vector_store %arg5[%swap3A_81, %swap3A_82], %swap3A_85 {strides = array<i32>} : memref<128x128xf32, #tpu.memory_space<vmem>>, vector<1x16xf32>,
    }
    %scan3A_23 = arith.constant 128 : i32
    "tpu.region"() ({
      %run_scoped3A = tpu.sem_alloc : memref<!tpu.dma_semaphore, #tpu.memory_space<semaphore_mem>>
      %dma_start3A = arith.constant 0 : i32
      %dma_start3A_31 = arith.constant 0 : i32
      %dma_start3A_32 = tpu.memref_slice %arg2[%add3A, %dma_start3A, %dma_start3A_31] : memref<32x80x128xi32, #tpu.memory_space<hbm>> -> memref<1x80x128xi32, #tpu.memory_space<hbm>>
      %dma_start3A_33 = tpu.memref_squeeze %dma_start3A_32 : memref<1x80x128xi32, #tpu.memory_space<hbm>> -> memref<80x128xi32, #tpu.memory_space<hbm>>
      %dma_start3A_34 = arith.constant 0 : i32
      %dma_start3A_35 = arith.constant 0 : i32
      %dma_start3A_36 = tpu.memref_slice %arg2[%add3A, %dma_start3A_34, %dma_start3A_35] : memref<32x80x128xi32, #tpu.memory_space<hbm>> -> memref<1x80x128xi32, #tpu.memory_space<hbm>>
      %dma_start3A_37 = tpu.memref_squeeze %dma_start3A_36 : memref<1x80x128xi32, #tpu.memory_space<hbm>> -> memref<80x128xi32, #tpu.memory_space<hbm>>
      tpu.enqueue_dma source(%dma_start3A_37 : memref<80x128xi32, #tpu.memory_space<hbm>>) target(%arg4 : memref<80x128xi32, #tpu.memory_space<vmem>>) target_semaphore(%run_scoped3A : memref<!tpu.dma_semaphore, #tpu.memory_space<semaphore_mem>>)
      %dma_wait3A = arith.constant 0 : i32
      %dma_wait3A_38 = arith.constant 0 : i32
      %dma_wait3A_39 = tpu.memref_slice %arg2[%add3A, %dma_wait3A, %dma_wait3A_38] : memref<32x80x128xi32, #tpu.memory_space<hbm>> -> memref<1x80x128xi32, #tpu.memory_space<hbm>>
      %dma_wait3A_40 = tpu.memref_squeeze %dma_wait3A_39 : memref<1x80x128xi32, #tpu.memory_space<hbm>> -> memref<80x128xi32, #tpu.memory_space<hbm>>
      %dma_wait3A_41 = arith.constant 0 : i32
      %dma_wait3A_42 = arith.constant 0 : i32
      %dma_wait3A_43 = tpu.memref_slice %arg2[%add3A, %dma_wait3A_41, %dma_wait3A_42] : memref<32x80x128xi32, #tpu.memory_space<hbm>> -> memref<1x80x128xi32, #tpu.memory_space<hbm>>
      %dma_wait3A_44 = tpu.memref_squeeze %dma_wait3A_43 : memref<1x80x128xi32, #tpu.memory_space<hbm>> -> memref<80x128xi32, #tpu.memory_space<hbm>>
      tpu.wait_dma2 semaphore(%run_scoped3A : memref<!tpu.dma_semaphore, #tpu.memory_space<semaphore_mem>>) src(%dma_wait3A_44 : memref<80x128xi32, #tpu.memory_space<hbm>>) dst(%arg4 : memref<80x128xi32, #tpu.memory_space<vmem>>)
      tpu.yield
    }) : () -> ()
    %barrier3A = arith.constant 0 : index
    tpu.barrier barrier_id(%barrier3A)
    %scan3A_24 = arith.constant 0 : i32
    %scan3A_25 = arith.constant 0 : i32
    %scan3A_26 = arith.constant 80 : i32
    %scan3A_27 = arith.addi %scan3A_25, %scan3A_26 : i32
    %scan3A_28 = arith.constant 1 : i32
    scf.for %scan3A_31 = %scan3A_25 to %scan3A_27 step %scan3A_28  : i32 {
      "tpu.region"() ({
        %run_scoped3A = tpu.sem_alloc : memref<!tpu.dma_semaphore, #tpu.memory_space<semaphore_mem>>
        %dma_start3A = arith.constant 0 : i32
        %dma_start3A_32 = tpu.memref_slice %arg4[%scan3A_31, %dma_start3A] : memref<80x128xi32, #tpu.memory_space<vmem>> -> memref<1x128xi32, #tpu.memory_space<vmem>>
        %dma_start3A_33 = tpu.memref_squeeze %dma_start3A_32 : memref<1x128xi32, #tpu.memory_space<vmem>> -> memref<128xi32, #tpu.memory_space<vmem>>
        %dma_start3A_34 = arith.constant 0 : i32
        %dma_start3A_35 = arith.constant 0 : i32
        %dma_start3A_36 = tpu.memref_slice %arg6[%dma_start3A_34, %dma_start3A_35] : memref<10112x128xf32, #tpu.memory_space<vmem_shared>> -> memref<10112x128xf32, #tpu.memory_space<vmem_shared>>
        tpu.enqueue_indirect_dma source(%arg5 : memref<128x128xf32, #tpu.memory_space<vmem>>) target(%dma_start3A_36 : memref<10112x128xf32, #tpu.memory_space<vmem_shared>>) offsets(%dma_start3A_33 : memref<128xi32, #tpu.memory_space<vmem>>) semaphore(%run_scoped3A : memref<!tpu.dma_semaphore, #tpu.memory_space<semaphore_mem>>) {add = true}
        %dma_wait3A = arith.constant 0 : i32
        %dma_wait3A_37 = tpu.memref_slice %arg4[%scan3A_31, %dma_wait3A] : memref<80x128xi32, #tpu.memory_space<vmem>> -> memref<1x128xi32, #tpu.memory_space<vmem>>
        %dma_wait3A_38 = tpu.memref_squeeze %dma_wait3A_37 : memref<1x128xi32, #tpu.memory_space<vmem>> -> memref<128xi32, #tpu.memory_space<vmem>>
        %dma_wait3A_39 = arith.constant 0 : i32
        %dma_wait3A_40 = arith.constant 0 : i32
        %dma_wait3A_41 = tpu.memref_slice %arg6[%dma_wait3A_39, %dma_wait3A_40] : memref<10112x128xf32, #tpu.memory_space<vmem_shared>> -> memref<10112x128xf32, #tpu.memory_space<vmem_shared>>
        tpu.wait_indirect_dma semaphore(%run_scoped3A : memref<!tpu.dma_semaphore, #tpu.memory_space<semaphore_mem>>) src(%arg5 : memref<128x128xf32, #tpu.memory_space<vmem>>) dst(%dma_wait3A_41 : memref<10112x128xf32, #tpu.memory_space<vmem_shared>>)
        tpu.yield
      }) : () -> ()
    }
    %scan3A_29 = arith.constant 80 : i32
    %barrier3A_30 = arith.constant 0 : index
    tpu.barrier barrier_id(%barrier3A_30)
    "tpu.region"() ({
      %run_scoped3A = tpu.sem_alloc : memref<!tpu.dma_semaphore, #tpu.memory_space<semaphore_mem>>
      %dma_start3A = arith.constant 0 : i32
      %dma_start3A_31 = tpu.memref_slice %arg3[%arg0, %mul3A_2, %dma_start3A] : memref<2x10112x128xf32, #tpu.memory_space<hbm>> -> memref<1x632x128xf32, #tpu.memory_space<hbm>>
      %dma_start3A_32 = tpu.memref_squeeze %dma_start3A_31 : memref<1x632x128xf32, #tpu.memory_space<hbm>> -> memref<632x128xf32, #tpu.memory_space<hbm>>
      %dma_start3A_33 = arith.constant 0 : i32
      %dma_start3A_34 = tpu.memref_slice %arg6[%mul3A_2, %dma_start3A_33] : memref<10112x128xf32, #tpu.memory_space<vmem_shared>> -> memref<632x128xf32, #tpu.memory_space<vmem_shared>>
      tpu.enqueue_dma source(%dma_start3A_34 : memref<632x128xf32, #tpu.memory_space<vmem_shared>>) target(%dma_start3A_32 : memref<632x128xf32, #tpu.memory_space<hbm>>) target_semaphore(%run_scoped3A : memref<!tpu.dma_semaphore, #tpu.memory_space<semaphore_mem>>)
      %dma_wait3A = arith.constant 0 : i32
      %dma_wait3A_35 = tpu.memref_slice %arg3[%arg0, %mul3A_2, %dma_wait3A] : memref<2x10112x128xf32, #tpu.memory_space<hbm>> -> memref<1x632x128xf32, #tpu.memory_space<hbm>>
      %dma_wait3A_36 = tpu.memref_squeeze %dma_wait3A_35 : memref<1x632x128xf32, #tpu.memory_space<hbm>> -> memref<632x128xf32, #tpu.memory_space<hbm>>
      %dma_wait3A_37 = arith.constant 0 : i32
      %dma_wait3A_38 = tpu.memref_slice %arg6[%mul3A_2, %dma_wait3A_37] : memref<10112x128xf32, #tpu.memory_space<vmem_shared>> -> memref<632x128xf32, #tpu.memory_space<vmem_shared>>
      tpu.wait_dma2 semaphore(%run_scoped3A : memref<!tpu.dma_semaphore, #tpu.memory_space<semaphore_mem>>) src(%dma_wait3A_38 : memref<632x128xf32, #tpu.memory_space<vmem_shared>>) dst(%dma_wait3A_36 : memref<632x128xf32, #tpu.memory_space<hbm>>)
      tpu.yield
    }) : () -> ()
    return
  }
}

#map = affine_map<(d0, d1) -> (0, 0)>
#map1 = affine_map<(d0, d1) -> (0, 0, 0)>
module attributes {stable_mosaic.version = 14 : i64} {
  func.func @_sc_segsum(%arg0: i32, %arg1: i32, %arg2: memref<10000x128xf32, #tpu.memory_space<hbm>>, %arg3: memref<16x160x128xi32, #tpu.memory_space<hbm>>, %arg4: memref<16x160x128xi32, #tpu.memory_space<hbm>>, %arg5: memref<10112x128xf32, #tpu.memory_space<hbm>>, %arg6: memref<40x128xi32, #tpu.memory_space<vmem>>, %arg7: memref<40x128xi32, #tpu.memory_space<vmem>>, %arg8: memref<128x128xf32, #tpu.memory_space<vmem>>, %arg9: memref<128x128xf32, #tpu.memory_space<vmem>>, %arg10: memref<10112x128xf32, #tpu.memory_space<vmem_shared>>, %arg11: memref<!tpu.dma_semaphore, #tpu.memory_space<semaphore_mem>>) attributes {dimension_semantics = [#tpu.dimension_semantics<core_parallel>, #tpu.dimension_semantics<subcore_parallel>], iteration_bounds = array<i64: 2, 16>, scalar_prefetch = 0 : i64, scratch_operands = 6 : i64, tpu.core_type = #tpu.core_type<sc_vector_subcore>, window_params = [{transform_indices = #map}, {transform_indices = #map1}, {transform_indices = #map1}, {transform_indices = #map}]} {
    %mul3A = arith.constant 632 : i32
    %mul3A_0 = arith.muli %arg1, %mul3A : i32
    %eq3A = arith.constant 0 : i32
    %eq3A_1 = arith.cmpi eq, %arg0, %eq3A : i32
    %convert_element_type3A = arith.extui %eq3A_1 : i1 to i32
    %cond3A = arith.constant 0 : i32
    %cond3A_2 = arith.cmpi ne, %convert_element_type3A, %cond3A : i32
    scf.if %cond3A_2 {
      %scan3A = arith.constant 0 : i32
      %scan3A_3 = arith.constant 0 : i32
      %scan3A_4 = arith.constant 128 : i32
      %scan3A_5 = arith.addi %scan3A_3, %scan3A_4 : i32
      %scan3A_6 = arith.constant 1 : i32
      scf.for %scan3A_96 = %scan3A_3 to %scan3A_5 step %scan3A_6  : i32 {
        %broadcast_in_dim3A = arith.constant 0.000000e+00 : f32
        %broadcast_in_dim3A_97 = vector.broadcast %broadcast_in_dim3A : f32 to vector<16xf32>
        %swap3A = arith.index_cast %scan3A_96 : i32 to index
        %swap3A_98 = arith.constant 0 : index
        %swap3A_99 = tpu.vector_load %arg8[%swap3A, %swap3A_98] {strides = array<i32>} : memref<128x128xf32, #tpu.memory_space<vmem>>, vector<1x16xf32>,
        %swap3A_100 = vector.shape_cast %swap3A_99 : vector<1x16xf32> to vector<16xf32>
        %swap3A_101 = vector.shape_cast %broadcast_in_dim3A_97 : vector<16xf32> to vector<1x16xf32>
        tpu.vector_store %arg8[%swap3A, %swap3A_98], %swap3A_101 {strides = array<i32>} : memref<128x128xf32, #tpu.memory_space<vmem>>, vector<1x16xf32>,
        %broadcast_in_dim3A_102 = arith.constant 0.000000e+00 : f32
        %broadcast_in_dim3A_103 = vector.broadcast %broadcast_in_dim3A_102 : f32 to vector<16xf32>
        %swap3A_104 = arith.index_cast %scan3A_96 : i32 to index
        %swap3A_105 = arith.constant 16 : index
        %swap3A_106 = tpu.vector_load %arg8[%swap3A_104, %swap3A_105] {strides = array<i32>} : memref<128x128xf32, #tpu.memory_space<vmem>>, vector<1x16xf32>,
        %swap3A_107 = vector.shape_cast %swap3A_106 : vector<1x16xf32> to vector<16xf32>
        %swap3A_108 = vector.shape_cast %broadcast_in_dim3A_103 : vector<16xf32> to vector<1x16xf32>
        tpu.vector_store %arg8[%swap3A_104, %swap3A_105], %swap3A_108 {strides = array<i32>} : memref<128x128xf32, #tpu.memory_space<vmem>>, vector<1x16xf32>,
        %broadcast_in_dim3A_109 = arith.constant 0.000000e+00 : f32
        %broadcast_in_dim3A_110 = vector.broadcast %broadcast_in_dim3A_109 : f32 to vector<16xf32>
        %swap3A_111 = arith.index_cast %scan3A_96 : i32 to index
        %swap3A_112 = arith.constant 32 : index
        %swap3A_113 = tpu.vector_load %arg8[%swap3A_111, %swap3A_112] {strides = array<i32>} : memref<128x128xf32, #tpu.memory_space<vmem>>, vector<1x16xf32>,
        %swap3A_114 = vector.shape_cast %swap3A_113 : vector<1x16xf32> to vector<16xf32>
        %swap3A_115 = vector.shape_cast %broadcast_in_dim3A_110 : vector<16xf32> to vector<1x16xf32>
        tpu.vector_store %arg8[%swap3A_111, %swap3A_112], %swap3A_115 {strides = array<i32>} : memref<128x128xf32, #tpu.memory_space<vmem>>, vector<1x16xf32>,
        %broadcast_in_dim3A_116 = arith.constant 0.000000e+00 : f32
        %broadcast_in_dim3A_117 = vector.broadcast %broadcast_in_dim3A_116 : f32 to vector<16xf32>
        %swap3A_118 = arith.index_cast %scan3A_96 : i32 to index
        %swap3A_119 = arith.constant 48 : index
        %swap3A_120 = tpu.vector_load %arg8[%swap3A_118, %swap3A_119] {strides = array<i32>} : memref<128x128xf32, #tpu.memory_space<vmem>>, vector<1x16xf32>,
        %swap3A_121 = vector.shape_cast %swap3A_120 : vector<1x16xf32> to vector<16xf32>
        %swap3A_122 = vector.shape_cast %broadcast_in_dim3A_117 : vector<16xf32> to vector<1x16xf32>
        tpu.vector_store %arg8[%swap3A_118, %swap3A_119], %swap3A_122 {strides = array<i32>} : memref<128x128xf32, #tpu.memory_space<vmem>>, vector<1x16xf32>,
        %broadcast_in_dim3A_123 = arith.constant 0.000000e+00 : f32
        %broadcast_in_dim3A_124 = vector.broadcast %broadcast_in_dim3A_123 : f32 to vector<16xf32>
        %swap3A_125 = arith.index_cast %scan3A_96 : i32 to index
        %swap3A_126 = arith.constant 64 : index
        %swap3A_127 = tpu.vector_load %arg8[%swap3A_125, %swap3A_126] {strides = array<i32>} : memref<128x128xf32, #tpu.memory_space<vmem>>, vector<1x16xf32>,
        %swap3A_128 = vector.shape_cast %swap3A_127 : vector<1x16xf32> to vector<16xf32>
        %swap3A_129 = vector.shape_cast %broadcast_in_dim3A_124 : vector<16xf32> to vector<1x16xf32>
        tpu.vector_store %arg8[%swap3A_125, %swap3A_126], %swap3A_129 {strides = array<i32>} : memref<128x128xf32, #tpu.memory_space<vmem>>, vector<1x16xf32>,
        %broadcast_in_dim3A_130 = arith.constant 0.000000e+00 : f32
        %broadcast_in_dim3A_131 = vector.broadcast %broadcast_in_dim3A_130 : f32 to vector<16xf32>
        %swap3A_132 = arith.index_cast %scan3A_96 : i32 to index
        %swap3A_133 = arith.constant 80 : index
        %swap3A_134 = tpu.vector_load %arg8[%swap3A_132, %swap3A_133] {strides = array<i32>} : memref<128x128xf32, #tpu.memory_space<vmem>>, vector<1x16xf32>,
        %swap3A_135 = vector.shape_cast %swap3A_134 : vector<1x16xf32> to vector<16xf32>
        %swap3A_136 = vector.shape_cast %broadcast_in_dim3A_131 : vector<16xf32> to vector<1x16xf32>
        tpu.vector_store %arg8[%swap3A_132, %swap3A_133], %swap3A_136 {strides = array<i32>} : memref<128x128xf32, #tpu.memory_space<vmem>>, vector<1x16xf32>,
        %broadcast_in_dim3A_137 = arith.constant 0.000000e+00 : f32
        %broadcast_in_dim3A_138 = vector.broadcast %broadcast_in_dim3A_137 : f32 to vector<16xf32>
        %swap3A_139 = arith.index_cast %scan3A_96 : i32 to index
        %swap3A_140 = arith.constant 96 : index
        %swap3A_141 = tpu.vector_load %arg8[%swap3A_139, %swap3A_140] {strides = array<i32>} : memref<128x128xf32, #tpu.memory_space<vmem>>, vector<1x16xf32>,
        %swap3A_142 = vector.shape_cast %swap3A_141 : vector<1x16xf32> to vector<16xf32>
        %swap3A_143 = vector.shape_cast %broadcast_in_dim3A_138 : vector<16xf32> to vector<1x16xf32>
        tpu.vector_store %arg8[%swap3A_139, %swap3A_140], %swap3A_143 {strides = array<i32>} : memref<128x128xf32, #tpu.memory_space<vmem>>, vector<1x16xf32>,
        %broadcast_in_dim3A_144 = arith.constant 0.000000e+00 : f32
        %broadcast_in_dim3A_145 = vector.broadcast %broadcast_in_dim3A_144 : f32 to vector<16xf32>
        %swap3A_146 = arith.index_cast %scan3A_96 : i32 to index
        %swap3A_147 = arith.constant 112 : index
        %swap3A_148 = tpu.vector_load %arg8[%swap3A_146, %swap3A_147] {strides = array<i32>} : memref<128x128xf32, #tpu.memory_space<vmem>>, vector<1x16xf32>,
        %swap3A_149 = vector.shape_cast %swap3A_148 : vector<1x16xf32> to vector<16xf32>
        %swap3A_150 = vector.shape_cast %broadcast_in_dim3A_145 : vector<16xf32> to vector<1x16xf32>
        tpu.vector_store %arg8[%swap3A_146, %swap3A_147], %swap3A_150 {strides = array<i32>} : memref<128x128xf32, #tpu.memory_space<vmem>>, vector<1x16xf32>,
      }
      %scan3A_7 = arith.constant 128 : i32
      %add3A = arith.constant 0 : i32
      %add3A_8 = arith.addi %mul3A_0, %add3A : i32
      "tpu.region"() ({
        %run_scoped3A = tpu.sem_alloc : memref<!tpu.dma_semaphore, #tpu.memory_space<semaphore_mem>>
        %dma_start3A_96 = arith.constant 0 : i32
        %dma_start3A_97 = tpu.memref_slice %arg10[%add3A_8, %dma_start3A_96] : memref<10112x128xf32, #tpu.memory_space<vmem_shared>> -> memref<128x128xf32, #tpu.memory_space<vmem_shared>>
        %dma_start3A_98 = arith.constant 0 : i32
        %dma_start3A_99 = tpu.memref_slice %arg10[%add3A_8, %dma_start3A_98] : memref<10112x128xf32, #tpu.memory_space<vmem_shared>> -> memref<128x128xf32, #tpu.memory_space<vmem_shared>>
        tpu.enqueue_dma source(%arg8 : memref<128x128xf32, #tpu.memory_space<vmem>>) target(%dma_start3A_99 : memref<128x128xf32, #tpu.memory_space<vmem_shared>>) target_semaphore(%run_scoped3A : memref<!tpu.dma_semaphore, #tpu.memory_space<semaphore_mem>>)
        %dma_wait3A_100 = arith.constant 0 : i32
        %dma_wait3A_101 = tpu.memref_slice %arg10[%add3A_8, %dma_wait3A_100] : memref<10112x128xf32, #tpu.memory_space<vmem_shared>> -> memref<128x128xf32, #tpu.memory_space<vmem_shared>>
        %dma_wait3A_102 = arith.constant 0 : i32
        %dma_wait3A_103 = tpu.memref_slice %arg10[%add3A_8, %dma_wait3A_102] : memref<10112x128xf32, #tpu.memory_space<vmem_shared>> -> memref<128x128xf32, #tpu.memory_space<vmem_shared>>
        tpu.wait_dma2 semaphore(%run_scoped3A : memref<!tpu.dma_semaphore, #tpu.memory_space<semaphore_mem>>) src(%arg8 : memref<128x128xf32, #tpu.memory_space<vmem>>) dst(%dma_wait3A_103 : memref<128x128xf32, #tpu.memory_space<vmem_shared>>)
        tpu.yield
      }) : () -> ()
      %add3A_9 = arith.constant 128 : i32
      %add3A_10 = arith.addi %mul3A_0, %add3A_9 : i32
      "tpu.region"() ({
        %run_scoped3A = tpu.sem_alloc : memref<!tpu.dma_semaphore, #tpu.memory_space<semaphore_mem>>
        %dma_start3A_96 = arith.constant 0 : i32
        %dma_start3A_97 = tpu.memref_slice %arg10[%add3A_10, %dma_start3A_96] : memref<10112x128xf32, #tpu.memory_space<vmem_shared>> -> memref<128x128xf32, #tpu.memory_space<vmem_shared>>
        %dma_start3A_98 = arith.constant 0 : i32
        %dma_start3A_99 = tpu.memref_slice %arg10[%add3A_10, %dma_start3A_98] : memref<10112x128xf32, #tpu.memory_space<vmem_shared>> -> memref<128x128xf32, #tpu.memory_space<vmem_shared>>
        tpu.enqueue_dma source(%arg8 : memref<128x128xf32, #tpu.memory_space<vmem>>) target(%dma_start3A_99 : memref<128x128xf32, #tpu.memory_space<vmem_shared>>) target_semaphore(%run_scoped3A : memref<!tpu.dma_semaphore, #tpu.memory_space<semaphore_mem>>)
        %dma_wait3A_100 = arith.constant 0 : i32
        %dma_wait3A_101 = tpu.memref_slice %arg10[%add3A_10, %dma_wait3A_100] : memref<10112x128xf32, #tpu.memory_space<vmem_shared>> -> memref<128x128xf32, #tpu.memory_space<vmem_shared>>
        %dma_wait3A_102 = arith.constant 0 : i32
        %dma_wait3A_103 = tpu.memref_slice %arg10[%add3A_10, %dma_wait3A_102] : memref<10112x128xf32, #tpu.memory_space<vmem_shared>> -> memref<128x128xf32, #tpu.memory_space<vmem_shared>>
        tpu.wait_dma2 semaphore(%run_scoped3A : memref<!tpu.dma_semaphore, #tpu.memory_space<semaphore_mem>>) src(%arg8 : memref<128x128xf32, #tpu.memory_space<vmem>>) dst(%dma_wait3A_103 : memref<128x128xf32, #tpu.memory_space<vmem_shared>>)
        tpu.yield
      }) : () -> ()
      %add3A_11 = arith.constant 256 : i32
      %add3A_12 = arith.addi %mul3A_0, %add3A_11 : i32
      "tpu.region"() ({
        %run_scoped3A = tpu.sem_alloc : memref<!tpu.dma_semaphore, #tpu.memory_space<semaphore_mem>>
        %dma_start3A_96 = arith.constant 0 : i32
        %dma_start3A_97 = tpu.memref_slice %arg10[%add3A_12, %dma_start3A_96] : memref<10112x128xf32, #tpu.memory_space<vmem_shared>> -> memref<128x128xf32, #tpu.memory_space<vmem_shared>>
        %dma_start3A_98 = arith.constant 0 : i32
        %dma_start3A_99 = tpu.memref_slice %arg10[%add3A_12, %dma_start3A_98] : memref<10112x128xf32, #tpu.memory_space<vmem_shared>> -> memref<128x128xf32, #tpu.memory_space<vmem_shared>>
        tpu.enqueue_dma source(%arg8 : memref<128x128xf32, #tpu.memory_space<vmem>>) target(%dma_start3A_99 : memref<128x128xf32, #tpu.memory_space<vmem_shared>>) target_semaphore(%run_scoped3A : memref<!tpu.dma_semaphore, #tpu.memory_space<semaphore_mem>>)
        %dma_wait3A_100 = arith.constant 0 : i32
        %dma_wait3A_101 = tpu.memref_slice %arg10[%add3A_12, %dma_wait3A_100] : memref<10112x128xf32, #tpu.memory_space<vmem_shared>> -> memref<128x128xf32, #tpu.memory_space<vmem_shared>>
        %dma_wait3A_102 = arith.constant 0 : i32
        %dma_wait3A_103 = tpu.memref_slice %arg10[%add3A_12, %dma_wait3A_102] : memref<10112x128xf32, #tpu.memory_space<vmem_shared>> -> memref<128x128xf32, #tpu.memory_space<vmem_shared>>
        tpu.wait_dma2 semaphore(%run_scoped3A : memref<!tpu.dma_semaphore, #tpu.memory_space<semaphore_mem>>) src(%arg8 : memref<128x128xf32, #tpu.memory_space<vmem>>) dst(%dma_wait3A_103 : memref<128x128xf32, #tpu.memory_space<vmem_shared>>)
        tpu.yield
      }) : () -> ()
      %add3A_13 = arith.constant 384 : i32
      %add3A_14 = arith.addi %mul3A_0, %add3A_13 : i32
      "tpu.region"() ({
        %run_scoped3A = tpu.sem_alloc : memref<!tpu.dma_semaphore, #tpu.memory_space<semaphore_mem>>
        %dma_start3A_96 = arith.constant 0 : i32
        %dma_start3A_97 = tpu.memref_slice %arg10[%add3A_14, %dma_start3A_96] : memref<10112x128xf32, #tpu.memory_space<vmem_shared>> -> memref<128x128xf32, #tpu.memory_space<vmem_shared>>
        %dma_start3A_98 = arith.constant 0 : i32
        %dma_start3A_99 = tpu.memref_slice %arg10[%add3A_14, %dma_start3A_98] : memref<10112x128xf32, #tpu.memory_space<vmem_shared>> -> memref<128x128xf32, #tpu.memory_space<vmem_shared>>
        tpu.enqueue_dma source(%arg8 : memref<128x128xf32, #tpu.memory_space<vmem>>) target(%dma_start3A_99 : memref<128x128xf32, #tpu.memory_space<vmem_shared>>) target_semaphore(%run_scoped3A : memref<!tpu.dma_semaphore, #tpu.memory_space<semaphore_mem>>)
        %dma_wait3A_100 = arith.constant 0 : i32
        %dma_wait3A_101 = tpu.memref_slice %arg10[%add3A_14, %dma_wait3A_100] : memref<10112x128xf32, #tpu.memory_space<vmem_shared>> -> memref<128x128xf32, #tpu.memory_space<vmem_shared>>
        %dma_wait3A_102 = arith.constant 0 : i32
        %dma_wait3A_103 = tpu.memref_slice %arg10[%add3A_14, %dma_wait3A_102] : memref<10112x128xf32, #tpu.memory_space<vmem_shared>> -> memref<128x128xf32, #tpu.memory_space<vmem_shared>>
        tpu.wait_dma2 semaphore(%run_scoped3A : memref<!tpu.dma_semaphore, #tpu.memory_space<semaphore_mem>>) src(%arg8 : memref<128x128xf32, #tpu.memory_space<vmem>>) dst(%dma_wait3A_103 : memref<128x128xf32, #tpu.memory_space<vmem_shared>>)
        tpu.yield
      }) : () -> ()
      %add3A_15 = arith.constant 512 : i32
      %add3A_16 = arith.addi %mul3A_0, %add3A_15 : i32
      "tpu.region"() ({
        %run_scoped3A = tpu.sem_alloc : memref<!tpu.dma_semaphore, #tpu.memory_space<semaphore_mem>>
        %dma_start3A_96 = arith.constant 0 : i32
        %dma_start3A_97 = arith.constant 0 : i32
        %dma_start3A_98 = tpu.memref_slice %arg8[%dma_start3A_96, %dma_start3A_97] : memref<128x128xf32, #tpu.memory_space<vmem>> -> memref<120x128xf32, #tpu.memory_space<vmem>>
        %dma_start3A_99 = arith.constant 0 : i32
        %dma_start3A_100 = tpu.memref_slice %arg10[%add3A_16, %dma_start3A_99] : memref<10112x128xf32, #tpu.memory_space<vmem_shared>> -> memref<120x128xf32, #tpu.memory_space<vmem_shared>>
        %dma_start3A_101 = arith.constant 0 : i32
        %dma_start3A_102 = tpu.memref_slice %arg10[%add3A_16, %dma_start3A_101] : memref<10112x128xf32, #tpu.memory_space<vmem_shared>> -> memref<120x128xf32, #tpu.memory_space<vmem_shared>>
        %dma_start3A_103 = arith.constant 0 : i32
        %dma_start3A_104 = arith.constant 0 : i32
        %dma_start3A_105 = tpu.memref_slice %arg8[%dma_start3A_103, %dma_start3A_104] : memref<128x128xf32, #tpu.memory_space<vmem>> -> memref<120x128xf32, #tpu.memory_space<vmem>>
        tpu.enqueue_dma source(%dma_start3A_105 : memref<120x128xf32, #tpu.memory_space<vmem>>) target(%dma_start3A_102 : memref<120x128xf32, #tpu.memory_space<vmem_shared>>) target_semaphore(%run_scoped3A : memref<!tpu.dma_semaphore, #tpu.memory_space<semaphore_mem>>)
        %dma_wait3A_106 = arith.constant 0 : i32
        %dma_wait3A_107 = arith.constant 0 : i32
        %dma_wait3A_108 = tpu.memref_slice %arg8[%dma_wait3A_106, %dma_wait3A_107] : memref<128x128xf32, #tpu.memory_space<vmem>> -> memref<120x128xf32, #tpu.memory_space<vmem>>
        %dma_wait3A_109 = arith.constant 0 : i32
        %dma_wait3A_110 = tpu.memref_slice %arg10[%add3A_16, %dma_wait3A_109] : memref<10112x128xf32, #tpu.memory_space<vmem_shared>> -> memref<120x128xf32, #tpu.memory_space<vmem_shared>>
        %dma_wait3A_111 = arith.constant 0 : i32
        %dma_wait3A_112 = tpu.memref_slice %arg10[%add3A_16, %dma_wait3A_111] : memref<10112x128xf32, #tpu.memory_space<vmem_shared>> -> memref<120x128xf32, #tpu.memory_space<vmem_shared>>
        %dma_wait3A_113 = arith.constant 0 : i32
        %dma_wait3A_114 = arith.constant 0 : i32
        %dma_wait3A_115 = tpu.memref_slice %arg8[%dma_wait3A_113, %dma_wait3A_114] : memref<128x128xf32, #tpu.memory_space<vmem>> -> memref<120x128xf32, #tpu.memory_space<vmem>>
        tpu.wait_dma2 semaphore(%run_scoped3A : memref<!tpu.dma_semaphore, #tpu.memory_space<semaphore_mem>>) src(%dma_wait3A_115 : memref<120x128xf32, #tpu.memory_space<vmem>>) dst(%dma_wait3A_112 : memref<120x128xf32, #tpu.memory_space<vmem_shared>>)
        tpu.yield
      }) : () -> ()
      %barrier3A = arith.constant 0 : index
      tpu.barrier barrier_id(%barrier3A)
      "tpu.region"() ({
        %run_scoped3A = tpu.sem_alloc : memref<!tpu.dma_semaphore, #tpu.memory_space<semaphore_mem>>
        %dma_start3A_96 = arith.constant 0 : i32
        %dma_start3A_97 = arith.constant 0 : i32
        %dma_start3A_98 = tpu.memref_slice %arg6[%dma_start3A_96, %dma_start3A_97] : memref<40x128xi32, #tpu.memory_space<vmem>> -> memref<40x128xi32, #tpu.memory_space<vmem>>
        %dma_start3A_99 = arith.constant 0 : i32
        %dma_start3A_100 = arith.constant 0 : i32
        %dma_start3A_101 = tpu.memref_slice %arg3[%arg1, %dma_start3A_99, %dma_start3A_100] : memref<16x160x128xi32, #tpu.memory_space<hbm>> -> memref<1x40x128xi32, #tpu.memory_space<hbm>>
        %dma_start3A_102 = tpu.memref_squeeze %dma_start3A_101 : memref<1x40x128xi32, #tpu.memory_space<hbm>> -> memref<40x128xi32, #tpu.memory_space<hbm>>
        %dma_start3A_103 = arith.constant 0 : i32
        %dma_start3A_104 = arith.constant 0 : i32
        %dma_start3A_105 = tpu.memref_slice %arg6[%dma_start3A_103, %dma_start3A_104] : memref<40x128xi32, #tpu.memory_space<vmem>> -> memref<40x128xi32, #tpu.memory_space<vmem>>
        %dma_start3A_106 = arith.constant 0 : i32
        %dma_start3A_107 = arith.constant 0 : i32
        %dma_start3A_108 = tpu.memref_slice %arg3[%arg1, %dma_start3A_106, %dma_start3A_107] : memref<16x160x128xi32, #tpu.memory_space<hbm>> -> memref<1x40x128xi32, #tpu.memory_space<hbm>>
        %dma_start3A_109 = tpu.memref_squeeze %dma_start3A_108 : memref<1x40x128xi32, #tpu.memory_space<hbm>> -> memref<40x128xi32, #tpu.memory_space<hbm>>
        tpu.enqueue_dma source(%dma_start3A_109 : memref<40x128xi32, #tpu.memory_space<hbm>>) target(%dma_start3A_105 : memref<40x128xi32, #tpu.memory_space<vmem>>) target_semaphore(%run_scoped3A : memref<!tpu.dma_semaphore, #tpu.memory_space<semaphore_mem>>)
        %dma_wait3A_110 = arith.constant 0 : i32
        %dma_wait3A_111 = arith.constant 0 : i32
        %dma_wait3A_112 = tpu.memref_slice %arg6[%dma_wait3A_110, %dma_wait3A_111] : memref<40x128xi32, #tpu.memory_space<vmem>> -> memref<40x128xi32, #tpu.memory_space<vmem>>
        %dma_wait3A_113 = arith.constant 0 : i32
        %dma_wait3A_114 = arith.constant 0 : i32
        %dma_wait3A_115 = tpu.memref_slice %arg3[%arg1, %dma_wait3A_113, %dma_wait3A_114] : memref<16x160x128xi32, #tpu.memory_space<hbm>> -> memref<1x40x128xi32, #tpu.memory_space<hbm>>
        %dma_wait3A_116 = tpu.memref_squeeze %dma_wait3A_115 : memref<1x40x128xi32, #tpu.memory_space<hbm>> -> memref<40x128xi32, #tpu.memory_space<hbm>>
        %dma_wait3A_117 = arith.constant 0 : i32
        %dma_wait3A_118 = arith.constant 0 : i32
        %dma_wait3A_119 = tpu.memref_slice %arg6[%dma_wait3A_117, %dma_wait3A_118] : memref<40x128xi32, #tpu.memory_space<vmem>> -> memref<40x128xi32, #tpu.memory_space<vmem>>
        %dma_wait3A_120 = arith.constant 0 : i32
        %dma_wait3A_121 = arith.constant 0 : i32
        %dma_wait3A_122 = tpu.memref_slice %arg3[%arg1, %dma_wait3A_120, %dma_wait3A_121] : memref<16x160x128xi32, #tpu.memory_space<hbm>> -> memref<1x40x128xi32, #tpu.memory_space<hbm>>
        %dma_wait3A_123 = tpu.memref_squeeze %dma_wait3A_122 : memref<1x40x128xi32, #tpu.memory_space<hbm>> -> memref<40x128xi32, #tpu.memory_space<hbm>>
        tpu.wait_dma2 semaphore(%run_scoped3A : memref<!tpu.dma_semaphore, #tpu.memory_space<semaphore_mem>>) src(%dma_wait3A_123 : memref<40x128xi32, #tpu.memory_space<hbm>>) dst(%dma_wait3A_119 : memref<40x128xi32, #tpu.memory_space<vmem>>)
        tpu.yield
      }) : () -> ()
      "tpu.region"() ({
        %run_scoped3A = tpu.sem_alloc : memref<!tpu.dma_semaphore, #tpu.memory_space<semaphore_mem>>
        %dma_start3A_96 = arith.constant 0 : i32
        %dma_start3A_97 = arith.constant 0 : i32
        %dma_start3A_98 = tpu.memref_slice %arg7[%dma_start3A_96, %dma_start3A_97] : memref<40x128xi32, #tpu.memory_space<vmem>> -> memref<40x128xi32, #tpu.memory_space<vmem>>
        %dma_start3A_99 = arith.constant 0 : i32
        %dma_start3A_100 = arith.constant 0 : i32
        %dma_start3A_101 = tpu.memref_slice %arg4[%arg1, %dma_start3A_99, %dma_start3A_100] : memref<16x160x128xi32, #tpu.memory_space<hbm>> -> memref<1x40x128xi32, #tpu.memory_space<hbm>>
        %dma_start3A_102 = tpu.memref_squeeze %dma_start3A_101 : memref<1x40x128xi32, #tpu.memory_space<hbm>> -> memref<40x128xi32, #tpu.memory_space<hbm>>
        %dma_start3A_103 = arith.constant 0 : i32
        %dma_start3A_104 = arith.constant 0 : i32
        %dma_start3A_105 = tpu.memref_slice %arg7[%dma_start3A_103, %dma_start3A_104] : memref<40x128xi32, #tpu.memory_space<vmem>> -> memref<40x128xi32, #tpu.memory_space<vmem>>
        %dma_start3A_106 = arith.constant 0 : i32
        %dma_start3A_107 = arith.constant 0 : i32
        %dma_start3A_108 = tpu.memref_slice %arg4[%arg1, %dma_start3A_106, %dma_start3A_107] : memref<16x160x128xi32, #tpu.memory_space<hbm>> -> memref<1x40x128xi32, #tpu.memory_space<hbm>>
        %dma_start3A_109 = tpu.memref_squeeze %dma_start3A_108 : memref<1x40x128xi32, #tpu.memory_space<hbm>> -> memref<40x128xi32, #tpu.memory_space<hbm>>
        tpu.enqueue_dma source(%dma_start3A_109 : memref<40x128xi32, #tpu.memory_space<hbm>>) target(%dma_start3A_105 : memref<40x128xi32, #tpu.memory_space<vmem>>) target_semaphore(%run_scoped3A : memref<!tpu.dma_semaphore, #tpu.memory_space<semaphore_mem>>)
        %dma_wait3A_110 = arith.constant 0 : i32
        %dma_wait3A_111 = arith.constant 0 : i32
        %dma_wait3A_112 = tpu.memref_slice %arg7[%dma_wait3A_110, %dma_wait3A_111] : memref<40x128xi32, #tpu.memory_space<vmem>> -> memref<40x128xi32, #tpu.memory_space<vmem>>
        %dma_wait3A_113 = arith.constant 0 : i32
        %dma_wait3A_114 = arith.constant 0 : i32
        %dma_wait3A_115 = tpu.memref_slice %arg4[%arg1, %dma_wait3A_113, %dma_wait3A_114] : memref<16x160x128xi32, #tpu.memory_space<hbm>> -> memref<1x40x128xi32, #tpu.memory_space<hbm>>
        %dma_wait3A_116 = tpu.memref_squeeze %dma_wait3A_115 : memref<1x40x128xi32, #tpu.memory_space<hbm>> -> memref<40x128xi32, #tpu.memory_space<hbm>>
        %dma_wait3A_117 = arith.constant 0 : i32
        %dma_wait3A_118 = arith.constant 0 : i32
        %dma_wait3A_119 = tpu.memref_slice %arg7[%dma_wait3A_117, %dma_wait3A_118] : memref<40x128xi32, #tpu.memory_space<vmem>> -> memref<40x128xi32, #tpu.memory_space<vmem>>
        %dma_wait3A_120 = arith.constant 0 : i32
        %dma_wait3A_121 = arith.constant 0 : i32
        %dma_wait3A_122 = tpu.memref_slice %arg4[%arg1, %dma_wait3A_120, %dma_wait3A_121] : memref<16x160x128xi32, #tpu.memory_space<hbm>> -> memref<1x40x128xi32, #tpu.memory_space<hbm>>
        %dma_wait3A_123 = tpu.memref_squeeze %dma_wait3A_122 : memref<1x40x128xi32, #tpu.memory_space<hbm>> -> memref<40x128xi32, #tpu.memory_space<hbm>>
        tpu.wait_dma2 semaphore(%run_scoped3A : memref<!tpu.dma_semaphore, #tpu.memory_space<semaphore_mem>>) src(%dma_wait3A_123 : memref<40x128xi32, #tpu.memory_space<hbm>>) dst(%dma_wait3A_119 : memref<40x128xi32, #tpu.memory_space<vmem>>)
        tpu.yield
      }) : () -> ()
      %dma_start3A = arith.constant 0 : i32
      %dma_start3A_17 = arith.constant 0 : i32
      %dma_start3A_18 = tpu.memref_slice %arg6[%dma_start3A, %dma_start3A_17] : memref<40x128xi32, #tpu.memory_space<vmem>> -> memref<1x128xi32, #tpu.memory_space<vmem>>
      %dma_start3A_19 = tpu.memref_squeeze %dma_start3A_18 : memref<1x128xi32, #tpu.memory_space<vmem>> -> memref<128xi32, #tpu.memory_space<vmem>>
      %dma_start3A_20 = arith.constant 0 : i32
      %dma_start3A_21 = arith.constant 0 : i32
      %dma_start3A_22 = tpu.memref_slice %arg2[%dma_start3A_20, %dma_start3A_21] : memref<10000x128xf32, #tpu.memory_space<hbm>> -> memref<10000x128xf32, #tpu.memory_space<hbm>>
      tpu.enqueue_indirect_dma source(%dma_start3A_22 : memref<10000x128xf32, #tpu.memory_space<hbm>>) target(%arg8 : memref<128x128xf32, #tpu.memory_space<vmem>>) offsets(%dma_start3A_19 : memref<128xi32, #tpu.memory_space<vmem>>) semaphore(%arg11 : memref<!tpu.dma_semaphore, #tpu.memory_space<semaphore_mem>>)
      %scan3A_23 = arith.constant 0 : i32
      %scan3A_24 = arith.constant 0 : i32
      %scan3A_25 = arith.constant 20 : i32
      %scan3A_26 = arith.addi %scan3A_24, %scan3A_25 : i32
      %scan3A_27 = arith.constant 1 : i32
      scf.for %scan3A_96 = %scan3A_24 to %scan3A_26 step %scan3A_27  : i32 {
        %mul3A_97 = arith.constant 2 : i32
        %mul3A_98 = arith.muli %mul3A_97, %scan3A_96 : i32
        %add3A_99 = arith.constant 1 : i32
        %add3A_100 = arith.addi %mul3A_98, %add3A_99 : i32
        %dma_start3A_101 = arith.constant 0 : i32
        %dma_start3A_102 = tpu.memref_slice %arg6[%add3A_100, %dma_start3A_101] : memref<40x128xi32, #tpu.memory_space<vmem>> -> memref<1x128xi32, #tpu.memory_space<vmem>>
        %dma_start3A_103 = tpu.memref_squeeze %dma_start3A_102 : memref<1x128xi32, #tpu.memory_space<vmem>> -> memref<128xi32, #tpu.memory_space<vmem>>
        %dma_start3A_104 = arith.constant 0 : i32
        %dma_start3A_105 = arith.constant 0 : i32
        %dma_start3A_106 = tpu.memref_slice %arg2[%dma_start3A_104, %dma_start3A_105] : memref<10000x128xf32, #tpu.memory_space<hbm>> -> memref<10000x128xf32, #tpu.memory_space<hbm>>
        tpu.enqueue_indirect_dma source(%dma_start3A_106 : memref<10000x128xf32, #tpu.memory_space<hbm>>) target(%arg9 : memref<128x128xf32, #tpu.memory_space<vmem>>) offsets(%dma_start3A_103 : memref<128xi32, #tpu.memory_space<vmem>>) semaphore(%arg11 : memref<!tpu.dma_semaphore, #tpu.memory_space<semaphore_mem>>)
        %dma_wait3A_107 = arith.constant 0 : i32
        %dma_wait3A_108 = tpu.memref_slice %arg6[%mul3A_98, %dma_wait3A_107] : memref<40x128xi32, #tpu.memory_space<vmem>> -> memref<1x128xi32, #tpu.memory_space<vmem>>
        %dma_wait3A_109 = tpu.memref_squeeze %dma_wait3A_108 : memref<1x128xi32, #tpu.memory_space<vmem>> -> memref<128xi32, #tpu.memory_space<vmem>>
        %dma_wait3A_110 = arith.constant 0 : i32
        %dma_wait3A_111 = arith.constant 0 : i32
        %dma_wait3A_112 = tpu.memref_slice %arg2[%dma_wait3A_110, %dma_wait3A_111] : memref<10000x128xf32, #tpu.memory_space<hbm>> -> memref<10000x128xf32, #tpu.memory_space<hbm>>
        tpu.wait_indirect_dma semaphore(%arg11 : memref<!tpu.dma_semaphore, #tpu.memory_space<semaphore_mem>>) src(%dma_wait3A_112 : memref<10000x128xf32, #tpu.memory_space<hbm>>) dst(%arg8 : memref<128x128xf32, #tpu.memory_space<vmem>>)
        "tpu.region"() ({
          %run_scoped3A = tpu.sem_alloc : memref<!tpu.dma_semaphore, #tpu.memory_space<semaphore_mem>>
          %dma_start3A_132 = arith.constant 0 : i32
          %dma_start3A_133 = tpu.memref_slice %arg7[%mul3A_98, %dma_start3A_132] : memref<40x128xi32, #tpu.memory_space<vmem>> -> memref<1x128xi32, #tpu.memory_space<vmem>>
          %dma_start3A_134 = tpu.memref_squeeze %dma_start3A_133 : memref<1x128xi32, #tpu.memory_space<vmem>> -> memref<128xi32, #tpu.memory_space<vmem>>
          %dma_start3A_135 = arith.constant 0 : i32
          %dma_start3A_136 = arith.constant 0 : i32
          %dma_start3A_137 = tpu.memref_slice %arg10[%dma_start3A_135, %dma_start3A_136] : memref<10112x128xf32, #tpu.memory_space<vmem_shared>> -> memref<10112x128xf32, #tpu.memory_space<vmem_shared>>
          tpu.enqueue_indirect_dma source(%arg8 : memref<128x128xf32, #tpu.memory_space<vmem>>) target(%dma_start3A_137 : memref<10112x128xf32, #tpu.memory_space<vmem_shared>>) offsets(%dma_start3A_134 : memref<128xi32, #tpu.memory_space<vmem>>) semaphore(%run_scoped3A : memref<!tpu.dma_semaphore, #tpu.memory_space<semaphore_mem>>) {add = true}
          %dma_wait3A_138 = arith.constant 0 : i32
          %dma_wait3A_139 = tpu.memref_slice %arg7[%mul3A_98, %dma_wait3A_138] : memref<40x128xi32, #tpu.memory_space<vmem>> -> memref<1x128xi32, #tpu.memory_space<vmem>>
          %dma_wait3A_140 = tpu.memref_squeeze %dma_wait3A_139 : memref<1x128xi32, #tpu.memory_space<vmem>> -> memref<128xi32, #tpu.memory_space<vmem>>
          %dma_wait3A_141 = arith.constant 0 : i32
          %dma_wait3A_142 = arith.constant 0 : i32
          %dma_wait3A_143 = tpu.memref_slice %arg10[%dma_wait3A_141, %dma_wait3A_142] : memref<10112x128xf32, #tpu.memory_space<vmem_shared>> -> memref<10112x128xf32, #tpu.memory_space<vmem_shared>>
          tpu.wait_indirect_dma semaphore(%run_scoped3A : memref<!tpu.dma_semaphore, #tpu.memory_space<semaphore_mem>>) src(%arg8 : memref<128x128xf32, #tpu.memory_space<vmem>>) dst(%dma_wait3A_143 : memref<10112x128xf32, #tpu.memory_space<vmem_shared>>)
          tpu.yield
        }) : () -> ()
        %add3A_113 = arith.constant 2 : i32
        %add3A_114 = arith.addi %mul3A_98, %add3A_113 : i32
        %min3A = arith.constant 39 : i32
        %min3A_115 = arith.minsi %add3A_114, %min3A : i32
        %dma_start3A_116 = arith.constant 0 : i32
        %dma_start3A_117 = tpu.memref_slice %arg6[%min3A_115, %dma_start3A_116] : memref<40x128xi32, #tpu.memory_space<vmem>> -> memref<1x128xi32, #tpu.memory_space<vmem>>
        %dma_start3A_118 = tpu.memref_squeeze %dma_start3A_117 : memref<1x128xi32, #tpu.memory_space<vmem>> -> memref<128xi32, #tpu.memory_space<vmem>>
        %dma_start3A_119 = arith.constant 0 : i32
        %dma_start3A_120 = arith.constant 0 : i32
        %dma_start3A_121 = tpu.memref_slice %arg2[%dma_start3A_119, %dma_start3A_120] : memref<10000x128xf32, #tpu.memory_space<hbm>> -> memref<10000x128xf32, #tpu.memory_space<hbm>>
        tpu.enqueue_indirect_dma source(%dma_start3A_121 : memref<10000x128xf32, #tpu.memory_space<hbm>>) target(%arg8 : memref<128x128xf32, #tpu.memory_space<vmem>>) offsets(%dma_start3A_118 : memref<128xi32, #tpu.memory_space<vmem>>) semaphore(%arg11 : memref<!tpu.dma_semaphore, #tpu.memory_space<semaphore_mem>>)
        %add3A_122 = arith.constant 1 : i32
        %add3A_123 = arith.addi %mul3A_98, %add3A_122 : i32
        %dma_wait3A_124 = arith.constant 0 : i32
        %dma_wait3A_125 = tpu.memref_slice %arg6[%add3A_123, %dma_wait3A_124] : memref<40x128xi32, #tpu.memory_space<vmem>> -> memref<1x128xi32, #tpu.memory_space<vmem>>
        %dma_wait3A_126 = tpu.memref_squeeze %dma_wait3A_125 : memref<1x128xi32, #tpu.memory_space<vmem>> -> memref<128xi32, #tpu.memory_space<vmem>>
        %dma_wait3A_127 = arith.constant 0 : i32
        %dma_wait3A_128 = arith.constant 0 : i32
        %dma_wait3A_129 = tpu.memref_slice %arg2[%dma_wait3A_127, %dma_wait3A_128] : memref<10000x128xf32, #tpu.memory_space<hbm>> -> memref<10000x128xf32, #tpu.memory_space<hbm>>
        tpu.wait_indirect_dma semaphore(%arg11 : memref<!tpu.dma_semaphore, #tpu.memory_space<semaphore_mem>>) src(%dma_wait3A_129 : memref<10000x128xf32, #tpu.memory_space<hbm>>) dst(%arg9 : memref<128x128xf32, #tpu.memory_space<vmem>>)
        %add3A_130 = arith.constant 1 : i32
        %add3A_131 = arith.addi %mul3A_98, %add3A_130 : i32
        "tpu.region"() ({
          %run_scoped3A = tpu.sem_alloc : memref<!tpu.dma_semaphore, #tpu.memory_space<semaphore_mem>>
          %dma_start3A_132 = arith.constant 0 : i32
          %dma_start3A_133 = tpu.memref_slice %arg7[%add3A_131, %dma_start3A_132] : memref<40x128xi32, #tpu.memory_space<vmem>> -> memref<1x128xi32, #tpu.memory_space<vmem>>
          %dma_start3A_134 = tpu.memref_squeeze %dma_start3A_133 : memref<1x128xi32, #tpu.memory_space<vmem>> -> memref<128xi32, #tpu.memory_space<vmem>>
          %dma_start3A_135 = arith.constant 0 : i32
          %dma_start3A_136 = arith.constant 0 : i32
          %dma_start3A_137 = tpu.memref_slice %arg10[%dma_start3A_135, %dma_start3A_136] : memref<10112x128xf32, #tpu.memory_space<vmem_shared>> -> memref<10112x128xf32, #tpu.memory_space<vmem_shared>>
          tpu.enqueue_indirect_dma source(%arg9 : memref<128x128xf32, #tpu.memory_space<vmem>>) target(%dma_start3A_137 : memref<10112x128xf32, #tpu.memory_space<vmem_shared>>) offsets(%dma_start3A_134 : memref<128xi32, #tpu.memory_space<vmem>>) semaphore(%run_scoped3A : memref<!tpu.dma_semaphore, #tpu.memory_space<semaphore_mem>>) {add = true}
          %dma_wait3A_138 = arith.constant 0 : i32
          %dma_wait3A_139 = tpu.memref_slice %arg7[%add3A_131, %dma_wait3A_138] : memref<40x128xi32, #tpu.memory_space<vmem>> -> memref<1x128xi32, #tpu.memory_space<vmem>>
          %dma_wait3A_140 = tpu.memref_squeeze %dma_wait3A_139 : memref<1x128xi32, #tpu.memory_space<vmem>> -> memref<128xi32, #tpu.memory_space<vmem>>
          %dma_wait3A_141 = arith.constant 0 : i32
          %dma_wait3A_142 = arith.constant 0 : i32
          %dma_wait3A_143 = tpu.memref_slice %arg10[%dma_wait3A_141, %dma_wait3A_142] : memref<10112x128xf32, #tpu.memory_space<vmem_shared>> -> memref<10112x128xf32, #tpu.memory_space<vmem_shared>>
          tpu.wait_indirect_dma semaphore(%run_scoped3A : memref<!tpu.dma_semaphore, #tpu.memory_space<semaphore_mem>>) src(%arg9 : memref<128x128xf32, #tpu.memory_space<vmem>>) dst(%dma_wait3A_143 : memref<10112x128xf32, #tpu.memory_space<vmem_shared>>)
          tpu.yield
        }) : () -> ()
      }
      %scan3A_28 = arith.constant 20 : i32
      %dma_wait3A = arith.constant 39 : i32
      %dma_wait3A_29 = arith.constant 0 : i32
      %dma_wait3A_30 = tpu.memref_slice %arg6[%dma_wait3A, %dma_wait3A_29] : memref<40x128xi32, #tpu.memory_space<vmem>> -> memref<1x128xi32, #tpu.memory_space<vmem>>
      %dma_wait3A_31 = tpu.memref_squeeze %dma_wait3A_30 : memref<1x128xi32, #tpu.memory_space<vmem>> -> memref<128xi32, #tpu.memory_space<vmem>>
      %dma_wait3A_32 = arith.constant 0 : i32
      %dma_wait3A_33 = arith.constant 0 : i32
      %dma_wait3A_34 = tpu.memref_slice %arg2[%dma_wait3A_32, %dma_wait3A_33] : memref<10000x128xf32, #tpu.memory_space<hbm>> -> memref<10000x128xf32, #tpu.memory_space<hbm>>
      tpu.wait_indirect_dma semaphore(%arg11 : memref<!tpu.dma_semaphore, #tpu.memory_space<semaphore_mem>>) src(%dma_wait3A_34 : memref<10000x128xf32, #tpu.memory_space<hbm>>) dst(%arg8 : memref<128x128xf32, #tpu.memory_space<vmem>>)
      "tpu.region"() ({
        %run_scoped3A = tpu.sem_alloc : memref<!tpu.dma_semaphore, #tpu.memory_space<semaphore_mem>>
        %dma_start3A_96 = arith.constant 0 : i32
        %dma_start3A_97 = arith.constant 0 : i32
        %dma_start3A_98 = tpu.memref_slice %arg6[%dma_start3A_96, %dma_start3A_97] : memref<40x128xi32, #tpu.memory_space<vmem>> -> memref<40x128xi32, #tpu.memory_space<vmem>>
        %dma_start3A_99 = arith.constant 40 : i32
        %dma_start3A_100 = arith.constant 0 : i32
        %dma_start3A_101 = tpu.memref_slice %arg3[%arg1, %dma_start3A_99, %dma_start3A_100] : memref<16x160x128xi32, #tpu.memory_space<hbm>> -> memref<1x40x128xi32, #tpu.memory_space<hbm>>
        %dma_start3A_102 = tpu.memref_squeeze %dma_start3A_101 : memref<1x40x128xi32, #tpu.memory_space<hbm>> -> memref<40x128xi32, #tpu.memory_space<hbm>>
        %dma_start3A_103 = arith.constant 0 : i32
        %dma_start3A_104 = arith.constant 0 : i32
        %dma_start3A_105 = tpu.memref_slice %arg6[%dma_start3A_103, %dma_start3A_104] : memref<40x128xi32, #tpu.memory_space<vmem>> -> memref<40x128xi32, #tpu.memory_space<vmem>>
        %dma_start3A_106 = arith.constant 40 : i32
        %dma_start3A_107 = arith.constant 0 : i32
        %dma_start3A_108 = tpu.memref_slice %arg3[%arg1, %dma_start3A_106, %dma_start3A_107] : memref<16x160x128xi32, #tpu.memory_space<hbm>> -> memref<1x40x128xi32, #tpu.memory_space<hbm>>
        %dma_start3A_109 = tpu.memref_squeeze %dma_start3A_108 : memref<1x40x128xi32, #tpu.memory_space<hbm>> -> memref<40x128xi32, #tpu.memory_space<hbm>>
        tpu.enqueue_dma source(%dma_start3A_109 : memref<40x128xi32, #tpu.memory_space<hbm>>) target(%dma_start3A_105 : memref<40x128xi32, #tpu.memory_space<vmem>>) target_semaphore(%run_scoped3A : memref<!tpu.dma_semaphore, #tpu.memory_space<semaphore_mem>>)
        %dma_wait3A_110 = arith.constant 0 : i32
        %dma_wait3A_111 = arith.constant 0 : i32
        %dma_wait3A_112 = tpu.memref_slice %arg6[%dma_wait3A_110, %dma_wait3A_111] : memref<40x128xi32, #tpu.memory_space<vmem>> -> memref<40x128xi32, #tpu.memory_space<vmem>>
        %dma_wait3A_113 = arith.constant 40 : i32
        %dma_wait3A_114 = arith.constant 0 : i32
        %dma_wait3A_115 = tpu.memref_slice %arg3[%arg1, %dma_wait3A_113, %dma_wait3A_114] : memref<16x160x128xi32, #tpu.memory_space<hbm>> -> memref<1x40x128xi32, #tpu.memory_space<hbm>>
        %dma_wait3A_116 = tpu.memref_squeeze %dma_wait3A_115 : memref<1x40x128xi32, #tpu.memory_space<hbm>> -> memref<40x128xi32, #tpu.memory_space<hbm>>
        %dma_wait3A_117 = arith.constant 0 : i32
        %dma_wait3A_118 = arith.constant 0 : i32
        %dma_wait3A_119 = tpu.memref_slice %arg6[%dma_wait3A_117, %dma_wait3A_118] : memref<40x128xi32, #tpu.memory_space<vmem>> -> memref<40x128xi32, #tpu.memory_space<vmem>>
        %dma_wait3A_120 = arith.constant 40 : i32
        %dma_wait3A_121 = arith.constant 0 : i32
        %dma_wait3A_122 = tpu.memref_slice %arg3[%arg1, %dma_wait3A_120, %dma_wait3A_121] : memref<16x160x128xi32, #tpu.memory_space<hbm>> -> memref<1x40x128xi32, #tpu.memory_space<hbm>>
        %dma_wait3A_123 = tpu.memref_squeeze %dma_wait3A_122 : memref<1x40x128xi32, #tpu.memory_space<hbm>> -> memref<40x128xi32, #tpu.memory_space<hbm>>
        tpu.wait_dma2 semaphore(%run_scoped3A : memref<!tpu.dma_semaphore, #tpu.memory_space<semaphore_mem>>) src(%dma_wait3A_123 : memref<40x128xi32, #tpu.memory_space<hbm>>) dst(%dma_wait3A_119 : memref<40x128xi32, #tpu.memory_space<vmem>>)
        tpu.yield
      }) : () -> ()
      "tpu.region"() ({
        %run_scoped3A = tpu.sem_alloc : memref<!tpu.dma_semaphore, #tpu.memory_space<semaphore_mem>>
        %dma_start3A_96 = arith.constant 0 : i32
        %dma_start3A_97 = arith.constant 0 : i32
        %dma_start3A_98 = tpu.memref_slice %arg7[%dma_start3A_96, %dma_start3A_97] : memref<40x128xi32, #tpu.memory_space<vmem>> -> memref<40x128xi32, #tpu.memory_space<vmem>>
        %dma_start3A_99 = arith.constant 40 : i32
        %dma_start3A_100 = arith.constant 0 : i32
        %dma_start3A_101 = tpu.memref_slice %arg4[%arg1, %dma_start3A_99, %dma_start3A_100] : memref<16x160x128xi32, #tpu.memory_space<hbm>> -> memref<1x40x128xi32, #tpu.memory_space<hbm>>
        %dma_start3A_102 = tpu.memref_squeeze %dma_start3A_101 : memref<1x40x128xi32, #tpu.memory_space<hbm>> -> memref<40x128xi32, #tpu.memory_space<hbm>>
        %dma_start3A_103 = arith.constant 0 : i32
        %dma_start3A_104 = arith.constant 0 : i32
        %dma_start3A_105 = tpu.memref_slice %arg7[%dma_start3A_103, %dma_start3A_104] : memref<40x128xi32, #tpu.memory_space<vmem>> -> memref<40x128xi32, #tpu.memory_space<vmem>>
        %dma_start3A_106 = arith.constant 40 : i32
        %dma_start3A_107 = arith.constant 0 : i32
        %dma_start3A_108 = tpu.memref_slice %arg4[%arg1, %dma_start3A_106, %dma_start3A_107] : memref<16x160x128xi32, #tpu.memory_space<hbm>> -> memref<1x40x128xi32, #tpu.memory_space<hbm>>
        %dma_start3A_109 = tpu.memref_squeeze %dma_start3A_108 : memref<1x40x128xi32, #tpu.memory_space<hbm>> -> memref<40x128xi32, #tpu.memory_space<hbm>>
        tpu.enqueue_dma source(%dma_start3A_109 : memref<40x128xi32, #tpu.memory_space<hbm>>) target(%dma_start3A_105 : memref<40x128xi32, #tpu.memory_space<vmem>>) target_semaphore(%run_scoped3A : memref<!tpu.dma_semaphore, #tpu.memory_space<semaphore_mem>>)
        %dma_wait3A_110 = arith.constant 0 : i32
        %dma_wait3A_111 = arith.constant 0 : i32
        %dma_wait3A_112 = tpu.memref_slice %arg7[%dma_wait3A_110, %dma_wait3A_111] : memref<40x128xi32, #tpu.memory_space<vmem>> -> memref<40x128xi32, #tpu.memory_space<vmem>>
        %dma_wait3A_113 = arith.constant 40 : i32
        %dma_wait3A_114 = arith.constant 0 : i32
        %dma_wait3A_115 = tpu.memref_slice %arg4[%arg1, %dma_wait3A_113, %dma_wait3A_114] : memref<16x160x128xi32, #tpu.memory_space<hbm>> -> memref<1x40x128xi32, #tpu.memory_space<hbm>>
        %dma_wait3A_116 = tpu.memref_squeeze %dma_wait3A_115 : memref<1x40x128xi32, #tpu.memory_space<hbm>> -> memref<40x128xi32, #tpu.memory_space<hbm>>
        %dma_wait3A_117 = arith.constant 0 : i32
        %dma_wait3A_118 = arith.constant 0 : i32
        %dma_wait3A_119 = tpu.memref_slice %arg7[%dma_wait3A_117, %dma_wait3A_118] : memref<40x128xi32, #tpu.memory_space<vmem>> -> memref<40x128xi32, #tpu.memory_space<vmem>>
        %dma_wait3A_120 = arith.constant 40 : i32
        %dma_wait3A_121 = arith.constant 0 : i32
        %dma_wait3A_122 = tpu.memref_slice %arg4[%arg1, %dma_wait3A_120, %dma_wait3A_121] : memref<16x160x128xi32, #tpu.memory_space<hbm>> -> memref<1x40x128xi32, #tpu.memory_space<hbm>>
        %dma_wait3A_123 = tpu.memref_squeeze %dma_wait3A_122 : memref<1x40x128xi32, #tpu.memory_space<hbm>> -> memref<40x128xi32, #tpu.memory_space<hbm>>
        tpu.wait_dma2 semaphore(%run_scoped3A : memref<!tpu.dma_semaphore, #tpu.memory_space<semaphore_mem>>) src(%dma_wait3A_123 : memref<40x128xi32, #tpu.memory_space<hbm>>) dst(%dma_wait3A_119 : memref<40x128xi32, #tpu.memory_space<vmem>>)
        tpu.yield
      }) : () -> ()
      %dma_start3A_35 = arith.constant 0 : i32
      %dma_start3A_36 = arith.constant 0 : i32
      %dma_start3A_37 = tpu.memref_slice %arg6[%dma_start3A_35, %dma_start3A_36] : memref<40x128xi32, #tpu.memory_space<vmem>> -> memref<1x128xi32, #tpu.memory_space<vmem>>
      %dma_start3A_38 = tpu.memref_squeeze %dma_start3A_37 : memref<1x128xi32, #tpu.memory_space<vmem>> -> memref<128xi32, #tpu.memory_space<vmem>>
      %dma_start3A_39 = arith.constant 0 : i32
      %dma_start3A_40 = arith.constant 0 : i32
      %dma_start3A_41 = tpu.memref_slice %arg2[%dma_start3A_39, %dma_start3A_40] : memref<10000x128xf32, #tpu.memory_space<hbm>> -> memref<10000x128xf32, #tpu.memory_space<hbm>>
      tpu.enqueue_indirect_dma source(%dma_start3A_41 : memref<10000x128xf32, #tpu.memory_space<hbm>>) target(%arg8 : memref<128x128xf32, #tpu.memory_space<vmem>>) offsets(%dma_start3A_38 : memref<128xi32, #tpu.memory_space<vmem>>) semaphore(%arg11 : memref<!tpu.dma_semaphore, #tpu.memory_space<semaphore_mem>>)
      %scan3A_42 = arith.constant 0 : i32
      %scan3A_43 = arith.constant 0 : i32
      %scan3A_44 = arith.constant 20 : i32
      %scan3A_45 = arith.addi %scan3A_43, %scan3A_44 : i32
      %scan3A_46 = arith.constant 1 : i32
      scf.for %scan3A_96 = %scan3A_43 to %scan3A_45 step %scan3A_46  : i32 {
        %mul3A_97 = arith.constant 2 : i32
        %mul3A_98 = arith.muli %mul3A_97, %scan3A_96 : i32
        %add3A_99 = arith.constant 1 : i32
        %add3A_100 = arith.addi %mul3A_98, %add3A_99 : i32
        %dma_start3A_101 = arith.constant 0 : i32
        %dma_start3A_102 = tpu.memref_slice %arg6[%add3A_100, %dma_start3A_101] : memref<40x128xi32, #tpu.memory_space<vmem>> -> memref<1x128xi32, #tpu.memory_space<vmem>>
        %dma_start3A_103 = tpu.memref_squeeze %dma_start3A_102 : memref<1x128xi32, #tpu.memory_space<vmem>> -> memref<128xi32, #tpu.memory_space<vmem>>
        %dma_start3A_104 = arith.constant 0 : i32
        %dma_start3A_105 = arith.constant 0 : i32
        %dma_start3A_106 = tpu.memref_slice %arg2[%dma_start3A_104, %dma_start3A_105] : memref<10000x128xf32, #tpu.memory_space<hbm>> -> memref<10000x128xf32, #tpu.memory_space<hbm>>
        tpu.enqueue_indirect_dma source(%dma_start3A_106 : memref<10000x128xf32, #tpu.memory_space<hbm>>) target(%arg9 : memref<128x128xf32, #tpu.memory_space<vmem>>) offsets(%dma_start3A_103 : memref<128xi32, #tpu.memory_space<vmem>>) semaphore(%arg11 : memref<!tpu.dma_semaphore, #tpu.memory_space<semaphore_mem>>)
        %dma_wait3A_107 = arith.constant 0 : i32
        %dma_wait3A_108 = tpu.memref_slice %arg6[%mul3A_98, %dma_wait3A_107] : memref<40x128xi32, #tpu.memory_space<vmem>> -> memref<1x128xi32, #tpu.memory_space<vmem>>
        %dma_wait3A_109 = tpu.memref_squeeze %dma_wait3A_108 : memref<1x128xi32, #tpu.memory_space<vmem>> -> memref<128xi32, #tpu.memory_space<vmem>>
        %dma_wait3A_110 = arith.constant 0 : i32
        %dma_wait3A_111 = arith.constant 0 : i32
        %dma_wait3A_112 = tpu.memref_slice %arg2[%dma_wait3A_110, %dma_wait3A_111] : memref<10000x128xf32, #tpu.memory_space<hbm>> -> memref<10000x128xf32, #tpu.memory_space<hbm>>
        tpu.wait_indirect_dma semaphore(%arg11 : memref<!tpu.dma_semaphore, #tpu.memory_space<semaphore_mem>>) src(%dma_wait3A_112 : memref<10000x128xf32, #tpu.memory_space<hbm>>) dst(%arg8 : memref<128x128xf32, #tpu.memory_space<vmem>>)
        "tpu.region"() ({
          %run_scoped3A = tpu.sem_alloc : memref<!tpu.dma_semaphore, #tpu.memory_space<semaphore_mem>>
          %dma_start3A_132 = arith.constant 0 : i32
          %dma_start3A_133 = tpu.memref_slice %arg7[%mul3A_98, %dma_start3A_132] : memref<40x128xi32, #tpu.memory_space<vmem>> -> memref<1x128xi32, #tpu.memory_space<vmem>>
          %dma_start3A_134 = tpu.memref_squeeze %dma_start3A_133 : memref<1x128xi32, #tpu.memory_space<vmem>> -> memref<128xi32, #tpu.memory_space<vmem>>
          %dma_start3A_135 = arith.constant 0 : i32
          %dma_start3A_136 = arith.constant 0 : i32
          %dma_start3A_137 = tpu.memref_slice %arg10[%dma_start3A_135, %dma_start3A_136] : memref<10112x128xf32, #tpu.memory_space<vmem_shared>> -> memref<10112x128xf32, #tpu.memory_space<vmem_shared>>
          tpu.enqueue_indirect_dma source(%arg8 : memref<128x128xf32, #tpu.memory_space<vmem>>) target(%dma_start3A_137 : memref<10112x128xf32, #tpu.memory_space<vmem_shared>>) offsets(%dma_start3A_134 : memref<128xi32, #tpu.memory_space<vmem>>) semaphore(%run_scoped3A : memref<!tpu.dma_semaphore, #tpu.memory_space<semaphore_mem>>) {add = true}
          %dma_wait3A_138 = arith.constant 0 : i32
          %dma_wait3A_139 = tpu.memref_slice %arg7[%mul3A_98, %dma_wait3A_138] : memref<40x128xi32, #tpu.memory_space<vmem>> -> memref<1x128xi32, #tpu.memory_space<vmem>>
          %dma_wait3A_140 = tpu.memref_squeeze %dma_wait3A_139 : memref<1x128xi32, #tpu.memory_space<vmem>> -> memref<128xi32, #tpu.memory_space<vmem>>
          %dma_wait3A_141 = arith.constant 0 : i32
          %dma_wait3A_142 = arith.constant 0 : i32
          %dma_wait3A_143 = tpu.memref_slice %arg10[%dma_wait3A_141, %dma_wait3A_142] : memref<10112x128xf32, #tpu.memory_space<vmem_shared>> -> memref<10112x128xf32, #tpu.memory_space<vmem_shared>>
          tpu.wait_indirect_dma semaphore(%run_scoped3A : memref<!tpu.dma_semaphore, #tpu.memory_space<semaphore_mem>>) src(%arg8 : memref<128x128xf32, #tpu.memory_space<vmem>>) dst(%dma_wait3A_143 : memref<10112x128xf32, #tpu.memory_space<vmem_shared>>)
          tpu.yield
        }) : () -> ()
        %add3A_113 = arith.constant 2 : i32
        %add3A_114 = arith.addi %mul3A_98, %add3A_113 : i32
        %min3A = arith.constant 39 : i32
        %min3A_115 = arith.minsi %add3A_114, %min3A : i32
        %dma_start3A_116 = arith.constant 0 : i32
        %dma_start3A_117 = tpu.memref_slice %arg6[%min3A_115, %dma_start3A_116] : memref<40x128xi32, #tpu.memory_space<vmem>> -> memref<1x128xi32, #tpu.memory_space<vmem>>
        %dma_start3A_118 = tpu.memref_squeeze %dma_start3A_117 : memref<1x128xi32, #tpu.memory_space<vmem>> -> memref<128xi32, #tpu.memory_space<vmem>>
        %dma_start3A_119 = arith.constant 0 : i32
        %dma_start3A_120 = arith.constant 0 : i32
        %dma_start3A_121 = tpu.memref_slice %arg2[%dma_start3A_119, %dma_start3A_120] : memref<10000x128xf32, #tpu.memory_space<hbm>> -> memref<10000x128xf32, #tpu.memory_space<hbm>>
        tpu.enqueue_indirect_dma source(%dma_start3A_121 : memref<10000x128xf32, #tpu.memory_space<hbm>>) target(%arg8 : memref<128x128xf32, #tpu.memory_space<vmem>>) offsets(%dma_start3A_118 : memref<128xi32, #tpu.memory_space<vmem>>) semaphore(%arg11 : memref<!tpu.dma_semaphore, #tpu.memory_space<semaphore_mem>>)
        %add3A_122 = arith.constant 1 : i32
        %add3A_123 = arith.addi %mul3A_98, %add3A_122 : i32
        %dma_wait3A_124 = arith.constant 0 : i32
        %dma_wait3A_125 = tpu.memref_slice %arg6[%add3A_123, %dma_wait3A_124] : memref<40x128xi32, #tpu.memory_space<vmem>> -> memref<1x128xi32, #tpu.memory_space<vmem>>
        %dma_wait3A_126 = tpu.memref_squeeze %dma_wait3A_125 : memref<1x128xi32, #tpu.memory_space<vmem>> -> memref<128xi32, #tpu.memory_space<vmem>>
        %dma_wait3A_127 = arith.constant 0 : i32
        %dma_wait3A_128 = arith.constant 0 : i32
        %dma_wait3A_129 = tpu.memref_slice %arg2[%dma_wait3A_127, %dma_wait3A_128] : memref<10000x128xf32, #tpu.memory_space<hbm>> -> memref<10000x128xf32, #tpu.memory_space<hbm>>
        tpu.wait_indirect_dma semaphore(%arg11 : memref<!tpu.dma_semaphore, #tpu.memory_space<semaphore_mem>>) src(%dma_wait3A_129 : memref<10000x128xf32, #tpu.memory_space<hbm>>) dst(%arg9 : memref<128x128xf32, #tpu.memory_space<vmem>>)
        %add3A_130 = arith.constant 1 : i32
        %add3A_131 = arith.addi %mul3A_98, %add3A_130 : i32
        "tpu.region"() ({
          %run_scoped3A = tpu.sem_alloc : memref<!tpu.dma_semaphore, #tpu.memory_space<semaphore_mem>>
          %dma_start3A_132 = arith.constant 0 : i32
          %dma_start3A_133 = tpu.memref_slice %arg7[%add3A_131, %dma_start3A_132] : memref<40x128xi32, #tpu.memory_space<vmem>> -> memref<1x128xi32, #tpu.memory_space<vmem>>
          %dma_start3A_134 = tpu.memref_squeeze %dma_start3A_133 : memref<1x128xi32, #tpu.memory_space<vmem>> -> memref<128xi32, #tpu.memory_space<vmem>>
          %dma_start3A_135 = arith.constant 0 : i32
          %dma_start3A_136 = arith.constant 0 : i32
          %dma_start3A_137 = tpu.memref_slice %arg10[%dma_start3A_135, %dma_start3A_136] : memref<10112x128xf32, #tpu.memory_space<vmem_shared>> -> memref<10112x128xf32, #tpu.memory_space<vmem_shared>>
          tpu.enqueue_indirect_dma source(%arg9 : memref<128x128xf32, #tpu.memory_space<vmem>>) target(%dma_start3A_137 : memref<10112x128xf32, #tpu.memory_space<vmem_shared>>) offsets(%dma_start3A_134 : memref<128xi32, #tpu.memory_space<vmem>>) semaphore(%run_scoped3A : memref<!tpu.dma_semaphore, #tpu.memory_space<semaphore_mem>>) {add = true}
          %dma_wait3A_138 = arith.constant 0 : i32
          %dma_wait3A_139 = tpu.memref_slice %arg7[%add3A_131, %dma_wait3A_138] : memref<40x128xi32, #tpu.memory_space<vmem>> -> memref<1x128xi32, #tpu.memory_space<vmem>>
          %dma_wait3A_140 = tpu.memref_squeeze %dma_wait3A_139 : memref<1x128xi32, #tpu.memory_space<vmem>> -> memref<128xi32, #tpu.memory_space<vmem>>
          %dma_wait3A_141 = arith.constant 0 : i32
          %dma_wait3A_142 = arith.constant 0 : i32
          %dma_wait3A_143 = tpu.memref_slice %arg10[%dma_wait3A_141, %dma_wait3A_142] : memref<10112x128xf32, #tpu.memory_space<vmem_shared>> -> memref<10112x128xf32, #tpu.memory_space<vmem_shared>>
          tpu.wait_indirect_dma semaphore(%run_scoped3A : memref<!tpu.dma_semaphore, #tpu.memory_space<semaphore_mem>>) src(%arg9 : memref<128x128xf32, #tpu.memory_space<vmem>>) dst(%dma_wait3A_143 : memref<10112x128xf32, #tpu.memory_space<vmem_shared>>)
          tpu.yield
        }) : () -> ()
      }
      %scan3A_47 = arith.constant 20 : i32
      %dma_wait3A_48 = arith.constant 39 : i32
      %dma_wait3A_49 = arith.constant 0 : i32
      %dma_wait3A_50 = tpu.memref_slice %arg6[%dma_wait3A_48, %dma_wait3A_49] : memref<40x128xi32, #tpu.memory_space<vmem>> -> memref<1x128xi32, #tpu.memory_space<vmem>>
      %dma_wait3A_51 = tpu.memref_squeeze %dma_wait3A_50 : memref<1x128xi32, #tpu.memory_space<vmem>> -> memref<128xi32, #tpu.memory_space<vmem>>
      %dma_wait3A_52 = arith.constant 0 : i32
      %dma_wait3A_53 = arith.constant 0 : i32
      %dma_wait3A_54 = tpu.memref_slice %arg2[%dma_wait3A_52, %dma_wait3A_53] : memref<10000x128xf32, #tpu.memory_space<hbm>> -> memref<10000x128xf32, #tpu.memory_space<hbm>>
      tpu.wait_indirect_dma semaphore(%arg11 : memref<!tpu.dma_semaphore, #tpu.memory_space<semaphore_mem>>) src(%dma_wait3A_54 : memref<10000x128xf32, #tpu.memory_space<hbm>>) dst(%arg8 : memref<128x128xf32, #tpu.memory_space<vmem>>)
      "tpu.region"() ({
        %run_scoped3A = tpu.sem_alloc : memref<!tpu.dma_semaphore, #tpu.memory_space<semaphore_mem>>
        %dma_start3A_96 = arith.constant 0 : i32
        %dma_start3A_97 = arith.constant 0 : i32
        %dma_start3A_98 = tpu.memref_slice %arg6[%dma_start3A_96, %dma_start3A_97] : memref<40x128xi32, #tpu.memory_space<vmem>> -> memref<40x128xi32, #tpu.memory_space<vmem>>
        %dma_start3A_99 = arith.constant 80 : i32
        %dma_start3A_100 = arith.constant 0 : i32
        %dma_start3A_101 = tpu.memref_slice %arg3[%arg1, %dma_start3A_99, %dma_start3A_100] : memref<16x160x128xi32, #tpu.memory_space<hbm>> -> memref<1x40x128xi32, #tpu.memory_space<hbm>>
        %dma_start3A_102 = tpu.memref_squeeze %dma_start3A_101 : memref<1x40x128xi32, #tpu.memory_space<hbm>> -> memref<40x128xi32, #tpu.memory_space<hbm>>
        %dma_start3A_103 = arith.constant 0 : i32
        %dma_start3A_104 = arith.constant 0 : i32
        %dma_start3A_105 = tpu.memref_slice %arg6[%dma_start3A_103, %dma_start3A_104] : memref<40x128xi32, #tpu.memory_space<vmem>> -> memref<40x128xi32, #tpu.memory_space<vmem>>
        %dma_start3A_106 = arith.constant 80 : i32
        %dma_start3A_107 = arith.constant 0 : i32
        %dma_start3A_108 = tpu.memref_slice %arg3[%arg1, %dma_start3A_106, %dma_start3A_107] : memref<16x160x128xi32, #tpu.memory_space<hbm>> -> memref<1x40x128xi32, #tpu.memory_space<hbm>>
        %dma_start3A_109 = tpu.memref_squeeze %dma_start3A_108 : memref<1x40x128xi32, #tpu.memory_space<hbm>> -> memref<40x128xi32, #tpu.memory_space<hbm>>
        tpu.enqueue_dma source(%dma_start3A_109 : memref<40x128xi32, #tpu.memory_space<hbm>>) target(%dma_start3A_105 : memref<40x128xi32, #tpu.memory_space<vmem>>) target_semaphore(%run_scoped3A : memref<!tpu.dma_semaphore, #tpu.memory_space<semaphore_mem>>)
        %dma_wait3A_110 = arith.constant 0 : i32
        %dma_wait3A_111 = arith.constant 0 : i32
        %dma_wait3A_112 = tpu.memref_slice %arg6[%dma_wait3A_110, %dma_wait3A_111] : memref<40x128xi32, #tpu.memory_space<vmem>> -> memref<40x128xi32, #tpu.memory_space<vmem>>
        %dma_wait3A_113 = arith.constant 80 : i32
        %dma_wait3A_114 = arith.constant 0 : i32
        %dma_wait3A_115 = tpu.memref_slice %arg3[%arg1, %dma_wait3A_113, %dma_wait3A_114] : memref<16x160x128xi32, #tpu.memory_space<hbm>> -> memref<1x40x128xi32, #tpu.memory_space<hbm>>
        %dma_wait3A_116 = tpu.memref_squeeze %dma_wait3A_115 : memref<1x40x128xi32, #tpu.memory_space<hbm>> -> memref<40x128xi32, #tpu.memory_space<hbm>>
        %dma_wait3A_117 = arith.constant 0 : i32
        %dma_wait3A_118 = arith.constant 0 : i32
        %dma_wait3A_119 = tpu.memref_slice %arg6[%dma_wait3A_117, %dma_wait3A_118] : memref<40x128xi32, #tpu.memory_space<vmem>> -> memref<40x128xi32, #tpu.memory_space<vmem>>
        %dma_wait3A_120 = arith.constant 80 : i32
        %dma_wait3A_121 = arith.constant 0 : i32
        %dma_wait3A_122 = tpu.memref_slice %arg3[%arg1, %dma_wait3A_120, %dma_wait3A_121] : memref<16x160x128xi32, #tpu.memory_space<hbm>> -> memref<1x40x128xi32, #tpu.memory_space<hbm>>
        %dma_wait3A_123 = tpu.memref_squeeze %dma_wait3A_122 : memref<1x40x128xi32, #tpu.memory_space<hbm>> -> memref<40x128xi32, #tpu.memory_space<hbm>>
        tpu.wait_dma2 semaphore(%run_scoped3A : memref<!tpu.dma_semaphore, #tpu.memory_space<semaphore_mem>>) src(%dma_wait3A_123 : memref<40x128xi32, #tpu.memory_space<hbm>>) dst(%dma_wait3A_119 : memref<40x128xi32, #tpu.memory_space<vmem>>)
        tpu.yield
      }) : () -> ()
      "tpu.region"() ({
        %run_scoped3A = tpu.sem_alloc : memref<!tpu.dma_semaphore, #tpu.memory_space<semaphore_mem>>
        %dma_start3A_96 = arith.constant 0 : i32
        %dma_start3A_97 = arith.constant 0 : i32
        %dma_start3A_98 = tpu.memref_slice %arg7[%dma_start3A_96, %dma_start3A_97] : memref<40x128xi32, #tpu.memory_space<vmem>> -> memref<40x128xi32, #tpu.memory_space<vmem>>
        %dma_start3A_99 = arith.constant 80 : i32
        %dma_start3A_100 = arith.constant 0 : i32
        %dma_start3A_101 = tpu.memref_slice %arg4[%arg1, %dma_start3A_99, %dma_start3A_100] : memref<16x160x128xi32, #tpu.memory_space<hbm>> -> memref<1x40x128xi32, #tpu.memory_space<hbm>>
        %dma_start3A_102 = tpu.memref_squeeze %dma_start3A_101 : memref<1x40x128xi32, #tpu.memory_space<hbm>> -> memref<40x128xi32, #tpu.memory_space<hbm>>
        %dma_start3A_103 = arith.constant 0 : i32
        %dma_start3A_104 = arith.constant 0 : i32
        %dma_start3A_105 = tpu.memref_slice %arg7[%dma_start3A_103, %dma_start3A_104] : memref<40x128xi32, #tpu.memory_space<vmem>> -> memref<40x128xi32, #tpu.memory_space<vmem>>
        %dma_start3A_106 = arith.constant 80 : i32
        %dma_start3A_107 = arith.constant 0 : i32
        %dma_start3A_108 = tpu.memref_slice %arg4[%arg1, %dma_start3A_106, %dma_start3A_107] : memref<16x160x128xi32, #tpu.memory_space<hbm>> -> memref<1x40x128xi32, #tpu.memory_space<hbm>>
        %dma_start3A_109 = tpu.memref_squeeze %dma_start3A_108 : memref<1x40x128xi32, #tpu.memory_space<hbm>> -> memref<40x128xi32, #tpu.memory_space<hbm>>
        tpu.enqueue_dma source(%dma_start3A_109 : memref<40x128xi32, #tpu.memory_space<hbm>>) target(%dma_start3A_105 : memref<40x128xi32, #tpu.memory_space<vmem>>) target_semaphore(%run_scoped3A : memref<!tpu.dma_semaphore, #tpu.memory_space<semaphore_mem>>)
        %dma_wait3A_110 = arith.constant 0 : i32
        %dma_wait3A_111 = arith.constant 0 : i32
        %dma_wait3A_112 = tpu.memref_slice %arg7[%dma_wait3A_110, %dma_wait3A_111] : memref<40x128xi32, #tpu.memory_space<vmem>> -> memref<40x128xi32, #tpu.memory_space<vmem>>
        %dma_wait3A_113 = arith.constant 80 : i32
        %dma_wait3A_114 = arith.constant 0 : i32
        %dma_wait3A_115 = tpu.memref_slice %arg4[%arg1, %dma_wait3A_113, %dma_wait3A_114] : memref<16x160x128xi32, #tpu.memory_space<hbm>> -> memref<1x40x128xi32, #tpu.memory_space<hbm>>
        %dma_wait3A_116 = tpu.memref_squeeze %dma_wait3A_115 : memref<1x40x128xi32, #tpu.memory_space<hbm>> -> memref<40x128xi32, #tpu.memory_space<hbm>>
        %dma_wait3A_117 = arith.constant 0 : i32
        %dma_wait3A_118 = arith.constant 0 : i32
        %dma_wait3A_119 = tpu.memref_slice %arg7[%dma_wait3A_117, %dma_wait3A_118] : memref<40x128xi32, #tpu.memory_space<vmem>> -> memref<40x128xi32, #tpu.memory_space<vmem>>
        %dma_wait3A_120 = arith.constant 80 : i32
        %dma_wait3A_121 = arith.constant 0 : i32
        %dma_wait3A_122 = tpu.memref_slice %arg4[%arg1, %dma_wait3A_120, %dma_wait3A_121] : memref<16x160x128xi32, #tpu.memory_space<hbm>> -> memref<1x40x128xi32, #tpu.memory_space<hbm>>
        %dma_wait3A_123 = tpu.memref_squeeze %dma_wait3A_122 : memref<1x40x128xi32, #tpu.memory_space<hbm>> -> memref<40x128xi32, #tpu.memory_space<hbm>>
        tpu.wait_dma2 semaphore(%run_scoped3A : memref<!tpu.dma_semaphore, #tpu.memory_space<semaphore_mem>>) src(%dma_wait3A_123 : memref<40x128xi32, #tpu.memory_space<hbm>>) dst(%dma_wait3A_119 : memref<40x128xi32, #tpu.memory_space<vmem>>)
        tpu.yield
      }) : () -> ()
      %dma_start3A_55 = arith.constant 0 : i32
      %dma_start3A_56 = arith.constant 0 : i32
      %dma_start3A_57 = tpu.memref_slice %arg6[%dma_start3A_55, %dma_start3A_56] : memref<40x128xi32, #tpu.memory_space<vmem>> -> memref<1x128xi32, #tpu.memory_space<vmem>>
      %dma_start3A_58 = tpu.memref_squeeze %dma_start3A_57 : memref<1x128xi32, #tpu.memory_space<vmem>> -> memref<128xi32, #tpu.memory_space<vmem>>
      %dma_start3A_59 = arith.constant 0 : i32
      %dma_start3A_60 = arith.constant 0 : i32
      %dma_start3A_61 = tpu.memref_slice %arg2[%dma_start3A_59, %dma_start3A_60] : memref<10000x128xf32, #tpu.memory_space<hbm>> -> memref<10000x128xf32, #tpu.memory_space<hbm>>
      tpu.enqueue_indirect_dma source(%dma_start3A_61 : memref<10000x128xf32, #tpu.memory_space<hbm>>) target(%arg8 : memref<128x128xf32, #tpu.memory_space<vmem>>) offsets(%dma_start3A_58 : memref<128xi32, #tpu.memory_space<vmem>>) semaphore(%arg11 : memref<!tpu.dma_semaphore, #tpu.memory_space<semaphore_mem>>)
      %scan3A_62 = arith.constant 0 : i32
      %scan3A_63 = arith.constant 0 : i32
      %scan3A_64 = arith.constant 20 : i32
      %scan3A_65 = arith.addi %scan3A_63, %scan3A_64 : i32
      %scan3A_66 = arith.constant 1 : i32
      scf.for %scan3A_96 = %scan3A_63 to %scan3A_65 step %scan3A_66  : i32 {
        %mul3A_97 = arith.constant 2 : i32
        %mul3A_98 = arith.muli %mul3A_97, %scan3A_96 : i32
        %add3A_99 = arith.constant 1 : i32
        %add3A_100 = arith.addi %mul3A_98, %add3A_99 : i32
        %dma_start3A_101 = arith.constant 0 : i32
        %dma_start3A_102 = tpu.memref_slice %arg6[%add3A_100, %dma_start3A_101] : memref<40x128xi32, #tpu.memory_space<vmem>> -> memref<1x128xi32, #tpu.memory_space<vmem>>
        %dma_start3A_103 = tpu.memref_squeeze %dma_start3A_102 : memref<1x128xi32, #tpu.memory_space<vmem>> -> memref<128xi32, #tpu.memory_space<vmem>>
        %dma_start3A_104 = arith.constant 0 : i32
        %dma_start3A_105 = arith.constant 0 : i32
        %dma_start3A_106 = tpu.memref_slice %arg2[%dma_start3A_104, %dma_start3A_105] : memref<10000x128xf32, #tpu.memory_space<hbm>> -> memref<10000x128xf32, #tpu.memory_space<hbm>>
        tpu.enqueue_indirect_dma source(%dma_start3A_106 : memref<10000x128xf32, #tpu.memory_space<hbm>>) target(%arg9 : memref<128x128xf32, #tpu.memory_space<vmem>>) offsets(%dma_start3A_103 : memref<128xi32, #tpu.memory_space<vmem>>) semaphore(%arg11 : memref<!tpu.dma_semaphore, #tpu.memory_space<semaphore_mem>>)
        %dma_wait3A_107 = arith.constant 0 : i32
        %dma_wait3A_108 = tpu.memref_slice %arg6[%mul3A_98, %dma_wait3A_107] : memref<40x128xi32, #tpu.memory_space<vmem>> -> memref<1x128xi32, #tpu.memory_space<vmem>>
        %dma_wait3A_109 = tpu.memref_squeeze %dma_wait3A_108 : memref<1x128xi32, #tpu.memory_space<vmem>> -> memref<128xi32, #tpu.memory_space<vmem>>
        %dma_wait3A_110 = arith.constant 0 : i32
        %dma_wait3A_111 = arith.constant 0 : i32
        %dma_wait3A_112 = tpu.memref_slice %arg2[%dma_wait3A_110, %dma_wait3A_111] : memref<10000x128xf32, #tpu.memory_space<hbm>> -> memref<10000x128xf32, #tpu.memory_space<hbm>>
        tpu.wait_indirect_dma semaphore(%arg11 : memref<!tpu.dma_semaphore, #tpu.memory_space<semaphore_mem>>) src(%dma_wait3A_112 : memref<10000x128xf32, #tpu.memory_space<hbm>>) dst(%arg8 : memref<128x128xf32, #tpu.memory_space<vmem>>)
        "tpu.region"() ({
          %run_scoped3A = tpu.sem_alloc : memref<!tpu.dma_semaphore, #tpu.memory_space<semaphore_mem>>
          %dma_start3A_132 = arith.constant 0 : i32
          %dma_start3A_133 = tpu.memref_slice %arg7[%mul3A_98, %dma_start3A_132] : memref<40x128xi32, #tpu.memory_space<vmem>> -> memref<1x128xi32, #tpu.memory_space<vmem>>
          %dma_start3A_134 = tpu.memref_squeeze %dma_start3A_133 : memref<1x128xi32, #tpu.memory_space<vmem>> -> memref<128xi32, #tpu.memory_space<vmem>>
          %dma_start3A_135 = arith.constant 0 : i32
          %dma_start3A_136 = arith.constant 0 : i32
          %dma_start3A_137 = tpu.memref_slice %arg10[%dma_start3A_135, %dma_start3A_136] : memref<10112x128xf32, #tpu.memory_space<vmem_shared>> -> memref<10112x128xf32, #tpu.memory_space<vmem_shared>>
          tpu.enqueue_indirect_dma source(%arg8 : memref<128x128xf32, #tpu.memory_space<vmem>>) target(%dma_start3A_137 : memref<10112x128xf32, #tpu.memory_space<vmem_shared>>) offsets(%dma_start3A_134 : memref<128xi32, #tpu.memory_space<vmem>>) semaphore(%run_scoped3A : memref<!tpu.dma_semaphore, #tpu.memory_space<semaphore_mem>>) {add = true}
          %dma_wait3A_138 = arith.constant 0 : i32
          %dma_wait3A_139 = tpu.memref_slice %arg7[%mul3A_98, %dma_wait3A_138] : memref<40x128xi32, #tpu.memory_space<vmem>> -> memref<1x128xi32, #tpu.memory_space<vmem>>
          %dma_wait3A_140 = tpu.memref_squeeze %dma_wait3A_139 : memref<1x128xi32, #tpu.memory_space<vmem>> -> memref<128xi32, #tpu.memory_space<vmem>>
          %dma_wait3A_141 = arith.constant 0 : i32
          %dma_wait3A_142 = arith.constant 0 : i32
          %dma_wait3A_143 = tpu.memref_slice %arg10[%dma_wait3A_141, %dma_wait3A_142] : memref<10112x128xf32, #tpu.memory_space<vmem_shared>> -> memref<10112x128xf32, #tpu.memory_space<vmem_shared>>
          tpu.wait_indirect_dma semaphore(%run_scoped3A : memref<!tpu.dma_semaphore, #tpu.memory_space<semaphore_mem>>) src(%arg8 : memref<128x128xf32, #tpu.memory_space<vmem>>) dst(%dma_wait3A_143 : memref<10112x128xf32, #tpu.memory_space<vmem_shared>>)
          tpu.yield
        }) : () -> ()
        %add3A_113 = arith.constant 2 : i32
        %add3A_114 = arith.addi %mul3A_98, %add3A_113 : i32
        %min3A = arith.constant 39 : i32
        %min3A_115 = arith.minsi %add3A_114, %min3A : i32
        %dma_start3A_116 = arith.constant 0 : i32
        %dma_start3A_117 = tpu.memref_slice %arg6[%min3A_115, %dma_start3A_116] : memref<40x128xi32, #tpu.memory_space<vmem>> -> memref<1x128xi32, #tpu.memory_space<vmem>>
        %dma_start3A_118 = tpu.memref_squeeze %dma_start3A_117 : memref<1x128xi32, #tpu.memory_space<vmem>> -> memref<128xi32, #tpu.memory_space<vmem>>
        %dma_start3A_119 = arith.constant 0 : i32
        %dma_start3A_120 = arith.constant 0 : i32
        %dma_start3A_121 = tpu.memref_slice %arg2[%dma_start3A_119, %dma_start3A_120] : memref<10000x128xf32, #tpu.memory_space<hbm>> -> memref<10000x128xf32, #tpu.memory_space<hbm>>
        tpu.enqueue_indirect_dma source(%dma_start3A_121 : memref<10000x128xf32, #tpu.memory_space<hbm>>) target(%arg8 : memref<128x128xf32, #tpu.memory_space<vmem>>) offsets(%dma_start3A_118 : memref<128xi32, #tpu.memory_space<vmem>>) semaphore(%arg11 : memref<!tpu.dma_semaphore, #tpu.memory_space<semaphore_mem>>)
        %add3A_122 = arith.constant 1 : i32
        %add3A_123 = arith.addi %mul3A_98, %add3A_122 : i32
        %dma_wait3A_124 = arith.constant 0 : i32
        %dma_wait3A_125 = tpu.memref_slice %arg6[%add3A_123, %dma_wait3A_124] : memref<40x128xi32, #tpu.memory_space<vmem>> -> memref<1x128xi32, #tpu.memory_space<vmem>>
        %dma_wait3A_126 = tpu.memref_squeeze %dma_wait3A_125 : memref<1x128xi32, #tpu.memory_space<vmem>> -> memref<128xi32, #tpu.memory_space<vmem>>
        %dma_wait3A_127 = arith.constant 0 : i32
        %dma_wait3A_128 = arith.constant 0 : i32
        %dma_wait3A_129 = tpu.memref_slice %arg2[%dma_wait3A_127, %dma_wait3A_128] : memref<10000x128xf32, #tpu.memory_space<hbm>> -> memref<10000x128xf32, #tpu.memory_space<hbm>>
        tpu.wait_indirect_dma semaphore(%arg11 : memref<!tpu.dma_semaphore, #tpu.memory_space<semaphore_mem>>) src(%dma_wait3A_129 : memref<10000x128xf32, #tpu.memory_space<hbm>>) dst(%arg9 : memref<128x128xf32, #tpu.memory_space<vmem>>)
        %add3A_130 = arith.constant 1 : i32
        %add3A_131 = arith.addi %mul3A_98, %add3A_130 : i32
        "tpu.region"() ({
          %run_scoped3A = tpu.sem_alloc : memref<!tpu.dma_semaphore, #tpu.memory_space<semaphore_mem>>
          %dma_start3A_132 = arith.constant 0 : i32
          %dma_start3A_133 = tpu.memref_slice %arg7[%add3A_131, %dma_start3A_132] : memref<40x128xi32, #tpu.memory_space<vmem>> -> memref<1x128xi32, #tpu.memory_space<vmem>>
          %dma_start3A_134 = tpu.memref_squeeze %dma_start3A_133 : memref<1x128xi32, #tpu.memory_space<vmem>> -> memref<128xi32, #tpu.memory_space<vmem>>
          %dma_start3A_135 = arith.constant 0 : i32
          %dma_start3A_136 = arith.constant 0 : i32
          %dma_start3A_137 = tpu.memref_slice %arg10[%dma_start3A_135, %dma_start3A_136] : memref<10112x128xf32, #tpu.memory_space<vmem_shared>> -> memref<10112x128xf32, #tpu.memory_space<vmem_shared>>
          tpu.enqueue_indirect_dma source(%arg9 : memref<128x128xf32, #tpu.memory_space<vmem>>) target(%dma_start3A_137 : memref<10112x128xf32, #tpu.memory_space<vmem_shared>>) offsets(%dma_start3A_134 : memref<128xi32, #tpu.memory_space<vmem>>) semaphore(%run_scoped3A : memref<!tpu.dma_semaphore, #tpu.memory_space<semaphore_mem>>) {add = true}
          %dma_wait3A_138 = arith.constant 0 : i32
          %dma_wait3A_139 = tpu.memref_slice %arg7[%add3A_131, %dma_wait3A_138] : memref<40x128xi32, #tpu.memory_space<vmem>> -> memref<1x128xi32, #tpu.memory_space<vmem>>
          %dma_wait3A_140 = tpu.memref_squeeze %dma_wait3A_139 : memref<1x128xi32, #tpu.memory_space<vmem>> -> memref<128xi32, #tpu.memory_space<vmem>>
          %dma_wait3A_141 = arith.constant 0 : i32
          %dma_wait3A_142 = arith.constant 0 : i32
          %dma_wait3A_143 = tpu.memref_slice %arg10[%dma_wait3A_141, %dma_wait3A_142] : memref<10112x128xf32, #tpu.memory_space<vmem_shared>> -> memref<10112x128xf32, #tpu.memory_space<vmem_shared>>
          tpu.wait_indirect_dma semaphore(%run_scoped3A : memref<!tpu.dma_semaphore, #tpu.memory_space<semaphore_mem>>) src(%arg9 : memref<128x128xf32, #tpu.memory_space<vmem>>) dst(%dma_wait3A_143 : memref<10112x128xf32, #tpu.memory_space<vmem_shared>>)
          tpu.yield
        }) : () -> ()
      }
      %scan3A_67 = arith.constant 20 : i32
      %dma_wait3A_68 = arith.constant 39 : i32
      %dma_wait3A_69 = arith.constant 0 : i32
      %dma_wait3A_70 = tpu.memref_slice %arg6[%dma_wait3A_68, %dma_wait3A_69] : memref<40x128xi32, #tpu.memory_space<vmem>> -> memref<1x128xi32, #tpu.memory_space<vmem>>
      %dma_wait3A_71 = tpu.memref_squeeze %dma_wait3A_70 : memref<1x128xi32, #tpu.memory_space<vmem>> -> memref<128xi32, #tpu.memory_space<vmem>>
      %dma_wait3A_72 = arith.constant 0 : i32
      %dma_wait3A_73 = arith.constant 0 : i32
      %dma_wait3A_74 = tpu.memref_slice %arg2[%dma_wait3A_72, %dma_wait3A_73] : memref<10000x128xf32, #tpu.memory_space<hbm>> -> memref<10000x128xf32, #tpu.memory_space<hbm>>
      tpu.wait_indirect_dma semaphore(%arg11 : memref<!tpu.dma_semaphore, #tpu.memory_space<semaphore_mem>>) src(%dma_wait3A_74 : memref<10000x128xf32, #tpu.memory_space<hbm>>) dst(%arg8 : memref<128x128xf32, #tpu.memory_space<vmem>>)
      "tpu.region"() ({
        %run_scoped3A = tpu.sem_alloc : memref<!tpu.dma_semaphore, #tpu.memory_space<semaphore_mem>>
        %dma_start3A_96 = arith.constant 0 : i32
        %dma_start3A_97 = arith.constant 0 : i32
        %dma_start3A_98 = tpu.memref_slice %arg6[%dma_start3A_96, %dma_start3A_97] : memref<40x128xi32, #tpu.memory_space<vmem>> -> memref<40x128xi32, #tpu.memory_space<vmem>>
        %dma_start3A_99 = arith.constant 120 : i32
        %dma_start3A_100 = arith.constant 0 : i32
        %dma_start3A_101 = tpu.memref_slice %arg3[%arg1, %dma_start3A_99, %dma_start3A_100] : memref<16x160x128xi32, #tpu.memory_space<hbm>> -> memref<1x40x128xi32, #tpu.memory_space<hbm>>
        %dma_start3A_102 = tpu.memref_squeeze %dma_start3A_101 : memref<1x40x128xi32, #tpu.memory_space<hbm>> -> memref<40x128xi32, #tpu.memory_space<hbm>>
        %dma_start3A_103 = arith.constant 0 : i32
        %dma_start3A_104 = arith.constant 0 : i32
        %dma_start3A_105 = tpu.memref_slice %arg6[%dma_start3A_103, %dma_start3A_104] : memref<40x128xi32, #tpu.memory_space<vmem>> -> memref<40x128xi32, #tpu.memory_space<vmem>>
        %dma_start3A_106 = arith.constant 120 : i32
        %dma_start3A_107 = arith.constant 0 : i32
        %dma_start3A_108 = tpu.memref_slice %arg3[%arg1, %dma_start3A_106, %dma_start3A_107] : memref<16x160x128xi32, #tpu.memory_space<hbm>> -> memref<1x40x128xi32, #tpu.memory_space<hbm>>
        %dma_start3A_109 = tpu.memref_squeeze %dma_start3A_108 : memref<1x40x128xi32, #tpu.memory_space<hbm>> -> memref<40x128xi32, #tpu.memory_space<hbm>>
        tpu.enqueue_dma source(%dma_start3A_109 : memref<40x128xi32, #tpu.memory_space<hbm>>) target(%dma_start3A_105 : memref<40x128xi32, #tpu.memory_space<vmem>>) target_semaphore(%run_scoped3A : memref<!tpu.dma_semaphore, #tpu.memory_space<semaphore_mem>>)
        %dma_wait3A_110 = arith.constant 0 : i32
        %dma_wait3A_111 = arith.constant 0 : i32
        %dma_wait3A_112 = tpu.memref_slice %arg6[%dma_wait3A_110, %dma_wait3A_111] : memref<40x128xi32, #tpu.memory_space<vmem>> -> memref<40x128xi32, #tpu.memory_space<vmem>>
        %dma_wait3A_113 = arith.constant 120 : i32
        %dma_wait3A_114 = arith.constant 0 : i32
        %dma_wait3A_115 = tpu.memref_slice %arg3[%arg1, %dma_wait3A_113, %dma_wait3A_114] : memref<16x160x128xi32, #tpu.memory_space<hbm>> -> memref<1x40x128xi32, #tpu.memory_space<hbm>>
        %dma_wait3A_116 = tpu.memref_squeeze %dma_wait3A_115 : memref<1x40x128xi32, #tpu.memory_space<hbm>> -> memref<40x128xi32, #tpu.memory_space<hbm>>
        %dma_wait3A_117 = arith.constant 0 : i32
        %dma_wait3A_118 = arith.constant 0 : i32
        %dma_wait3A_119 = tpu.memref_slice %arg6[%dma_wait3A_117, %dma_wait3A_118] : memref<40x128xi32, #tpu.memory_space<vmem>> -> memref<40x128xi32, #tpu.memory_space<vmem>>
        %dma_wait3A_120 = arith.constant 120 : i32
        %dma_wait3A_121 = arith.constant 0 : i32
        %dma_wait3A_122 = tpu.memref_slice %arg3[%arg1, %dma_wait3A_120, %dma_wait3A_121] : memref<16x160x128xi32, #tpu.memory_space<hbm>> -> memref<1x40x128xi32, #tpu.memory_space<hbm>>
        %dma_wait3A_123 = tpu.memref_squeeze %dma_wait3A_122 : memref<1x40x128xi32, #tpu.memory_space<hbm>> -> memref<40x128xi32, #tpu.memory_space<hbm>>
        tpu.wait_dma2 semaphore(%run_scoped3A : memref<!tpu.dma_semaphore, #tpu.memory_space<semaphore_mem>>) src(%dma_wait3A_123 : memref<40x128xi32, #tpu.memory_space<hbm>>) dst(%dma_wait3A_119 : memref<40x128xi32, #tpu.memory_space<vmem>>)
        tpu.yield
      }) : () -> ()
      "tpu.region"() ({
        %run_scoped3A = tpu.sem_alloc : memref<!tpu.dma_semaphore, #tpu.memory_space<semaphore_mem>>
        %dma_start3A_96 = arith.constant 0 : i32
        %dma_start3A_97 = arith.constant 0 : i32
        %dma_start3A_98 = tpu.memref_slice %arg7[%dma_start3A_96, %dma_start3A_97] : memref<40x128xi32, #tpu.memory_space<vmem>> -> memref<40x128xi32, #tpu.memory_space<vmem>>
        %dma_start3A_99 = arith.constant 120 : i32
        %dma_start3A_100 = arith.constant 0 : i32
        %dma_start3A_101 = tpu.memref_slice %arg4[%arg1, %dma_start3A_99, %dma_start3A_100] : memref<16x160x128xi32, #tpu.memory_space<hbm>> -> memref<1x40x128xi32, #tpu.memory_space<hbm>>
        %dma_start3A_102 = tpu.memref_squeeze %dma_start3A_101 : memref<1x40x128xi32, #tpu.memory_space<hbm>> -> memref<40x128xi32, #tpu.memory_space<hbm>>
        %dma_start3A_103 = arith.constant 0 : i32
        %dma_start3A_104 = arith.constant 0 : i32
        %dma_start3A_105 = tpu.memref_slice %arg7[%dma_start3A_103, %dma_start3A_104] : memref<40x128xi32, #tpu.memory_space<vmem>> -> memref<40x128xi32, #tpu.memory_space<vmem>>
        %dma_start3A_106 = arith.constant 120 : i32
        %dma_start3A_107 = arith.constant 0 : i32
        %dma_start3A_108 = tpu.memref_slice %arg4[%arg1, %dma_start3A_106, %dma_start3A_107] : memref<16x160x128xi32, #tpu.memory_space<hbm>> -> memref<1x40x128xi32, #tpu.memory_space<hbm>>
        %dma_start3A_109 = tpu.memref_squeeze %dma_start3A_108 : memref<1x40x128xi32, #tpu.memory_space<hbm>> -> memref<40x128xi32, #tpu.memory_space<hbm>>
        tpu.enqueue_dma source(%dma_start3A_109 : memref<40x128xi32, #tpu.memory_space<hbm>>) target(%dma_start3A_105 : memref<40x128xi32, #tpu.memory_space<vmem>>) target_semaphore(%run_scoped3A : memref<!tpu.dma_semaphore, #tpu.memory_space<semaphore_mem>>)
        %dma_wait3A_110 = arith.constant 0 : i32
        %dma_wait3A_111 = arith.constant 0 : i32
        %dma_wait3A_112 = tpu.memref_slice %arg7[%dma_wait3A_110, %dma_wait3A_111] : memref<40x128xi32, #tpu.memory_space<vmem>> -> memref<40x128xi32, #tpu.memory_space<vmem>>
        %dma_wait3A_113 = arith.constant 120 : i32
        %dma_wait3A_114 = arith.constant 0 : i32
        %dma_wait3A_115 = tpu.memref_slice %arg4[%arg1, %dma_wait3A_113, %dma_wait3A_114] : memref<16x160x128xi32, #tpu.memory_space<hbm>> -> memref<1x40x128xi32, #tpu.memory_space<hbm>>
        %dma_wait3A_116 = tpu.memref_squeeze %dma_wait3A_115 : memref<1x40x128xi32, #tpu.memory_space<hbm>> -> memref<40x128xi32, #tpu.memory_space<hbm>>
        %dma_wait3A_117 = arith.constant 0 : i32
        %dma_wait3A_118 = arith.constant 0 : i32
        %dma_wait3A_119 = tpu.memref_slice %arg7[%dma_wait3A_117, %dma_wait3A_118] : memref<40x128xi32, #tpu.memory_space<vmem>> -> memref<40x128xi32, #tpu.memory_space<vmem>>
        %dma_wait3A_120 = arith.constant 120 : i32
        %dma_wait3A_121 = arith.constant 0 : i32
        %dma_wait3A_122 = tpu.memref_slice %arg4[%arg1, %dma_wait3A_120, %dma_wait3A_121] : memref<16x160x128xi32, #tpu.memory_space<hbm>> -> memref<1x40x128xi32, #tpu.memory_space<hbm>>
        %dma_wait3A_123 = tpu.memref_squeeze %dma_wait3A_122 : memref<1x40x128xi32, #tpu.memory_space<hbm>> -> memref<40x128xi32, #tpu.memory_space<hbm>>
        tpu.wait_dma2 semaphore(%run_scoped3A : memref<!tpu.dma_semaphore, #tpu.memory_space<semaphore_mem>>) src(%dma_wait3A_123 : memref<40x128xi32, #tpu.memory_space<hbm>>) dst(%dma_wait3A_119 : memref<40x128xi32, #tpu.memory_space<vmem>>)
        tpu.yield
      }) : () -> ()
      %dma_start3A_75 = arith.constant 0 : i32
      %dma_start3A_76 = arith.constant 0 : i32
      %dma_start3A_77 = tpu.memref_slice %arg6[%dma_start3A_75, %dma_start3A_76] : memref<40x128xi32, #tpu.memory_space<vmem>> -> memref<1x128xi32, #tpu.memory_space<vmem>>
      %dma_start3A_78 = tpu.memref_squeeze %dma_start3A_77 : memref<1x128xi32, #tpu.memory_space<vmem>> -> memref<128xi32, #tpu.memory_space<vmem>>
      %dma_start3A_79 = arith.constant 0 : i32
      %dma_start3A_80 = arith.constant 0 : i32
      %dma_start3A_81 = tpu.memref_slice %arg2[%dma_start3A_79, %dma_start3A_80] : memref<10000x128xf32, #tpu.memory_space<hbm>> -> memref<10000x128xf32, #tpu.memory_space<hbm>>
      tpu.enqueue_indirect_dma source(%dma_start3A_81 : memref<10000x128xf32, #tpu.memory_space<hbm>>) target(%arg8 : memref<128x128xf32, #tpu.memory_space<vmem>>) offsets(%dma_start3A_78 : memref<128xi32, #tpu.memory_space<vmem>>) semaphore(%arg11 : memref<!tpu.dma_semaphore, #tpu.memory_space<semaphore_mem>>)
      %scan3A_82 = arith.constant 0 : i32
      %scan3A_83 = arith.constant 0 : i32
      %scan3A_84 = arith.constant 20 : i32
      %scan3A_85 = arith.addi %scan3A_83, %scan3A_84 : i32
      %scan3A_86 = arith.constant 1 : i32
      scf.for %scan3A_96 = %scan3A_83 to %scan3A_85 step %scan3A_86  : i32 {
        %mul3A_97 = arith.constant 2 : i32
        %mul3A_98 = arith.muli %mul3A_97, %scan3A_96 : i32
        %add3A_99 = arith.constant 1 : i32
        %add3A_100 = arith.addi %mul3A_98, %add3A_99 : i32
        %dma_start3A_101 = arith.constant 0 : i32
        %dma_start3A_102 = tpu.memref_slice %arg6[%add3A_100, %dma_start3A_101] : memref<40x128xi32, #tpu.memory_space<vmem>> -> memref<1x128xi32, #tpu.memory_space<vmem>>
        %dma_start3A_103 = tpu.memref_squeeze %dma_start3A_102 : memref<1x128xi32, #tpu.memory_space<vmem>> -> memref<128xi32, #tpu.memory_space<vmem>>
        %dma_start3A_104 = arith.constant 0 : i32
        %dma_start3A_105 = arith.constant 0 : i32
        %dma_start3A_106 = tpu.memref_slice %arg2[%dma_start3A_104, %dma_start3A_105] : memref<10000x128xf32, #tpu.memory_space<hbm>> -> memref<10000x128xf32, #tpu.memory_space<hbm>>
        tpu.enqueue_indirect_dma source(%dma_start3A_106 : memref<10000x128xf32, #tpu.memory_space<hbm>>) target(%arg9 : memref<128x128xf32, #tpu.memory_space<vmem>>) offsets(%dma_start3A_103 : memref<128xi32, #tpu.memory_space<vmem>>) semaphore(%arg11 : memref<!tpu.dma_semaphore, #tpu.memory_space<semaphore_mem>>)
        %dma_wait3A_107 = arith.constant 0 : i32
        %dma_wait3A_108 = tpu.memref_slice %arg6[%mul3A_98, %dma_wait3A_107] : memref<40x128xi32, #tpu.memory_space<vmem>> -> memref<1x128xi32, #tpu.memory_space<vmem>>
        %dma_wait3A_109 = tpu.memref_squeeze %dma_wait3A_108 : memref<1x128xi32, #tpu.memory_space<vmem>> -> memref<128xi32, #tpu.memory_space<vmem>>
        %dma_wait3A_110 = arith.constant 0 : i32
        %dma_wait3A_111 = arith.constant 0 : i32
        %dma_wait3A_112 = tpu.memref_slice %arg2[%dma_wait3A_110, %dma_wait3A_111] : memref<10000x128xf32, #tpu.memory_space<hbm>> -> memref<10000x128xf32, #tpu.memory_space<hbm>>
        tpu.wait_indirect_dma semaphore(%arg11 : memref<!tpu.dma_semaphore, #tpu.memory_space<semaphore_mem>>) src(%dma_wait3A_112 : memref<10000x128xf32, #tpu.memory_space<hbm>>) dst(%arg8 : memref<128x128xf32, #tpu.memory_space<vmem>>)
        "tpu.region"() ({
          %run_scoped3A = tpu.sem_alloc : memref<!tpu.dma_semaphore, #tpu.memory_space<semaphore_mem>>
          %dma_start3A_132 = arith.constant 0 : i32
          %dma_start3A_133 = tpu.memref_slice %arg7[%mul3A_98, %dma_start3A_132] : memref<40x128xi32, #tpu.memory_space<vmem>> -> memref<1x128xi32, #tpu.memory_space<vmem>>
          %dma_start3A_134 = tpu.memref_squeeze %dma_start3A_133 : memref<1x128xi32, #tpu.memory_space<vmem>> -> memref<128xi32, #tpu.memory_space<vmem>>
          %dma_start3A_135 = arith.constant 0 : i32
          %dma_start3A_136 = arith.constant 0 : i32
          %dma_start3A_137 = tpu.memref_slice %arg10[%dma_start3A_135, %dma_start3A_136] : memref<10112x128xf32, #tpu.memory_space<vmem_shared>> -> memref<10112x128xf32, #tpu.memory_space<vmem_shared>>
          tpu.enqueue_indirect_dma source(%arg8 : memref<128x128xf32, #tpu.memory_space<vmem>>) target(%dma_start3A_137 : memref<10112x128xf32, #tpu.memory_space<vmem_shared>>) offsets(%dma_start3A_134 : memref<128xi32, #tpu.memory_space<vmem>>) semaphore(%run_scoped3A : memref<!tpu.dma_semaphore, #tpu.memory_space<semaphore_mem>>) {add = true}
          %dma_wait3A_138 = arith.constant 0 : i32
          %dma_wait3A_139 = tpu.memref_slice %arg7[%mul3A_98, %dma_wait3A_138] : memref<40x128xi32, #tpu.memory_space<vmem>> -> memref<1x128xi32, #tpu.memory_space<vmem>>
          %dma_wait3A_140 = tpu.memref_squeeze %dma_wait3A_139 : memref<1x128xi32, #tpu.memory_space<vmem>> -> memref<128xi32, #tpu.memory_space<vmem>>
          %dma_wait3A_141 = arith.constant 0 : i32
          %dma_wait3A_142 = arith.constant 0 : i32
          %dma_wait3A_143 = tpu.memref_slice %arg10[%dma_wait3A_141, %dma_wait3A_142] : memref<10112x128xf32, #tpu.memory_space<vmem_shared>> -> memref<10112x128xf32, #tpu.memory_space<vmem_shared>>
          tpu.wait_indirect_dma semaphore(%run_scoped3A : memref<!tpu.dma_semaphore, #tpu.memory_space<semaphore_mem>>) src(%arg8 : memref<128x128xf32, #tpu.memory_space<vmem>>) dst(%dma_wait3A_143 : memref<10112x128xf32, #tpu.memory_space<vmem_shared>>)
          tpu.yield
        }) : () -> ()
        %add3A_113 = arith.constant 2 : i32
        %add3A_114 = arith.addi %mul3A_98, %add3A_113 : i32
        %min3A = arith.constant 39 : i32
        %min3A_115 = arith.minsi %add3A_114, %min3A : i32
        %dma_start3A_116 = arith.constant 0 : i32
        %dma_start3A_117 = tpu.memref_slice %arg6[%min3A_115, %dma_start3A_116] : memref<40x128xi32, #tpu.memory_space<vmem>> -> memref<1x128xi32, #tpu.memory_space<vmem>>
        %dma_start3A_118 = tpu.memref_squeeze %dma_start3A_117 : memref<1x128xi32, #tpu.memory_space<vmem>> -> memref<128xi32, #tpu.memory_space<vmem>>
        %dma_start3A_119 = arith.constant 0 : i32
        %dma_start3A_120 = arith.constant 0 : i32
        %dma_start3A_121 = tpu.memref_slice %arg2[%dma_start3A_119, %dma_start3A_120] : memref<10000x128xf32, #tpu.memory_space<hbm>> -> memref<10000x128xf32, #tpu.memory_space<hbm>>
        tpu.enqueue_indirect_dma source(%dma_start3A_121 : memref<10000x128xf32, #tpu.memory_space<hbm>>) target(%arg8 : memref<128x128xf32, #tpu.memory_space<vmem>>) offsets(%dma_start3A_118 : memref<128xi32, #tpu.memory_space<vmem>>) semaphore(%arg11 : memref<!tpu.dma_semaphore, #tpu.memory_space<semaphore_mem>>)
        %add3A_122 = arith.constant 1 : i32
        %add3A_123 = arith.addi %mul3A_98, %add3A_122 : i32
        %dma_wait3A_124 = arith.constant 0 : i32
        %dma_wait3A_125 = tpu.memref_slice %arg6[%add3A_123, %dma_wait3A_124] : memref<40x128xi32, #tpu.memory_space<vmem>> -> memref<1x128xi32, #tpu.memory_space<vmem>>
        %dma_wait3A_126 = tpu.memref_squeeze %dma_wait3A_125 : memref<1x128xi32, #tpu.memory_space<vmem>> -> memref<128xi32, #tpu.memory_space<vmem>>
        %dma_wait3A_127 = arith.constant 0 : i32
        %dma_wait3A_128 = arith.constant 0 : i32
        %dma_wait3A_129 = tpu.memref_slice %arg2[%dma_wait3A_127, %dma_wait3A_128] : memref<10000x128xf32, #tpu.memory_space<hbm>> -> memref<10000x128xf32, #tpu.memory_space<hbm>>
        tpu.wait_indirect_dma semaphore(%arg11 : memref<!tpu.dma_semaphore, #tpu.memory_space<semaphore_mem>>) src(%dma_wait3A_129 : memref<10000x128xf32, #tpu.memory_space<hbm>>) dst(%arg9 : memref<128x128xf32, #tpu.memory_space<vmem>>)
        %add3A_130 = arith.constant 1 : i32
        %add3A_131 = arith.addi %mul3A_98, %add3A_130 : i32
        "tpu.region"() ({
          %run_scoped3A = tpu.sem_alloc : memref<!tpu.dma_semaphore, #tpu.memory_space<semaphore_mem>>
          %dma_start3A_132 = arith.constant 0 : i32
          %dma_start3A_133 = tpu.memref_slice %arg7[%add3A_131, %dma_start3A_132] : memref<40x128xi32, #tpu.memory_space<vmem>> -> memref<1x128xi32, #tpu.memory_space<vmem>>
          %dma_start3A_134 = tpu.memref_squeeze %dma_start3A_133 : memref<1x128xi32, #tpu.memory_space<vmem>> -> memref<128xi32, #tpu.memory_space<vmem>>
          %dma_start3A_135 = arith.constant 0 : i32
          %dma_start3A_136 = arith.constant 0 : i32
          %dma_start3A_137 = tpu.memref_slice %arg10[%dma_start3A_135, %dma_start3A_136] : memref<10112x128xf32, #tpu.memory_space<vmem_shared>> -> memref<10112x128xf32, #tpu.memory_space<vmem_shared>>
          tpu.enqueue_indirect_dma source(%arg9 : memref<128x128xf32, #tpu.memory_space<vmem>>) target(%dma_start3A_137 : memref<10112x128xf32, #tpu.memory_space<vmem_shared>>) offsets(%dma_start3A_134 : memref<128xi32, #tpu.memory_space<vmem>>) semaphore(%run_scoped3A : memref<!tpu.dma_semaphore, #tpu.memory_space<semaphore_mem>>) {add = true}
          %dma_wait3A_138 = arith.constant 0 : i32
          %dma_wait3A_139 = tpu.memref_slice %arg7[%add3A_131, %dma_wait3A_138] : memref<40x128xi32, #tpu.memory_space<vmem>> -> memref<1x128xi32, #tpu.memory_space<vmem>>
          %dma_wait3A_140 = tpu.memref_squeeze %dma_wait3A_139 : memref<1x128xi32, #tpu.memory_space<vmem>> -> memref<128xi32, #tpu.memory_space<vmem>>
          %dma_wait3A_141 = arith.constant 0 : i32
          %dma_wait3A_142 = arith.constant 0 : i32
          %dma_wait3A_143 = tpu.memref_slice %arg10[%dma_wait3A_141, %dma_wait3A_142] : memref<10112x128xf32, #tpu.memory_space<vmem_shared>> -> memref<10112x128xf32, #tpu.memory_space<vmem_shared>>
          tpu.wait_indirect_dma semaphore(%run_scoped3A : memref<!tpu.dma_semaphore, #tpu.memory_space<semaphore_mem>>) src(%arg9 : memref<128x128xf32, #tpu.memory_space<vmem>>) dst(%dma_wait3A_143 : memref<10112x128xf32, #tpu.memory_space<vmem_shared>>)
          tpu.yield
        }) : () -> ()
      }
      %scan3A_87 = arith.constant 20 : i32
      %dma_wait3A_88 = arith.constant 39 : i32
      %dma_wait3A_89 = arith.constant 0 : i32
      %dma_wait3A_90 = tpu.memref_slice %arg6[%dma_wait3A_88, %dma_wait3A_89] : memref<40x128xi32, #tpu.memory_space<vmem>> -> memref<1x128xi32, #tpu.memory_space<vmem>>
      %dma_wait3A_91 = tpu.memref_squeeze %dma_wait3A_90 : memref<1x128xi32, #tpu.memory_space<vmem>> -> memref<128xi32, #tpu.memory_space<vmem>>
      %dma_wait3A_92 = arith.constant 0 : i32
      %dma_wait3A_93 = arith.constant 0 : i32
      %dma_wait3A_94 = tpu.memref_slice %arg2[%dma_wait3A_92, %dma_wait3A_93] : memref<10000x128xf32, #tpu.memory_space<hbm>> -> memref<10000x128xf32, #tpu.memory_space<hbm>>
      tpu.wait_indirect_dma semaphore(%arg11 : memref<!tpu.dma_semaphore, #tpu.memory_space<semaphore_mem>>) src(%dma_wait3A_94 : memref<10000x128xf32, #tpu.memory_space<hbm>>) dst(%arg8 : memref<128x128xf32, #tpu.memory_space<vmem>>)
      %barrier3A_95 = arith.constant 0 : index
      tpu.barrier barrier_id(%barrier3A_95)
      "tpu.region"() ({
        %run_scoped3A = tpu.sem_alloc : memref<!tpu.dma_semaphore, #tpu.memory_space<semaphore_mem>>
        %dma_start3A_96 = arith.constant 0 : i32
        %dma_start3A_97 = tpu.memref_slice %arg5[%mul3A_0, %dma_start3A_96] : memref<10112x128xf32, #tpu.memory_space<hbm>> -> memref<632x128xf32, #tpu.memory_space<hbm>>
        %dma_start3A_98 = arith.constant 0 : i32
        %dma_start3A_99 = tpu.memref_slice %arg10[%mul3A_0, %dma_start3A_98] : memref<10112x128xf32, #tpu.memory_space<vmem_shared>> -> memref<632x128xf32, #tpu.memory_space<vmem_shared>>
        tpu.enqueue_dma source(%dma_start3A_99 : memref<632x128xf32, #tpu.memory_space<vmem_shared>>) target(%dma_start3A_97 : memref<632x128xf32, #tpu.memory_space<hbm>>) target_semaphore(%run_scoped3A : memref<!tpu.dma_semaphore, #tpu.memory_space<semaphore_mem>>)
        %dma_wait3A_100 = arith.constant 0 : i32
        %dma_wait3A_101 = tpu.memref_slice %arg5[%mul3A_0, %dma_wait3A_100] : memref<10112x128xf32, #tpu.memory_space<hbm>> -> memref<632x128xf32, #tpu.memory_space<hbm>>
        %dma_wait3A_102 = arith.constant 0 : i32
        %dma_wait3A_103 = tpu.memref_slice %arg10[%mul3A_0, %dma_wait3A_102] : memref<10112x128xf32, #tpu.memory_space<vmem_shared>> -> memref<632x128xf32, #tpu.memory_space<vmem_shared>>
        tpu.wait_dma2 semaphore(%run_scoped3A : memref<!tpu.dma_semaphore, #tpu.memory_space<semaphore_mem>>) src(%dma_wait3A_103 : memref<632x128xf32, #tpu.memory_space<vmem_shared>>) dst(%dma_wait3A_101 : memref<632x128xf32, #tpu.memory_space<hbm>>)
        tpu.yield
      }) : () -> ()
    } else {
    }
    return
  }
}

#map = affine_map<(d0, d1) -> (0, 0)>
#map1 = affine_map<(d0, d1) -> (0, 0, 0)>
module attributes {stable_mosaic.version = 14 : i64} {
  func.func @_sc_segsum(%arg0: i32, %arg1: i32, %arg2: memref<10000x128xf32, #tpu.memory_space<hbm>>, %arg3: memref<16x160x128xi32, #tpu.memory_space<hbm>>, %arg4: memref<16x160x128xi32, #tpu.memory_space<hbm>>, %arg5: memref<10112x128xf32, #tpu.memory_space<hbm>>, %arg6: memref<40x128xi32, #tpu.memory_space<vmem>>, %arg7: memref<40x128xi32, #tpu.memory_space<vmem>>, %arg8: memref<128x128xf32, #tpu.memory_space<vmem>>, %arg9: memref<128x128xf32, #tpu.memory_space<vmem>>, %arg10: memref<10112x128xf32, #tpu.memory_space<vmem_shared>>, %arg11: memref<!tpu.dma_semaphore, #tpu.memory_space<semaphore_mem>>) attributes {dimension_semantics = [#tpu.dimension_semantics<core_parallel>, #tpu.dimension_semantics<subcore_parallel>], iteration_bounds = array<i64: 2, 16>, scalar_prefetch = 0 : i64, scratch_operands = 6 : i64, tpu.core_type = #tpu.core_type<sc_vector_subcore>, window_params = [{transform_indices = #map}, {transform_indices = #map1}, {transform_indices = #map1}, {transform_indices = #map}]} {
    %mul3A = arith.constant 632 : i32
    %mul3A_0 = arith.muli %arg1, %mul3A : i32
    %eq3A = arith.constant 0 : i32
    %eq3A_1 = arith.cmpi eq, %arg0, %eq3A : i32
    %convert_element_type3A = arith.extui %eq3A_1 : i1 to i32
    %cond3A = arith.constant 0 : i32
    %cond3A_2 = arith.cmpi ne, %convert_element_type3A, %cond3A : i32
    scf.if %cond3A_2 {
      %scan3A = arith.constant 0 : i32
      %scan3A_3 = arith.constant 0 : i32
      %scan3A_4 = arith.constant 128 : i32
      %scan3A_5 = arith.addi %scan3A_3, %scan3A_4 : i32
      %scan3A_6 = arith.constant 1 : i32
      scf.for %scan3A_96 = %scan3A_3 to %scan3A_5 step %scan3A_6  : i32 {
        %broadcast_in_dim3A = arith.constant 0.000000e+00 : f32
        %broadcast_in_dim3A_97 = vector.broadcast %broadcast_in_dim3A : f32 to vector<16xf32>
        %swap3A = arith.index_cast %scan3A_96 : i32 to index
        %swap3A_98 = arith.constant 0 : index
        %swap3A_99 = tpu.vector_load %arg8[%swap3A, %swap3A_98] {strides = array<i32>} : memref<128x128xf32, #tpu.memory_space<vmem>>, vector<1x16xf32>,
        %swap3A_100 = vector.shape_cast %swap3A_99 : vector<1x16xf32> to vector<16xf32>
        %swap3A_101 = vector.shape_cast %broadcast_in_dim3A_97 : vector<16xf32> to vector<1x16xf32>
        tpu.vector_store %arg8[%swap3A, %swap3A_98], %swap3A_101 {strides = array<i32>} : memref<128x128xf32, #tpu.memory_space<vmem>>, vector<1x16xf32>,
        %broadcast_in_dim3A_102 = arith.constant 0.000000e+00 : f32
        %broadcast_in_dim3A_103 = vector.broadcast %broadcast_in_dim3A_102 : f32 to vector<16xf32>
        %swap3A_104 = arith.index_cast %scan3A_96 : i32 to index
        %swap3A_105 = arith.constant 16 : index
        %swap3A_106 = tpu.vector_load %arg8[%swap3A_104, %swap3A_105] {strides = array<i32>} : memref<128x128xf32, #tpu.memory_space<vmem>>, vector<1x16xf32>,
        %swap3A_107 = vector.shape_cast %swap3A_106 : vector<1x16xf32> to vector<16xf32>
        %swap3A_108 = vector.shape_cast %broadcast_in_dim3A_103 : vector<16xf32> to vector<1x16xf32>
        tpu.vector_store %arg8[%swap3A_104, %swap3A_105], %swap3A_108 {strides = array<i32>} : memref<128x128xf32, #tpu.memory_space<vmem>>, vector<1x16xf32>,
        %broadcast_in_dim3A_109 = arith.constant 0.000000e+00 : f32
        %broadcast_in_dim3A_110 = vector.broadcast %broadcast_in_dim3A_109 : f32 to vector<16xf32>
        %swap3A_111 = arith.index_cast %scan3A_96 : i32 to index
        %swap3A_112 = arith.constant 32 : index
        %swap3A_113 = tpu.vector_load %arg8[%swap3A_111, %swap3A_112] {strides = array<i32>} : memref<128x128xf32, #tpu.memory_space<vmem>>, vector<1x16xf32>,
        %swap3A_114 = vector.shape_cast %swap3A_113 : vector<1x16xf32> to vector<16xf32>
        %swap3A_115 = vector.shape_cast %broadcast_in_dim3A_110 : vector<16xf32> to vector<1x16xf32>
        tpu.vector_store %arg8[%swap3A_111, %swap3A_112], %swap3A_115 {strides = array<i32>} : memref<128x128xf32, #tpu.memory_space<vmem>>, vector<1x16xf32>,
        %broadcast_in_dim3A_116 = arith.constant 0.000000e+00 : f32
        %broadcast_in_dim3A_117 = vector.broadcast %broadcast_in_dim3A_116 : f32 to vector<16xf32>
        %swap3A_118 = arith.index_cast %scan3A_96 : i32 to index
        %swap3A_119 = arith.constant 48 : index
        %swap3A_120 = tpu.vector_load %arg8[%swap3A_118, %swap3A_119] {strides = array<i32>} : memref<128x128xf32, #tpu.memory_space<vmem>>, vector<1x16xf32>,
        %swap3A_121 = vector.shape_cast %swap3A_120 : vector<1x16xf32> to vector<16xf32>
        %swap3A_122 = vector.shape_cast %broadcast_in_dim3A_117 : vector<16xf32> to vector<1x16xf32>
        tpu.vector_store %arg8[%swap3A_118, %swap3A_119], %swap3A_122 {strides = array<i32>} : memref<128x128xf32, #tpu.memory_space<vmem>>, vector<1x16xf32>,
        %broadcast_in_dim3A_123 = arith.constant 0.000000e+00 : f32
        %broadcast_in_dim3A_124 = vector.broadcast %broadcast_in_dim3A_123 : f32 to vector<16xf32>
        %swap3A_125 = arith.index_cast %scan3A_96 : i32 to index
        %swap3A_126 = arith.constant 64 : index
        %swap3A_127 = tpu.vector_load %arg8[%swap3A_125, %swap3A_126] {strides = array<i32>} : memref<128x128xf32, #tpu.memory_space<vmem>>, vector<1x16xf32>,
        %swap3A_128 = vector.shape_cast %swap3A_127 : vector<1x16xf32> to vector<16xf32>
        %swap3A_129 = vector.shape_cast %broadcast_in_dim3A_124 : vector<16xf32> to vector<1x16xf32>
        tpu.vector_store %arg8[%swap3A_125, %swap3A_126], %swap3A_129 {strides = array<i32>} : memref<128x128xf32, #tpu.memory_space<vmem>>, vector<1x16xf32>,
        %broadcast_in_dim3A_130 = arith.constant 0.000000e+00 : f32
        %broadcast_in_dim3A_131 = vector.broadcast %broadcast_in_dim3A_130 : f32 to vector<16xf32>
        %swap3A_132 = arith.index_cast %scan3A_96 : i32 to index
        %swap3A_133 = arith.constant 80 : index
        %swap3A_134 = tpu.vector_load %arg8[%swap3A_132, %swap3A_133] {strides = array<i32>} : memref<128x128xf32, #tpu.memory_space<vmem>>, vector<1x16xf32>,
        %swap3A_135 = vector.shape_cast %swap3A_134 : vector<1x16xf32> to vector<16xf32>
        %swap3A_136 = vector.shape_cast %broadcast_in_dim3A_131 : vector<16xf32> to vector<1x16xf32>
        tpu.vector_store %arg8[%swap3A_132, %swap3A_133], %swap3A_136 {strides = array<i32>} : memref<128x128xf32, #tpu.memory_space<vmem>>, vector<1x16xf32>,
        %broadcast_in_dim3A_137 = arith.constant 0.000000e+00 : f32
        %broadcast_in_dim3A_138 = vector.broadcast %broadcast_in_dim3A_137 : f32 to vector<16xf32>
        %swap3A_139 = arith.index_cast %scan3A_96 : i32 to index
        %swap3A_140 = arith.constant 96 : index
        %swap3A_141 = tpu.vector_load %arg8[%swap3A_139, %swap3A_140] {strides = array<i32>} : memref<128x128xf32, #tpu.memory_space<vmem>>, vector<1x16xf32>,
        %swap3A_142 = vector.shape_cast %swap3A_141 : vector<1x16xf32> to vector<16xf32>
        %swap3A_143 = vector.shape_cast %broadcast_in_dim3A_138 : vector<16xf32> to vector<1x16xf32>
        tpu.vector_store %arg8[%swap3A_139, %swap3A_140], %swap3A_143 {strides = array<i32>} : memref<128x128xf32, #tpu.memory_space<vmem>>, vector<1x16xf32>,
        %broadcast_in_dim3A_144 = arith.constant 0.000000e+00 : f32
        %broadcast_in_dim3A_145 = vector.broadcast %broadcast_in_dim3A_144 : f32 to vector<16xf32>
        %swap3A_146 = arith.index_cast %scan3A_96 : i32 to index
        %swap3A_147 = arith.constant 112 : index
        %swap3A_148 = tpu.vector_load %arg8[%swap3A_146, %swap3A_147] {strides = array<i32>} : memref<128x128xf32, #tpu.memory_space<vmem>>, vector<1x16xf32>,
        %swap3A_149 = vector.shape_cast %swap3A_148 : vector<1x16xf32> to vector<16xf32>
        %swap3A_150 = vector.shape_cast %broadcast_in_dim3A_145 : vector<16xf32> to vector<1x16xf32>
        tpu.vector_store %arg8[%swap3A_146, %swap3A_147], %swap3A_150 {strides = array<i32>} : memref<128x128xf32, #tpu.memory_space<vmem>>, vector<1x16xf32>,
      }
      %scan3A_7 = arith.constant 128 : i32
      %add3A = arith.constant 0 : i32
      %add3A_8 = arith.addi %mul3A_0, %add3A : i32
      "tpu.region"() ({
        %run_scoped3A = tpu.sem_alloc : memref<!tpu.dma_semaphore, #tpu.memory_space<semaphore_mem>>
        %dma_start3A_96 = arith.constant 0 : i32
        %dma_start3A_97 = tpu.memref_slice %arg10[%add3A_8, %dma_start3A_96] : memref<10112x128xf32, #tpu.memory_space<vmem_shared>> -> memref<128x128xf32, #tpu.memory_space<vmem_shared>>
        %dma_start3A_98 = arith.constant 0 : i32
        %dma_start3A_99 = tpu.memref_slice %arg10[%add3A_8, %dma_start3A_98] : memref<10112x128xf32, #tpu.memory_space<vmem_shared>> -> memref<128x128xf32, #tpu.memory_space<vmem_shared>>
        tpu.enqueue_dma source(%arg8 : memref<128x128xf32, #tpu.memory_space<vmem>>) target(%dma_start3A_99 : memref<128x128xf32, #tpu.memory_space<vmem_shared>>) target_semaphore(%run_scoped3A : memref<!tpu.dma_semaphore, #tpu.memory_space<semaphore_mem>>)
        %dma_wait3A_100 = arith.constant 0 : i32
        %dma_wait3A_101 = tpu.memref_slice %arg10[%add3A_8, %dma_wait3A_100] : memref<10112x128xf32, #tpu.memory_space<vmem_shared>> -> memref<128x128xf32, #tpu.memory_space<vmem_shared>>
        %dma_wait3A_102 = arith.constant 0 : i32
        %dma_wait3A_103 = tpu.memref_slice %arg10[%add3A_8, %dma_wait3A_102] : memref<10112x128xf32, #tpu.memory_space<vmem_shared>> -> memref<128x128xf32, #tpu.memory_space<vmem_shared>>
        tpu.wait_dma2 semaphore(%run_scoped3A : memref<!tpu.dma_semaphore, #tpu.memory_space<semaphore_mem>>) src(%arg8 : memref<128x128xf32, #tpu.memory_space<vmem>>) dst(%dma_wait3A_103 : memref<128x128xf32, #tpu.memory_space<vmem_shared>>)
        tpu.yield
      }) : () -> ()
      %add3A_9 = arith.constant 128 : i32
      %add3A_10 = arith.addi %mul3A_0, %add3A_9 : i32
      "tpu.region"() ({
        %run_scoped3A = tpu.sem_alloc : memref<!tpu.dma_semaphore, #tpu.memory_space<semaphore_mem>>
        %dma_start3A_96 = arith.constant 0 : i32
        %dma_start3A_97 = tpu.memref_slice %arg10[%add3A_10, %dma_start3A_96] : memref<10112x128xf32, #tpu.memory_space<vmem_shared>> -> memref<128x128xf32, #tpu.memory_space<vmem_shared>>
        %dma_start3A_98 = arith.constant 0 : i32
        %dma_start3A_99 = tpu.memref_slice %arg10[%add3A_10, %dma_start3A_98] : memref<10112x128xf32, #tpu.memory_space<vmem_shared>> -> memref<128x128xf32, #tpu.memory_space<vmem_shared>>
        tpu.enqueue_dma source(%arg8 : memref<128x128xf32, #tpu.memory_space<vmem>>) target(%dma_start3A_99 : memref<128x128xf32, #tpu.memory_space<vmem_shared>>) target_semaphore(%run_scoped3A : memref<!tpu.dma_semaphore, #tpu.memory_space<semaphore_mem>>)
        %dma_wait3A_100 = arith.constant 0 : i32
        %dma_wait3A_101 = tpu.memref_slice %arg10[%add3A_10, %dma_wait3A_100] : memref<10112x128xf32, #tpu.memory_space<vmem_shared>> -> memref<128x128xf32, #tpu.memory_space<vmem_shared>>
        %dma_wait3A_102 = arith.constant 0 : i32
        %dma_wait3A_103 = tpu.memref_slice %arg10[%add3A_10, %dma_wait3A_102] : memref<10112x128xf32, #tpu.memory_space<vmem_shared>> -> memref<128x128xf32, #tpu.memory_space<vmem_shared>>
        tpu.wait_dma2 semaphore(%run_scoped3A : memref<!tpu.dma_semaphore, #tpu.memory_space<semaphore_mem>>) src(%arg8 : memref<128x128xf32, #tpu.memory_space<vmem>>) dst(%dma_wait3A_103 : memref<128x128xf32, #tpu.memory_space<vmem_shared>>)
        tpu.yield
      }) : () -> ()
      %add3A_11 = arith.constant 256 : i32
      %add3A_12 = arith.addi %mul3A_0, %add3A_11 : i32
      "tpu.region"() ({
        %run_scoped3A = tpu.sem_alloc : memref<!tpu.dma_semaphore, #tpu.memory_space<semaphore_mem>>
        %dma_start3A_96 = arith.constant 0 : i32
        %dma_start3A_97 = tpu.memref_slice %arg10[%add3A_12, %dma_start3A_96] : memref<10112x128xf32, #tpu.memory_space<vmem_shared>> -> memref<128x128xf32, #tpu.memory_space<vmem_shared>>
        %dma_start3A_98 = arith.constant 0 : i32
        %dma_start3A_99 = tpu.memref_slice %arg10[%add3A_12, %dma_start3A_98] : memref<10112x128xf32, #tpu.memory_space<vmem_shared>> -> memref<128x128xf32, #tpu.memory_space<vmem_shared>>
        tpu.enqueue_dma source(%arg8 : memref<128x128xf32, #tpu.memory_space<vmem>>) target(%dma_start3A_99 : memref<128x128xf32, #tpu.memory_space<vmem_shared>>) target_semaphore(%run_scoped3A : memref<!tpu.dma_semaphore, #tpu.memory_space<semaphore_mem>>)
        %dma_wait3A_100 = arith.constant 0 : i32
        %dma_wait3A_101 = tpu.memref_slice %arg10[%add3A_12, %dma_wait3A_100] : memref<10112x128xf32, #tpu.memory_space<vmem_shared>> -> memref<128x128xf32, #tpu.memory_space<vmem_shared>>
        %dma_wait3A_102 = arith.constant 0 : i32
        %dma_wait3A_103 = tpu.memref_slice %arg10[%add3A_12, %dma_wait3A_102] : memref<10112x128xf32, #tpu.memory_space<vmem_shared>> -> memref<128x128xf32, #tpu.memory_space<vmem_shared>>
        tpu.wait_dma2 semaphore(%run_scoped3A : memref<!tpu.dma_semaphore, #tpu.memory_space<semaphore_mem>>) src(%arg8 : memref<128x128xf32, #tpu.memory_space<vmem>>) dst(%dma_wait3A_103 : memref<128x128xf32, #tpu.memory_space<vmem_shared>>)
        tpu.yield
      }) : () -> ()
      %add3A_13 = arith.constant 384 : i32
      %add3A_14 = arith.addi %mul3A_0, %add3A_13 : i32
      "tpu.region"() ({
        %run_scoped3A = tpu.sem_alloc : memref<!tpu.dma_semaphore, #tpu.memory_space<semaphore_mem>>
        %dma_start3A_96 = arith.constant 0 : i32
        %dma_start3A_97 = tpu.memref_slice %arg10[%add3A_14, %dma_start3A_96] : memref<10112x128xf32, #tpu.memory_space<vmem_shared>> -> memref<128x128xf32, #tpu.memory_space<vmem_shared>>
        %dma_start3A_98 = arith.constant 0 : i32
        %dma_start3A_99 = tpu.memref_slice %arg10[%add3A_14, %dma_start3A_98] : memref<10112x128xf32, #tpu.memory_space<vmem_shared>> -> memref<128x128xf32, #tpu.memory_space<vmem_shared>>
        tpu.enqueue_dma source(%arg8 : memref<128x128xf32, #tpu.memory_space<vmem>>) target(%dma_start3A_99 : memref<128x128xf32, #tpu.memory_space<vmem_shared>>) target_semaphore(%run_scoped3A : memref<!tpu.dma_semaphore, #tpu.memory_space<semaphore_mem>>)
        %dma_wait3A_100 = arith.constant 0 : i32
        %dma_wait3A_101 = tpu.memref_slice %arg10[%add3A_14, %dma_wait3A_100] : memref<10112x128xf32, #tpu.memory_space<vmem_shared>> -> memref<128x128xf32, #tpu.memory_space<vmem_shared>>
        %dma_wait3A_102 = arith.constant 0 : i32
        %dma_wait3A_103 = tpu.memref_slice %arg10[%add3A_14, %dma_wait3A_102] : memref<10112x128xf32, #tpu.memory_space<vmem_shared>> -> memref<128x128xf32, #tpu.memory_space<vmem_shared>>
        tpu.wait_dma2 semaphore(%run_scoped3A : memref<!tpu.dma_semaphore, #tpu.memory_space<semaphore_mem>>) src(%arg8 : memref<128x128xf32, #tpu.memory_space<vmem>>) dst(%dma_wait3A_103 : memref<128x128xf32, #tpu.memory_space<vmem_shared>>)
        tpu.yield
      }) : () -> ()
      %add3A_15 = arith.constant 512 : i32
      %add3A_16 = arith.addi %mul3A_0, %add3A_15 : i32
      "tpu.region"() ({
        %run_scoped3A = tpu.sem_alloc : memref<!tpu.dma_semaphore, #tpu.memory_space<semaphore_mem>>
        %dma_start3A_96 = arith.constant 0 : i32
        %dma_start3A_97 = arith.constant 0 : i32
        %dma_start3A_98 = tpu.memref_slice %arg8[%dma_start3A_96, %dma_start3A_97] : memref<128x128xf32, #tpu.memory_space<vmem>> -> memref<120x128xf32, #tpu.memory_space<vmem>>
        %dma_start3A_99 = arith.constant 0 : i32
        %dma_start3A_100 = tpu.memref_slice %arg10[%add3A_16, %dma_start3A_99] : memref<10112x128xf32, #tpu.memory_space<vmem_shared>> -> memref<120x128xf32, #tpu.memory_space<vmem_shared>>
        %dma_start3A_101 = arith.constant 0 : i32
        %dma_start3A_102 = tpu.memref_slice %arg10[%add3A_16, %dma_start3A_101] : memref<10112x128xf32, #tpu.memory_space<vmem_shared>> -> memref<120x128xf32, #tpu.memory_space<vmem_shared>>
        %dma_start3A_103 = arith.constant 0 : i32
        %dma_start3A_104 = arith.constant 0 : i32
        %dma_start3A_105 = tpu.memref_slice %arg8[%dma_start3A_103, %dma_start3A_104] : memref<128x128xf32, #tpu.memory_space<vmem>> -> memref<120x128xf32, #tpu.memory_space<vmem>>
        tpu.enqueue_dma source(%dma_start3A_105 : memref<120x128xf32, #tpu.memory_space<vmem>>) target(%dma_start3A_102 : memref<120x128xf32, #tpu.memory_space<vmem_shared>>) target_semaphore(%run_scoped3A : memref<!tpu.dma_semaphore, #tpu.memory_space<semaphore_mem>>)
        %dma_wait3A_106 = arith.constant 0 : i32
        %dma_wait3A_107 = arith.constant 0 : i32
        %dma_wait3A_108 = tpu.memref_slice %arg8[%dma_wait3A_106, %dma_wait3A_107] : memref<128x128xf32, #tpu.memory_space<vmem>> -> memref<120x128xf32, #tpu.memory_space<vmem>>
        %dma_wait3A_109 = arith.constant 0 : i32
        %dma_wait3A_110 = tpu.memref_slice %arg10[%add3A_16, %dma_wait3A_109] : memref<10112x128xf32, #tpu.memory_space<vmem_shared>> -> memref<120x128xf32, #tpu.memory_space<vmem_shared>>
        %dma_wait3A_111 = arith.constant 0 : i32
        %dma_wait3A_112 = tpu.memref_slice %arg10[%add3A_16, %dma_wait3A_111] : memref<10112x128xf32, #tpu.memory_space<vmem_shared>> -> memref<120x128xf32, #tpu.memory_space<vmem_shared>>
        %dma_wait3A_113 = arith.constant 0 : i32
        %dma_wait3A_114 = arith.constant 0 : i32
        %dma_wait3A_115 = tpu.memref_slice %arg8[%dma_wait3A_113, %dma_wait3A_114] : memref<128x128xf32, #tpu.memory_space<vmem>> -> memref<120x128xf32, #tpu.memory_space<vmem>>
        tpu.wait_dma2 semaphore(%run_scoped3A : memref<!tpu.dma_semaphore, #tpu.memory_space<semaphore_mem>>) src(%dma_wait3A_115 : memref<120x128xf32, #tpu.memory_space<vmem>>) dst(%dma_wait3A_112 : memref<120x128xf32, #tpu.memory_space<vmem_shared>>)
        tpu.yield
      }) : () -> ()
      %barrier3A = arith.constant 0 : index
      tpu.barrier barrier_id(%barrier3A)
      "tpu.region"() ({
        %run_scoped3A = tpu.sem_alloc : memref<!tpu.dma_semaphore, #tpu.memory_space<semaphore_mem>>
        %dma_start3A_96 = arith.constant 0 : i32
        %dma_start3A_97 = arith.constant 0 : i32
        %dma_start3A_98 = tpu.memref_slice %arg6[%dma_start3A_96, %dma_start3A_97] : memref<40x128xi32, #tpu.memory_space<vmem>> -> memref<40x128xi32, #tpu.memory_space<vmem>>
        %dma_start3A_99 = arith.constant 0 : i32
        %dma_start3A_100 = arith.constant 0 : i32
        %dma_start3A_101 = tpu.memref_slice %arg3[%arg1, %dma_start3A_99, %dma_start3A_100] : memref<16x160x128xi32, #tpu.memory_space<hbm>> -> memref<1x40x128xi32, #tpu.memory_space<hbm>>
        %dma_start3A_102 = tpu.memref_squeeze %dma_start3A_101 : memref<1x40x128xi32, #tpu.memory_space<hbm>> -> memref<40x128xi32, #tpu.memory_space<hbm>>
        %dma_start3A_103 = arith.constant 0 : i32
        %dma_start3A_104 = arith.constant 0 : i32
        %dma_start3A_105 = tpu.memref_slice %arg6[%dma_start3A_103, %dma_start3A_104] : memref<40x128xi32, #tpu.memory_space<vmem>> -> memref<40x128xi32, #tpu.memory_space<vmem>>
        %dma_start3A_106 = arith.constant 0 : i32
        %dma_start3A_107 = arith.constant 0 : i32
        %dma_start3A_108 = tpu.memref_slice %arg3[%arg1, %dma_start3A_106, %dma_start3A_107] : memref<16x160x128xi32, #tpu.memory_space<hbm>> -> memref<1x40x128xi32, #tpu.memory_space<hbm>>
        %dma_start3A_109 = tpu.memref_squeeze %dma_start3A_108 : memref<1x40x128xi32, #tpu.memory_space<hbm>> -> memref<40x128xi32, #tpu.memory_space<hbm>>
        tpu.enqueue_dma source(%dma_start3A_109 : memref<40x128xi32, #tpu.memory_space<hbm>>) target(%dma_start3A_105 : memref<40x128xi32, #tpu.memory_space<vmem>>) target_semaphore(%run_scoped3A : memref<!tpu.dma_semaphore, #tpu.memory_space<semaphore_mem>>)
        %dma_wait3A_110 = arith.constant 0 : i32
        %dma_wait3A_111 = arith.constant 0 : i32
        %dma_wait3A_112 = tpu.memref_slice %arg6[%dma_wait3A_110, %dma_wait3A_111] : memref<40x128xi32, #tpu.memory_space<vmem>> -> memref<40x128xi32, #tpu.memory_space<vmem>>
        %dma_wait3A_113 = arith.constant 0 : i32
        %dma_wait3A_114 = arith.constant 0 : i32
        %dma_wait3A_115 = tpu.memref_slice %arg3[%arg1, %dma_wait3A_113, %dma_wait3A_114] : memref<16x160x128xi32, #tpu.memory_space<hbm>> -> memref<1x40x128xi32, #tpu.memory_space<hbm>>
        %dma_wait3A_116 = tpu.memref_squeeze %dma_wait3A_115 : memref<1x40x128xi32, #tpu.memory_space<hbm>> -> memref<40x128xi32, #tpu.memory_space<hbm>>
        %dma_wait3A_117 = arith.constant 0 : i32
        %dma_wait3A_118 = arith.constant 0 : i32
        %dma_wait3A_119 = tpu.memref_slice %arg6[%dma_wait3A_117, %dma_wait3A_118] : memref<40x128xi32, #tpu.memory_space<vmem>> -> memref<40x128xi32, #tpu.memory_space<vmem>>
        %dma_wait3A_120 = arith.constant 0 : i32
        %dma_wait3A_121 = arith.constant 0 : i32
        %dma_wait3A_122 = tpu.memref_slice %arg3[%arg1, %dma_wait3A_120, %dma_wait3A_121] : memref<16x160x128xi32, #tpu.memory_space<hbm>> -> memref<1x40x128xi32, #tpu.memory_space<hbm>>
        %dma_wait3A_123 = tpu.memref_squeeze %dma_wait3A_122 : memref<1x40x128xi32, #tpu.memory_space<hbm>> -> memref<40x128xi32, #tpu.memory_space<hbm>>
        tpu.wait_dma2 semaphore(%run_scoped3A : memref<!tpu.dma_semaphore, #tpu.memory_space<semaphore_mem>>) src(%dma_wait3A_123 : memref<40x128xi32, #tpu.memory_space<hbm>>) dst(%dma_wait3A_119 : memref<40x128xi32, #tpu.memory_space<vmem>>)
        tpu.yield
      }) : () -> ()
      "tpu.region"() ({
        %run_scoped3A = tpu.sem_alloc : memref<!tpu.dma_semaphore, #tpu.memory_space<semaphore_mem>>
        %dma_start3A_96 = arith.constant 0 : i32
        %dma_start3A_97 = arith.constant 0 : i32
        %dma_start3A_98 = tpu.memref_slice %arg7[%dma_start3A_96, %dma_start3A_97] : memref<40x128xi32, #tpu.memory_space<vmem>> -> memref<40x128xi32, #tpu.memory_space<vmem>>
        %dma_start3A_99 = arith.constant 0 : i32
        %dma_start3A_100 = arith.constant 0 : i32
        %dma_start3A_101 = tpu.memref_slice %arg4[%arg1, %dma_start3A_99, %dma_start3A_100] : memref<16x160x128xi32, #tpu.memory_space<hbm>> -> memref<1x40x128xi32, #tpu.memory_space<hbm>>
        %dma_start3A_102 = tpu.memref_squeeze %dma_start3A_101 : memref<1x40x128xi32, #tpu.memory_space<hbm>> -> memref<40x128xi32, #tpu.memory_space<hbm>>
        %dma_start3A_103 = arith.constant 0 : i32
        %dma_start3A_104 = arith.constant 0 : i32
        %dma_start3A_105 = tpu.memref_slice %arg7[%dma_start3A_103, %dma_start3A_104] : memref<40x128xi32, #tpu.memory_space<vmem>> -> memref<40x128xi32, #tpu.memory_space<vmem>>
        %dma_start3A_106 = arith.constant 0 : i32
        %dma_start3A_107 = arith.constant 0 : i32
        %dma_start3A_108 = tpu.memref_slice %arg4[%arg1, %dma_start3A_106, %dma_start3A_107] : memref<16x160x128xi32, #tpu.memory_space<hbm>> -> memref<1x40x128xi32, #tpu.memory_space<hbm>>
        %dma_start3A_109 = tpu.memref_squeeze %dma_start3A_108 : memref<1x40x128xi32, #tpu.memory_space<hbm>> -> memref<40x128xi32, #tpu.memory_space<hbm>>
        tpu.enqueue_dma source(%dma_start3A_109 : memref<40x128xi32, #tpu.memory_space<hbm>>) target(%dma_start3A_105 : memref<40x128xi32, #tpu.memory_space<vmem>>) target_semaphore(%run_scoped3A : memref<!tpu.dma_semaphore, #tpu.memory_space<semaphore_mem>>)
        %dma_wait3A_110 = arith.constant 0 : i32
        %dma_wait3A_111 = arith.constant 0 : i32
        %dma_wait3A_112 = tpu.memref_slice %arg7[%dma_wait3A_110, %dma_wait3A_111] : memref<40x128xi32, #tpu.memory_space<vmem>> -> memref<40x128xi32, #tpu.memory_space<vmem>>
        %dma_wait3A_113 = arith.constant 0 : i32
        %dma_wait3A_114 = arith.constant 0 : i32
        %dma_wait3A_115 = tpu.memref_slice %arg4[%arg1, %dma_wait3A_113, %dma_wait3A_114] : memref<16x160x128xi32, #tpu.memory_space<hbm>> -> memref<1x40x128xi32, #tpu.memory_space<hbm>>
        %dma_wait3A_116 = tpu.memref_squeeze %dma_wait3A_115 : memref<1x40x128xi32, #tpu.memory_space<hbm>> -> memref<40x128xi32, #tpu.memory_space<hbm>>
        %dma_wait3A_117 = arith.constant 0 : i32
        %dma_wait3A_118 = arith.constant 0 : i32
        %dma_wait3A_119 = tpu.memref_slice %arg7[%dma_wait3A_117, %dma_wait3A_118] : memref<40x128xi32, #tpu.memory_space<vmem>> -> memref<40x128xi32, #tpu.memory_space<vmem>>
        %dma_wait3A_120 = arith.constant 0 : i32
        %dma_wait3A_121 = arith.constant 0 : i32
        %dma_wait3A_122 = tpu.memref_slice %arg4[%arg1, %dma_wait3A_120, %dma_wait3A_121] : memref<16x160x128xi32, #tpu.memory_space<hbm>> -> memref<1x40x128xi32, #tpu.memory_space<hbm>>
        %dma_wait3A_123 = tpu.memref_squeeze %dma_wait3A_122 : memref<1x40x128xi32, #tpu.memory_space<hbm>> -> memref<40x128xi32, #tpu.memory_space<hbm>>
        tpu.wait_dma2 semaphore(%run_scoped3A : memref<!tpu.dma_semaphore, #tpu.memory_space<semaphore_mem>>) src(%dma_wait3A_123 : memref<40x128xi32, #tpu.memory_space<hbm>>) dst(%dma_wait3A_119 : memref<40x128xi32, #tpu.memory_space<vmem>>)
        tpu.yield
      }) : () -> ()
      %dma_start3A = arith.constant 0 : i32
      %dma_start3A_17 = arith.constant 0 : i32
      %dma_start3A_18 = tpu.memref_slice %arg6[%dma_start3A, %dma_start3A_17] : memref<40x128xi32, #tpu.memory_space<vmem>> -> memref<1x128xi32, #tpu.memory_space<vmem>>
      %dma_start3A_19 = tpu.memref_squeeze %dma_start3A_18 : memref<1x128xi32, #tpu.memory_space<vmem>> -> memref<128xi32, #tpu.memory_space<vmem>>
      %dma_start3A_20 = arith.constant 0 : i32
      %dma_start3A_21 = arith.constant 0 : i32
      %dma_start3A_22 = tpu.memref_slice %arg2[%dma_start3A_20, %dma_start3A_21] : memref<10000x128xf32, #tpu.memory_space<hbm>> -> memref<10000x128xf32, #tpu.memory_space<hbm>>
      tpu.enqueue_indirect_dma source(%dma_start3A_22 : memref<10000x128xf32, #tpu.memory_space<hbm>>) target(%arg8 : memref<128x128xf32, #tpu.memory_space<vmem>>) offsets(%dma_start3A_19 : memref<128xi32, #tpu.memory_space<vmem>>) semaphore(%arg11 : memref<!tpu.dma_semaphore, #tpu.memory_space<semaphore_mem>>)
      %scan3A_23 = arith.constant 0 : i32
      %scan3A_24 = arith.constant 0 : i32
      %scan3A_25 = arith.constant 20 : i32
      %scan3A_26 = arith.addi %scan3A_24, %scan3A_25 : i32
      %scan3A_27 = arith.constant 1 : i32
      scf.for %scan3A_96 = %scan3A_24 to %scan3A_26 step %scan3A_27  : i32 {
        %mul3A_97 = arith.constant 2 : i32
        %mul3A_98 = arith.muli %mul3A_97, %scan3A_96 : i32
        %add3A_99 = arith.constant 1 : i32
        %add3A_100 = arith.addi %mul3A_98, %add3A_99 : i32
        %dma_start3A_101 = arith.constant 0 : i32
        %dma_start3A_102 = tpu.memref_slice %arg6[%add3A_100, %dma_start3A_101] : memref<40x128xi32, #tpu.memory_space<vmem>> -> memref<1x128xi32, #tpu.memory_space<vmem>>
        %dma_start3A_103 = tpu.memref_squeeze %dma_start3A_102 : memref<1x128xi32, #tpu.memory_space<vmem>> -> memref<128xi32, #tpu.memory_space<vmem>>
        %dma_start3A_104 = arith.constant 0 : i32
        %dma_start3A_105 = arith.constant 0 : i32
        %dma_start3A_106 = tpu.memref_slice %arg2[%dma_start3A_104, %dma_start3A_105] : memref<10000x128xf32, #tpu.memory_space<hbm>> -> memref<10000x128xf32, #tpu.memory_space<hbm>>
        tpu.enqueue_indirect_dma source(%dma_start3A_106 : memref<10000x128xf32, #tpu.memory_space<hbm>>) target(%arg9 : memref<128x128xf32, #tpu.memory_space<vmem>>) offsets(%dma_start3A_103 : memref<128xi32, #tpu.memory_space<vmem>>) semaphore(%arg11 : memref<!tpu.dma_semaphore, #tpu.memory_space<semaphore_mem>>)
        %dma_wait3A_107 = arith.constant 0 : i32
        %dma_wait3A_108 = tpu.memref_slice %arg6[%mul3A_98, %dma_wait3A_107] : memref<40x128xi32, #tpu.memory_space<vmem>> -> memref<1x128xi32, #tpu.memory_space<vmem>>
        %dma_wait3A_109 = tpu.memref_squeeze %dma_wait3A_108 : memref<1x128xi32, #tpu.memory_space<vmem>> -> memref<128xi32, #tpu.memory_space<vmem>>
        %dma_wait3A_110 = arith.constant 0 : i32
        %dma_wait3A_111 = arith.constant 0 : i32
        %dma_wait3A_112 = tpu.memref_slice %arg2[%dma_wait3A_110, %dma_wait3A_111] : memref<10000x128xf32, #tpu.memory_space<hbm>> -> memref<10000x128xf32, #tpu.memory_space<hbm>>
        tpu.wait_indirect_dma semaphore(%arg11 : memref<!tpu.dma_semaphore, #tpu.memory_space<semaphore_mem>>) src(%dma_wait3A_112 : memref<10000x128xf32, #tpu.memory_space<hbm>>) dst(%arg8 : memref<128x128xf32, #tpu.memory_space<vmem>>)
        "tpu.region"() ({
          %run_scoped3A = tpu.sem_alloc : memref<!tpu.dma_semaphore, #tpu.memory_space<semaphore_mem>>
          %dma_start3A_132 = arith.constant 0 : i32
          %dma_start3A_133 = tpu.memref_slice %arg7[%mul3A_98, %dma_start3A_132] : memref<40x128xi32, #tpu.memory_space<vmem>> -> memref<1x128xi32, #tpu.memory_space<vmem>>
          %dma_start3A_134 = tpu.memref_squeeze %dma_start3A_133 : memref<1x128xi32, #tpu.memory_space<vmem>> -> memref<128xi32, #tpu.memory_space<vmem>>
          %dma_start3A_135 = arith.constant 0 : i32
          %dma_start3A_136 = arith.constant 0 : i32
          %dma_start3A_137 = tpu.memref_slice %arg10[%dma_start3A_135, %dma_start3A_136] : memref<10112x128xf32, #tpu.memory_space<vmem_shared>> -> memref<10112x128xf32, #tpu.memory_space<vmem_shared>>
          tpu.enqueue_indirect_dma source(%arg8 : memref<128x128xf32, #tpu.memory_space<vmem>>) target(%dma_start3A_137 : memref<10112x128xf32, #tpu.memory_space<vmem_shared>>) offsets(%dma_start3A_134 : memref<128xi32, #tpu.memory_space<vmem>>) semaphore(%run_scoped3A : memref<!tpu.dma_semaphore, #tpu.memory_space<semaphore_mem>>) {add = true}
          %dma_wait3A_138 = arith.constant 0 : i32
          %dma_wait3A_139 = tpu.memref_slice %arg7[%mul3A_98, %dma_wait3A_138] : memref<40x128xi32, #tpu.memory_space<vmem>> -> memref<1x128xi32, #tpu.memory_space<vmem>>
          %dma_wait3A_140 = tpu.memref_squeeze %dma_wait3A_139 : memref<1x128xi32, #tpu.memory_space<vmem>> -> memref<128xi32, #tpu.memory_space<vmem>>
          %dma_wait3A_141 = arith.constant 0 : i32
          %dma_wait3A_142 = arith.constant 0 : i32
          %dma_wait3A_143 = tpu.memref_slice %arg10[%dma_wait3A_141, %dma_wait3A_142] : memref<10112x128xf32, #tpu.memory_space<vmem_shared>> -> memref<10112x128xf32, #tpu.memory_space<vmem_shared>>
          tpu.wait_indirect_dma semaphore(%run_scoped3A : memref<!tpu.dma_semaphore, #tpu.memory_space<semaphore_mem>>) src(%arg8 : memref<128x128xf32, #tpu.memory_space<vmem>>) dst(%dma_wait3A_143 : memref<10112x128xf32, #tpu.memory_space<vmem_shared>>)
          tpu.yield
        }) : () -> ()
        %add3A_113 = arith.constant 2 : i32
        %add3A_114 = arith.addi %mul3A_98, %add3A_113 : i32
        %min3A = arith.constant 39 : i32
        %min3A_115 = arith.minsi %add3A_114, %min3A : i32
        %dma_start3A_116 = arith.constant 0 : i32
        %dma_start3A_117 = tpu.memref_slice %arg6[%min3A_115, %dma_start3A_116] : memref<40x128xi32, #tpu.memory_space<vmem>> -> memref<1x128xi32, #tpu.memory_space<vmem>>
        %dma_start3A_118 = tpu.memref_squeeze %dma_start3A_117 : memref<1x128xi32, #tpu.memory_space<vmem>> -> memref<128xi32, #tpu.memory_space<vmem>>
        %dma_start3A_119 = arith.constant 0 : i32
        %dma_start3A_120 = arith.constant 0 : i32
        %dma_start3A_121 = tpu.memref_slice %arg2[%dma_start3A_119, %dma_start3A_120] : memref<10000x128xf32, #tpu.memory_space<hbm>> -> memref<10000x128xf32, #tpu.memory_space<hbm>>
        tpu.enqueue_indirect_dma source(%dma_start3A_121 : memref<10000x128xf32, #tpu.memory_space<hbm>>) target(%arg8 : memref<128x128xf32, #tpu.memory_space<vmem>>) offsets(%dma_start3A_118 : memref<128xi32, #tpu.memory_space<vmem>>) semaphore(%arg11 : memref<!tpu.dma_semaphore, #tpu.memory_space<semaphore_mem>>)
        %add3A_122 = arith.constant 1 : i32
        %add3A_123 = arith.addi %mul3A_98, %add3A_122 : i32
        %dma_wait3A_124 = arith.constant 0 : i32
        %dma_wait3A_125 = tpu.memref_slice %arg6[%add3A_123, %dma_wait3A_124] : memref<40x128xi32, #tpu.memory_space<vmem>> -> memref<1x128xi32, #tpu.memory_space<vmem>>
        %dma_wait3A_126 = tpu.memref_squeeze %dma_wait3A_125 : memref<1x128xi32, #tpu.memory_space<vmem>> -> memref<128xi32, #tpu.memory_space<vmem>>
        %dma_wait3A_127 = arith.constant 0 : i32
        %dma_wait3A_128 = arith.constant 0 : i32
        %dma_wait3A_129 = tpu.memref_slice %arg2[%dma_wait3A_127, %dma_wait3A_128] : memref<10000x128xf32, #tpu.memory_space<hbm>> -> memref<10000x128xf32, #tpu.memory_space<hbm>>
        tpu.wait_indirect_dma semaphore(%arg11 : memref<!tpu.dma_semaphore, #tpu.memory_space<semaphore_mem>>) src(%dma_wait3A_129 : memref<10000x128xf32, #tpu.memory_space<hbm>>) dst(%arg9 : memref<128x128xf32, #tpu.memory_space<vmem>>)
        %add3A_130 = arith.constant 1 : i32
        %add3A_131 = arith.addi %mul3A_98, %add3A_130 : i32
        "tpu.region"() ({
          %run_scoped3A = tpu.sem_alloc : memref<!tpu.dma_semaphore, #tpu.memory_space<semaphore_mem>>
          %dma_start3A_132 = arith.constant 0 : i32
          %dma_start3A_133 = tpu.memref_slice %arg7[%add3A_131, %dma_start3A_132] : memref<40x128xi32, #tpu.memory_space<vmem>> -> memref<1x128xi32, #tpu.memory_space<vmem>>
          %dma_start3A_134 = tpu.memref_squeeze %dma_start3A_133 : memref<1x128xi32, #tpu.memory_space<vmem>> -> memref<128xi32, #tpu.memory_space<vmem>>
          %dma_start3A_135 = arith.constant 0 : i32
          %dma_start3A_136 = arith.constant 0 : i32
          %dma_start3A_137 = tpu.memref_slice %arg10[%dma_start3A_135, %dma_start3A_136] : memref<10112x128xf32, #tpu.memory_space<vmem_shared>> -> memref<10112x128xf32, #tpu.memory_space<vmem_shared>>
          tpu.enqueue_indirect_dma source(%arg9 : memref<128x128xf32, #tpu.memory_space<vmem>>) target(%dma_start3A_137 : memref<10112x128xf32, #tpu.memory_space<vmem_shared>>) offsets(%dma_start3A_134 : memref<128xi32, #tpu.memory_space<vmem>>) semaphore(%run_scoped3A : memref<!tpu.dma_semaphore, #tpu.memory_space<semaphore_mem>>) {add = true}
          %dma_wait3A_138 = arith.constant 0 : i32
          %dma_wait3A_139 = tpu.memref_slice %arg7[%add3A_131, %dma_wait3A_138] : memref<40x128xi32, #tpu.memory_space<vmem>> -> memref<1x128xi32, #tpu.memory_space<vmem>>
          %dma_wait3A_140 = tpu.memref_squeeze %dma_wait3A_139 : memref<1x128xi32, #tpu.memory_space<vmem>> -> memref<128xi32, #tpu.memory_space<vmem>>
          %dma_wait3A_141 = arith.constant 0 : i32
          %dma_wait3A_142 = arith.constant 0 : i32
          %dma_wait3A_143 = tpu.memref_slice %arg10[%dma_wait3A_141, %dma_wait3A_142] : memref<10112x128xf32, #tpu.memory_space<vmem_shared>> -> memref<10112x128xf32, #tpu.memory_space<vmem_shared>>
          tpu.wait_indirect_dma semaphore(%run_scoped3A : memref<!tpu.dma_semaphore, #tpu.memory_space<semaphore_mem>>) src(%arg9 : memref<128x128xf32, #tpu.memory_space<vmem>>) dst(%dma_wait3A_143 : memref<10112x128xf32, #tpu.memory_space<vmem_shared>>)
          tpu.yield
        }) : () -> ()
      }
      %scan3A_28 = arith.constant 20 : i32
      %dma_wait3A = arith.constant 39 : i32
      %dma_wait3A_29 = arith.constant 0 : i32
      %dma_wait3A_30 = tpu.memref_slice %arg6[%dma_wait3A, %dma_wait3A_29] : memref<40x128xi32, #tpu.memory_space<vmem>> -> memref<1x128xi32, #tpu.memory_space<vmem>>
      %dma_wait3A_31 = tpu.memref_squeeze %dma_wait3A_30 : memref<1x128xi32, #tpu.memory_space<vmem>> -> memref<128xi32, #tpu.memory_space<vmem>>
      %dma_wait3A_32 = arith.constant 0 : i32
      %dma_wait3A_33 = arith.constant 0 : i32
      %dma_wait3A_34 = tpu.memref_slice %arg2[%dma_wait3A_32, %dma_wait3A_33] : memref<10000x128xf32, #tpu.memory_space<hbm>> -> memref<10000x128xf32, #tpu.memory_space<hbm>>
      tpu.wait_indirect_dma semaphore(%arg11 : memref<!tpu.dma_semaphore, #tpu.memory_space<semaphore_mem>>) src(%dma_wait3A_34 : memref<10000x128xf32, #tpu.memory_space<hbm>>) dst(%arg8 : memref<128x128xf32, #tpu.memory_space<vmem>>)
      "tpu.region"() ({
        %run_scoped3A = tpu.sem_alloc : memref<!tpu.dma_semaphore, #tpu.memory_space<semaphore_mem>>
        %dma_start3A_96 = arith.constant 0 : i32
        %dma_start3A_97 = arith.constant 0 : i32
        %dma_start3A_98 = tpu.memref_slice %arg6[%dma_start3A_96, %dma_start3A_97] : memref<40x128xi32, #tpu.memory_space<vmem>> -> memref<40x128xi32, #tpu.memory_space<vmem>>
        %dma_start3A_99 = arith.constant 40 : i32
        %dma_start3A_100 = arith.constant 0 : i32
        %dma_start3A_101 = tpu.memref_slice %arg3[%arg1, %dma_start3A_99, %dma_start3A_100] : memref<16x160x128xi32, #tpu.memory_space<hbm>> -> memref<1x40x128xi32, #tpu.memory_space<hbm>>
        %dma_start3A_102 = tpu.memref_squeeze %dma_start3A_101 : memref<1x40x128xi32, #tpu.memory_space<hbm>> -> memref<40x128xi32, #tpu.memory_space<hbm>>
        %dma_start3A_103 = arith.constant 0 : i32
        %dma_start3A_104 = arith.constant 0 : i32
        %dma_start3A_105 = tpu.memref_slice %arg6[%dma_start3A_103, %dma_start3A_104] : memref<40x128xi32, #tpu.memory_space<vmem>> -> memref<40x128xi32, #tpu.memory_space<vmem>>
        %dma_start3A_106 = arith.constant 40 : i32
        %dma_start3A_107 = arith.constant 0 : i32
        %dma_start3A_108 = tpu.memref_slice %arg3[%arg1, %dma_start3A_106, %dma_start3A_107] : memref<16x160x128xi32, #tpu.memory_space<hbm>> -> memref<1x40x128xi32, #tpu.memory_space<hbm>>
        %dma_start3A_109 = tpu.memref_squeeze %dma_start3A_108 : memref<1x40x128xi32, #tpu.memory_space<hbm>> -> memref<40x128xi32, #tpu.memory_space<hbm>>
        tpu.enqueue_dma source(%dma_start3A_109 : memref<40x128xi32, #tpu.memory_space<hbm>>) target(%dma_start3A_105 : memref<40x128xi32, #tpu.memory_space<vmem>>) target_semaphore(%run_scoped3A : memref<!tpu.dma_semaphore, #tpu.memory_space<semaphore_mem>>)
        %dma_wait3A_110 = arith.constant 0 : i32
        %dma_wait3A_111 = arith.constant 0 : i32
        %dma_wait3A_112 = tpu.memref_slice %arg6[%dma_wait3A_110, %dma_wait3A_111] : memref<40x128xi32, #tpu.memory_space<vmem>> -> memref<40x128xi32, #tpu.memory_space<vmem>>
        %dma_wait3A_113 = arith.constant 40 : i32
        %dma_wait3A_114 = arith.constant 0 : i32
        %dma_wait3A_115 = tpu.memref_slice %arg3[%arg1, %dma_wait3A_113, %dma_wait3A_114] : memref<16x160x128xi32, #tpu.memory_space<hbm>> -> memref<1x40x128xi32, #tpu.memory_space<hbm>>
        %dma_wait3A_116 = tpu.memref_squeeze %dma_wait3A_115 : memref<1x40x128xi32, #tpu.memory_space<hbm>> -> memref<40x128xi32, #tpu.memory_space<hbm>>
        %dma_wait3A_117 = arith.constant 0 : i32
        %dma_wait3A_118 = arith.constant 0 : i32
        %dma_wait3A_119 = tpu.memref_slice %arg6[%dma_wait3A_117, %dma_wait3A_118] : memref<40x128xi32, #tpu.memory_space<vmem>> -> memref<40x128xi32, #tpu.memory_space<vmem>>
        %dma_wait3A_120 = arith.constant 40 : i32
        %dma_wait3A_121 = arith.constant 0 : i32
        %dma_wait3A_122 = tpu.memref_slice %arg3[%arg1, %dma_wait3A_120, %dma_wait3A_121] : memref<16x160x128xi32, #tpu.memory_space<hbm>> -> memref<1x40x128xi32, #tpu.memory_space<hbm>>
        %dma_wait3A_123 = tpu.memref_squeeze %dma_wait3A_122 : memref<1x40x128xi32, #tpu.memory_space<hbm>> -> memref<40x128xi32, #tpu.memory_space<hbm>>
        tpu.wait_dma2 semaphore(%run_scoped3A : memref<!tpu.dma_semaphore, #tpu.memory_space<semaphore_mem>>) src(%dma_wait3A_123 : memref<40x128xi32, #tpu.memory_space<hbm>>) dst(%dma_wait3A_119 : memref<40x128xi32, #tpu.memory_space<vmem>>)
        tpu.yield
      }) : () -> ()
      "tpu.region"() ({
        %run_scoped3A = tpu.sem_alloc : memref<!tpu.dma_semaphore, #tpu.memory_space<semaphore_mem>>
        %dma_start3A_96 = arith.constant 0 : i32
        %dma_start3A_97 = arith.constant 0 : i32
        %dma_start3A_98 = tpu.memref_slice %arg7[%dma_start3A_96, %dma_start3A_97] : memref<40x128xi32, #tpu.memory_space<vmem>> -> memref<40x128xi32, #tpu.memory_space<vmem>>
        %dma_start3A_99 = arith.constant 40 : i32
        %dma_start3A_100 = arith.constant 0 : i32
        %dma_start3A_101 = tpu.memref_slice %arg4[%arg1, %dma_start3A_99, %dma_start3A_100] : memref<16x160x128xi32, #tpu.memory_space<hbm>> -> memref<1x40x128xi32, #tpu.memory_space<hbm>>
        %dma_start3A_102 = tpu.memref_squeeze %dma_start3A_101 : memref<1x40x128xi32, #tpu.memory_space<hbm>> -> memref<40x128xi32, #tpu.memory_space<hbm>>
        %dma_start3A_103 = arith.constant 0 : i32
        %dma_start3A_104 = arith.constant 0 : i32
        %dma_start3A_105 = tpu.memref_slice %arg7[%dma_start3A_103, %dma_start3A_104] : memref<40x128xi32, #tpu.memory_space<vmem>> -> memref<40x128xi32, #tpu.memory_space<vmem>>
        %dma_start3A_106 = arith.constant 40 : i32
        %dma_start3A_107 = arith.constant 0 : i32
        %dma_start3A_108 = tpu.memref_slice %arg4[%arg1, %dma_start3A_106, %dma_start3A_107] : memref<16x160x128xi32, #tpu.memory_space<hbm>> -> memref<1x40x128xi32, #tpu.memory_space<hbm>>
        %dma_start3A_109 = tpu.memref_squeeze %dma_start3A_108 : memref<1x40x128xi32, #tpu.memory_space<hbm>> -> memref<40x128xi32, #tpu.memory_space<hbm>>
        tpu.enqueue_dma source(%dma_start3A_109 : memref<40x128xi32, #tpu.memory_space<hbm>>) target(%dma_start3A_105 : memref<40x128xi32, #tpu.memory_space<vmem>>) target_semaphore(%run_scoped3A : memref<!tpu.dma_semaphore, #tpu.memory_space<semaphore_mem>>)
        %dma_wait3A_110 = arith.constant 0 : i32
        %dma_wait3A_111 = arith.constant 0 : i32
        %dma_wait3A_112 = tpu.memref_slice %arg7[%dma_wait3A_110, %dma_wait3A_111] : memref<40x128xi32, #tpu.memory_space<vmem>> -> memref<40x128xi32, #tpu.memory_space<vmem>>
        %dma_wait3A_113 = arith.constant 40 : i32
        %dma_wait3A_114 = arith.constant 0 : i32
        %dma_wait3A_115 = tpu.memref_slice %arg4[%arg1, %dma_wait3A_113, %dma_wait3A_114] : memref<16x160x128xi32, #tpu.memory_space<hbm>> -> memref<1x40x128xi32, #tpu.memory_space<hbm>>
        %dma_wait3A_116 = tpu.memref_squeeze %dma_wait3A_115 : memref<1x40x128xi32, #tpu.memory_space<hbm>> -> memref<40x128xi32, #tpu.memory_space<hbm>>
        %dma_wait3A_117 = arith.constant 0 : i32
        %dma_wait3A_118 = arith.constant 0 : i32
        %dma_wait3A_119 = tpu.memref_slice %arg7[%dma_wait3A_117, %dma_wait3A_118] : memref<40x128xi32, #tpu.memory_space<vmem>> -> memref<40x128xi32, #tpu.memory_space<vmem>>
        %dma_wait3A_120 = arith.constant 40 : i32
        %dma_wait3A_121 = arith.constant 0 : i32
        %dma_wait3A_122 = tpu.memref_slice %arg4[%arg1, %dma_wait3A_120, %dma_wait3A_121] : memref<16x160x128xi32, #tpu.memory_space<hbm>> -> memref<1x40x128xi32, #tpu.memory_space<hbm>>
        %dma_wait3A_123 = tpu.memref_squeeze %dma_wait3A_122 : memref<1x40x128xi32, #tpu.memory_space<hbm>> -> memref<40x128xi32, #tpu.memory_space<hbm>>
        tpu.wait_dma2 semaphore(%run_scoped3A : memref<!tpu.dma_semaphore, #tpu.memory_space<semaphore_mem>>) src(%dma_wait3A_123 : memref<40x128xi32, #tpu.memory_space<hbm>>) dst(%dma_wait3A_119 : memref<40x128xi32, #tpu.memory_space<vmem>>)
        tpu.yield
      }) : () -> ()
      %dma_start3A_35 = arith.constant 0 : i32
      %dma_start3A_36 = arith.constant 0 : i32
      %dma_start3A_37 = tpu.memref_slice %arg6[%dma_start3A_35, %dma_start3A_36] : memref<40x128xi32, #tpu.memory_space<vmem>> -> memref<1x128xi32, #tpu.memory_space<vmem>>
      %dma_start3A_38 = tpu.memref_squeeze %dma_start3A_37 : memref<1x128xi32, #tpu.memory_space<vmem>> -> memref<128xi32, #tpu.memory_space<vmem>>
      %dma_start3A_39 = arith.constant 0 : i32
      %dma_start3A_40 = arith.constant 0 : i32
      %dma_start3A_41 = tpu.memref_slice %arg2[%dma_start3A_39, %dma_start3A_40] : memref<10000x128xf32, #tpu.memory_space<hbm>> -> memref<10000x128xf32, #tpu.memory_space<hbm>>
      tpu.enqueue_indirect_dma source(%dma_start3A_41 : memref<10000x128xf32, #tpu.memory_space<hbm>>) target(%arg8 : memref<128x128xf32, #tpu.memory_space<vmem>>) offsets(%dma_start3A_38 : memref<128xi32, #tpu.memory_space<vmem>>) semaphore(%arg11 : memref<!tpu.dma_semaphore, #tpu.memory_space<semaphore_mem>>)
      %scan3A_42 = arith.constant 0 : i32
      %scan3A_43 = arith.constant 0 : i32
      %scan3A_44 = arith.constant 20 : i32
      %scan3A_45 = arith.addi %scan3A_43, %scan3A_44 : i32
      %scan3A_46 = arith.constant 1 : i32
      scf.for %scan3A_96 = %scan3A_43 to %scan3A_45 step %scan3A_46  : i32 {
        %mul3A_97 = arith.constant 2 : i32
        %mul3A_98 = arith.muli %mul3A_97, %scan3A_96 : i32
        %add3A_99 = arith.constant 1 : i32
        %add3A_100 = arith.addi %mul3A_98, %add3A_99 : i32
        %dma_start3A_101 = arith.constant 0 : i32
        %dma_start3A_102 = tpu.memref_slice %arg6[%add3A_100, %dma_start3A_101] : memref<40x128xi32, #tpu.memory_space<vmem>> -> memref<1x128xi32, #tpu.memory_space<vmem>>
        %dma_start3A_103 = tpu.memref_squeeze %dma_start3A_102 : memref<1x128xi32, #tpu.memory_space<vmem>> -> memref<128xi32, #tpu.memory_space<vmem>>
        %dma_start3A_104 = arith.constant 0 : i32
        %dma_start3A_105 = arith.constant 0 : i32
        %dma_start3A_106 = tpu.memref_slice %arg2[%dma_start3A_104, %dma_start3A_105] : memref<10000x128xf32, #tpu.memory_space<hbm>> -> memref<10000x128xf32, #tpu.memory_space<hbm>>
        tpu.enqueue_indirect_dma source(%dma_start3A_106 : memref<10000x128xf32, #tpu.memory_space<hbm>>) target(%arg9 : memref<128x128xf32, #tpu.memory_space<vmem>>) offsets(%dma_start3A_103 : memref<128xi32, #tpu.memory_space<vmem>>) semaphore(%arg11 : memref<!tpu.dma_semaphore, #tpu.memory_space<semaphore_mem>>)
        %dma_wait3A_107 = arith.constant 0 : i32
        %dma_wait3A_108 = tpu.memref_slice %arg6[%mul3A_98, %dma_wait3A_107] : memref<40x128xi32, #tpu.memory_space<vmem>> -> memref<1x128xi32, #tpu.memory_space<vmem>>
        %dma_wait3A_109 = tpu.memref_squeeze %dma_wait3A_108 : memref<1x128xi32, #tpu.memory_space<vmem>> -> memref<128xi32, #tpu.memory_space<vmem>>
        %dma_wait3A_110 = arith.constant 0 : i32
        %dma_wait3A_111 = arith.constant 0 : i32
        %dma_wait3A_112 = tpu.memref_slice %arg2[%dma_wait3A_110, %dma_wait3A_111] : memref<10000x128xf32, #tpu.memory_space<hbm>> -> memref<10000x128xf32, #tpu.memory_space<hbm>>
        tpu.wait_indirect_dma semaphore(%arg11 : memref<!tpu.dma_semaphore, #tpu.memory_space<semaphore_mem>>) src(%dma_wait3A_112 : memref<10000x128xf32, #tpu.memory_space<hbm>>) dst(%arg8 : memref<128x128xf32, #tpu.memory_space<vmem>>)
        "tpu.region"() ({
          %run_scoped3A = tpu.sem_alloc : memref<!tpu.dma_semaphore, #tpu.memory_space<semaphore_mem>>
          %dma_start3A_132 = arith.constant 0 : i32
          %dma_start3A_133 = tpu.memref_slice %arg7[%mul3A_98, %dma_start3A_132] : memref<40x128xi32, #tpu.memory_space<vmem>> -> memref<1x128xi32, #tpu.memory_space<vmem>>
          %dma_start3A_134 = tpu.memref_squeeze %dma_start3A_133 : memref<1x128xi32, #tpu.memory_space<vmem>> -> memref<128xi32, #tpu.memory_space<vmem>>
          %dma_start3A_135 = arith.constant 0 : i32
          %dma_start3A_136 = arith.constant 0 : i32
          %dma_start3A_137 = tpu.memref_slice %arg10[%dma_start3A_135, %dma_start3A_136] : memref<10112x128xf32, #tpu.memory_space<vmem_shared>> -> memref<10112x128xf32, #tpu.memory_space<vmem_shared>>
          tpu.enqueue_indirect_dma source(%arg8 : memref<128x128xf32, #tpu.memory_space<vmem>>) target(%dma_start3A_137 : memref<10112x128xf32, #tpu.memory_space<vmem_shared>>) offsets(%dma_start3A_134 : memref<128xi32, #tpu.memory_space<vmem>>) semaphore(%run_scoped3A : memref<!tpu.dma_semaphore, #tpu.memory_space<semaphore_mem>>) {add = true}
          %dma_wait3A_138 = arith.constant 0 : i32
          %dma_wait3A_139 = tpu.memref_slice %arg7[%mul3A_98, %dma_wait3A_138] : memref<40x128xi32, #tpu.memory_space<vmem>> -> memref<1x128xi32, #tpu.memory_space<vmem>>
          %dma_wait3A_140 = tpu.memref_squeeze %dma_wait3A_139 : memref<1x128xi32, #tpu.memory_space<vmem>> -> memref<128xi32, #tpu.memory_space<vmem>>
          %dma_wait3A_141 = arith.constant 0 : i32
          %dma_wait3A_142 = arith.constant 0 : i32
          %dma_wait3A_143 = tpu.memref_slice %arg10[%dma_wait3A_141, %dma_wait3A_142] : memref<10112x128xf32, #tpu.memory_space<vmem_shared>> -> memref<10112x128xf32, #tpu.memory_space<vmem_shared>>
          tpu.wait_indirect_dma semaphore(%run_scoped3A : memref<!tpu.dma_semaphore, #tpu.memory_space<semaphore_mem>>) src(%arg8 : memref<128x128xf32, #tpu.memory_space<vmem>>) dst(%dma_wait3A_143 : memref<10112x128xf32, #tpu.memory_space<vmem_shared>>)
          tpu.yield
        }) : () -> ()
        %add3A_113 = arith.constant 2 : i32
        %add3A_114 = arith.addi %mul3A_98, %add3A_113 : i32
        %min3A = arith.constant 39 : i32
        %min3A_115 = arith.minsi %add3A_114, %min3A : i32
        %dma_start3A_116 = arith.constant 0 : i32
        %dma_start3A_117 = tpu.memref_slice %arg6[%min3A_115, %dma_start3A_116] : memref<40x128xi32, #tpu.memory_space<vmem>> -> memref<1x128xi32, #tpu.memory_space<vmem>>
        %dma_start3A_118 = tpu.memref_squeeze %dma_start3A_117 : memref<1x128xi32, #tpu.memory_space<vmem>> -> memref<128xi32, #tpu.memory_space<vmem>>
        %dma_start3A_119 = arith.constant 0 : i32
        %dma_start3A_120 = arith.constant 0 : i32
        %dma_start3A_121 = tpu.memref_slice %arg2[%dma_start3A_119, %dma_start3A_120] : memref<10000x128xf32, #tpu.memory_space<hbm>> -> memref<10000x128xf32, #tpu.memory_space<hbm>>
        tpu.enqueue_indirect_dma source(%dma_start3A_121 : memref<10000x128xf32, #tpu.memory_space<hbm>>) target(%arg8 : memref<128x128xf32, #tpu.memory_space<vmem>>) offsets(%dma_start3A_118 : memref<128xi32, #tpu.memory_space<vmem>>) semaphore(%arg11 : memref<!tpu.dma_semaphore, #tpu.memory_space<semaphore_mem>>)
        %add3A_122 = arith.constant 1 : i32
        %add3A_123 = arith.addi %mul3A_98, %add3A_122 : i32
        %dma_wait3A_124 = arith.constant 0 : i32
        %dma_wait3A_125 = tpu.memref_slice %arg6[%add3A_123, %dma_wait3A_124] : memref<40x128xi32, #tpu.memory_space<vmem>> -> memref<1x128xi32, #tpu.memory_space<vmem>>
        %dma_wait3A_126 = tpu.memref_squeeze %dma_wait3A_125 : memref<1x128xi32, #tpu.memory_space<vmem>> -> memref<128xi32, #tpu.memory_space<vmem>>
        %dma_wait3A_127 = arith.constant 0 : i32
        %dma_wait3A_128 = arith.constant 0 : i32
        %dma_wait3A_129 = tpu.memref_slice %arg2[%dma_wait3A_127, %dma_wait3A_128] : memref<10000x128xf32, #tpu.memory_space<hbm>> -> memref<10000x128xf32, #tpu.memory_space<hbm>>
        tpu.wait_indirect_dma semaphore(%arg11 : memref<!tpu.dma_semaphore, #tpu.memory_space<semaphore_mem>>) src(%dma_wait3A_129 : memref<10000x128xf32, #tpu.memory_space<hbm>>) dst(%arg9 : memref<128x128xf32, #tpu.memory_space<vmem>>)
        %add3A_130 = arith.constant 1 : i32
        %add3A_131 = arith.addi %mul3A_98, %add3A_130 : i32
        "tpu.region"() ({
          %run_scoped3A = tpu.sem_alloc : memref<!tpu.dma_semaphore, #tpu.memory_space<semaphore_mem>>
          %dma_start3A_132 = arith.constant 0 : i32
          %dma_start3A_133 = tpu.memref_slice %arg7[%add3A_131, %dma_start3A_132] : memref<40x128xi32, #tpu.memory_space<vmem>> -> memref<1x128xi32, #tpu.memory_space<vmem>>
          %dma_start3A_134 = tpu.memref_squeeze %dma_start3A_133 : memref<1x128xi32, #tpu.memory_space<vmem>> -> memref<128xi32, #tpu.memory_space<vmem>>
          %dma_start3A_135 = arith.constant 0 : i32
          %dma_start3A_136 = arith.constant 0 : i32
          %dma_start3A_137 = tpu.memref_slice %arg10[%dma_start3A_135, %dma_start3A_136] : memref<10112x128xf32, #tpu.memory_space<vmem_shared>> -> memref<10112x128xf32, #tpu.memory_space<vmem_shared>>
          tpu.enqueue_indirect_dma source(%arg9 : memref<128x128xf32, #tpu.memory_space<vmem>>) target(%dma_start3A_137 : memref<10112x128xf32, #tpu.memory_space<vmem_shared>>) offsets(%dma_start3A_134 : memref<128xi32, #tpu.memory_space<vmem>>) semaphore(%run_scoped3A : memref<!tpu.dma_semaphore, #tpu.memory_space<semaphore_mem>>) {add = true}
          %dma_wait3A_138 = arith.constant 0 : i32
          %dma_wait3A_139 = tpu.memref_slice %arg7[%add3A_131, %dma_wait3A_138] : memref<40x128xi32, #tpu.memory_space<vmem>> -> memref<1x128xi32, #tpu.memory_space<vmem>>
          %dma_wait3A_140 = tpu.memref_squeeze %dma_wait3A_139 : memref<1x128xi32, #tpu.memory_space<vmem>> -> memref<128xi32, #tpu.memory_space<vmem>>
          %dma_wait3A_141 = arith.constant 0 : i32
          %dma_wait3A_142 = arith.constant 0 : i32
          %dma_wait3A_143 = tpu.memref_slice %arg10[%dma_wait3A_141, %dma_wait3A_142] : memref<10112x128xf32, #tpu.memory_space<vmem_shared>> -> memref<10112x128xf32, #tpu.memory_space<vmem_shared>>
          tpu.wait_indirect_dma semaphore(%run_scoped3A : memref<!tpu.dma_semaphore, #tpu.memory_space<semaphore_mem>>) src(%arg9 : memref<128x128xf32, #tpu.memory_space<vmem>>) dst(%dma_wait3A_143 : memref<10112x128xf32, #tpu.memory_space<vmem_shared>>)
          tpu.yield
        }) : () -> ()
      }
      %scan3A_47 = arith.constant 20 : i32
      %dma_wait3A_48 = arith.constant 39 : i32
      %dma_wait3A_49 = arith.constant 0 : i32
      %dma_wait3A_50 = tpu.memref_slice %arg6[%dma_wait3A_48, %dma_wait3A_49] : memref<40x128xi32, #tpu.memory_space<vmem>> -> memref<1x128xi32, #tpu.memory_space<vmem>>
      %dma_wait3A_51 = tpu.memref_squeeze %dma_wait3A_50 : memref<1x128xi32, #tpu.memory_space<vmem>> -> memref<128xi32, #tpu.memory_space<vmem>>
      %dma_wait3A_52 = arith.constant 0 : i32
      %dma_wait3A_53 = arith.constant 0 : i32
      %dma_wait3A_54 = tpu.memref_slice %arg2[%dma_wait3A_52, %dma_wait3A_53] : memref<10000x128xf32, #tpu.memory_space<hbm>> -> memref<10000x128xf32, #tpu.memory_space<hbm>>
      tpu.wait_indirect_dma semaphore(%arg11 : memref<!tpu.dma_semaphore, #tpu.memory_space<semaphore_mem>>) src(%dma_wait3A_54 : memref<10000x128xf32, #tpu.memory_space<hbm>>) dst(%arg8 : memref<128x128xf32, #tpu.memory_space<vmem>>)
      "tpu.region"() ({
        %run_scoped3A = tpu.sem_alloc : memref<!tpu.dma_semaphore, #tpu.memory_space<semaphore_mem>>
        %dma_start3A_96 = arith.constant 0 : i32
        %dma_start3A_97 = arith.constant 0 : i32
        %dma_start3A_98 = tpu.memref_slice %arg6[%dma_start3A_96, %dma_start3A_97] : memref<40x128xi32, #tpu.memory_space<vmem>> -> memref<40x128xi32, #tpu.memory_space<vmem>>
        %dma_start3A_99 = arith.constant 80 : i32
        %dma_start3A_100 = arith.constant 0 : i32
        %dma_start3A_101 = tpu.memref_slice %arg3[%arg1, %dma_start3A_99, %dma_start3A_100] : memref<16x160x128xi32, #tpu.memory_space<hbm>> -> memref<1x40x128xi32, #tpu.memory_space<hbm>>
        %dma_start3A_102 = tpu.memref_squeeze %dma_start3A_101 : memref<1x40x128xi32, #tpu.memory_space<hbm>> -> memref<40x128xi32, #tpu.memory_space<hbm>>
        %dma_start3A_103 = arith.constant 0 : i32
        %dma_start3A_104 = arith.constant 0 : i32
        %dma_start3A_105 = tpu.memref_slice %arg6[%dma_start3A_103, %dma_start3A_104] : memref<40x128xi32, #tpu.memory_space<vmem>> -> memref<40x128xi32, #tpu.memory_space<vmem>>
        %dma_start3A_106 = arith.constant 80 : i32
        %dma_start3A_107 = arith.constant 0 : i32
        %dma_start3A_108 = tpu.memref_slice %arg3[%arg1, %dma_start3A_106, %dma_start3A_107] : memref<16x160x128xi32, #tpu.memory_space<hbm>> -> memref<1x40x128xi32, #tpu.memory_space<hbm>>
        %dma_start3A_109 = tpu.memref_squeeze %dma_start3A_108 : memref<1x40x128xi32, #tpu.memory_space<hbm>> -> memref<40x128xi32, #tpu.memory_space<hbm>>
        tpu.enqueue_dma source(%dma_start3A_109 : memref<40x128xi32, #tpu.memory_space<hbm>>) target(%dma_start3A_105 : memref<40x128xi32, #tpu.memory_space<vmem>>) target_semaphore(%run_scoped3A : memref<!tpu.dma_semaphore, #tpu.memory_space<semaphore_mem>>)
        %dma_wait3A_110 = arith.constant 0 : i32
        %dma_wait3A_111 = arith.constant 0 : i32
        %dma_wait3A_112 = tpu.memref_slice %arg6[%dma_wait3A_110, %dma_wait3A_111] : memref<40x128xi32, #tpu.memory_space<vmem>> -> memref<40x128xi32, #tpu.memory_space<vmem>>
        %dma_wait3A_113 = arith.constant 80 : i32
        %dma_wait3A_114 = arith.constant 0 : i32
        %dma_wait3A_115 = tpu.memref_slice %arg3[%arg1, %dma_wait3A_113, %dma_wait3A_114] : memref<16x160x128xi32, #tpu.memory_space<hbm>> -> memref<1x40x128xi32, #tpu.memory_space<hbm>>
        %dma_wait3A_116 = tpu.memref_squeeze %dma_wait3A_115 : memref<1x40x128xi32, #tpu.memory_space<hbm>> -> memref<40x128xi32, #tpu.memory_space<hbm>>
        %dma_wait3A_117 = arith.constant 0 : i32
        %dma_wait3A_118 = arith.constant 0 : i32
        %dma_wait3A_119 = tpu.memref_slice %arg6[%dma_wait3A_117, %dma_wait3A_118] : memref<40x128xi32, #tpu.memory_space<vmem>> -> memref<40x128xi32, #tpu.memory_space<vmem>>
        %dma_wait3A_120 = arith.constant 80 : i32
        %dma_wait3A_121 = arith.constant 0 : i32
        %dma_wait3A_122 = tpu.memref_slice %arg3[%arg1, %dma_wait3A_120, %dma_wait3A_121] : memref<16x160x128xi32, #tpu.memory_space<hbm>> -> memref<1x40x128xi32, #tpu.memory_space<hbm>>
        %dma_wait3A_123 = tpu.memref_squeeze %dma_wait3A_122 : memref<1x40x128xi32, #tpu.memory_space<hbm>> -> memref<40x128xi32, #tpu.memory_space<hbm>>
        tpu.wait_dma2 semaphore(%run_scoped3A : memref<!tpu.dma_semaphore, #tpu.memory_space<semaphore_mem>>) src(%dma_wait3A_123 : memref<40x128xi32, #tpu.memory_space<hbm>>) dst(%dma_wait3A_119 : memref<40x128xi32, #tpu.memory_space<vmem>>)
        tpu.yield
      }) : () -> ()
      "tpu.region"() ({
        %run_scoped3A = tpu.sem_alloc : memref<!tpu.dma_semaphore, #tpu.memory_space<semaphore_mem>>
        %dma_start3A_96 = arith.constant 0 : i32
        %dma_start3A_97 = arith.constant 0 : i32
        %dma_start3A_98 = tpu.memref_slice %arg7[%dma_start3A_96, %dma_start3A_97] : memref<40x128xi32, #tpu.memory_space<vmem>> -> memref<40x128xi32, #tpu.memory_space<vmem>>
        %dma_start3A_99 = arith.constant 80 : i32
        %dma_start3A_100 = arith.constant 0 : i32
        %dma_start3A_101 = tpu.memref_slice %arg4[%arg1, %dma_start3A_99, %dma_start3A_100] : memref<16x160x128xi32, #tpu.memory_space<hbm>> -> memref<1x40x128xi32, #tpu.memory_space<hbm>>
        %dma_start3A_102 = tpu.memref_squeeze %dma_start3A_101 : memref<1x40x128xi32, #tpu.memory_space<hbm>> -> memref<40x128xi32, #tpu.memory_space<hbm>>
        %dma_start3A_103 = arith.constant 0 : i32
        %dma_start3A_104 = arith.constant 0 : i32
        %dma_start3A_105 = tpu.memref_slice %arg7[%dma_start3A_103, %dma_start3A_104] : memref<40x128xi32, #tpu.memory_space<vmem>> -> memref<40x128xi32, #tpu.memory_space<vmem>>
        %dma_start3A_106 = arith.constant 80 : i32
        %dma_start3A_107 = arith.constant 0 : i32
        %dma_start3A_108 = tpu.memref_slice %arg4[%arg1, %dma_start3A_106, %dma_start3A_107] : memref<16x160x128xi32, #tpu.memory_space<hbm>> -> memref<1x40x128xi32, #tpu.memory_space<hbm>>
        %dma_start3A_109 = tpu.memref_squeeze %dma_start3A_108 : memref<1x40x128xi32, #tpu.memory_space<hbm>> -> memref<40x128xi32, #tpu.memory_space<hbm>>
        tpu.enqueue_dma source(%dma_start3A_109 : memref<40x128xi32, #tpu.memory_space<hbm>>) target(%dma_start3A_105 : memref<40x128xi32, #tpu.memory_space<vmem>>) target_semaphore(%run_scoped3A : memref<!tpu.dma_semaphore, #tpu.memory_space<semaphore_mem>>)
        %dma_wait3A_110 = arith.constant 0 : i32
        %dma_wait3A_111 = arith.constant 0 : i32
        %dma_wait3A_112 = tpu.memref_slice %arg7[%dma_wait3A_110, %dma_wait3A_111] : memref<40x128xi32, #tpu.memory_space<vmem>> -> memref<40x128xi32, #tpu.memory_space<vmem>>
        %dma_wait3A_113 = arith.constant 80 : i32
        %dma_wait3A_114 = arith.constant 0 : i32
        %dma_wait3A_115 = tpu.memref_slice %arg4[%arg1, %dma_wait3A_113, %dma_wait3A_114] : memref<16x160x128xi32, #tpu.memory_space<hbm>> -> memref<1x40x128xi32, #tpu.memory_space<hbm>>
        %dma_wait3A_116 = tpu.memref_squeeze %dma_wait3A_115 : memref<1x40x128xi32, #tpu.memory_space<hbm>> -> memref<40x128xi32, #tpu.memory_space<hbm>>
        %dma_wait3A_117 = arith.constant 0 : i32
        %dma_wait3A_118 = arith.constant 0 : i32
        %dma_wait3A_119 = tpu.memref_slice %arg7[%dma_wait3A_117, %dma_wait3A_118] : memref<40x128xi32, #tpu.memory_space<vmem>> -> memref<40x128xi32, #tpu.memory_space<vmem>>
        %dma_wait3A_120 = arith.constant 80 : i32
        %dma_wait3A_121 = arith.constant 0 : i32
        %dma_wait3A_122 = tpu.memref_slice %arg4[%arg1, %dma_wait3A_120, %dma_wait3A_121] : memref<16x160x128xi32, #tpu.memory_space<hbm>> -> memref<1x40x128xi32, #tpu.memory_space<hbm>>
        %dma_wait3A_123 = tpu.memref_squeeze %dma_wait3A_122 : memref<1x40x128xi32, #tpu.memory_space<hbm>> -> memref<40x128xi32, #tpu.memory_space<hbm>>
        tpu.wait_dma2 semaphore(%run_scoped3A : memref<!tpu.dma_semaphore, #tpu.memory_space<semaphore_mem>>) src(%dma_wait3A_123 : memref<40x128xi32, #tpu.memory_space<hbm>>) dst(%dma_wait3A_119 : memref<40x128xi32, #tpu.memory_space<vmem>>)
        tpu.yield
      }) : () -> ()
      %dma_start3A_55 = arith.constant 0 : i32
      %dma_start3A_56 = arith.constant 0 : i32
      %dma_start3A_57 = tpu.memref_slice %arg6[%dma_start3A_55, %dma_start3A_56] : memref<40x128xi32, #tpu.memory_space<vmem>> -> memref<1x128xi32, #tpu.memory_space<vmem>>
      %dma_start3A_58 = tpu.memref_squeeze %dma_start3A_57 : memref<1x128xi32, #tpu.memory_space<vmem>> -> memref<128xi32, #tpu.memory_space<vmem>>
      %dma_start3A_59 = arith.constant 0 : i32
      %dma_start3A_60 = arith.constant 0 : i32
      %dma_start3A_61 = tpu.memref_slice %arg2[%dma_start3A_59, %dma_start3A_60] : memref<10000x128xf32, #tpu.memory_space<hbm>> -> memref<10000x128xf32, #tpu.memory_space<hbm>>
      tpu.enqueue_indirect_dma source(%dma_start3A_61 : memref<10000x128xf32, #tpu.memory_space<hbm>>) target(%arg8 : memref<128x128xf32, #tpu.memory_space<vmem>>) offsets(%dma_start3A_58 : memref<128xi32, #tpu.memory_space<vmem>>) semaphore(%arg11 : memref<!tpu.dma_semaphore, #tpu.memory_space<semaphore_mem>>)
      %scan3A_62 = arith.constant 0 : i32
      %scan3A_63 = arith.constant 0 : i32
      %scan3A_64 = arith.constant 20 : i32
      %scan3A_65 = arith.addi %scan3A_63, %scan3A_64 : i32
      %scan3A_66 = arith.constant 1 : i32
      scf.for %scan3A_96 = %scan3A_63 to %scan3A_65 step %scan3A_66  : i32 {
        %mul3A_97 = arith.constant 2 : i32
        %mul3A_98 = arith.muli %mul3A_97, %scan3A_96 : i32
        %add3A_99 = arith.constant 1 : i32
        %add3A_100 = arith.addi %mul3A_98, %add3A_99 : i32
        %dma_start3A_101 = arith.constant 0 : i32
        %dma_start3A_102 = tpu.memref_slice %arg6[%add3A_100, %dma_start3A_101] : memref<40x128xi32, #tpu.memory_space<vmem>> -> memref<1x128xi32, #tpu.memory_space<vmem>>
        %dma_start3A_103 = tpu.memref_squeeze %dma_start3A_102 : memref<1x128xi32, #tpu.memory_space<vmem>> -> memref<128xi32, #tpu.memory_space<vmem>>
        %dma_start3A_104 = arith.constant 0 : i32
        %dma_start3A_105 = arith.constant 0 : i32
        %dma_start3A_106 = tpu.memref_slice %arg2[%dma_start3A_104, %dma_start3A_105] : memref<10000x128xf32, #tpu.memory_space<hbm>> -> memref<10000x128xf32, #tpu.memory_space<hbm>>
        tpu.enqueue_indirect_dma source(%dma_start3A_106 : memref<10000x128xf32, #tpu.memory_space<hbm>>) target(%arg9 : memref<128x128xf32, #tpu.memory_space<vmem>>) offsets(%dma_start3A_103 : memref<128xi32, #tpu.memory_space<vmem>>) semaphore(%arg11 : memref<!tpu.dma_semaphore, #tpu.memory_space<semaphore_mem>>)
        %dma_wait3A_107 = arith.constant 0 : i32
        %dma_wait3A_108 = tpu.memref_slice %arg6[%mul3A_98, %dma_wait3A_107] : memref<40x128xi32, #tpu.memory_space<vmem>> -> memref<1x128xi32, #tpu.memory_space<vmem>>
        %dma_wait3A_109 = tpu.memref_squeeze %dma_wait3A_108 : memref<1x128xi32, #tpu.memory_space<vmem>> -> memref<128xi32, #tpu.memory_space<vmem>>
        %dma_wait3A_110 = arith.constant 0 : i32
        %dma_wait3A_111 = arith.constant 0 : i32
        %dma_wait3A_112 = tpu.memref_slice %arg2[%dma_wait3A_110, %dma_wait3A_111] : memref<10000x128xf32, #tpu.memory_space<hbm>> -> memref<10000x128xf32, #tpu.memory_space<hbm>>
        tpu.wait_indirect_dma semaphore(%arg11 : memref<!tpu.dma_semaphore, #tpu.memory_space<semaphore_mem>>) src(%dma_wait3A_112 : memref<10000x128xf32, #tpu.memory_space<hbm>>) dst(%arg8 : memref<128x128xf32, #tpu.memory_space<vmem>>)
        "tpu.region"() ({
          %run_scoped3A = tpu.sem_alloc : memref<!tpu.dma_semaphore, #tpu.memory_space<semaphore_mem>>
          %dma_start3A_132 = arith.constant 0 : i32
          %dma_start3A_133 = tpu.memref_slice %arg7[%mul3A_98, %dma_start3A_132] : memref<40x128xi32, #tpu.memory_space<vmem>> -> memref<1x128xi32, #tpu.memory_space<vmem>>
          %dma_start3A_134 = tpu.memref_squeeze %dma_start3A_133 : memref<1x128xi32, #tpu.memory_space<vmem>> -> memref<128xi32, #tpu.memory_space<vmem>>
          %dma_start3A_135 = arith.constant 0 : i32
          %dma_start3A_136 = arith.constant 0 : i32
          %dma_start3A_137 = tpu.memref_slice %arg10[%dma_start3A_135, %dma_start3A_136] : memref<10112x128xf32, #tpu.memory_space<vmem_shared>> -> memref<10112x128xf32, #tpu.memory_space<vmem_shared>>
          tpu.enqueue_indirect_dma source(%arg8 : memref<128x128xf32, #tpu.memory_space<vmem>>) target(%dma_start3A_137 : memref<10112x128xf32, #tpu.memory_space<vmem_shared>>) offsets(%dma_start3A_134 : memref<128xi32, #tpu.memory_space<vmem>>) semaphore(%run_scoped3A : memref<!tpu.dma_semaphore, #tpu.memory_space<semaphore_mem>>) {add = true}
          %dma_wait3A_138 = arith.constant 0 : i32
          %dma_wait3A_139 = tpu.memref_slice %arg7[%mul3A_98, %dma_wait3A_138] : memref<40x128xi32, #tpu.memory_space<vmem>> -> memref<1x128xi32, #tpu.memory_space<vmem>>
          %dma_wait3A_140 = tpu.memref_squeeze %dma_wait3A_139 : memref<1x128xi32, #tpu.memory_space<vmem>> -> memref<128xi32, #tpu.memory_space<vmem>>
          %dma_wait3A_141 = arith.constant 0 : i32
          %dma_wait3A_142 = arith.constant 0 : i32
          %dma_wait3A_143 = tpu.memref_slice %arg10[%dma_wait3A_141, %dma_wait3A_142] : memref<10112x128xf32, #tpu.memory_space<vmem_shared>> -> memref<10112x128xf32, #tpu.memory_space<vmem_shared>>
          tpu.wait_indirect_dma semaphore(%run_scoped3A : memref<!tpu.dma_semaphore, #tpu.memory_space<semaphore_mem>>) src(%arg8 : memref<128x128xf32, #tpu.memory_space<vmem>>) dst(%dma_wait3A_143 : memref<10112x128xf32, #tpu.memory_space<vmem_shared>>)
          tpu.yield
        }) : () -> ()
        %add3A_113 = arith.constant 2 : i32
        %add3A_114 = arith.addi %mul3A_98, %add3A_113 : i32
        %min3A = arith.constant 39 : i32
        %min3A_115 = arith.minsi %add3A_114, %min3A : i32
        %dma_start3A_116 = arith.constant 0 : i32
        %dma_start3A_117 = tpu.memref_slice %arg6[%min3A_115, %dma_start3A_116] : memref<40x128xi32, #tpu.memory_space<vmem>> -> memref<1x128xi32, #tpu.memory_space<vmem>>
        %dma_start3A_118 = tpu.memref_squeeze %dma_start3A_117 : memref<1x128xi32, #tpu.memory_space<vmem>> -> memref<128xi32, #tpu.memory_space<vmem>>
        %dma_start3A_119 = arith.constant 0 : i32
        %dma_start3A_120 = arith.constant 0 : i32
        %dma_start3A_121 = tpu.memref_slice %arg2[%dma_start3A_119, %dma_start3A_120] : memref<10000x128xf32, #tpu.memory_space<hbm>> -> memref<10000x128xf32, #tpu.memory_space<hbm>>
        tpu.enqueue_indirect_dma source(%dma_start3A_121 : memref<10000x128xf32, #tpu.memory_space<hbm>>) target(%arg8 : memref<128x128xf32, #tpu.memory_space<vmem>>) offsets(%dma_start3A_118 : memref<128xi32, #tpu.memory_space<vmem>>) semaphore(%arg11 : memref<!tpu.dma_semaphore, #tpu.memory_space<semaphore_mem>>)
        %add3A_122 = arith.constant 1 : i32
        %add3A_123 = arith.addi %mul3A_98, %add3A_122 : i32
        %dma_wait3A_124 = arith.constant 0 : i32
        %dma_wait3A_125 = tpu.memref_slice %arg6[%add3A_123, %dma_wait3A_124] : memref<40x128xi32, #tpu.memory_space<vmem>> -> memref<1x128xi32, #tpu.memory_space<vmem>>
        %dma_wait3A_126 = tpu.memref_squeeze %dma_wait3A_125 : memref<1x128xi32, #tpu.memory_space<vmem>> -> memref<128xi32, #tpu.memory_space<vmem>>
        %dma_wait3A_127 = arith.constant 0 : i32
        %dma_wait3A_128 = arith.constant 0 : i32
        %dma_wait3A_129 = tpu.memref_slice %arg2[%dma_wait3A_127, %dma_wait3A_128] : memref<10000x128xf32, #tpu.memory_space<hbm>> -> memref<10000x128xf32, #tpu.memory_space<hbm>>
        tpu.wait_indirect_dma semaphore(%arg11 : memref<!tpu.dma_semaphore, #tpu.memory_space<semaphore_mem>>) src(%dma_wait3A_129 : memref<10000x128xf32, #tpu.memory_space<hbm>>) dst(%arg9 : memref<128x128xf32, #tpu.memory_space<vmem>>)
        %add3A_130 = arith.constant 1 : i32
        %add3A_131 = arith.addi %mul3A_98, %add3A_130 : i32
        "tpu.region"() ({
          %run_scoped3A = tpu.sem_alloc : memref<!tpu.dma_semaphore, #tpu.memory_space<semaphore_mem>>
          %dma_start3A_132 = arith.constant 0 : i32
          %dma_start3A_133 = tpu.memref_slice %arg7[%add3A_131, %dma_start3A_132] : memref<40x128xi32, #tpu.memory_space<vmem>> -> memref<1x128xi32, #tpu.memory_space<vmem>>
          %dma_start3A_134 = tpu.memref_squeeze %dma_start3A_133 : memref<1x128xi32, #tpu.memory_space<vmem>> -> memref<128xi32, #tpu.memory_space<vmem>>
          %dma_start3A_135 = arith.constant 0 : i32
          %dma_start3A_136 = arith.constant 0 : i32
          %dma_start3A_137 = tpu.memref_slice %arg10[%dma_start3A_135, %dma_start3A_136] : memref<10112x128xf32, #tpu.memory_space<vmem_shared>> -> memref<10112x128xf32, #tpu.memory_space<vmem_shared>>
          tpu.enqueue_indirect_dma source(%arg9 : memref<128x128xf32, #tpu.memory_space<vmem>>) target(%dma_start3A_137 : memref<10112x128xf32, #tpu.memory_space<vmem_shared>>) offsets(%dma_start3A_134 : memref<128xi32, #tpu.memory_space<vmem>>) semaphore(%run_scoped3A : memref<!tpu.dma_semaphore, #tpu.memory_space<semaphore_mem>>) {add = true}
          %dma_wait3A_138 = arith.constant 0 : i32
          %dma_wait3A_139 = tpu.memref_slice %arg7[%add3A_131, %dma_wait3A_138] : memref<40x128xi32, #tpu.memory_space<vmem>> -> memref<1x128xi32, #tpu.memory_space<vmem>>
          %dma_wait3A_140 = tpu.memref_squeeze %dma_wait3A_139 : memref<1x128xi32, #tpu.memory_space<vmem>> -> memref<128xi32, #tpu.memory_space<vmem>>
          %dma_wait3A_141 = arith.constant 0 : i32
          %dma_wait3A_142 = arith.constant 0 : i32
          %dma_wait3A_143 = tpu.memref_slice %arg10[%dma_wait3A_141, %dma_wait3A_142] : memref<10112x128xf32, #tpu.memory_space<vmem_shared>> -> memref<10112x128xf32, #tpu.memory_space<vmem_shared>>
          tpu.wait_indirect_dma semaphore(%run_scoped3A : memref<!tpu.dma_semaphore, #tpu.memory_space<semaphore_mem>>) src(%arg9 : memref<128x128xf32, #tpu.memory_space<vmem>>) dst(%dma_wait3A_143 : memref<10112x128xf32, #tpu.memory_space<vmem_shared>>)
          tpu.yield
        }) : () -> ()
      }
      %scan3A_67 = arith.constant 20 : i32
      %dma_wait3A_68 = arith.constant 39 : i32
      %dma_wait3A_69 = arith.constant 0 : i32
      %dma_wait3A_70 = tpu.memref_slice %arg6[%dma_wait3A_68, %dma_wait3A_69] : memref<40x128xi32, #tpu.memory_space<vmem>> -> memref<1x128xi32, #tpu.memory_space<vmem>>
      %dma_wait3A_71 = tpu.memref_squeeze %dma_wait3A_70 : memref<1x128xi32, #tpu.memory_space<vmem>> -> memref<128xi32, #tpu.memory_space<vmem>>
      %dma_wait3A_72 = arith.constant 0 : i32
      %dma_wait3A_73 = arith.constant 0 : i32
      %dma_wait3A_74 = tpu.memref_slice %arg2[%dma_wait3A_72, %dma_wait3A_73] : memref<10000x128xf32, #tpu.memory_space<hbm>> -> memref<10000x128xf32, #tpu.memory_space<hbm>>
      tpu.wait_indirect_dma semaphore(%arg11 : memref<!tpu.dma_semaphore, #tpu.memory_space<semaphore_mem>>) src(%dma_wait3A_74 : memref<10000x128xf32, #tpu.memory_space<hbm>>) dst(%arg8 : memref<128x128xf32, #tpu.memory_space<vmem>>)
      "tpu.region"() ({
        %run_scoped3A = tpu.sem_alloc : memref<!tpu.dma_semaphore, #tpu.memory_space<semaphore_mem>>
        %dma_start3A_96 = arith.constant 0 : i32
        %dma_start3A_97 = arith.constant 0 : i32
        %dma_start3A_98 = tpu.memref_slice %arg6[%dma_start3A_96, %dma_start3A_97] : memref<40x128xi32, #tpu.memory_space<vmem>> -> memref<40x128xi32, #tpu.memory_space<vmem>>
        %dma_start3A_99 = arith.constant 120 : i32
        %dma_start3A_100 = arith.constant 0 : i32
        %dma_start3A_101 = tpu.memref_slice %arg3[%arg1, %dma_start3A_99, %dma_start3A_100] : memref<16x160x128xi32, #tpu.memory_space<hbm>> -> memref<1x40x128xi32, #tpu.memory_space<hbm>>
        %dma_start3A_102 = tpu.memref_squeeze %dma_start3A_101 : memref<1x40x128xi32, #tpu.memory_space<hbm>> -> memref<40x128xi32, #tpu.memory_space<hbm>>
        %dma_start3A_103 = arith.constant 0 : i32
        %dma_start3A_104 = arith.constant 0 : i32
        %dma_start3A_105 = tpu.memref_slice %arg6[%dma_start3A_103, %dma_start3A_104] : memref<40x128xi32, #tpu.memory_space<vmem>> -> memref<40x128xi32, #tpu.memory_space<vmem>>
        %dma_start3A_106 = arith.constant 120 : i32
        %dma_start3A_107 = arith.constant 0 : i32
        %dma_start3A_108 = tpu.memref_slice %arg3[%arg1, %dma_start3A_106, %dma_start3A_107] : memref<16x160x128xi32, #tpu.memory_space<hbm>> -> memref<1x40x128xi32, #tpu.memory_space<hbm>>
        %dma_start3A_109 = tpu.memref_squeeze %dma_start3A_108 : memref<1x40x128xi32, #tpu.memory_space<hbm>> -> memref<40x128xi32, #tpu.memory_space<hbm>>
        tpu.enqueue_dma source(%dma_start3A_109 : memref<40x128xi32, #tpu.memory_space<hbm>>) target(%dma_start3A_105 : memref<40x128xi32, #tpu.memory_space<vmem>>) target_semaphore(%run_scoped3A : memref<!tpu.dma_semaphore, #tpu.memory_space<semaphore_mem>>)
        %dma_wait3A_110 = arith.constant 0 : i32
        %dma_wait3A_111 = arith.constant 0 : i32
        %dma_wait3A_112 = tpu.memref_slice %arg6[%dma_wait3A_110, %dma_wait3A_111] : memref<40x128xi32, #tpu.memory_space<vmem>> -> memref<40x128xi32, #tpu.memory_space<vmem>>
        %dma_wait3A_113 = arith.constant 120 : i32
        %dma_wait3A_114 = arith.constant 0 : i32
        %dma_wait3A_115 = tpu.memref_slice %arg3[%arg1, %dma_wait3A_113, %dma_wait3A_114] : memref<16x160x128xi32, #tpu.memory_space<hbm>> -> memref<1x40x128xi32, #tpu.memory_space<hbm>>
        %dma_wait3A_116 = tpu.memref_squeeze %dma_wait3A_115 : memref<1x40x128xi32, #tpu.memory_space<hbm>> -> memref<40x128xi32, #tpu.memory_space<hbm>>
        %dma_wait3A_117 = arith.constant 0 : i32
        %dma_wait3A_118 = arith.constant 0 : i32
        %dma_wait3A_119 = tpu.memref_slice %arg6[%dma_wait3A_117, %dma_wait3A_118] : memref<40x128xi32, #tpu.memory_space<vmem>> -> memref<40x128xi32, #tpu.memory_space<vmem>>
        %dma_wait3A_120 = arith.constant 120 : i32
        %dma_wait3A_121 = arith.constant 0 : i32
        %dma_wait3A_122 = tpu.memref_slice %arg3[%arg1, %dma_wait3A_120, %dma_wait3A_121] : memref<16x160x128xi32, #tpu.memory_space<hbm>> -> memref<1x40x128xi32, #tpu.memory_space<hbm>>
        %dma_wait3A_123 = tpu.memref_squeeze %dma_wait3A_122 : memref<1x40x128xi32, #tpu.memory_space<hbm>> -> memref<40x128xi32, #tpu.memory_space<hbm>>
        tpu.wait_dma2 semaphore(%run_scoped3A : memref<!tpu.dma_semaphore, #tpu.memory_space<semaphore_mem>>) src(%dma_wait3A_123 : memref<40x128xi32, #tpu.memory_space<hbm>>) dst(%dma_wait3A_119 : memref<40x128xi32, #tpu.memory_space<vmem>>)
        tpu.yield
      }) : () -> ()
      "tpu.region"() ({
        %run_scoped3A = tpu.sem_alloc : memref<!tpu.dma_semaphore, #tpu.memory_space<semaphore_mem>>
        %dma_start3A_96 = arith.constant 0 : i32
        %dma_start3A_97 = arith.constant 0 : i32
        %dma_start3A_98 = tpu.memref_slice %arg7[%dma_start3A_96, %dma_start3A_97] : memref<40x128xi32, #tpu.memory_space<vmem>> -> memref<40x128xi32, #tpu.memory_space<vmem>>
        %dma_start3A_99 = arith.constant 120 : i32
        %dma_start3A_100 = arith.constant 0 : i32
        %dma_start3A_101 = tpu.memref_slice %arg4[%arg1, %dma_start3A_99, %dma_start3A_100] : memref<16x160x128xi32, #tpu.memory_space<hbm>> -> memref<1x40x128xi32, #tpu.memory_space<hbm>>
        %dma_start3A_102 = tpu.memref_squeeze %dma_start3A_101 : memref<1x40x128xi32, #tpu.memory_space<hbm>> -> memref<40x128xi32, #tpu.memory_space<hbm>>
        %dma_start3A_103 = arith.constant 0 : i32
        %dma_start3A_104 = arith.constant 0 : i32
        %dma_start3A_105 = tpu.memref_slice %arg7[%dma_start3A_103, %dma_start3A_104] : memref<40x128xi32, #tpu.memory_space<vmem>> -> memref<40x128xi32, #tpu.memory_space<vmem>>
        %dma_start3A_106 = arith.constant 120 : i32
        %dma_start3A_107 = arith.constant 0 : i32
        %dma_start3A_108 = tpu.memref_slice %arg4[%arg1, %dma_start3A_106, %dma_start3A_107] : memref<16x160x128xi32, #tpu.memory_space<hbm>> -> memref<1x40x128xi32, #tpu.memory_space<hbm>>
        %dma_start3A_109 = tpu.memref_squeeze %dma_start3A_108 : memref<1x40x128xi32, #tpu.memory_space<hbm>> -> memref<40x128xi32, #tpu.memory_space<hbm>>
        tpu.enqueue_dma source(%dma_start3A_109 : memref<40x128xi32, #tpu.memory_space<hbm>>) target(%dma_start3A_105 : memref<40x128xi32, #tpu.memory_space<vmem>>) target_semaphore(%run_scoped3A : memref<!tpu.dma_semaphore, #tpu.memory_space<semaphore_mem>>)
        %dma_wait3A_110 = arith.constant 0 : i32
        %dma_wait3A_111 = arith.constant 0 : i32
        %dma_wait3A_112 = tpu.memref_slice %arg7[%dma_wait3A_110, %dma_wait3A_111] : memref<40x128xi32, #tpu.memory_space<vmem>> -> memref<40x128xi32, #tpu.memory_space<vmem>>
        %dma_wait3A_113 = arith.constant 120 : i32
        %dma_wait3A_114 = arith.constant 0 : i32
        %dma_wait3A_115 = tpu.memref_slice %arg4[%arg1, %dma_wait3A_113, %dma_wait3A_114] : memref<16x160x128xi32, #tpu.memory_space<hbm>> -> memref<1x40x128xi32, #tpu.memory_space<hbm>>
        %dma_wait3A_116 = tpu.memref_squeeze %dma_wait3A_115 : memref<1x40x128xi32, #tpu.memory_space<hbm>> -> memref<40x128xi32, #tpu.memory_space<hbm>>
        %dma_wait3A_117 = arith.constant 0 : i32
        %dma_wait3A_118 = arith.constant 0 : i32
        %dma_wait3A_119 = tpu.memref_slice %arg7[%dma_wait3A_117, %dma_wait3A_118] : memref<40x128xi32, #tpu.memory_space<vmem>> -> memref<40x128xi32, #tpu.memory_space<vmem>>
        %dma_wait3A_120 = arith.constant 120 : i32
        %dma_wait3A_121 = arith.constant 0 : i32
        %dma_wait3A_122 = tpu.memref_slice %arg4[%arg1, %dma_wait3A_120, %dma_wait3A_121] : memref<16x160x128xi32, #tpu.memory_space<hbm>> -> memref<1x40x128xi32, #tpu.memory_space<hbm>>
        %dma_wait3A_123 = tpu.memref_squeeze %dma_wait3A_122 : memref<1x40x128xi32, #tpu.memory_space<hbm>> -> memref<40x128xi32, #tpu.memory_space<hbm>>
        tpu.wait_dma2 semaphore(%run_scoped3A : memref<!tpu.dma_semaphore, #tpu.memory_space<semaphore_mem>>) src(%dma_wait3A_123 : memref<40x128xi32, #tpu.memory_space<hbm>>) dst(%dma_wait3A_119 : memref<40x128xi32, #tpu.memory_space<vmem>>)
        tpu.yield
      }) : () -> ()
      %dma_start3A_75 = arith.constant 0 : i32
      %dma_start3A_76 = arith.constant 0 : i32
      %dma_start3A_77 = tpu.memref_slice %arg6[%dma_start3A_75, %dma_start3A_76] : memref<40x128xi32, #tpu.memory_space<vmem>> -> memref<1x128xi32, #tpu.memory_space<vmem>>
      %dma_start3A_78 = tpu.memref_squeeze %dma_start3A_77 : memref<1x128xi32, #tpu.memory_space<vmem>> -> memref<128xi32, #tpu.memory_space<vmem>>
      %dma_start3A_79 = arith.constant 0 : i32
      %dma_start3A_80 = arith.constant 0 : i32
      %dma_start3A_81 = tpu.memref_slice %arg2[%dma_start3A_79, %dma_start3A_80] : memref<10000x128xf32, #tpu.memory_space<hbm>> -> memref<10000x128xf32, #tpu.memory_space<hbm>>
      tpu.enqueue_indirect_dma source(%dma_start3A_81 : memref<10000x128xf32, #tpu.memory_space<hbm>>) target(%arg8 : memref<128x128xf32, #tpu.memory_space<vmem>>) offsets(%dma_start3A_78 : memref<128xi32, #tpu.memory_space<vmem>>) semaphore(%arg11 : memref<!tpu.dma_semaphore, #tpu.memory_space<semaphore_mem>>)
      %scan3A_82 = arith.constant 0 : i32
      %scan3A_83 = arith.constant 0 : i32
      %scan3A_84 = arith.constant 20 : i32
      %scan3A_85 = arith.addi %scan3A_83, %scan3A_84 : i32
      %scan3A_86 = arith.constant 1 : i32
      scf.for %scan3A_96 = %scan3A_83 to %scan3A_85 step %scan3A_86  : i32 {
        %mul3A_97 = arith.constant 2 : i32
        %mul3A_98 = arith.muli %mul3A_97, %scan3A_96 : i32
        %add3A_99 = arith.constant 1 : i32
        %add3A_100 = arith.addi %mul3A_98, %add3A_99 : i32
        %dma_start3A_101 = arith.constant 0 : i32
        %dma_start3A_102 = tpu.memref_slice %arg6[%add3A_100, %dma_start3A_101] : memref<40x128xi32, #tpu.memory_space<vmem>> -> memref<1x128xi32, #tpu.memory_space<vmem>>
        %dma_start3A_103 = tpu.memref_squeeze %dma_start3A_102 : memref<1x128xi32, #tpu.memory_space<vmem>> -> memref<128xi32, #tpu.memory_space<vmem>>
        %dma_start3A_104 = arith.constant 0 : i32
        %dma_start3A_105 = arith.constant 0 : i32
        %dma_start3A_106 = tpu.memref_slice %arg2[%dma_start3A_104, %dma_start3A_105] : memref<10000x128xf32, #tpu.memory_space<hbm>> -> memref<10000x128xf32, #tpu.memory_space<hbm>>
        tpu.enqueue_indirect_dma source(%dma_start3A_106 : memref<10000x128xf32, #tpu.memory_space<hbm>>) target(%arg9 : memref<128x128xf32, #tpu.memory_space<vmem>>) offsets(%dma_start3A_103 : memref<128xi32, #tpu.memory_space<vmem>>) semaphore(%arg11 : memref<!tpu.dma_semaphore, #tpu.memory_space<semaphore_mem>>)
        %dma_wait3A_107 = arith.constant 0 : i32
        %dma_wait3A_108 = tpu.memref_slice %arg6[%mul3A_98, %dma_wait3A_107] : memref<40x128xi32, #tpu.memory_space<vmem>> -> memref<1x128xi32, #tpu.memory_space<vmem>>
        %dma_wait3A_109 = tpu.memref_squeeze %dma_wait3A_108 : memref<1x128xi32, #tpu.memory_space<vmem>> -> memref<128xi32, #tpu.memory_space<vmem>>
        %dma_wait3A_110 = arith.constant 0 : i32
        %dma_wait3A_111 = arith.constant 0 : i32
        %dma_wait3A_112 = tpu.memref_slice %arg2[%dma_wait3A_110, %dma_wait3A_111] : memref<10000x128xf32, #tpu.memory_space<hbm>> -> memref<10000x128xf32, #tpu.memory_space<hbm>>
        tpu.wait_indirect_dma semaphore(%arg11 : memref<!tpu.dma_semaphore, #tpu.memory_space<semaphore_mem>>) src(%dma_wait3A_112 : memref<10000x128xf32, #tpu.memory_space<hbm>>) dst(%arg8 : memref<128x128xf32, #tpu.memory_space<vmem>>)
        "tpu.region"() ({
          %run_scoped3A = tpu.sem_alloc : memref<!tpu.dma_semaphore, #tpu.memory_space<semaphore_mem>>
          %dma_start3A_132 = arith.constant 0 : i32
          %dma_start3A_133 = tpu.memref_slice %arg7[%mul3A_98, %dma_start3A_132] : memref<40x128xi32, #tpu.memory_space<vmem>> -> memref<1x128xi32, #tpu.memory_space<vmem>>
          %dma_start3A_134 = tpu.memref_squeeze %dma_start3A_133 : memref<1x128xi32, #tpu.memory_space<vmem>> -> memref<128xi32, #tpu.memory_space<vmem>>
          %dma_start3A_135 = arith.constant 0 : i32
          %dma_start3A_136 = arith.constant 0 : i32
          %dma_start3A_137 = tpu.memref_slice %arg10[%dma_start3A_135, %dma_start3A_136] : memref<10112x128xf32, #tpu.memory_space<vmem_shared>> -> memref<10112x128xf32, #tpu.memory_space<vmem_shared>>
          tpu.enqueue_indirect_dma source(%arg8 : memref<128x128xf32, #tpu.memory_space<vmem>>) target(%dma_start3A_137 : memref<10112x128xf32, #tpu.memory_space<vmem_shared>>) offsets(%dma_start3A_134 : memref<128xi32, #tpu.memory_space<vmem>>) semaphore(%run_scoped3A : memref<!tpu.dma_semaphore, #tpu.memory_space<semaphore_mem>>) {add = true}
          %dma_wait3A_138 = arith.constant 0 : i32
          %dma_wait3A_139 = tpu.memref_slice %arg7[%mul3A_98, %dma_wait3A_138] : memref<40x128xi32, #tpu.memory_space<vmem>> -> memref<1x128xi32, #tpu.memory_space<vmem>>
          %dma_wait3A_140 = tpu.memref_squeeze %dma_wait3A_139 : memref<1x128xi32, #tpu.memory_space<vmem>> -> memref<128xi32, #tpu.memory_space<vmem>>
          %dma_wait3A_141 = arith.constant 0 : i32
          %dma_wait3A_142 = arith.constant 0 : i32
          %dma_wait3A_143 = tpu.memref_slice %arg10[%dma_wait3A_141, %dma_wait3A_142] : memref<10112x128xf32, #tpu.memory_space<vmem_shared>> -> memref<10112x128xf32, #tpu.memory_space<vmem_shared>>
          tpu.wait_indirect_dma semaphore(%run_scoped3A : memref<!tpu.dma_semaphore, #tpu.memory_space<semaphore_mem>>) src(%arg8 : memref<128x128xf32, #tpu.memory_space<vmem>>) dst(%dma_wait3A_143 : memref<10112x128xf32, #tpu.memory_space<vmem_shared>>)
          tpu.yield
        }) : () -> ()
        %add3A_113 = arith.constant 2 : i32
        %add3A_114 = arith.addi %mul3A_98, %add3A_113 : i32
        %min3A = arith.constant 39 : i32
        %min3A_115 = arith.minsi %add3A_114, %min3A : i32
        %dma_start3A_116 = arith.constant 0 : i32
        %dma_start3A_117 = tpu.memref_slice %arg6[%min3A_115, %dma_start3A_116] : memref<40x128xi32, #tpu.memory_space<vmem>> -> memref<1x128xi32, #tpu.memory_space<vmem>>
        %dma_start3A_118 = tpu.memref_squeeze %dma_start3A_117 : memref<1x128xi32, #tpu.memory_space<vmem>> -> memref<128xi32, #tpu.memory_space<vmem>>
        %dma_start3A_119 = arith.constant 0 : i32
        %dma_start3A_120 = arith.constant 0 : i32
        %dma_start3A_121 = tpu.memref_slice %arg2[%dma_start3A_119, %dma_start3A_120] : memref<10000x128xf32, #tpu.memory_space<hbm>> -> memref<10000x128xf32, #tpu.memory_space<hbm>>
        tpu.enqueue_indirect_dma source(%dma_start3A_121 : memref<10000x128xf32, #tpu.memory_space<hbm>>) target(%arg8 : memref<128x128xf32, #tpu.memory_space<vmem>>) offsets(%dma_start3A_118 : memref<128xi32, #tpu.memory_space<vmem>>) semaphore(%arg11 : memref<!tpu.dma_semaphore, #tpu.memory_space<semaphore_mem>>)
        %add3A_122 = arith.constant 1 : i32
        %add3A_123 = arith.addi %mul3A_98, %add3A_122 : i32
        %dma_wait3A_124 = arith.constant 0 : i32
        %dma_wait3A_125 = tpu.memref_slice %arg6[%add3A_123, %dma_wait3A_124] : memref<40x128xi32, #tpu.memory_space<vmem>> -> memref<1x128xi32, #tpu.memory_space<vmem>>
        %dma_wait3A_126 = tpu.memref_squeeze %dma_wait3A_125 : memref<1x128xi32, #tpu.memory_space<vmem>> -> memref<128xi32, #tpu.memory_space<vmem>>
        %dma_wait3A_127 = arith.constant 0 : i32
        %dma_wait3A_128 = arith.constant 0 : i32
        %dma_wait3A_129 = tpu.memref_slice %arg2[%dma_wait3A_127, %dma_wait3A_128] : memref<10000x128xf32, #tpu.memory_space<hbm>> -> memref<10000x128xf32, #tpu.memory_space<hbm>>
        tpu.wait_indirect_dma semaphore(%arg11 : memref<!tpu.dma_semaphore, #tpu.memory_space<semaphore_mem>>) src(%dma_wait3A_129 : memref<10000x128xf32, #tpu.memory_space<hbm>>) dst(%arg9 : memref<128x128xf32, #tpu.memory_space<vmem>>)
        %add3A_130 = arith.constant 1 : i32
        %add3A_131 = arith.addi %mul3A_98, %add3A_130 : i32
        "tpu.region"() ({
          %run_scoped3A = tpu.sem_alloc : memref<!tpu.dma_semaphore, #tpu.memory_space<semaphore_mem>>
          %dma_start3A_132 = arith.constant 0 : i32
          %dma_start3A_133 = tpu.memref_slice %arg7[%add3A_131, %dma_start3A_132] : memref<40x128xi32, #tpu.memory_space<vmem>> -> memref<1x128xi32, #tpu.memory_space<vmem>>
          %dma_start3A_134 = tpu.memref_squeeze %dma_start3A_133 : memref<1x128xi32, #tpu.memory_space<vmem>> -> memref<128xi32, #tpu.memory_space<vmem>>
          %dma_start3A_135 = arith.constant 0 : i32
          %dma_start3A_136 = arith.constant 0 : i32
          %dma_start3A_137 = tpu.memref_slice %arg10[%dma_start3A_135, %dma_start3A_136] : memref<10112x128xf32, #tpu.memory_space<vmem_shared>> -> memref<10112x128xf32, #tpu.memory_space<vmem_shared>>
          tpu.enqueue_indirect_dma source(%arg9 : memref<128x128xf32, #tpu.memory_space<vmem>>) target(%dma_start3A_137 : memref<10112x128xf32, #tpu.memory_space<vmem_shared>>) offsets(%dma_start3A_134 : memref<128xi32, #tpu.memory_space<vmem>>) semaphore(%run_scoped3A : memref<!tpu.dma_semaphore, #tpu.memory_space<semaphore_mem>>) {add = true}
          %dma_wait3A_138 = arith.constant 0 : i32
          %dma_wait3A_139 = tpu.memref_slice %arg7[%add3A_131, %dma_wait3A_138] : memref<40x128xi32, #tpu.memory_space<vmem>> -> memref<1x128xi32, #tpu.memory_space<vmem>>
          %dma_wait3A_140 = tpu.memref_squeeze %dma_wait3A_139 : memref<1x128xi32, #tpu.memory_space<vmem>> -> memref<128xi32, #tpu.memory_space<vmem>>
          %dma_wait3A_141 = arith.constant 0 : i32
          %dma_wait3A_142 = arith.constant 0 : i32
          %dma_wait3A_143 = tpu.memref_slice %arg10[%dma_wait3A_141, %dma_wait3A_142] : memref<10112x128xf32, #tpu.memory_space<vmem_shared>> -> memref<10112x128xf32, #tpu.memory_space<vmem_shared>>
          tpu.wait_indirect_dma semaphore(%run_scoped3A : memref<!tpu.dma_semaphore, #tpu.memory_space<semaphore_mem>>) src(%arg9 : memref<128x128xf32, #tpu.memory_space<vmem>>) dst(%dma_wait3A_143 : memref<10112x128xf32, #tpu.memory_space<vmem_shared>>)
          tpu.yield
        }) : () -> ()
      }
      %scan3A_87 = arith.constant 20 : i32
      %dma_wait3A_88 = arith.constant 39 : i32
      %dma_wait3A_89 = arith.constant 0 : i32
      %dma_wait3A_90 = tpu.memref_slice %arg6[%dma_wait3A_88, %dma_wait3A_89] : memref<40x128xi32, #tpu.memory_space<vmem>> -> memref<1x128xi32, #tpu.memory_space<vmem>>
      %dma_wait3A_91 = tpu.memref_squeeze %dma_wait3A_90 : memref<1x128xi32, #tpu.memory_space<vmem>> -> memref<128xi32, #tpu.memory_space<vmem>>
      %dma_wait3A_92 = arith.constant 0 : i32
      %dma_wait3A_93 = arith.constant 0 : i32
      %dma_wait3A_94 = tpu.memref_slice %arg2[%dma_wait3A_92, %dma_wait3A_93] : memref<10000x128xf32, #tpu.memory_space<hbm>> -> memref<10000x128xf32, #tpu.memory_space<hbm>>
      tpu.wait_indirect_dma semaphore(%arg11 : memref<!tpu.dma_semaphore, #tpu.memory_space<semaphore_mem>>) src(%dma_wait3A_94 : memref<10000x128xf32, #tpu.memory_space<hbm>>) dst(%arg8 : memref<128x128xf32, #tpu.memory_space<vmem>>)
      %barrier3A_95 = arith.constant 0 : index
      tpu.barrier barrier_id(%barrier3A_95)
      "tpu.region"() ({
        %run_scoped3A = tpu.sem_alloc : memref<!tpu.dma_semaphore, #tpu.memory_space<semaphore_mem>>
        %dma_start3A_96 = arith.constant 0 : i32
        %dma_start3A_97 = tpu.memref_slice %arg5[%mul3A_0, %dma_start3A_96] : memref<10112x128xf32, #tpu.memory_space<hbm>> -> memref<632x128xf32, #tpu.memory_space<hbm>>
        %dma_start3A_98 = arith.constant 0 : i32
        %dma_start3A_99 = tpu.memref_slice %arg10[%mul3A_0, %dma_start3A_98] : memref<10112x128xf32, #tpu.memory_space<vmem_shared>> -> memref<632x128xf32, #tpu.memory_space<vmem_shared>>
        tpu.enqueue_dma source(%dma_start3A_99 : memref<632x128xf32, #tpu.memory_space<vmem_shared>>) target(%dma_start3A_97 : memref<632x128xf32, #tpu.memory_space<hbm>>) target_semaphore(%run_scoped3A : memref<!tpu.dma_semaphore, #tpu.memory_space<semaphore_mem>>)
        %dma_wait3A_100 = arith.constant 0 : i32
        %dma_wait3A_101 = tpu.memref_slice %arg5[%mul3A_0, %dma_wait3A_100] : memref<10112x128xf32, #tpu.memory_space<hbm>> -> memref<632x128xf32, #tpu.memory_space<hbm>>
        %dma_wait3A_102 = arith.constant 0 : i32
        %dma_wait3A_103 = tpu.memref_slice %arg10[%mul3A_0, %dma_wait3A_102] : memref<10112x128xf32, #tpu.memory_space<vmem_shared>> -> memref<632x128xf32, #tpu.memory_space<vmem_shared>>
        tpu.wait_dma2 semaphore(%run_scoped3A : memref<!tpu.dma_semaphore, #tpu.memory_space<semaphore_mem>>) src(%dma_wait3A_103 : memref<632x128xf32, #tpu.memory_space<vmem_shared>>) dst(%dma_wait3A_101 : memref<632x128xf32, #tpu.memory_space<hbm>>)
        tpu.yield
      }) : () -> ()
    } else {
    }
    return
  }
}

#map = affine_map<(d0, d1) -> (0, 0)>
#map1 = affine_map<(d0, d1) -> (0, 0, 0)>
module attributes {stable_mosaic.version = 14 : i64} {
  func.func @_sc_segsum(%arg0: i32, %arg1: i32, %arg2: memref<10000x128xf32, #tpu.memory_space<hbm>>, %arg3: memref<16x160x128xi32, #tpu.memory_space<hbm>>, %arg4: memref<16x160x128xi32, #tpu.memory_space<hbm>>, %arg5: memref<10112x128xf32, #tpu.memory_space<hbm>>, %arg6: memref<40x128xi32, #tpu.memory_space<vmem>>, %arg7: memref<40x128xi32, #tpu.memory_space<vmem>>, %arg8: memref<128x128xf32, #tpu.memory_space<vmem>>, %arg9: memref<128x128xf32, #tpu.memory_space<vmem>>, %arg10: memref<10112x128xf32, #tpu.memory_space<vmem_shared>>, %arg11: memref<!tpu.dma_semaphore, #tpu.memory_space<semaphore_mem>>) attributes {dimension_semantics = [#tpu.dimension_semantics<core_parallel>, #tpu.dimension_semantics<subcore_parallel>], iteration_bounds = array<i64: 2, 16>, scalar_prefetch = 0 : i64, scratch_operands = 6 : i64, tpu.core_type = #tpu.core_type<sc_vector_subcore>, window_params = [{transform_indices = #map}, {transform_indices = #map1}, {transform_indices = #map1}, {transform_indices = #map}]} {
    %mul3A = arith.constant 632 : i32
    %mul3A_0 = arith.muli %arg1, %mul3A : i32
    %eq3A = arith.constant 0 : i32
    %eq3A_1 = arith.cmpi eq, %arg0, %eq3A : i32
    %convert_element_type3A = arith.extui %eq3A_1 : i1 to i32
    %cond3A = arith.constant 0 : i32
    %cond3A_2 = arith.cmpi ne, %convert_element_type3A, %cond3A : i32
    scf.if %cond3A_2 {
      %scan3A = arith.constant 0 : i32
      %scan3A_3 = arith.constant 0 : i32
      %scan3A_4 = arith.constant 128 : i32
      %scan3A_5 = arith.addi %scan3A_3, %scan3A_4 : i32
      %scan3A_6 = arith.constant 1 : i32
      scf.for %scan3A_96 = %scan3A_3 to %scan3A_5 step %scan3A_6  : i32 {
        %broadcast_in_dim3A = arith.constant 0.000000e+00 : f32
        %broadcast_in_dim3A_97 = vector.broadcast %broadcast_in_dim3A : f32 to vector<16xf32>
        %swap3A = arith.index_cast %scan3A_96 : i32 to index
        %swap3A_98 = arith.constant 0 : index
        %swap3A_99 = tpu.vector_load %arg8[%swap3A, %swap3A_98] {strides = array<i32>} : memref<128x128xf32, #tpu.memory_space<vmem>>, vector<1x16xf32>,
        %swap3A_100 = vector.shape_cast %swap3A_99 : vector<1x16xf32> to vector<16xf32>
        %swap3A_101 = vector.shape_cast %broadcast_in_dim3A_97 : vector<16xf32> to vector<1x16xf32>
        tpu.vector_store %arg8[%swap3A, %swap3A_98], %swap3A_101 {strides = array<i32>} : memref<128x128xf32, #tpu.memory_space<vmem>>, vector<1x16xf32>,
        %broadcast_in_dim3A_102 = arith.constant 0.000000e+00 : f32
        %broadcast_in_dim3A_103 = vector.broadcast %broadcast_in_dim3A_102 : f32 to vector<16xf32>
        %swap3A_104 = arith.index_cast %scan3A_96 : i32 to index
        %swap3A_105 = arith.constant 16 : index
        %swap3A_106 = tpu.vector_load %arg8[%swap3A_104, %swap3A_105] {strides = array<i32>} : memref<128x128xf32, #tpu.memory_space<vmem>>, vector<1x16xf32>,
        %swap3A_107 = vector.shape_cast %swap3A_106 : vector<1x16xf32> to vector<16xf32>
        %swap3A_108 = vector.shape_cast %broadcast_in_dim3A_103 : vector<16xf32> to vector<1x16xf32>
        tpu.vector_store %arg8[%swap3A_104, %swap3A_105], %swap3A_108 {strides = array<i32>} : memref<128x128xf32, #tpu.memory_space<vmem>>, vector<1x16xf32>,
        %broadcast_in_dim3A_109 = arith.constant 0.000000e+00 : f32
        %broadcast_in_dim3A_110 = vector.broadcast %broadcast_in_dim3A_109 : f32 to vector<16xf32>
        %swap3A_111 = arith.index_cast %scan3A_96 : i32 to index
        %swap3A_112 = arith.constant 32 : index
        %swap3A_113 = tpu.vector_load %arg8[%swap3A_111, %swap3A_112] {strides = array<i32>} : memref<128x128xf32, #tpu.memory_space<vmem>>, vector<1x16xf32>,
        %swap3A_114 = vector.shape_cast %swap3A_113 : vector<1x16xf32> to vector<16xf32>
        %swap3A_115 = vector.shape_cast %broadcast_in_dim3A_110 : vector<16xf32> to vector<1x16xf32>
        tpu.vector_store %arg8[%swap3A_111, %swap3A_112], %swap3A_115 {strides = array<i32>} : memref<128x128xf32, #tpu.memory_space<vmem>>, vector<1x16xf32>,
        %broadcast_in_dim3A_116 = arith.constant 0.000000e+00 : f32
        %broadcast_in_dim3A_117 = vector.broadcast %broadcast_in_dim3A_116 : f32 to vector<16xf32>
        %swap3A_118 = arith.index_cast %scan3A_96 : i32 to index
        %swap3A_119 = arith.constant 48 : index
        %swap3A_120 = tpu.vector_load %arg8[%swap3A_118, %swap3A_119] {strides = array<i32>} : memref<128x128xf32, #tpu.memory_space<vmem>>, vector<1x16xf32>,
        %swap3A_121 = vector.shape_cast %swap3A_120 : vector<1x16xf32> to vector<16xf32>
        %swap3A_122 = vector.shape_cast %broadcast_in_dim3A_117 : vector<16xf32> to vector<1x16xf32>
        tpu.vector_store %arg8[%swap3A_118, %swap3A_119], %swap3A_122 {strides = array<i32>} : memref<128x128xf32, #tpu.memory_space<vmem>>, vector<1x16xf32>,
        %broadcast_in_dim3A_123 = arith.constant 0.000000e+00 : f32
        %broadcast_in_dim3A_124 = vector.broadcast %broadcast_in_dim3A_123 : f32 to vector<16xf32>
        %swap3A_125 = arith.index_cast %scan3A_96 : i32 to index
        %swap3A_126 = arith.constant 64 : index
        %swap3A_127 = tpu.vector_load %arg8[%swap3A_125, %swap3A_126] {strides = array<i32>} : memref<128x128xf32, #tpu.memory_space<vmem>>, vector<1x16xf32>,
        %swap3A_128 = vector.shape_cast %swap3A_127 : vector<1x16xf32> to vector<16xf32>
        %swap3A_129 = vector.shape_cast %broadcast_in_dim3A_124 : vector<16xf32> to vector<1x16xf32>
        tpu.vector_store %arg8[%swap3A_125, %swap3A_126], %swap3A_129 {strides = array<i32>} : memref<128x128xf32, #tpu.memory_space<vmem>>, vector<1x16xf32>,
        %broadcast_in_dim3A_130 = arith.constant 0.000000e+00 : f32
        %broadcast_in_dim3A_131 = vector.broadcast %broadcast_in_dim3A_130 : f32 to vector<16xf32>
        %swap3A_132 = arith.index_cast %scan3A_96 : i32 to index
        %swap3A_133 = arith.constant 80 : index
        %swap3A_134 = tpu.vector_load %arg8[%swap3A_132, %swap3A_133] {strides = array<i32>} : memref<128x128xf32, #tpu.memory_space<vmem>>, vector<1x16xf32>,
        %swap3A_135 = vector.shape_cast %swap3A_134 : vector<1x16xf32> to vector<16xf32>
        %swap3A_136 = vector.shape_cast %broadcast_in_dim3A_131 : vector<16xf32> to vector<1x16xf32>
        tpu.vector_store %arg8[%swap3A_132, %swap3A_133], %swap3A_136 {strides = array<i32>} : memref<128x128xf32, #tpu.memory_space<vmem>>, vector<1x16xf32>,
        %broadcast_in_dim3A_137 = arith.constant 0.000000e+00 : f32
        %broadcast_in_dim3A_138 = vector.broadcast %broadcast_in_dim3A_137 : f32 to vector<16xf32>
        %swap3A_139 = arith.index_cast %scan3A_96 : i32 to index
        %swap3A_140 = arith.constant 96 : index
        %swap3A_141 = tpu.vector_load %arg8[%swap3A_139, %swap3A_140] {strides = array<i32>} : memref<128x128xf32, #tpu.memory_space<vmem>>, vector<1x16xf32>,
        %swap3A_142 = vector.shape_cast %swap3A_141 : vector<1x16xf32> to vector<16xf32>
        %swap3A_143 = vector.shape_cast %broadcast_in_dim3A_138 : vector<16xf32> to vector<1x16xf32>
        tpu.vector_store %arg8[%swap3A_139, %swap3A_140], %swap3A_143 {strides = array<i32>} : memref<128x128xf32, #tpu.memory_space<vmem>>, vector<1x16xf32>,
        %broadcast_in_dim3A_144 = arith.constant 0.000000e+00 : f32
        %broadcast_in_dim3A_145 = vector.broadcast %broadcast_in_dim3A_144 : f32 to vector<16xf32>
        %swap3A_146 = arith.index_cast %scan3A_96 : i32 to index
        %swap3A_147 = arith.constant 112 : index
        %swap3A_148 = tpu.vector_load %arg8[%swap3A_146, %swap3A_147] {strides = array<i32>} : memref<128x128xf32, #tpu.memory_space<vmem>>, vector<1x16xf32>,
        %swap3A_149 = vector.shape_cast %swap3A_148 : vector<1x16xf32> to vector<16xf32>
        %swap3A_150 = vector.shape_cast %broadcast_in_dim3A_145 : vector<16xf32> to vector<1x16xf32>
        tpu.vector_store %arg8[%swap3A_146, %swap3A_147], %swap3A_150 {strides = array<i32>} : memref<128x128xf32, #tpu.memory_space<vmem>>, vector<1x16xf32>,
      }
      %scan3A_7 = arith.constant 128 : i32
      %add3A = arith.constant 0 : i32
      %add3A_8 = arith.addi %mul3A_0, %add3A : i32
      "tpu.region"() ({
        %run_scoped3A = tpu.sem_alloc : memref<!tpu.dma_semaphore, #tpu.memory_space<semaphore_mem>>
        %dma_start3A_96 = arith.constant 0 : i32
        %dma_start3A_97 = tpu.memref_slice %arg10[%add3A_8, %dma_start3A_96] : memref<10112x128xf32, #tpu.memory_space<vmem_shared>> -> memref<128x128xf32, #tpu.memory_space<vmem_shared>>
        %dma_start3A_98 = arith.constant 0 : i32
        %dma_start3A_99 = tpu.memref_slice %arg10[%add3A_8, %dma_start3A_98] : memref<10112x128xf32, #tpu.memory_space<vmem_shared>> -> memref<128x128xf32, #tpu.memory_space<vmem_shared>>
        tpu.enqueue_dma source(%arg8 : memref<128x128xf32, #tpu.memory_space<vmem>>) target(%dma_start3A_99 : memref<128x128xf32, #tpu.memory_space<vmem_shared>>) target_semaphore(%run_scoped3A : memref<!tpu.dma_semaphore, #tpu.memory_space<semaphore_mem>>)
        %dma_wait3A_100 = arith.constant 0 : i32
        %dma_wait3A_101 = tpu.memref_slice %arg10[%add3A_8, %dma_wait3A_100] : memref<10112x128xf32, #tpu.memory_space<vmem_shared>> -> memref<128x128xf32, #tpu.memory_space<vmem_shared>>
        %dma_wait3A_102 = arith.constant 0 : i32
        %dma_wait3A_103 = tpu.memref_slice %arg10[%add3A_8, %dma_wait3A_102] : memref<10112x128xf32, #tpu.memory_space<vmem_shared>> -> memref<128x128xf32, #tpu.memory_space<vmem_shared>>
        tpu.wait_dma2 semaphore(%run_scoped3A : memref<!tpu.dma_semaphore, #tpu.memory_space<semaphore_mem>>) src(%arg8 : memref<128x128xf32, #tpu.memory_space<vmem>>) dst(%dma_wait3A_103 : memref<128x128xf32, #tpu.memory_space<vmem_shared>>)
        tpu.yield
      }) : () -> ()
      %add3A_9 = arith.constant 128 : i32
      %add3A_10 = arith.addi %mul3A_0, %add3A_9 : i32
      "tpu.region"() ({
        %run_scoped3A = tpu.sem_alloc : memref<!tpu.dma_semaphore, #tpu.memory_space<semaphore_mem>>
        %dma_start3A_96 = arith.constant 0 : i32
        %dma_start3A_97 = tpu.memref_slice %arg10[%add3A_10, %dma_start3A_96] : memref<10112x128xf32, #tpu.memory_space<vmem_shared>> -> memref<128x128xf32, #tpu.memory_space<vmem_shared>>
        %dma_start3A_98 = arith.constant 0 : i32
        %dma_start3A_99 = tpu.memref_slice %arg10[%add3A_10, %dma_start3A_98] : memref<10112x128xf32, #tpu.memory_space<vmem_shared>> -> memref<128x128xf32, #tpu.memory_space<vmem_shared>>
        tpu.enqueue_dma source(%arg8 : memref<128x128xf32, #tpu.memory_space<vmem>>) target(%dma_start3A_99 : memref<128x128xf32, #tpu.memory_space<vmem_shared>>) target_semaphore(%run_scoped3A : memref<!tpu.dma_semaphore, #tpu.memory_space<semaphore_mem>>)
        %dma_wait3A_100 = arith.constant 0 : i32
        %dma_wait3A_101 = tpu.memref_slice %arg10[%add3A_10, %dma_wait3A_100] : memref<10112x128xf32, #tpu.memory_space<vmem_shared>> -> memref<128x128xf32, #tpu.memory_space<vmem_shared>>
        %dma_wait3A_102 = arith.constant 0 : i32
        %dma_wait3A_103 = tpu.memref_slice %arg10[%add3A_10, %dma_wait3A_102] : memref<10112x128xf32, #tpu.memory_space<vmem_shared>> -> memref<128x128xf32, #tpu.memory_space<vmem_shared>>
        tpu.wait_dma2 semaphore(%run_scoped3A : memref<!tpu.dma_semaphore, #tpu.memory_space<semaphore_mem>>) src(%arg8 : memref<128x128xf32, #tpu.memory_space<vmem>>) dst(%dma_wait3A_103 : memref<128x128xf32, #tpu.memory_space<vmem_shared>>)
        tpu.yield
      }) : () -> ()
      %add3A_11 = arith.constant 256 : i32
      %add3A_12 = arith.addi %mul3A_0, %add3A_11 : i32
      "tpu.region"() ({
        %run_scoped3A = tpu.sem_alloc : memref<!tpu.dma_semaphore, #tpu.memory_space<semaphore_mem>>
        %dma_start3A_96 = arith.constant 0 : i32
        %dma_start3A_97 = tpu.memref_slice %arg10[%add3A_12, %dma_start3A_96] : memref<10112x128xf32, #tpu.memory_space<vmem_shared>> -> memref<128x128xf32, #tpu.memory_space<vmem_shared>>
        %dma_start3A_98 = arith.constant 0 : i32
        %dma_start3A_99 = tpu.memref_slice %arg10[%add3A_12, %dma_start3A_98] : memref<10112x128xf32, #tpu.memory_space<vmem_shared>> -> memref<128x128xf32, #tpu.memory_space<vmem_shared>>
        tpu.enqueue_dma source(%arg8 : memref<128x128xf32, #tpu.memory_space<vmem>>) target(%dma_start3A_99 : memref<128x128xf32, #tpu.memory_space<vmem_shared>>) target_semaphore(%run_scoped3A : memref<!tpu.dma_semaphore, #tpu.memory_space<semaphore_mem>>)
        %dma_wait3A_100 = arith.constant 0 : i32
        %dma_wait3A_101 = tpu.memref_slice %arg10[%add3A_12, %dma_wait3A_100] : memref<10112x128xf32, #tpu.memory_space<vmem_shared>> -> memref<128x128xf32, #tpu.memory_space<vmem_shared>>
        %dma_wait3A_102 = arith.constant 0 : i32
        %dma_wait3A_103 = tpu.memref_slice %arg10[%add3A_12, %dma_wait3A_102] : memref<10112x128xf32, #tpu.memory_space<vmem_shared>> -> memref<128x128xf32, #tpu.memory_space<vmem_shared>>
        tpu.wait_dma2 semaphore(%run_scoped3A : memref<!tpu.dma_semaphore, #tpu.memory_space<semaphore_mem>>) src(%arg8 : memref<128x128xf32, #tpu.memory_space<vmem>>) dst(%dma_wait3A_103 : memref<128x128xf32, #tpu.memory_space<vmem_shared>>)
        tpu.yield
      }) : () -> ()
      %add3A_13 = arith.constant 384 : i32
      %add3A_14 = arith.addi %mul3A_0, %add3A_13 : i32
      "tpu.region"() ({
        %run_scoped3A = tpu.sem_alloc : memref<!tpu.dma_semaphore, #tpu.memory_space<semaphore_mem>>
        %dma_start3A_96 = arith.constant 0 : i32
        %dma_start3A_97 = tpu.memref_slice %arg10[%add3A_14, %dma_start3A_96] : memref<10112x128xf32, #tpu.memory_space<vmem_shared>> -> memref<128x128xf32, #tpu.memory_space<vmem_shared>>
        %dma_start3A_98 = arith.constant 0 : i32
        %dma_start3A_99 = tpu.memref_slice %arg10[%add3A_14, %dma_start3A_98] : memref<10112x128xf32, #tpu.memory_space<vmem_shared>> -> memref<128x128xf32, #tpu.memory_space<vmem_shared>>
        tpu.enqueue_dma source(%arg8 : memref<128x128xf32, #tpu.memory_space<vmem>>) target(%dma_start3A_99 : memref<128x128xf32, #tpu.memory_space<vmem_shared>>) target_semaphore(%run_scoped3A : memref<!tpu.dma_semaphore, #tpu.memory_space<semaphore_mem>>)
        %dma_wait3A_100 = arith.constant 0 : i32
        %dma_wait3A_101 = tpu.memref_slice %arg10[%add3A_14, %dma_wait3A_100] : memref<10112x128xf32, #tpu.memory_space<vmem_shared>> -> memref<128x128xf32, #tpu.memory_space<vmem_shared>>
        %dma_wait3A_102 = arith.constant 0 : i32
        %dma_wait3A_103 = tpu.memref_slice %arg10[%add3A_14, %dma_wait3A_102] : memref<10112x128xf32, #tpu.memory_space<vmem_shared>> -> memref<128x128xf32, #tpu.memory_space<vmem_shared>>
        tpu.wait_dma2 semaphore(%run_scoped3A : memref<!tpu.dma_semaphore, #tpu.memory_space<semaphore_mem>>) src(%arg8 : memref<128x128xf32, #tpu.memory_space<vmem>>) dst(%dma_wait3A_103 : memref<128x128xf32, #tpu.memory_space<vmem_shared>>)
        tpu.yield
      }) : () -> ()
      %add3A_15 = arith.constant 512 : i32
      %add3A_16 = arith.addi %mul3A_0, %add3A_15 : i32
      "tpu.region"() ({
        %run_scoped3A = tpu.sem_alloc : memref<!tpu.dma_semaphore, #tpu.memory_space<semaphore_mem>>
        %dma_start3A_96 = arith.constant 0 : i32
        %dma_start3A_97 = arith.constant 0 : i32
        %dma_start3A_98 = tpu.memref_slice %arg8[%dma_start3A_96, %dma_start3A_97] : memref<128x128xf32, #tpu.memory_space<vmem>> -> memref<120x128xf32, #tpu.memory_space<vmem>>
        %dma_start3A_99 = arith.constant 0 : i32
        %dma_start3A_100 = tpu.memref_slice %arg10[%add3A_16, %dma_start3A_99] : memref<10112x128xf32, #tpu.memory_space<vmem_shared>> -> memref<120x128xf32, #tpu.memory_space<vmem_shared>>
        %dma_start3A_101 = arith.constant 0 : i32
        %dma_start3A_102 = tpu.memref_slice %arg10[%add3A_16, %dma_start3A_101] : memref<10112x128xf32, #tpu.memory_space<vmem_shared>> -> memref<120x128xf32, #tpu.memory_space<vmem_shared>>
        %dma_start3A_103 = arith.constant 0 : i32
        %dma_start3A_104 = arith.constant 0 : i32
        %dma_start3A_105 = tpu.memref_slice %arg8[%dma_start3A_103, %dma_start3A_104] : memref<128x128xf32, #tpu.memory_space<vmem>> -> memref<120x128xf32, #tpu.memory_space<vmem>>
        tpu.enqueue_dma source(%dma_start3A_105 : memref<120x128xf32, #tpu.memory_space<vmem>>) target(%dma_start3A_102 : memref<120x128xf32, #tpu.memory_space<vmem_shared>>) target_semaphore(%run_scoped3A : memref<!tpu.dma_semaphore, #tpu.memory_space<semaphore_mem>>)
        %dma_wait3A_106 = arith.constant 0 : i32
        %dma_wait3A_107 = arith.constant 0 : i32
        %dma_wait3A_108 = tpu.memref_slice %arg8[%dma_wait3A_106, %dma_wait3A_107] : memref<128x128xf32, #tpu.memory_space<vmem>> -> memref<120x128xf32, #tpu.memory_space<vmem>>
        %dma_wait3A_109 = arith.constant 0 : i32
        %dma_wait3A_110 = tpu.memref_slice %arg10[%add3A_16, %dma_wait3A_109] : memref<10112x128xf32, #tpu.memory_space<vmem_shared>> -> memref<120x128xf32, #tpu.memory_space<vmem_shared>>
        %dma_wait3A_111 = arith.constant 0 : i32
        %dma_wait3A_112 = tpu.memref_slice %arg10[%add3A_16, %dma_wait3A_111] : memref<10112x128xf32, #tpu.memory_space<vmem_shared>> -> memref<120x128xf32, #tpu.memory_space<vmem_shared>>
        %dma_wait3A_113 = arith.constant 0 : i32
        %dma_wait3A_114 = arith.constant 0 : i32
        %dma_wait3A_115 = tpu.memref_slice %arg8[%dma_wait3A_113, %dma_wait3A_114] : memref<128x128xf32, #tpu.memory_space<vmem>> -> memref<120x128xf32, #tpu.memory_space<vmem>>
        tpu.wait_dma2 semaphore(%run_scoped3A : memref<!tpu.dma_semaphore, #tpu.memory_space<semaphore_mem>>) src(%dma_wait3A_115 : memref<120x128xf32, #tpu.memory_space<vmem>>) dst(%dma_wait3A_112 : memref<120x128xf32, #tpu.memory_space<vmem_shared>>)
        tpu.yield
      }) : () -> ()
      %barrier3A = arith.constant 0 : index
      tpu.barrier barrier_id(%barrier3A)
      "tpu.region"() ({
        %run_scoped3A = tpu.sem_alloc : memref<!tpu.dma_semaphore, #tpu.memory_space<semaphore_mem>>
        %dma_start3A_96 = arith.constant 0 : i32
        %dma_start3A_97 = arith.constant 0 : i32
        %dma_start3A_98 = tpu.memref_slice %arg6[%dma_start3A_96, %dma_start3A_97] : memref<40x128xi32, #tpu.memory_space<vmem>> -> memref<40x128xi32, #tpu.memory_space<vmem>>
        %dma_start3A_99 = arith.constant 0 : i32
        %dma_start3A_100 = arith.constant 0 : i32
        %dma_start3A_101 = tpu.memref_slice %arg3[%arg1, %dma_start3A_99, %dma_start3A_100] : memref<16x160x128xi32, #tpu.memory_space<hbm>> -> memref<1x40x128xi32, #tpu.memory_space<hbm>>
        %dma_start3A_102 = tpu.memref_squeeze %dma_start3A_101 : memref<1x40x128xi32, #tpu.memory_space<hbm>> -> memref<40x128xi32, #tpu.memory_space<hbm>>
        %dma_start3A_103 = arith.constant 0 : i32
        %dma_start3A_104 = arith.constant 0 : i32
        %dma_start3A_105 = tpu.memref_slice %arg6[%dma_start3A_103, %dma_start3A_104] : memref<40x128xi32, #tpu.memory_space<vmem>> -> memref<40x128xi32, #tpu.memory_space<vmem>>
        %dma_start3A_106 = arith.constant 0 : i32
        %dma_start3A_107 = arith.constant 0 : i32
        %dma_start3A_108 = tpu.memref_slice %arg3[%arg1, %dma_start3A_106, %dma_start3A_107] : memref<16x160x128xi32, #tpu.memory_space<hbm>> -> memref<1x40x128xi32, #tpu.memory_space<hbm>>
        %dma_start3A_109 = tpu.memref_squeeze %dma_start3A_108 : memref<1x40x128xi32, #tpu.memory_space<hbm>> -> memref<40x128xi32, #tpu.memory_space<hbm>>
        tpu.enqueue_dma source(%dma_start3A_109 : memref<40x128xi32, #tpu.memory_space<hbm>>) target(%dma_start3A_105 : memref<40x128xi32, #tpu.memory_space<vmem>>) target_semaphore(%run_scoped3A : memref<!tpu.dma_semaphore, #tpu.memory_space<semaphore_mem>>)
        %dma_wait3A_110 = arith.constant 0 : i32
        %dma_wait3A_111 = arith.constant 0 : i32
        %dma_wait3A_112 = tpu.memref_slice %arg6[%dma_wait3A_110, %dma_wait3A_111] : memref<40x128xi32, #tpu.memory_space<vmem>> -> memref<40x128xi32, #tpu.memory_space<vmem>>
        %dma_wait3A_113 = arith.constant 0 : i32
        %dma_wait3A_114 = arith.constant 0 : i32
        %dma_wait3A_115 = tpu.memref_slice %arg3[%arg1, %dma_wait3A_113, %dma_wait3A_114] : memref<16x160x128xi32, #tpu.memory_space<hbm>> -> memref<1x40x128xi32, #tpu.memory_space<hbm>>
        %dma_wait3A_116 = tpu.memref_squeeze %dma_wait3A_115 : memref<1x40x128xi32, #tpu.memory_space<hbm>> -> memref<40x128xi32, #tpu.memory_space<hbm>>
        %dma_wait3A_117 = arith.constant 0 : i32
        %dma_wait3A_118 = arith.constant 0 : i32
        %dma_wait3A_119 = tpu.memref_slice %arg6[%dma_wait3A_117, %dma_wait3A_118] : memref<40x128xi32, #tpu.memory_space<vmem>> -> memref<40x128xi32, #tpu.memory_space<vmem>>
        %dma_wait3A_120 = arith.constant 0 : i32
        %dma_wait3A_121 = arith.constant 0 : i32
        %dma_wait3A_122 = tpu.memref_slice %arg3[%arg1, %dma_wait3A_120, %dma_wait3A_121] : memref<16x160x128xi32, #tpu.memory_space<hbm>> -> memref<1x40x128xi32, #tpu.memory_space<hbm>>
        %dma_wait3A_123 = tpu.memref_squeeze %dma_wait3A_122 : memref<1x40x128xi32, #tpu.memory_space<hbm>> -> memref<40x128xi32, #tpu.memory_space<hbm>>
        tpu.wait_dma2 semaphore(%run_scoped3A : memref<!tpu.dma_semaphore, #tpu.memory_space<semaphore_mem>>) src(%dma_wait3A_123 : memref<40x128xi32, #tpu.memory_space<hbm>>) dst(%dma_wait3A_119 : memref<40x128xi32, #tpu.memory_space<vmem>>)
        tpu.yield
      }) : () -> ()
      "tpu.region"() ({
        %run_scoped3A = tpu.sem_alloc : memref<!tpu.dma_semaphore, #tpu.memory_space<semaphore_mem>>
        %dma_start3A_96 = arith.constant 0 : i32
        %dma_start3A_97 = arith.constant 0 : i32
        %dma_start3A_98 = tpu.memref_slice %arg7[%dma_start3A_96, %dma_start3A_97] : memref<40x128xi32, #tpu.memory_space<vmem>> -> memref<40x128xi32, #tpu.memory_space<vmem>>
        %dma_start3A_99 = arith.constant 0 : i32
        %dma_start3A_100 = arith.constant 0 : i32
        %dma_start3A_101 = tpu.memref_slice %arg4[%arg1, %dma_start3A_99, %dma_start3A_100] : memref<16x160x128xi32, #tpu.memory_space<hbm>> -> memref<1x40x128xi32, #tpu.memory_space<hbm>>
        %dma_start3A_102 = tpu.memref_squeeze %dma_start3A_101 : memref<1x40x128xi32, #tpu.memory_space<hbm>> -> memref<40x128xi32, #tpu.memory_space<hbm>>
        %dma_start3A_103 = arith.constant 0 : i32
        %dma_start3A_104 = arith.constant 0 : i32
        %dma_start3A_105 = tpu.memref_slice %arg7[%dma_start3A_103, %dma_start3A_104] : memref<40x128xi32, #tpu.memory_space<vmem>> -> memref<40x128xi32, #tpu.memory_space<vmem>>
        %dma_start3A_106 = arith.constant 0 : i32
        %dma_start3A_107 = arith.constant 0 : i32
        %dma_start3A_108 = tpu.memref_slice %arg4[%arg1, %dma_start3A_106, %dma_start3A_107] : memref<16x160x128xi32, #tpu.memory_space<hbm>> -> memref<1x40x128xi32, #tpu.memory_space<hbm>>
        %dma_start3A_109 = tpu.memref_squeeze %dma_start3A_108 : memref<1x40x128xi32, #tpu.memory_space<hbm>> -> memref<40x128xi32, #tpu.memory_space<hbm>>
        tpu.enqueue_dma source(%dma_start3A_109 : memref<40x128xi32, #tpu.memory_space<hbm>>) target(%dma_start3A_105 : memref<40x128xi32, #tpu.memory_space<vmem>>) target_semaphore(%run_scoped3A : memref<!tpu.dma_semaphore, #tpu.memory_space<semaphore_mem>>)
        %dma_wait3A_110 = arith.constant 0 : i32
        %dma_wait3A_111 = arith.constant 0 : i32
        %dma_wait3A_112 = tpu.memref_slice %arg7[%dma_wait3A_110, %dma_wait3A_111] : memref<40x128xi32, #tpu.memory_space<vmem>> -> memref<40x128xi32, #tpu.memory_space<vmem>>
        %dma_wait3A_113 = arith.constant 0 : i32
        %dma_wait3A_114 = arith.constant 0 : i32
        %dma_wait3A_115 = tpu.memref_slice %arg4[%arg1, %dma_wait3A_113, %dma_wait3A_114] : memref<16x160x128xi32, #tpu.memory_space<hbm>> -> memref<1x40x128xi32, #tpu.memory_space<hbm>>
        %dma_wait3A_116 = tpu.memref_squeeze %dma_wait3A_115 : memref<1x40x128xi32, #tpu.memory_space<hbm>> -> memref<40x128xi32, #tpu.memory_space<hbm>>
        %dma_wait3A_117 = arith.constant 0 : i32
        %dma_wait3A_118 = arith.constant 0 : i32
        %dma_wait3A_119 = tpu.memref_slice %arg7[%dma_wait3A_117, %dma_wait3A_118] : memref<40x128xi32, #tpu.memory_space<vmem>> -> memref<40x128xi32, #tpu.memory_space<vmem>>
        %dma_wait3A_120 = arith.constant 0 : i32
        %dma_wait3A_121 = arith.constant 0 : i32
        %dma_wait3A_122 = tpu.memref_slice %arg4[%arg1, %dma_wait3A_120, %dma_wait3A_121] : memref<16x160x128xi32, #tpu.memory_space<hbm>> -> memref<1x40x128xi32, #tpu.memory_space<hbm>>
        %dma_wait3A_123 = tpu.memref_squeeze %dma_wait3A_122 : memref<1x40x128xi32, #tpu.memory_space<hbm>> -> memref<40x128xi32, #tpu.memory_space<hbm>>
        tpu.wait_dma2 semaphore(%run_scoped3A : memref<!tpu.dma_semaphore, #tpu.memory_space<semaphore_mem>>) src(%dma_wait3A_123 : memref<40x128xi32, #tpu.memory_space<hbm>>) dst(%dma_wait3A_119 : memref<40x128xi32, #tpu.memory_space<vmem>>)
        tpu.yield
      }) : () -> ()
      %dma_start3A = arith.constant 0 : i32
      %dma_start3A_17 = arith.constant 0 : i32
      %dma_start3A_18 = tpu.memref_slice %arg6[%dma_start3A, %dma_start3A_17] : memref<40x128xi32, #tpu.memory_space<vmem>> -> memref<1x128xi32, #tpu.memory_space<vmem>>
      %dma_start3A_19 = tpu.memref_squeeze %dma_start3A_18 : memref<1x128xi32, #tpu.memory_space<vmem>> -> memref<128xi32, #tpu.memory_space<vmem>>
      %dma_start3A_20 = arith.constant 0 : i32
      %dma_start3A_21 = arith.constant 0 : i32
      %dma_start3A_22 = tpu.memref_slice %arg2[%dma_start3A_20, %dma_start3A_21] : memref<10000x128xf32, #tpu.memory_space<hbm>> -> memref<10000x128xf32, #tpu.memory_space<hbm>>
      tpu.enqueue_indirect_dma source(%dma_start3A_22 : memref<10000x128xf32, #tpu.memory_space<hbm>>) target(%arg8 : memref<128x128xf32, #tpu.memory_space<vmem>>) offsets(%dma_start3A_19 : memref<128xi32, #tpu.memory_space<vmem>>) semaphore(%arg11 : memref<!tpu.dma_semaphore, #tpu.memory_space<semaphore_mem>>)
      %scan3A_23 = arith.constant 0 : i32
      %scan3A_24 = arith.constant 0 : i32
      %scan3A_25 = arith.constant 20 : i32
      %scan3A_26 = arith.addi %scan3A_24, %scan3A_25 : i32
      %scan3A_27 = arith.constant 1 : i32
      scf.for %scan3A_96 = %scan3A_24 to %scan3A_26 step %scan3A_27  : i32 {
        %mul3A_97 = arith.constant 2 : i32
        %mul3A_98 = arith.muli %mul3A_97, %scan3A_96 : i32
        %add3A_99 = arith.constant 1 : i32
        %add3A_100 = arith.addi %mul3A_98, %add3A_99 : i32
        %dma_start3A_101 = arith.constant 0 : i32
        %dma_start3A_102 = tpu.memref_slice %arg6[%add3A_100, %dma_start3A_101] : memref<40x128xi32, #tpu.memory_space<vmem>> -> memref<1x128xi32, #tpu.memory_space<vmem>>
        %dma_start3A_103 = tpu.memref_squeeze %dma_start3A_102 : memref<1x128xi32, #tpu.memory_space<vmem>> -> memref<128xi32, #tpu.memory_space<vmem>>
        %dma_start3A_104 = arith.constant 0 : i32
        %dma_start3A_105 = arith.constant 0 : i32
        %dma_start3A_106 = tpu.memref_slice %arg2[%dma_start3A_104, %dma_start3A_105] : memref<10000x128xf32, #tpu.memory_space<hbm>> -> memref<10000x128xf32, #tpu.memory_space<hbm>>
        tpu.enqueue_indirect_dma source(%dma_start3A_106 : memref<10000x128xf32, #tpu.memory_space<hbm>>) target(%arg9 : memref<128x128xf32, #tpu.memory_space<vmem>>) offsets(%dma_start3A_103 : memref<128xi32, #tpu.memory_space<vmem>>) semaphore(%arg11 : memref<!tpu.dma_semaphore, #tpu.memory_space<semaphore_mem>>)
        %dma_wait3A_107 = arith.constant 0 : i32
        %dma_wait3A_108 = tpu.memref_slice %arg6[%mul3A_98, %dma_wait3A_107] : memref<40x128xi32, #tpu.memory_space<vmem>> -> memref<1x128xi32, #tpu.memory_space<vmem>>
        %dma_wait3A_109 = tpu.memref_squeeze %dma_wait3A_108 : memref<1x128xi32, #tpu.memory_space<vmem>> -> memref<128xi32, #tpu.memory_space<vmem>>
        %dma_wait3A_110 = arith.constant 0 : i32
        %dma_wait3A_111 = arith.constant 0 : i32
        %dma_wait3A_112 = tpu.memref_slice %arg2[%dma_wait3A_110, %dma_wait3A_111] : memref<10000x128xf32, #tpu.memory_space<hbm>> -> memref<10000x128xf32, #tpu.memory_space<hbm>>
        tpu.wait_indirect_dma semaphore(%arg11 : memref<!tpu.dma_semaphore, #tpu.memory_space<semaphore_mem>>) src(%dma_wait3A_112 : memref<10000x128xf32, #tpu.memory_space<hbm>>) dst(%arg8 : memref<128x128xf32, #tpu.memory_space<vmem>>)
        "tpu.region"() ({
          %run_scoped3A = tpu.sem_alloc : memref<!tpu.dma_semaphore, #tpu.memory_space<semaphore_mem>>
          %dma_start3A_132 = arith.constant 0 : i32
          %dma_start3A_133 = tpu.memref_slice %arg7[%mul3A_98, %dma_start3A_132] : memref<40x128xi32, #tpu.memory_space<vmem>> -> memref<1x128xi32, #tpu.memory_space<vmem>>
          %dma_start3A_134 = tpu.memref_squeeze %dma_start3A_133 : memref<1x128xi32, #tpu.memory_space<vmem>> -> memref<128xi32, #tpu.memory_space<vmem>>
          %dma_start3A_135 = arith.constant 0 : i32
          %dma_start3A_136 = arith.constant 0 : i32
          %dma_start3A_137 = tpu.memref_slice %arg10[%dma_start3A_135, %dma_start3A_136] : memref<10112x128xf32, #tpu.memory_space<vmem_shared>> -> memref<10112x128xf32, #tpu.memory_space<vmem_shared>>
          tpu.enqueue_indirect_dma source(%arg8 : memref<128x128xf32, #tpu.memory_space<vmem>>) target(%dma_start3A_137 : memref<10112x128xf32, #tpu.memory_space<vmem_shared>>) offsets(%dma_start3A_134 : memref<128xi32, #tpu.memory_space<vmem>>) semaphore(%run_scoped3A : memref<!tpu.dma_semaphore, #tpu.memory_space<semaphore_mem>>) {add = true}
          %dma_wait3A_138 = arith.constant 0 : i32
          %dma_wait3A_139 = tpu.memref_slice %arg7[%mul3A_98, %dma_wait3A_138] : memref<40x128xi32, #tpu.memory_space<vmem>> -> memref<1x128xi32, #tpu.memory_space<vmem>>
          %dma_wait3A_140 = tpu.memref_squeeze %dma_wait3A_139 : memref<1x128xi32, #tpu.memory_space<vmem>> -> memref<128xi32, #tpu.memory_space<vmem>>
          %dma_wait3A_141 = arith.constant 0 : i32
          %dma_wait3A_142 = arith.constant 0 : i32
          %dma_wait3A_143 = tpu.memref_slice %arg10[%dma_wait3A_141, %dma_wait3A_142] : memref<10112x128xf32, #tpu.memory_space<vmem_shared>> -> memref<10112x128xf32, #tpu.memory_space<vmem_shared>>
          tpu.wait_indirect_dma semaphore(%run_scoped3A : memref<!tpu.dma_semaphore, #tpu.memory_space<semaphore_mem>>) src(%arg8 : memref<128x128xf32, #tpu.memory_space<vmem>>) dst(%dma_wait3A_143 : memref<10112x128xf32, #tpu.memory_space<vmem_shared>>)
          tpu.yield
        }) : () -> ()
        %add3A_113 = arith.constant 2 : i32
        %add3A_114 = arith.addi %mul3A_98, %add3A_113 : i32
        %min3A = arith.constant 39 : i32
        %min3A_115 = arith.minsi %add3A_114, %min3A : i32
        %dma_start3A_116 = arith.constant 0 : i32
        %dma_start3A_117 = tpu.memref_slice %arg6[%min3A_115, %dma_start3A_116] : memref<40x128xi32, #tpu.memory_space<vmem>> -> memref<1x128xi32, #tpu.memory_space<vmem>>
        %dma_start3A_118 = tpu.memref_squeeze %dma_start3A_117 : memref<1x128xi32, #tpu.memory_space<vmem>> -> memref<128xi32, #tpu.memory_space<vmem>>
        %dma_start3A_119 = arith.constant 0 : i32
        %dma_start3A_120 = arith.constant 0 : i32
        %dma_start3A_121 = tpu.memref_slice %arg2[%dma_start3A_119, %dma_start3A_120] : memref<10000x128xf32, #tpu.memory_space<hbm>> -> memref<10000x128xf32, #tpu.memory_space<hbm>>
        tpu.enqueue_indirect_dma source(%dma_start3A_121 : memref<10000x128xf32, #tpu.memory_space<hbm>>) target(%arg8 : memref<128x128xf32, #tpu.memory_space<vmem>>) offsets(%dma_start3A_118 : memref<128xi32, #tpu.memory_space<vmem>>) semaphore(%arg11 : memref<!tpu.dma_semaphore, #tpu.memory_space<semaphore_mem>>)
        %add3A_122 = arith.constant 1 : i32
        %add3A_123 = arith.addi %mul3A_98, %add3A_122 : i32
        %dma_wait3A_124 = arith.constant 0 : i32
        %dma_wait3A_125 = tpu.memref_slice %arg6[%add3A_123, %dma_wait3A_124] : memref<40x128xi32, #tpu.memory_space<vmem>> -> memref<1x128xi32, #tpu.memory_space<vmem>>
        %dma_wait3A_126 = tpu.memref_squeeze %dma_wait3A_125 : memref<1x128xi32, #tpu.memory_space<vmem>> -> memref<128xi32, #tpu.memory_space<vmem>>
        %dma_wait3A_127 = arith.constant 0 : i32
        %dma_wait3A_128 = arith.constant 0 : i32
        %dma_wait3A_129 = tpu.memref_slice %arg2[%dma_wait3A_127, %dma_wait3A_128] : memref<10000x128xf32, #tpu.memory_space<hbm>> -> memref<10000x128xf32, #tpu.memory_space<hbm>>
        tpu.wait_indirect_dma semaphore(%arg11 : memref<!tpu.dma_semaphore, #tpu.memory_space<semaphore_mem>>) src(%dma_wait3A_129 : memref<10000x128xf32, #tpu.memory_space<hbm>>) dst(%arg9 : memref<128x128xf32, #tpu.memory_space<vmem>>)
        %add3A_130 = arith.constant 1 : i32
        %add3A_131 = arith.addi %mul3A_98, %add3A_130 : i32
        "tpu.region"() ({
          %run_scoped3A = tpu.sem_alloc : memref<!tpu.dma_semaphore, #tpu.memory_space<semaphore_mem>>
          %dma_start3A_132 = arith.constant 0 : i32
          %dma_start3A_133 = tpu.memref_slice %arg7[%add3A_131, %dma_start3A_132] : memref<40x128xi32, #tpu.memory_space<vmem>> -> memref<1x128xi32, #tpu.memory_space<vmem>>
          %dma_start3A_134 = tpu.memref_squeeze %dma_start3A_133 : memref<1x128xi32, #tpu.memory_space<vmem>> -> memref<128xi32, #tpu.memory_space<vmem>>
          %dma_start3A_135 = arith.constant 0 : i32
          %dma_start3A_136 = arith.constant 0 : i32
          %dma_start3A_137 = tpu.memref_slice %arg10[%dma_start3A_135, %dma_start3A_136] : memref<10112x128xf32, #tpu.memory_space<vmem_shared>> -> memref<10112x128xf32, #tpu.memory_space<vmem_shared>>
          tpu.enqueue_indirect_dma source(%arg9 : memref<128x128xf32, #tpu.memory_space<vmem>>) target(%dma_start3A_137 : memref<10112x128xf32, #tpu.memory_space<vmem_shared>>) offsets(%dma_start3A_134 : memref<128xi32, #tpu.memory_space<vmem>>) semaphore(%run_scoped3A : memref<!tpu.dma_semaphore, #tpu.memory_space<semaphore_mem>>) {add = true}
          %dma_wait3A_138 = arith.constant 0 : i32
          %dma_wait3A_139 = tpu.memref_slice %arg7[%add3A_131, %dma_wait3A_138] : memref<40x128xi32, #tpu.memory_space<vmem>> -> memref<1x128xi32, #tpu.memory_space<vmem>>
          %dma_wait3A_140 = tpu.memref_squeeze %dma_wait3A_139 : memref<1x128xi32, #tpu.memory_space<vmem>> -> memref<128xi32, #tpu.memory_space<vmem>>
          %dma_wait3A_141 = arith.constant 0 : i32
          %dma_wait3A_142 = arith.constant 0 : i32
          %dma_wait3A_143 = tpu.memref_slice %arg10[%dma_wait3A_141, %dma_wait3A_142] : memref<10112x128xf32, #tpu.memory_space<vmem_shared>> -> memref<10112x128xf32, #tpu.memory_space<vmem_shared>>
          tpu.wait_indirect_dma semaphore(%run_scoped3A : memref<!tpu.dma_semaphore, #tpu.memory_space<semaphore_mem>>) src(%arg9 : memref<128x128xf32, #tpu.memory_space<vmem>>) dst(%dma_wait3A_143 : memref<10112x128xf32, #tpu.memory_space<vmem_shared>>)
          tpu.yield
        }) : () -> ()
      }
      %scan3A_28 = arith.constant 20 : i32
      %dma_wait3A = arith.constant 39 : i32
      %dma_wait3A_29 = arith.constant 0 : i32
      %dma_wait3A_30 = tpu.memref_slice %arg6[%dma_wait3A, %dma_wait3A_29] : memref<40x128xi32, #tpu.memory_space<vmem>> -> memref<1x128xi32, #tpu.memory_space<vmem>>
      %dma_wait3A_31 = tpu.memref_squeeze %dma_wait3A_30 : memref<1x128xi32, #tpu.memory_space<vmem>> -> memref<128xi32, #tpu.memory_space<vmem>>
      %dma_wait3A_32 = arith.constant 0 : i32
      %dma_wait3A_33 = arith.constant 0 : i32
      %dma_wait3A_34 = tpu.memref_slice %arg2[%dma_wait3A_32, %dma_wait3A_33] : memref<10000x128xf32, #tpu.memory_space<hbm>> -> memref<10000x128xf32, #tpu.memory_space<hbm>>
      tpu.wait_indirect_dma semaphore(%arg11 : memref<!tpu.dma_semaphore, #tpu.memory_space<semaphore_mem>>) src(%dma_wait3A_34 : memref<10000x128xf32, #tpu.memory_space<hbm>>) dst(%arg8 : memref<128x128xf32, #tpu.memory_space<vmem>>)
      "tpu.region"() ({
        %run_scoped3A = tpu.sem_alloc : memref<!tpu.dma_semaphore, #tpu.memory_space<semaphore_mem>>
        %dma_start3A_96 = arith.constant 0 : i32
        %dma_start3A_97 = arith.constant 0 : i32
        %dma_start3A_98 = tpu.memref_slice %arg6[%dma_start3A_96, %dma_start3A_97] : memref<40x128xi32, #tpu.memory_space<vmem>> -> memref<40x128xi32, #tpu.memory_space<vmem>>
        %dma_start3A_99 = arith.constant 40 : i32
        %dma_start3A_100 = arith.constant 0 : i32
        %dma_start3A_101 = tpu.memref_slice %arg3[%arg1, %dma_start3A_99, %dma_start3A_100] : memref<16x160x128xi32, #tpu.memory_space<hbm>> -> memref<1x40x128xi32, #tpu.memory_space<hbm>>
        %dma_start3A_102 = tpu.memref_squeeze %dma_start3A_101 : memref<1x40x128xi32, #tpu.memory_space<hbm>> -> memref<40x128xi32, #tpu.memory_space<hbm>>
        %dma_start3A_103 = arith.constant 0 : i32
        %dma_start3A_104 = arith.constant 0 : i32
        %dma_start3A_105 = tpu.memref_slice %arg6[%dma_start3A_103, %dma_start3A_104] : memref<40x128xi32, #tpu.memory_space<vmem>> -> memref<40x128xi32, #tpu.memory_space<vmem>>
        %dma_start3A_106 = arith.constant 40 : i32
        %dma_start3A_107 = arith.constant 0 : i32
        %dma_start3A_108 = tpu.memref_slice %arg3[%arg1, %dma_start3A_106, %dma_start3A_107] : memref<16x160x128xi32, #tpu.memory_space<hbm>> -> memref<1x40x128xi32, #tpu.memory_space<hbm>>
        %dma_start3A_109 = tpu.memref_squeeze %dma_start3A_108 : memref<1x40x128xi32, #tpu.memory_space<hbm>> -> memref<40x128xi32, #tpu.memory_space<hbm>>
        tpu.enqueue_dma source(%dma_start3A_109 : memref<40x128xi32, #tpu.memory_space<hbm>>) target(%dma_start3A_105 : memref<40x128xi32, #tpu.memory_space<vmem>>) target_semaphore(%run_scoped3A : memref<!tpu.dma_semaphore, #tpu.memory_space<semaphore_mem>>)
        %dma_wait3A_110 = arith.constant 0 : i32
        %dma_wait3A_111 = arith.constant 0 : i32
        %dma_wait3A_112 = tpu.memref_slice %arg6[%dma_wait3A_110, %dma_wait3A_111] : memref<40x128xi32, #tpu.memory_space<vmem>> -> memref<40x128xi32, #tpu.memory_space<vmem>>
        %dma_wait3A_113 = arith.constant 40 : i32
        %dma_wait3A_114 = arith.constant 0 : i32
        %dma_wait3A_115 = tpu.memref_slice %arg3[%arg1, %dma_wait3A_113, %dma_wait3A_114] : memref<16x160x128xi32, #tpu.memory_space<hbm>> -> memref<1x40x128xi32, #tpu.memory_space<hbm>>
        %dma_wait3A_116 = tpu.memref_squeeze %dma_wait3A_115 : memref<1x40x128xi32, #tpu.memory_space<hbm>> -> memref<40x128xi32, #tpu.memory_space<hbm>>
        %dma_wait3A_117 = arith.constant 0 : i32
        %dma_wait3A_118 = arith.constant 0 : i32
        %dma_wait3A_119 = tpu.memref_slice %arg6[%dma_wait3A_117, %dma_wait3A_118] : memref<40x128xi32, #tpu.memory_space<vmem>> -> memref<40x128xi32, #tpu.memory_space<vmem>>
        %dma_wait3A_120 = arith.constant 40 : i32
        %dma_wait3A_121 = arith.constant 0 : i32
        %dma_wait3A_122 = tpu.memref_slice %arg3[%arg1, %dma_wait3A_120, %dma_wait3A_121] : memref<16x160x128xi32, #tpu.memory_space<hbm>> -> memref<1x40x128xi32, #tpu.memory_space<hbm>>
        %dma_wait3A_123 = tpu.memref_squeeze %dma_wait3A_122 : memref<1x40x128xi32, #tpu.memory_space<hbm>> -> memref<40x128xi32, #tpu.memory_space<hbm>>
        tpu.wait_dma2 semaphore(%run_scoped3A : memref<!tpu.dma_semaphore, #tpu.memory_space<semaphore_mem>>) src(%dma_wait3A_123 : memref<40x128xi32, #tpu.memory_space<hbm>>) dst(%dma_wait3A_119 : memref<40x128xi32, #tpu.memory_space<vmem>>)
        tpu.yield
      }) : () -> ()
      "tpu.region"() ({
        %run_scoped3A = tpu.sem_alloc : memref<!tpu.dma_semaphore, #tpu.memory_space<semaphore_mem>>
        %dma_start3A_96 = arith.constant 0 : i32
        %dma_start3A_97 = arith.constant 0 : i32
        %dma_start3A_98 = tpu.memref_slice %arg7[%dma_start3A_96, %dma_start3A_97] : memref<40x128xi32, #tpu.memory_space<vmem>> -> memref<40x128xi32, #tpu.memory_space<vmem>>
        %dma_start3A_99 = arith.constant 40 : i32
        %dma_start3A_100 = arith.constant 0 : i32
        %dma_start3A_101 = tpu.memref_slice %arg4[%arg1, %dma_start3A_99, %dma_start3A_100] : memref<16x160x128xi32, #tpu.memory_space<hbm>> -> memref<1x40x128xi32, #tpu.memory_space<hbm>>
        %dma_start3A_102 = tpu.memref_squeeze %dma_start3A_101 : memref<1x40x128xi32, #tpu.memory_space<hbm>> -> memref<40x128xi32, #tpu.memory_space<hbm>>
        %dma_start3A_103 = arith.constant 0 : i32
        %dma_start3A_104 = arith.constant 0 : i32
        %dma_start3A_105 = tpu.memref_slice %arg7[%dma_start3A_103, %dma_start3A_104] : memref<40x128xi32, #tpu.memory_space<vmem>> -> memref<40x128xi32, #tpu.memory_space<vmem>>
        %dma_start3A_106 = arith.constant 40 : i32
        %dma_start3A_107 = arith.constant 0 : i32
        %dma_start3A_108 = tpu.memref_slice %arg4[%arg1, %dma_start3A_106, %dma_start3A_107] : memref<16x160x128xi32, #tpu.memory_space<hbm>> -> memref<1x40x128xi32, #tpu.memory_space<hbm>>
        %dma_start3A_109 = tpu.memref_squeeze %dma_start3A_108 : memref<1x40x128xi32, #tpu.memory_space<hbm>> -> memref<40x128xi32, #tpu.memory_space<hbm>>
        tpu.enqueue_dma source(%dma_start3A_109 : memref<40x128xi32, #tpu.memory_space<hbm>>) target(%dma_start3A_105 : memref<40x128xi32, #tpu.memory_space<vmem>>) target_semaphore(%run_scoped3A : memref<!tpu.dma_semaphore, #tpu.memory_space<semaphore_mem>>)
        %dma_wait3A_110 = arith.constant 0 : i32
        %dma_wait3A_111 = arith.constant 0 : i32
        %dma_wait3A_112 = tpu.memref_slice %arg7[%dma_wait3A_110, %dma_wait3A_111] : memref<40x128xi32, #tpu.memory_space<vmem>> -> memref<40x128xi32, #tpu.memory_space<vmem>>
        %dma_wait3A_113 = arith.constant 40 : i32
        %dma_wait3A_114 = arith.constant 0 : i32
        %dma_wait3A_115 = tpu.memref_slice %arg4[%arg1, %dma_wait3A_113, %dma_wait3A_114] : memref<16x160x128xi32, #tpu.memory_space<hbm>> -> memref<1x40x128xi32, #tpu.memory_space<hbm>>
        %dma_wait3A_116 = tpu.memref_squeeze %dma_wait3A_115 : memref<1x40x128xi32, #tpu.memory_space<hbm>> -> memref<40x128xi32, #tpu.memory_space<hbm>>
        %dma_wait3A_117 = arith.constant 0 : i32
        %dma_wait3A_118 = arith.constant 0 : i32
        %dma_wait3A_119 = tpu.memref_slice %arg7[%dma_wait3A_117, %dma_wait3A_118] : memref<40x128xi32, #tpu.memory_space<vmem>> -> memref<40x128xi32, #tpu.memory_space<vmem>>
        %dma_wait3A_120 = arith.constant 40 : i32
        %dma_wait3A_121 = arith.constant 0 : i32
        %dma_wait3A_122 = tpu.memref_slice %arg4[%arg1, %dma_wait3A_120, %dma_wait3A_121] : memref<16x160x128xi32, #tpu.memory_space<hbm>> -> memref<1x40x128xi32, #tpu.memory_space<hbm>>
        %dma_wait3A_123 = tpu.memref_squeeze %dma_wait3A_122 : memref<1x40x128xi32, #tpu.memory_space<hbm>> -> memref<40x128xi32, #tpu.memory_space<hbm>>
        tpu.wait_dma2 semaphore(%run_scoped3A : memref<!tpu.dma_semaphore, #tpu.memory_space<semaphore_mem>>) src(%dma_wait3A_123 : memref<40x128xi32, #tpu.memory_space<hbm>>) dst(%dma_wait3A_119 : memref<40x128xi32, #tpu.memory_space<vmem>>)
        tpu.yield
      }) : () -> ()
      %dma_start3A_35 = arith.constant 0 : i32
      %dma_start3A_36 = arith.constant 0 : i32
      %dma_start3A_37 = tpu.memref_slice %arg6[%dma_start3A_35, %dma_start3A_36] : memref<40x128xi32, #tpu.memory_space<vmem>> -> memref<1x128xi32, #tpu.memory_space<vmem>>
      %dma_start3A_38 = tpu.memref_squeeze %dma_start3A_37 : memref<1x128xi32, #tpu.memory_space<vmem>> -> memref<128xi32, #tpu.memory_space<vmem>>
      %dma_start3A_39 = arith.constant 0 : i32
      %dma_start3A_40 = arith.constant 0 : i32
      %dma_start3A_41 = tpu.memref_slice %arg2[%dma_start3A_39, %dma_start3A_40] : memref<10000x128xf32, #tpu.memory_space<hbm>> -> memref<10000x128xf32, #tpu.memory_space<hbm>>
      tpu.enqueue_indirect_dma source(%dma_start3A_41 : memref<10000x128xf32, #tpu.memory_space<hbm>>) target(%arg8 : memref<128x128xf32, #tpu.memory_space<vmem>>) offsets(%dma_start3A_38 : memref<128xi32, #tpu.memory_space<vmem>>) semaphore(%arg11 : memref<!tpu.dma_semaphore, #tpu.memory_space<semaphore_mem>>)
      %scan3A_42 = arith.constant 0 : i32
      %scan3A_43 = arith.constant 0 : i32
      %scan3A_44 = arith.constant 20 : i32
      %scan3A_45 = arith.addi %scan3A_43, %scan3A_44 : i32
      %scan3A_46 = arith.constant 1 : i32
      scf.for %scan3A_96 = %scan3A_43 to %scan3A_45 step %scan3A_46  : i32 {
        %mul3A_97 = arith.constant 2 : i32
        %mul3A_98 = arith.muli %mul3A_97, %scan3A_96 : i32
        %add3A_99 = arith.constant 1 : i32
        %add3A_100 = arith.addi %mul3A_98, %add3A_99 : i32
        %dma_start3A_101 = arith.constant 0 : i32
        %dma_start3A_102 = tpu.memref_slice %arg6[%add3A_100, %dma_start3A_101] : memref<40x128xi32, #tpu.memory_space<vmem>> -> memref<1x128xi32, #tpu.memory_space<vmem>>
        %dma_start3A_103 = tpu.memref_squeeze %dma_start3A_102 : memref<1x128xi32, #tpu.memory_space<vmem>> -> memref<128xi32, #tpu.memory_space<vmem>>
        %dma_start3A_104 = arith.constant 0 : i32
        %dma_start3A_105 = arith.constant 0 : i32
        %dma_start3A_106 = tpu.memref_slice %arg2[%dma_start3A_104, %dma_start3A_105] : memref<10000x128xf32, #tpu.memory_space<hbm>> -> memref<10000x128xf32, #tpu.memory_space<hbm>>
        tpu.enqueue_indirect_dma source(%dma_start3A_106 : memref<10000x128xf32, #tpu.memory_space<hbm>>) target(%arg9 : memref<128x128xf32, #tpu.memory_space<vmem>>) offsets(%dma_start3A_103 : memref<128xi32, #tpu.memory_space<vmem>>) semaphore(%arg11 : memref<!tpu.dma_semaphore, #tpu.memory_space<semaphore_mem>>)
        %dma_wait3A_107 = arith.constant 0 : i32
        %dma_wait3A_108 = tpu.memref_slice %arg6[%mul3A_98, %dma_wait3A_107] : memref<40x128xi32, #tpu.memory_space<vmem>> -> memref<1x128xi32, #tpu.memory_space<vmem>>
        %dma_wait3A_109 = tpu.memref_squeeze %dma_wait3A_108 : memref<1x128xi32, #tpu.memory_space<vmem>> -> memref<128xi32, #tpu.memory_space<vmem>>
        %dma_wait3A_110 = arith.constant 0 : i32
        %dma_wait3A_111 = arith.constant 0 : i32
        %dma_wait3A_112 = tpu.memref_slice %arg2[%dma_wait3A_110, %dma_wait3A_111] : memref<10000x128xf32, #tpu.memory_space<hbm>> -> memref<10000x128xf32, #tpu.memory_space<hbm>>
        tpu.wait_indirect_dma semaphore(%arg11 : memref<!tpu.dma_semaphore, #tpu.memory_space<semaphore_mem>>) src(%dma_wait3A_112 : memref<10000x128xf32, #tpu.memory_space<hbm>>) dst(%arg8 : memref<128x128xf32, #tpu.memory_space<vmem>>)
        "tpu.region"() ({
          %run_scoped3A = tpu.sem_alloc : memref<!tpu.dma_semaphore, #tpu.memory_space<semaphore_mem>>
          %dma_start3A_132 = arith.constant 0 : i32
          %dma_start3A_133 = tpu.memref_slice %arg7[%mul3A_98, %dma_start3A_132] : memref<40x128xi32, #tpu.memory_space<vmem>> -> memref<1x128xi32, #tpu.memory_space<vmem>>
          %dma_start3A_134 = tpu.memref_squeeze %dma_start3A_133 : memref<1x128xi32, #tpu.memory_space<vmem>> -> memref<128xi32, #tpu.memory_space<vmem>>
          %dma_start3A_135 = arith.constant 0 : i32
          %dma_start3A_136 = arith.constant 0 : i32
          %dma_start3A_137 = tpu.memref_slice %arg10[%dma_start3A_135, %dma_start3A_136] : memref<10112x128xf32, #tpu.memory_space<vmem_shared>> -> memref<10112x128xf32, #tpu.memory_space<vmem_shared>>
          tpu.enqueue_indirect_dma source(%arg8 : memref<128x128xf32, #tpu.memory_space<vmem>>) target(%dma_start3A_137 : memref<10112x128xf32, #tpu.memory_space<vmem_shared>>) offsets(%dma_start3A_134 : memref<128xi32, #tpu.memory_space<vmem>>) semaphore(%run_scoped3A : memref<!tpu.dma_semaphore, #tpu.memory_space<semaphore_mem>>) {add = true}
          %dma_wait3A_138 = arith.constant 0 : i32
          %dma_wait3A_139 = tpu.memref_slice %arg7[%mul3A_98, %dma_wait3A_138] : memref<40x128xi32, #tpu.memory_space<vmem>> -> memref<1x128xi32, #tpu.memory_space<vmem>>
          %dma_wait3A_140 = tpu.memref_squeeze %dma_wait3A_139 : memref<1x128xi32, #tpu.memory_space<vmem>> -> memref<128xi32, #tpu.memory_space<vmem>>
          %dma_wait3A_141 = arith.constant 0 : i32
          %dma_wait3A_142 = arith.constant 0 : i32
          %dma_wait3A_143 = tpu.memref_slice %arg10[%dma_wait3A_141, %dma_wait3A_142] : memref<10112x128xf32, #tpu.memory_space<vmem_shared>> -> memref<10112x128xf32, #tpu.memory_space<vmem_shared>>
          tpu.wait_indirect_dma semaphore(%run_scoped3A : memref<!tpu.dma_semaphore, #tpu.memory_space<semaphore_mem>>) src(%arg8 : memref<128x128xf32, #tpu.memory_space<vmem>>) dst(%dma_wait3A_143 : memref<10112x128xf32, #tpu.memory_space<vmem_shared>>)
          tpu.yield
        }) : () -> ()
        %add3A_113 = arith.constant 2 : i32
        %add3A_114 = arith.addi %mul3A_98, %add3A_113 : i32
        %min3A = arith.constant 39 : i32
        %min3A_115 = arith.minsi %add3A_114, %min3A : i32
        %dma_start3A_116 = arith.constant 0 : i32
        %dma_start3A_117 = tpu.memref_slice %arg6[%min3A_115, %dma_start3A_116] : memref<40x128xi32, #tpu.memory_space<vmem>> -> memref<1x128xi32, #tpu.memory_space<vmem>>
        %dma_start3A_118 = tpu.memref_squeeze %dma_start3A_117 : memref<1x128xi32, #tpu.memory_space<vmem>> -> memref<128xi32, #tpu.memory_space<vmem>>
        %dma_start3A_119 = arith.constant 0 : i32
        %dma_start3A_120 = arith.constant 0 : i32
        %dma_start3A_121 = tpu.memref_slice %arg2[%dma_start3A_119, %dma_start3A_120] : memref<10000x128xf32, #tpu.memory_space<hbm>> -> memref<10000x128xf32, #tpu.memory_space<hbm>>
        tpu.enqueue_indirect_dma source(%dma_start3A_121 : memref<10000x128xf32, #tpu.memory_space<hbm>>) target(%arg8 : memref<128x128xf32, #tpu.memory_space<vmem>>) offsets(%dma_start3A_118 : memref<128xi32, #tpu.memory_space<vmem>>) semaphore(%arg11 : memref<!tpu.dma_semaphore, #tpu.memory_space<semaphore_mem>>)
        %add3A_122 = arith.constant 1 : i32
        %add3A_123 = arith.addi %mul3A_98, %add3A_122 : i32
        %dma_wait3A_124 = arith.constant 0 : i32
        %dma_wait3A_125 = tpu.memref_slice %arg6[%add3A_123, %dma_wait3A_124] : memref<40x128xi32, #tpu.memory_space<vmem>> -> memref<1x128xi32, #tpu.memory_space<vmem>>
        %dma_wait3A_126 = tpu.memref_squeeze %dma_wait3A_125 : memref<1x128xi32, #tpu.memory_space<vmem>> -> memref<128xi32, #tpu.memory_space<vmem>>
        %dma_wait3A_127 = arith.constant 0 : i32
        %dma_wait3A_128 = arith.constant 0 : i32
        %dma_wait3A_129 = tpu.memref_slice %arg2[%dma_wait3A_127, %dma_wait3A_128] : memref<10000x128xf32, #tpu.memory_space<hbm>> -> memref<10000x128xf32, #tpu.memory_space<hbm>>
        tpu.wait_indirect_dma semaphore(%arg11 : memref<!tpu.dma_semaphore, #tpu.memory_space<semaphore_mem>>) src(%dma_wait3A_129 : memref<10000x128xf32, #tpu.memory_space<hbm>>) dst(%arg9 : memref<128x128xf32, #tpu.memory_space<vmem>>)
        %add3A_130 = arith.constant 1 : i32
        %add3A_131 = arith.addi %mul3A_98, %add3A_130 : i32
        "tpu.region"() ({
          %run_scoped3A = tpu.sem_alloc : memref<!tpu.dma_semaphore, #tpu.memory_space<semaphore_mem>>
          %dma_start3A_132 = arith.constant 0 : i32
          %dma_start3A_133 = tpu.memref_slice %arg7[%add3A_131, %dma_start3A_132] : memref<40x128xi32, #tpu.memory_space<vmem>> -> memref<1x128xi32, #tpu.memory_space<vmem>>
          %dma_start3A_134 = tpu.memref_squeeze %dma_start3A_133 : memref<1x128xi32, #tpu.memory_space<vmem>> -> memref<128xi32, #tpu.memory_space<vmem>>
          %dma_start3A_135 = arith.constant 0 : i32
          %dma_start3A_136 = arith.constant 0 : i32
          %dma_start3A_137 = tpu.memref_slice %arg10[%dma_start3A_135, %dma_start3A_136] : memref<10112x128xf32, #tpu.memory_space<vmem_shared>> -> memref<10112x128xf32, #tpu.memory_space<vmem_shared>>
          tpu.enqueue_indirect_dma source(%arg9 : memref<128x128xf32, #tpu.memory_space<vmem>>) target(%dma_start3A_137 : memref<10112x128xf32, #tpu.memory_space<vmem_shared>>) offsets(%dma_start3A_134 : memref<128xi32, #tpu.memory_space<vmem>>) semaphore(%run_scoped3A : memref<!tpu.dma_semaphore, #tpu.memory_space<semaphore_mem>>) {add = true}
          %dma_wait3A_138 = arith.constant 0 : i32
          %dma_wait3A_139 = tpu.memref_slice %arg7[%add3A_131, %dma_wait3A_138] : memref<40x128xi32, #tpu.memory_space<vmem>> -> memref<1x128xi32, #tpu.memory_space<vmem>>
          %dma_wait3A_140 = tpu.memref_squeeze %dma_wait3A_139 : memref<1x128xi32, #tpu.memory_space<vmem>> -> memref<128xi32, #tpu.memory_space<vmem>>
          %dma_wait3A_141 = arith.constant 0 : i32
          %dma_wait3A_142 = arith.constant 0 : i32
          %dma_wait3A_143 = tpu.memref_slice %arg10[%dma_wait3A_141, %dma_wait3A_142] : memref<10112x128xf32, #tpu.memory_space<vmem_shared>> -> memref<10112x128xf32, #tpu.memory_space<vmem_shared>>
          tpu.wait_indirect_dma semaphore(%run_scoped3A : memref<!tpu.dma_semaphore, #tpu.memory_space<semaphore_mem>>) src(%arg9 : memref<128x128xf32, #tpu.memory_space<vmem>>) dst(%dma_wait3A_143 : memref<10112x128xf32, #tpu.memory_space<vmem_shared>>)
          tpu.yield
        }) : () -> ()
      }
      %scan3A_47 = arith.constant 20 : i32
      %dma_wait3A_48 = arith.constant 39 : i32
      %dma_wait3A_49 = arith.constant 0 : i32
      %dma_wait3A_50 = tpu.memref_slice %arg6[%dma_wait3A_48, %dma_wait3A_49] : memref<40x128xi32, #tpu.memory_space<vmem>> -> memref<1x128xi32, #tpu.memory_space<vmem>>
      %dma_wait3A_51 = tpu.memref_squeeze %dma_wait3A_50 : memref<1x128xi32, #tpu.memory_space<vmem>> -> memref<128xi32, #tpu.memory_space<vmem>>
      %dma_wait3A_52 = arith.constant 0 : i32
      %dma_wait3A_53 = arith.constant 0 : i32
      %dma_wait3A_54 = tpu.memref_slice %arg2[%dma_wait3A_52, %dma_wait3A_53] : memref<10000x128xf32, #tpu.memory_space<hbm>> -> memref<10000x128xf32, #tpu.memory_space<hbm>>
      tpu.wait_indirect_dma semaphore(%arg11 : memref<!tpu.dma_semaphore, #tpu.memory_space<semaphore_mem>>) src(%dma_wait3A_54 : memref<10000x128xf32, #tpu.memory_space<hbm>>) dst(%arg8 : memref<128x128xf32, #tpu.memory_space<vmem>>)
      "tpu.region"() ({
        %run_scoped3A = tpu.sem_alloc : memref<!tpu.dma_semaphore, #tpu.memory_space<semaphore_mem>>
        %dma_start3A_96 = arith.constant 0 : i32
        %dma_start3A_97 = arith.constant 0 : i32
        %dma_start3A_98 = tpu.memref_slice %arg6[%dma_start3A_96, %dma_start3A_97] : memref<40x128xi32, #tpu.memory_space<vmem>> -> memref<40x128xi32, #tpu.memory_space<vmem>>
        %dma_start3A_99 = arith.constant 80 : i32
        %dma_start3A_100 = arith.constant 0 : i32
        %dma_start3A_101 = tpu.memref_slice %arg3[%arg1, %dma_start3A_99, %dma_start3A_100] : memref<16x160x128xi32, #tpu.memory_space<hbm>> -> memref<1x40x128xi32, #tpu.memory_space<hbm>>
        %dma_start3A_102 = tpu.memref_squeeze %dma_start3A_101 : memref<1x40x128xi32, #tpu.memory_space<hbm>> -> memref<40x128xi32, #tpu.memory_space<hbm>>
        %dma_start3A_103 = arith.constant 0 : i32
        %dma_start3A_104 = arith.constant 0 : i32
        %dma_start3A_105 = tpu.memref_slice %arg6[%dma_start3A_103, %dma_start3A_104] : memref<40x128xi32, #tpu.memory_space<vmem>> -> memref<40x128xi32, #tpu.memory_space<vmem>>
        %dma_start3A_106 = arith.constant 80 : i32
        %dma_start3A_107 = arith.constant 0 : i32
        %dma_start3A_108 = tpu.memref_slice %arg3[%arg1, %dma_start3A_106, %dma_start3A_107] : memref<16x160x128xi32, #tpu.memory_space<hbm>> -> memref<1x40x128xi32, #tpu.memory_space<hbm>>
        %dma_start3A_109 = tpu.memref_squeeze %dma_start3A_108 : memref<1x40x128xi32, #tpu.memory_space<hbm>> -> memref<40x128xi32, #tpu.memory_space<hbm>>
        tpu.enqueue_dma source(%dma_start3A_109 : memref<40x128xi32, #tpu.memory_space<hbm>>) target(%dma_start3A_105 : memref<40x128xi32, #tpu.memory_space<vmem>>) target_semaphore(%run_scoped3A : memref<!tpu.dma_semaphore, #tpu.memory_space<semaphore_mem>>)
        %dma_wait3A_110 = arith.constant 0 : i32
        %dma_wait3A_111 = arith.constant 0 : i32
        %dma_wait3A_112 = tpu.memref_slice %arg6[%dma_wait3A_110, %dma_wait3A_111] : memref<40x128xi32, #tpu.memory_space<vmem>> -> memref<40x128xi32, #tpu.memory_space<vmem>>
        %dma_wait3A_113 = arith.constant 80 : i32
        %dma_wait3A_114 = arith.constant 0 : i32
        %dma_wait3A_115 = tpu.memref_slice %arg3[%arg1, %dma_wait3A_113, %dma_wait3A_114] : memref<16x160x128xi32, #tpu.memory_space<hbm>> -> memref<1x40x128xi32, #tpu.memory_space<hbm>>
        %dma_wait3A_116 = tpu.memref_squeeze %dma_wait3A_115 : memref<1x40x128xi32, #tpu.memory_space<hbm>> -> memref<40x128xi32, #tpu.memory_space<hbm>>
        %dma_wait3A_117 = arith.constant 0 : i32
        %dma_wait3A_118 = arith.constant 0 : i32
        %dma_wait3A_119 = tpu.memref_slice %arg6[%dma_wait3A_117, %dma_wait3A_118] : memref<40x128xi32, #tpu.memory_space<vmem>> -> memref<40x128xi32, #tpu.memory_space<vmem>>
        %dma_wait3A_120 = arith.constant 80 : i32
        %dma_wait3A_121 = arith.constant 0 : i32
        %dma_wait3A_122 = tpu.memref_slice %arg3[%arg1, %dma_wait3A_120, %dma_wait3A_121] : memref<16x160x128xi32, #tpu.memory_space<hbm>> -> memref<1x40x128xi32, #tpu.memory_space<hbm>>
        %dma_wait3A_123 = tpu.memref_squeeze %dma_wait3A_122 : memref<1x40x128xi32, #tpu.memory_space<hbm>> -> memref<40x128xi32, #tpu.memory_space<hbm>>
        tpu.wait_dma2 semaphore(%run_scoped3A : memref<!tpu.dma_semaphore, #tpu.memory_space<semaphore_mem>>) src(%dma_wait3A_123 : memref<40x128xi32, #tpu.memory_space<hbm>>) dst(%dma_wait3A_119 : memref<40x128xi32, #tpu.memory_space<vmem>>)
        tpu.yield
      }) : () -> ()
      "tpu.region"() ({
        %run_scoped3A = tpu.sem_alloc : memref<!tpu.dma_semaphore, #tpu.memory_space<semaphore_mem>>
        %dma_start3A_96 = arith.constant 0 : i32
        %dma_start3A_97 = arith.constant 0 : i32
        %dma_start3A_98 = tpu.memref_slice %arg7[%dma_start3A_96, %dma_start3A_97] : memref<40x128xi32, #tpu.memory_space<vmem>> -> memref<40x128xi32, #tpu.memory_space<vmem>>
        %dma_start3A_99 = arith.constant 80 : i32
        %dma_start3A_100 = arith.constant 0 : i32
        %dma_start3A_101 = tpu.memref_slice %arg4[%arg1, %dma_start3A_99, %dma_start3A_100] : memref<16x160x128xi32, #tpu.memory_space<hbm>> -> memref<1x40x128xi32, #tpu.memory_space<hbm>>
        %dma_start3A_102 = tpu.memref_squeeze %dma_start3A_101 : memref<1x40x128xi32, #tpu.memory_space<hbm>> -> memref<40x128xi32, #tpu.memory_space<hbm>>
        %dma_start3A_103 = arith.constant 0 : i32
        %dma_start3A_104 = arith.constant 0 : i32
        %dma_start3A_105 = tpu.memref_slice %arg7[%dma_start3A_103, %dma_start3A_104] : memref<40x128xi32, #tpu.memory_space<vmem>> -> memref<40x128xi32, #tpu.memory_space<vmem>>
        %dma_start3A_106 = arith.constant 80 : i32
        %dma_start3A_107 = arith.constant 0 : i32
        %dma_start3A_108 = tpu.memref_slice %arg4[%arg1, %dma_start3A_106, %dma_start3A_107] : memref<16x160x128xi32, #tpu.memory_space<hbm>> -> memref<1x40x128xi32, #tpu.memory_space<hbm>>
        %dma_start3A_109 = tpu.memref_squeeze %dma_start3A_108 : memref<1x40x128xi32, #tpu.memory_space<hbm>> -> memref<40x128xi32, #tpu.memory_space<hbm>>
        tpu.enqueue_dma source(%dma_start3A_109 : memref<40x128xi32, #tpu.memory_space<hbm>>) target(%dma_start3A_105 : memref<40x128xi32, #tpu.memory_space<vmem>>) target_semaphore(%run_scoped3A : memref<!tpu.dma_semaphore, #tpu.memory_space<semaphore_mem>>)
        %dma_wait3A_110 = arith.constant 0 : i32
        %dma_wait3A_111 = arith.constant 0 : i32
        %dma_wait3A_112 = tpu.memref_slice %arg7[%dma_wait3A_110, %dma_wait3A_111] : memref<40x128xi32, #tpu.memory_space<vmem>> -> memref<40x128xi32, #tpu.memory_space<vmem>>
        %dma_wait3A_113 = arith.constant 80 : i32
        %dma_wait3A_114 = arith.constant 0 : i32
        %dma_wait3A_115 = tpu.memref_slice %arg4[%arg1, %dma_wait3A_113, %dma_wait3A_114] : memref<16x160x128xi32, #tpu.memory_space<hbm>> -> memref<1x40x128xi32, #tpu.memory_space<hbm>>
        %dma_wait3A_116 = tpu.memref_squeeze %dma_wait3A_115 : memref<1x40x128xi32, #tpu.memory_space<hbm>> -> memref<40x128xi32, #tpu.memory_space<hbm>>
        %dma_wait3A_117 = arith.constant 0 : i32
        %dma_wait3A_118 = arith.constant 0 : i32
        %dma_wait3A_119 = tpu.memref_slice %arg7[%dma_wait3A_117, %dma_wait3A_118] : memref<40x128xi32, #tpu.memory_space<vmem>> -> memref<40x128xi32, #tpu.memory_space<vmem>>
        %dma_wait3A_120 = arith.constant 80 : i32
        %dma_wait3A_121 = arith.constant 0 : i32
        %dma_wait3A_122 = tpu.memref_slice %arg4[%arg1, %dma_wait3A_120, %dma_wait3A_121] : memref<16x160x128xi32, #tpu.memory_space<hbm>> -> memref<1x40x128xi32, #tpu.memory_space<hbm>>
        %dma_wait3A_123 = tpu.memref_squeeze %dma_wait3A_122 : memref<1x40x128xi32, #tpu.memory_space<hbm>> -> memref<40x128xi32, #tpu.memory_space<hbm>>
        tpu.wait_dma2 semaphore(%run_scoped3A : memref<!tpu.dma_semaphore, #tpu.memory_space<semaphore_mem>>) src(%dma_wait3A_123 : memref<40x128xi32, #tpu.memory_space<hbm>>) dst(%dma_wait3A_119 : memref<40x128xi32, #tpu.memory_space<vmem>>)
        tpu.yield
      }) : () -> ()
      %dma_start3A_55 = arith.constant 0 : i32
      %dma_start3A_56 = arith.constant 0 : i32
      %dma_start3A_57 = tpu.memref_slice %arg6[%dma_start3A_55, %dma_start3A_56] : memref<40x128xi32, #tpu.memory_space<vmem>> -> memref<1x128xi32, #tpu.memory_space<vmem>>
      %dma_start3A_58 = tpu.memref_squeeze %dma_start3A_57 : memref<1x128xi32, #tpu.memory_space<vmem>> -> memref<128xi32, #tpu.memory_space<vmem>>
      %dma_start3A_59 = arith.constant 0 : i32
      %dma_start3A_60 = arith.constant 0 : i32
      %dma_start3A_61 = tpu.memref_slice %arg2[%dma_start3A_59, %dma_start3A_60] : memref<10000x128xf32, #tpu.memory_space<hbm>> -> memref<10000x128xf32, #tpu.memory_space<hbm>>
      tpu.enqueue_indirect_dma source(%dma_start3A_61 : memref<10000x128xf32, #tpu.memory_space<hbm>>) target(%arg8 : memref<128x128xf32, #tpu.memory_space<vmem>>) offsets(%dma_start3A_58 : memref<128xi32, #tpu.memory_space<vmem>>) semaphore(%arg11 : memref<!tpu.dma_semaphore, #tpu.memory_space<semaphore_mem>>)
      %scan3A_62 = arith.constant 0 : i32
      %scan3A_63 = arith.constant 0 : i32
      %scan3A_64 = arith.constant 20 : i32
      %scan3A_65 = arith.addi %scan3A_63, %scan3A_64 : i32
      %scan3A_66 = arith.constant 1 : i32
      scf.for %scan3A_96 = %scan3A_63 to %scan3A_65 step %scan3A_66  : i32 {
        %mul3A_97 = arith.constant 2 : i32
        %mul3A_98 = arith.muli %mul3A_97, %scan3A_96 : i32
        %add3A_99 = arith.constant 1 : i32
        %add3A_100 = arith.addi %mul3A_98, %add3A_99 : i32
        %dma_start3A_101 = arith.constant 0 : i32
        %dma_start3A_102 = tpu.memref_slice %arg6[%add3A_100, %dma_start3A_101] : memref<40x128xi32, #tpu.memory_space<vmem>> -> memref<1x128xi32, #tpu.memory_space<vmem>>
        %dma_start3A_103 = tpu.memref_squeeze %dma_start3A_102 : memref<1x128xi32, #tpu.memory_space<vmem>> -> memref<128xi32, #tpu.memory_space<vmem>>
        %dma_start3A_104 = arith.constant 0 : i32
        %dma_start3A_105 = arith.constant 0 : i32
        %dma_start3A_106 = tpu.memref_slice %arg2[%dma_start3A_104, %dma_start3A_105] : memref<10000x128xf32, #tpu.memory_space<hbm>> -> memref<10000x128xf32, #tpu.memory_space<hbm>>
        tpu.enqueue_indirect_dma source(%dma_start3A_106 : memref<10000x128xf32, #tpu.memory_space<hbm>>) target(%arg9 : memref<128x128xf32, #tpu.memory_space<vmem>>) offsets(%dma_start3A_103 : memref<128xi32, #tpu.memory_space<vmem>>) semaphore(%arg11 : memref<!tpu.dma_semaphore, #tpu.memory_space<semaphore_mem>>)
        %dma_wait3A_107 = arith.constant 0 : i32
        %dma_wait3A_108 = tpu.memref_slice %arg6[%mul3A_98, %dma_wait3A_107] : memref<40x128xi32, #tpu.memory_space<vmem>> -> memref<1x128xi32, #tpu.memory_space<vmem>>
        %dma_wait3A_109 = tpu.memref_squeeze %dma_wait3A_108 : memref<1x128xi32, #tpu.memory_space<vmem>> -> memref<128xi32, #tpu.memory_space<vmem>>
        %dma_wait3A_110 = arith.constant 0 : i32
        %dma_wait3A_111 = arith.constant 0 : i32
        %dma_wait3A_112 = tpu.memref_slice %arg2[%dma_wait3A_110, %dma_wait3A_111] : memref<10000x128xf32, #tpu.memory_space<hbm>> -> memref<10000x128xf32, #tpu.memory_space<hbm>>
        tpu.wait_indirect_dma semaphore(%arg11 : memref<!tpu.dma_semaphore, #tpu.memory_space<semaphore_mem>>) src(%dma_wait3A_112 : memref<10000x128xf32, #tpu.memory_space<hbm>>) dst(%arg8 : memref<128x128xf32, #tpu.memory_space<vmem>>)
        "tpu.region"() ({
          %run_scoped3A = tpu.sem_alloc : memref<!tpu.dma_semaphore, #tpu.memory_space<semaphore_mem>>
          %dma_start3A_132 = arith.constant 0 : i32
          %dma_start3A_133 = tpu.memref_slice %arg7[%mul3A_98, %dma_start3A_132] : memref<40x128xi32, #tpu.memory_space<vmem>> -> memref<1x128xi32, #tpu.memory_space<vmem>>
          %dma_start3A_134 = tpu.memref_squeeze %dma_start3A_133 : memref<1x128xi32, #tpu.memory_space<vmem>> -> memref<128xi32, #tpu.memory_space<vmem>>
          %dma_start3A_135 = arith.constant 0 : i32
          %dma_start3A_136 = arith.constant 0 : i32
          %dma_start3A_137 = tpu.memref_slice %arg10[%dma_start3A_135, %dma_start3A_136] : memref<10112x128xf32, #tpu.memory_space<vmem_shared>> -> memref<10112x128xf32, #tpu.memory_space<vmem_shared>>
          tpu.enqueue_indirect_dma source(%arg8 : memref<128x128xf32, #tpu.memory_space<vmem>>) target(%dma_start3A_137 : memref<10112x128xf32, #tpu.memory_space<vmem_shared>>) offsets(%dma_start3A_134 : memref<128xi32, #tpu.memory_space<vmem>>) semaphore(%run_scoped3A : memref<!tpu.dma_semaphore, #tpu.memory_space<semaphore_mem>>) {add = true}
          %dma_wait3A_138 = arith.constant 0 : i32
          %dma_wait3A_139 = tpu.memref_slice %arg7[%mul3A_98, %dma_wait3A_138] : memref<40x128xi32, #tpu.memory_space<vmem>> -> memref<1x128xi32, #tpu.memory_space<vmem>>
          %dma_wait3A_140 = tpu.memref_squeeze %dma_wait3A_139 : memref<1x128xi32, #tpu.memory_space<vmem>> -> memref<128xi32, #tpu.memory_space<vmem>>
          %dma_wait3A_141 = arith.constant 0 : i32
          %dma_wait3A_142 = arith.constant 0 : i32
          %dma_wait3A_143 = tpu.memref_slice %arg10[%dma_wait3A_141, %dma_wait3A_142] : memref<10112x128xf32, #tpu.memory_space<vmem_shared>> -> memref<10112x128xf32, #tpu.memory_space<vmem_shared>>
          tpu.wait_indirect_dma semaphore(%run_scoped3A : memref<!tpu.dma_semaphore, #tpu.memory_space<semaphore_mem>>) src(%arg8 : memref<128x128xf32, #tpu.memory_space<vmem>>) dst(%dma_wait3A_143 : memref<10112x128xf32, #tpu.memory_space<vmem_shared>>)
          tpu.yield
        }) : () -> ()
        %add3A_113 = arith.constant 2 : i32
        %add3A_114 = arith.addi %mul3A_98, %add3A_113 : i32
        %min3A = arith.constant 39 : i32
        %min3A_115 = arith.minsi %add3A_114, %min3A : i32
        %dma_start3A_116 = arith.constant 0 : i32
        %dma_start3A_117 = tpu.memref_slice %arg6[%min3A_115, %dma_start3A_116] : memref<40x128xi32, #tpu.memory_space<vmem>> -> memref<1x128xi32, #tpu.memory_space<vmem>>
        %dma_start3A_118 = tpu.memref_squeeze %dma_start3A_117 : memref<1x128xi32, #tpu.memory_space<vmem>> -> memref<128xi32, #tpu.memory_space<vmem>>
        %dma_start3A_119 = arith.constant 0 : i32
        %dma_start3A_120 = arith.constant 0 : i32
        %dma_start3A_121 = tpu.memref_slice %arg2[%dma_start3A_119, %dma_start3A_120] : memref<10000x128xf32, #tpu.memory_space<hbm>> -> memref<10000x128xf32, #tpu.memory_space<hbm>>
        tpu.enqueue_indirect_dma source(%dma_start3A_121 : memref<10000x128xf32, #tpu.memory_space<hbm>>) target(%arg8 : memref<128x128xf32, #tpu.memory_space<vmem>>) offsets(%dma_start3A_118 : memref<128xi32, #tpu.memory_space<vmem>>) semaphore(%arg11 : memref<!tpu.dma_semaphore, #tpu.memory_space<semaphore_mem>>)
        %add3A_122 = arith.constant 1 : i32
        %add3A_123 = arith.addi %mul3A_98, %add3A_122 : i32
        %dma_wait3A_124 = arith.constant 0 : i32
        %dma_wait3A_125 = tpu.memref_slice %arg6[%add3A_123, %dma_wait3A_124] : memref<40x128xi32, #tpu.memory_space<vmem>> -> memref<1x128xi32, #tpu.memory_space<vmem>>
        %dma_wait3A_126 = tpu.memref_squeeze %dma_wait3A_125 : memref<1x128xi32, #tpu.memory_space<vmem>> -> memref<128xi32, #tpu.memory_space<vmem>>
        %dma_wait3A_127 = arith.constant 0 : i32
        %dma_wait3A_128 = arith.constant 0 : i32
        %dma_wait3A_129 = tpu.memref_slice %arg2[%dma_wait3A_127, %dma_wait3A_128] : memref<10000x128xf32, #tpu.memory_space<hbm>> -> memref<10000x128xf32, #tpu.memory_space<hbm>>
        tpu.wait_indirect_dma semaphore(%arg11 : memref<!tpu.dma_semaphore, #tpu.memory_space<semaphore_mem>>) src(%dma_wait3A_129 : memref<10000x128xf32, #tpu.memory_space<hbm>>) dst(%arg9 : memref<128x128xf32, #tpu.memory_space<vmem>>)
        %add3A_130 = arith.constant 1 : i32
        %add3A_131 = arith.addi %mul3A_98, %add3A_130 : i32
        "tpu.region"() ({
          %run_scoped3A = tpu.sem_alloc : memref<!tpu.dma_semaphore, #tpu.memory_space<semaphore_mem>>
          %dma_start3A_132 = arith.constant 0 : i32
          %dma_start3A_133 = tpu.memref_slice %arg7[%add3A_131, %dma_start3A_132] : memref<40x128xi32, #tpu.memory_space<vmem>> -> memref<1x128xi32, #tpu.memory_space<vmem>>
          %dma_start3A_134 = tpu.memref_squeeze %dma_start3A_133 : memref<1x128xi32, #tpu.memory_space<vmem>> -> memref<128xi32, #tpu.memory_space<vmem>>
          %dma_start3A_135 = arith.constant 0 : i32
          %dma_start3A_136 = arith.constant 0 : i32
          %dma_start3A_137 = tpu.memref_slice %arg10[%dma_start3A_135, %dma_start3A_136] : memref<10112x128xf32, #tpu.memory_space<vmem_shared>> -> memref<10112x128xf32, #tpu.memory_space<vmem_shared>>
          tpu.enqueue_indirect_dma source(%arg9 : memref<128x128xf32, #tpu.memory_space<vmem>>) target(%dma_start3A_137 : memref<10112x128xf32, #tpu.memory_space<vmem_shared>>) offsets(%dma_start3A_134 : memref<128xi32, #tpu.memory_space<vmem>>) semaphore(%run_scoped3A : memref<!tpu.dma_semaphore, #tpu.memory_space<semaphore_mem>>) {add = true}
          %dma_wait3A_138 = arith.constant 0 : i32
          %dma_wait3A_139 = tpu.memref_slice %arg7[%add3A_131, %dma_wait3A_138] : memref<40x128xi32, #tpu.memory_space<vmem>> -> memref<1x128xi32, #tpu.memory_space<vmem>>
          %dma_wait3A_140 = tpu.memref_squeeze %dma_wait3A_139 : memref<1x128xi32, #tpu.memory_space<vmem>> -> memref<128xi32, #tpu.memory_space<vmem>>
          %dma_wait3A_141 = arith.constant 0 : i32
          %dma_wait3A_142 = arith.constant 0 : i32
          %dma_wait3A_143 = tpu.memref_slice %arg10[%dma_wait3A_141, %dma_wait3A_142] : memref<10112x128xf32, #tpu.memory_space<vmem_shared>> -> memref<10112x128xf32, #tpu.memory_space<vmem_shared>>
          tpu.wait_indirect_dma semaphore(%run_scoped3A : memref<!tpu.dma_semaphore, #tpu.memory_space<semaphore_mem>>) src(%arg9 : memref<128x128xf32, #tpu.memory_space<vmem>>) dst(%dma_wait3A_143 : memref<10112x128xf32, #tpu.memory_space<vmem_shared>>)
          tpu.yield
        }) : () -> ()
      }
      %scan3A_67 = arith.constant 20 : i32
      %dma_wait3A_68 = arith.constant 39 : i32
      %dma_wait3A_69 = arith.constant 0 : i32
      %dma_wait3A_70 = tpu.memref_slice %arg6[%dma_wait3A_68, %dma_wait3A_69] : memref<40x128xi32, #tpu.memory_space<vmem>> -> memref<1x128xi32, #tpu.memory_space<vmem>>
      %dma_wait3A_71 = tpu.memref_squeeze %dma_wait3A_70 : memref<1x128xi32, #tpu.memory_space<vmem>> -> memref<128xi32, #tpu.memory_space<vmem>>
      %dma_wait3A_72 = arith.constant 0 : i32
      %dma_wait3A_73 = arith.constant 0 : i32
      %dma_wait3A_74 = tpu.memref_slice %arg2[%dma_wait3A_72, %dma_wait3A_73] : memref<10000x128xf32, #tpu.memory_space<hbm>> -> memref<10000x128xf32, #tpu.memory_space<hbm>>
      tpu.wait_indirect_dma semaphore(%arg11 : memref<!tpu.dma_semaphore, #tpu.memory_space<semaphore_mem>>) src(%dma_wait3A_74 : memref<10000x128xf32, #tpu.memory_space<hbm>>) dst(%arg8 : memref<128x128xf32, #tpu.memory_space<vmem>>)
      "tpu.region"() ({
        %run_scoped3A = tpu.sem_alloc : memref<!tpu.dma_semaphore, #tpu.memory_space<semaphore_mem>>
        %dma_start3A_96 = arith.constant 0 : i32
        %dma_start3A_97 = arith.constant 0 : i32
        %dma_start3A_98 = tpu.memref_slice %arg6[%dma_start3A_96, %dma_start3A_97] : memref<40x128xi32, #tpu.memory_space<vmem>> -> memref<40x128xi32, #tpu.memory_space<vmem>>
        %dma_start3A_99 = arith.constant 120 : i32
        %dma_start3A_100 = arith.constant 0 : i32
        %dma_start3A_101 = tpu.memref_slice %arg3[%arg1, %dma_start3A_99, %dma_start3A_100] : memref<16x160x128xi32, #tpu.memory_space<hbm>> -> memref<1x40x128xi32, #tpu.memory_space<hbm>>
        %dma_start3A_102 = tpu.memref_squeeze %dma_start3A_101 : memref<1x40x128xi32, #tpu.memory_space<hbm>> -> memref<40x128xi32, #tpu.memory_space<hbm>>
        %dma_start3A_103 = arith.constant 0 : i32
        %dma_start3A_104 = arith.constant 0 : i32
        %dma_start3A_105 = tpu.memref_slice %arg6[%dma_start3A_103, %dma_start3A_104] : memref<40x128xi32, #tpu.memory_space<vmem>> -> memref<40x128xi32, #tpu.memory_space<vmem>>
        %dma_start3A_106 = arith.constant 120 : i32
        %dma_start3A_107 = arith.constant 0 : i32
        %dma_start3A_108 = tpu.memref_slice %arg3[%arg1, %dma_start3A_106, %dma_start3A_107] : memref<16x160x128xi32, #tpu.memory_space<hbm>> -> memref<1x40x128xi32, #tpu.memory_space<hbm>>
        %dma_start3A_109 = tpu.memref_squeeze %dma_start3A_108 : memref<1x40x128xi32, #tpu.memory_space<hbm>> -> memref<40x128xi32, #tpu.memory_space<hbm>>
        tpu.enqueue_dma source(%dma_start3A_109 : memref<40x128xi32, #tpu.memory_space<hbm>>) target(%dma_start3A_105 : memref<40x128xi32, #tpu.memory_space<vmem>>) target_semaphore(%run_scoped3A : memref<!tpu.dma_semaphore, #tpu.memory_space<semaphore_mem>>)
        %dma_wait3A_110 = arith.constant 0 : i32
        %dma_wait3A_111 = arith.constant 0 : i32
        %dma_wait3A_112 = tpu.memref_slice %arg6[%dma_wait3A_110, %dma_wait3A_111] : memref<40x128xi32, #tpu.memory_space<vmem>> -> memref<40x128xi32, #tpu.memory_space<vmem>>
        %dma_wait3A_113 = arith.constant 120 : i32
        %dma_wait3A_114 = arith.constant 0 : i32
        %dma_wait3A_115 = tpu.memref_slice %arg3[%arg1, %dma_wait3A_113, %dma_wait3A_114] : memref<16x160x128xi32, #tpu.memory_space<hbm>> -> memref<1x40x128xi32, #tpu.memory_space<hbm>>
        %dma_wait3A_116 = tpu.memref_squeeze %dma_wait3A_115 : memref<1x40x128xi32, #tpu.memory_space<hbm>> -> memref<40x128xi32, #tpu.memory_space<hbm>>
        %dma_wait3A_117 = arith.constant 0 : i32
        %dma_wait3A_118 = arith.constant 0 : i32
        %dma_wait3A_119 = tpu.memref_slice %arg6[%dma_wait3A_117, %dma_wait3A_118] : memref<40x128xi32, #tpu.memory_space<vmem>> -> memref<40x128xi32, #tpu.memory_space<vmem>>
        %dma_wait3A_120 = arith.constant 120 : i32
        %dma_wait3A_121 = arith.constant 0 : i32
        %dma_wait3A_122 = tpu.memref_slice %arg3[%arg1, %dma_wait3A_120, %dma_wait3A_121] : memref<16x160x128xi32, #tpu.memory_space<hbm>> -> memref<1x40x128xi32, #tpu.memory_space<hbm>>
        %dma_wait3A_123 = tpu.memref_squeeze %dma_wait3A_122 : memref<1x40x128xi32, #tpu.memory_space<hbm>> -> memref<40x128xi32, #tpu.memory_space<hbm>>
        tpu.wait_dma2 semaphore(%run_scoped3A : memref<!tpu.dma_semaphore, #tpu.memory_space<semaphore_mem>>) src(%dma_wait3A_123 : memref<40x128xi32, #tpu.memory_space<hbm>>) dst(%dma_wait3A_119 : memref<40x128xi32, #tpu.memory_space<vmem>>)
        tpu.yield
      }) : () -> ()
      "tpu.region"() ({
        %run_scoped3A = tpu.sem_alloc : memref<!tpu.dma_semaphore, #tpu.memory_space<semaphore_mem>>
        %dma_start3A_96 = arith.constant 0 : i32
        %dma_start3A_97 = arith.constant 0 : i32
        %dma_start3A_98 = tpu.memref_slice %arg7[%dma_start3A_96, %dma_start3A_97] : memref<40x128xi32, #tpu.memory_space<vmem>> -> memref<40x128xi32, #tpu.memory_space<vmem>>
        %dma_start3A_99 = arith.constant 120 : i32
        %dma_start3A_100 = arith.constant 0 : i32
        %dma_start3A_101 = tpu.memref_slice %arg4[%arg1, %dma_start3A_99, %dma_start3A_100] : memref<16x160x128xi32, #tpu.memory_space<hbm>> -> memref<1x40x128xi32, #tpu.memory_space<hbm>>
        %dma_start3A_102 = tpu.memref_squeeze %dma_start3A_101 : memref<1x40x128xi32, #tpu.memory_space<hbm>> -> memref<40x128xi32, #tpu.memory_space<hbm>>
        %dma_start3A_103 = arith.constant 0 : i32
        %dma_start3A_104 = arith.constant 0 : i32
        %dma_start3A_105 = tpu.memref_slice %arg7[%dma_start3A_103, %dma_start3A_104] : memref<40x128xi32, #tpu.memory_space<vmem>> -> memref<40x128xi32, #tpu.memory_space<vmem>>
        %dma_start3A_106 = arith.constant 120 : i32
        %dma_start3A_107 = arith.constant 0 : i32
        %dma_start3A_108 = tpu.memref_slice %arg4[%arg1, %dma_start3A_106, %dma_start3A_107] : memref<16x160x128xi32, #tpu.memory_space<hbm>> -> memref<1x40x128xi32, #tpu.memory_space<hbm>>
        %dma_start3A_109 = tpu.memref_squeeze %dma_start3A_108 : memref<1x40x128xi32, #tpu.memory_space<hbm>> -> memref<40x128xi32, #tpu.memory_space<hbm>>
        tpu.enqueue_dma source(%dma_start3A_109 : memref<40x128xi32, #tpu.memory_space<hbm>>) target(%dma_start3A_105 : memref<40x128xi32, #tpu.memory_space<vmem>>) target_semaphore(%run_scoped3A : memref<!tpu.dma_semaphore, #tpu.memory_space<semaphore_mem>>)
        %dma_wait3A_110 = arith.constant 0 : i32
        %dma_wait3A_111 = arith.constant 0 : i32
        %dma_wait3A_112 = tpu.memref_slice %arg7[%dma_wait3A_110, %dma_wait3A_111] : memref<40x128xi32, #tpu.memory_space<vmem>> -> memref<40x128xi32, #tpu.memory_space<vmem>>
        %dma_wait3A_113 = arith.constant 120 : i32
        %dma_wait3A_114 = arith.constant 0 : i32
        %dma_wait3A_115 = tpu.memref_slice %arg4[%arg1, %dma_wait3A_113, %dma_wait3A_114] : memref<16x160x128xi32, #tpu.memory_space<hbm>> -> memref<1x40x128xi32, #tpu.memory_space<hbm>>
        %dma_wait3A_116 = tpu.memref_squeeze %dma_wait3A_115 : memref<1x40x128xi32, #tpu.memory_space<hbm>> -> memref<40x128xi32, #tpu.memory_space<hbm>>
        %dma_wait3A_117 = arith.constant 0 : i32
        %dma_wait3A_118 = arith.constant 0 : i32
        %dma_wait3A_119 = tpu.memref_slice %arg7[%dma_wait3A_117, %dma_wait3A_118] : memref<40x128xi32, #tpu.memory_space<vmem>> -> memref<40x128xi32, #tpu.memory_space<vmem>>
        %dma_wait3A_120 = arith.constant 120 : i32
        %dma_wait3A_121 = arith.constant 0 : i32
        %dma_wait3A_122 = tpu.memref_slice %arg4[%arg1, %dma_wait3A_120, %dma_wait3A_121] : memref<16x160x128xi32, #tpu.memory_space<hbm>> -> memref<1x40x128xi32, #tpu.memory_space<hbm>>
        %dma_wait3A_123 = tpu.memref_squeeze %dma_wait3A_122 : memref<1x40x128xi32, #tpu.memory_space<hbm>> -> memref<40x128xi32, #tpu.memory_space<hbm>>
        tpu.wait_dma2 semaphore(%run_scoped3A : memref<!tpu.dma_semaphore, #tpu.memory_space<semaphore_mem>>) src(%dma_wait3A_123 : memref<40x128xi32, #tpu.memory_space<hbm>>) dst(%dma_wait3A_119 : memref<40x128xi32, #tpu.memory_space<vmem>>)
        tpu.yield
      }) : () -> ()
      %dma_start3A_75 = arith.constant 0 : i32
      %dma_start3A_76 = arith.constant 0 : i32
      %dma_start3A_77 = tpu.memref_slice %arg6[%dma_start3A_75, %dma_start3A_76] : memref<40x128xi32, #tpu.memory_space<vmem>> -> memref<1x128xi32, #tpu.memory_space<vmem>>
      %dma_start3A_78 = tpu.memref_squeeze %dma_start3A_77 : memref<1x128xi32, #tpu.memory_space<vmem>> -> memref<128xi32, #tpu.memory_space<vmem>>
      %dma_start3A_79 = arith.constant 0 : i32
      %dma_start3A_80 = arith.constant 0 : i32
      %dma_start3A_81 = tpu.memref_slice %arg2[%dma_start3A_79, %dma_start3A_80] : memref<10000x128xf32, #tpu.memory_space<hbm>> -> memref<10000x128xf32, #tpu.memory_space<hbm>>
      tpu.enqueue_indirect_dma source(%dma_start3A_81 : memref<10000x128xf32, #tpu.memory_space<hbm>>) target(%arg8 : memref<128x128xf32, #tpu.memory_space<vmem>>) offsets(%dma_start3A_78 : memref<128xi32, #tpu.memory_space<vmem>>) semaphore(%arg11 : memref<!tpu.dma_semaphore, #tpu.memory_space<semaphore_mem>>)
      %scan3A_82 = arith.constant 0 : i32
      %scan3A_83 = arith.constant 0 : i32
      %scan3A_84 = arith.constant 20 : i32
      %scan3A_85 = arith.addi %scan3A_83, %scan3A_84 : i32
      %scan3A_86 = arith.constant 1 : i32
      scf.for %scan3A_96 = %scan3A_83 to %scan3A_85 step %scan3A_86  : i32 {
        %mul3A_97 = arith.constant 2 : i32
        %mul3A_98 = arith.muli %mul3A_97, %scan3A_96 : i32
        %add3A_99 = arith.constant 1 : i32
        %add3A_100 = arith.addi %mul3A_98, %add3A_99 : i32
        %dma_start3A_101 = arith.constant 0 : i32
        %dma_start3A_102 = tpu.memref_slice %arg6[%add3A_100, %dma_start3A_101] : memref<40x128xi32, #tpu.memory_space<vmem>> -> memref<1x128xi32, #tpu.memory_space<vmem>>
        %dma_start3A_103 = tpu.memref_squeeze %dma_start3A_102 : memref<1x128xi32, #tpu.memory_space<vmem>> -> memref<128xi32, #tpu.memory_space<vmem>>
        %dma_start3A_104 = arith.constant 0 : i32
        %dma_start3A_105 = arith.constant 0 : i32
        %dma_start3A_106 = tpu.memref_slice %arg2[%dma_start3A_104, %dma_start3A_105] : memref<10000x128xf32, #tpu.memory_space<hbm>> -> memref<10000x128xf32, #tpu.memory_space<hbm>>
        tpu.enqueue_indirect_dma source(%dma_start3A_106 : memref<10000x128xf32, #tpu.memory_space<hbm>>) target(%arg9 : memref<128x128xf32, #tpu.memory_space<vmem>>) offsets(%dma_start3A_103 : memref<128xi32, #tpu.memory_space<vmem>>) semaphore(%arg11 : memref<!tpu.dma_semaphore, #tpu.memory_space<semaphore_mem>>)
        %dma_wait3A_107 = arith.constant 0 : i32
        %dma_wait3A_108 = tpu.memref_slice %arg6[%mul3A_98, %dma_wait3A_107] : memref<40x128xi32, #tpu.memory_space<vmem>> -> memref<1x128xi32, #tpu.memory_space<vmem>>
        %dma_wait3A_109 = tpu.memref_squeeze %dma_wait3A_108 : memref<1x128xi32, #tpu.memory_space<vmem>> -> memref<128xi32, #tpu.memory_space<vmem>>
        %dma_wait3A_110 = arith.constant 0 : i32
        %dma_wait3A_111 = arith.constant 0 : i32
        %dma_wait3A_112 = tpu.memref_slice %arg2[%dma_wait3A_110, %dma_wait3A_111] : memref<10000x128xf32, #tpu.memory_space<hbm>> -> memref<10000x128xf32, #tpu.memory_space<hbm>>
        tpu.wait_indirect_dma semaphore(%arg11 : memref<!tpu.dma_semaphore, #tpu.memory_space<semaphore_mem>>) src(%dma_wait3A_112 : memref<10000x128xf32, #tpu.memory_space<hbm>>) dst(%arg8 : memref<128x128xf32, #tpu.memory_space<vmem>>)
        "tpu.region"() ({
          %run_scoped3A = tpu.sem_alloc : memref<!tpu.dma_semaphore, #tpu.memory_space<semaphore_mem>>
          %dma_start3A_132 = arith.constant 0 : i32
          %dma_start3A_133 = tpu.memref_slice %arg7[%mul3A_98, %dma_start3A_132] : memref<40x128xi32, #tpu.memory_space<vmem>> -> memref<1x128xi32, #tpu.memory_space<vmem>>
          %dma_start3A_134 = tpu.memref_squeeze %dma_start3A_133 : memref<1x128xi32, #tpu.memory_space<vmem>> -> memref<128xi32, #tpu.memory_space<vmem>>
          %dma_start3A_135 = arith.constant 0 : i32
          %dma_start3A_136 = arith.constant 0 : i32
          %dma_start3A_137 = tpu.memref_slice %arg10[%dma_start3A_135, %dma_start3A_136] : memref<10112x128xf32, #tpu.memory_space<vmem_shared>> -> memref<10112x128xf32, #tpu.memory_space<vmem_shared>>
          tpu.enqueue_indirect_dma source(%arg8 : memref<128x128xf32, #tpu.memory_space<vmem>>) target(%dma_start3A_137 : memref<10112x128xf32, #tpu.memory_space<vmem_shared>>) offsets(%dma_start3A_134 : memref<128xi32, #tpu.memory_space<vmem>>) semaphore(%run_scoped3A : memref<!tpu.dma_semaphore, #tpu.memory_space<semaphore_mem>>) {add = true}
          %dma_wait3A_138 = arith.constant 0 : i32
          %dma_wait3A_139 = tpu.memref_slice %arg7[%mul3A_98, %dma_wait3A_138] : memref<40x128xi32, #tpu.memory_space<vmem>> -> memref<1x128xi32, #tpu.memory_space<vmem>>
          %dma_wait3A_140 = tpu.memref_squeeze %dma_wait3A_139 : memref<1x128xi32, #tpu.memory_space<vmem>> -> memref<128xi32, #tpu.memory_space<vmem>>
          %dma_wait3A_141 = arith.constant 0 : i32
          %dma_wait3A_142 = arith.constant 0 : i32
          %dma_wait3A_143 = tpu.memref_slice %arg10[%dma_wait3A_141, %dma_wait3A_142] : memref<10112x128xf32, #tpu.memory_space<vmem_shared>> -> memref<10112x128xf32, #tpu.memory_space<vmem_shared>>
          tpu.wait_indirect_dma semaphore(%run_scoped3A : memref<!tpu.dma_semaphore, #tpu.memory_space<semaphore_mem>>) src(%arg8 : memref<128x128xf32, #tpu.memory_space<vmem>>) dst(%dma_wait3A_143 : memref<10112x128xf32, #tpu.memory_space<vmem_shared>>)
          tpu.yield
        }) : () -> ()
        %add3A_113 = arith.constant 2 : i32
        %add3A_114 = arith.addi %mul3A_98, %add3A_113 : i32
        %min3A = arith.constant 39 : i32
        %min3A_115 = arith.minsi %add3A_114, %min3A : i32
        %dma_start3A_116 = arith.constant 0 : i32
        %dma_start3A_117 = tpu.memref_slice %arg6[%min3A_115, %dma_start3A_116] : memref<40x128xi32, #tpu.memory_space<vmem>> -> memref<1x128xi32, #tpu.memory_space<vmem>>
        %dma_start3A_118 = tpu.memref_squeeze %dma_start3A_117 : memref<1x128xi32, #tpu.memory_space<vmem>> -> memref<128xi32, #tpu.memory_space<vmem>>
        %dma_start3A_119 = arith.constant 0 : i32
        %dma_start3A_120 = arith.constant 0 : i32
        %dma_start3A_121 = tpu.memref_slice %arg2[%dma_start3A_119, %dma_start3A_120] : memref<10000x128xf32, #tpu.memory_space<hbm>> -> memref<10000x128xf32, #tpu.memory_space<hbm>>
        tpu.enqueue_indirect_dma source(%dma_start3A_121 : memref<10000x128xf32, #tpu.memory_space<hbm>>) target(%arg8 : memref<128x128xf32, #tpu.memory_space<vmem>>) offsets(%dma_start3A_118 : memref<128xi32, #tpu.memory_space<vmem>>) semaphore(%arg11 : memref<!tpu.dma_semaphore, #tpu.memory_space<semaphore_mem>>)
        %add3A_122 = arith.constant 1 : i32
        %add3A_123 = arith.addi %mul3A_98, %add3A_122 : i32
        %dma_wait3A_124 = arith.constant 0 : i32
        %dma_wait3A_125 = tpu.memref_slice %arg6[%add3A_123, %dma_wait3A_124] : memref<40x128xi32, #tpu.memory_space<vmem>> -> memref<1x128xi32, #tpu.memory_space<vmem>>
        %dma_wait3A_126 = tpu.memref_squeeze %dma_wait3A_125 : memref<1x128xi32, #tpu.memory_space<vmem>> -> memref<128xi32, #tpu.memory_space<vmem>>
        %dma_wait3A_127 = arith.constant 0 : i32
        %dma_wait3A_128 = arith.constant 0 : i32
        %dma_wait3A_129 = tpu.memref_slice %arg2[%dma_wait3A_127, %dma_wait3A_128] : memref<10000x128xf32, #tpu.memory_space<hbm>> -> memref<10000x128xf32, #tpu.memory_space<hbm>>
        tpu.wait_indirect_dma semaphore(%arg11 : memref<!tpu.dma_semaphore, #tpu.memory_space<semaphore_mem>>) src(%dma_wait3A_129 : memref<10000x128xf32, #tpu.memory_space<hbm>>) dst(%arg9 : memref<128x128xf32, #tpu.memory_space<vmem>>)
        %add3A_130 = arith.constant 1 : i32
        %add3A_131 = arith.addi %mul3A_98, %add3A_130 : i32
        "tpu.region"() ({
          %run_scoped3A = tpu.sem_alloc : memref<!tpu.dma_semaphore, #tpu.memory_space<semaphore_mem>>
          %dma_start3A_132 = arith.constant 0 : i32
          %dma_start3A_133 = tpu.memref_slice %arg7[%add3A_131, %dma_start3A_132] : memref<40x128xi32, #tpu.memory_space<vmem>> -> memref<1x128xi32, #tpu.memory_space<vmem>>
          %dma_start3A_134 = tpu.memref_squeeze %dma_start3A_133 : memref<1x128xi32, #tpu.memory_space<vmem>> -> memref<128xi32, #tpu.memory_space<vmem>>
          %dma_start3A_135 = arith.constant 0 : i32
          %dma_start3A_136 = arith.constant 0 : i32
          %dma_start3A_137 = tpu.memref_slice %arg10[%dma_start3A_135, %dma_start3A_136] : memref<10112x128xf32, #tpu.memory_space<vmem_shared>> -> memref<10112x128xf32, #tpu.memory_space<vmem_shared>>
          tpu.enqueue_indirect_dma source(%arg9 : memref<128x128xf32, #tpu.memory_space<vmem>>) target(%dma_start3A_137 : memref<10112x128xf32, #tpu.memory_space<vmem_shared>>) offsets(%dma_start3A_134 : memref<128xi32, #tpu.memory_space<vmem>>) semaphore(%run_scoped3A : memref<!tpu.dma_semaphore, #tpu.memory_space<semaphore_mem>>) {add = true}
          %dma_wait3A_138 = arith.constant 0 : i32
          %dma_wait3A_139 = tpu.memref_slice %arg7[%add3A_131, %dma_wait3A_138] : memref<40x128xi32, #tpu.memory_space<vmem>> -> memref<1x128xi32, #tpu.memory_space<vmem>>
          %dma_wait3A_140 = tpu.memref_squeeze %dma_wait3A_139 : memref<1x128xi32, #tpu.memory_space<vmem>> -> memref<128xi32, #tpu.memory_space<vmem>>
          %dma_wait3A_141 = arith.constant 0 : i32
          %dma_wait3A_142 = arith.constant 0 : i32
          %dma_wait3A_143 = tpu.memref_slice %arg10[%dma_wait3A_141, %dma_wait3A_142] : memref<10112x128xf32, #tpu.memory_space<vmem_shared>> -> memref<10112x128xf32, #tpu.memory_space<vmem_shared>>
          tpu.wait_indirect_dma semaphore(%run_scoped3A : memref<!tpu.dma_semaphore, #tpu.memory_space<semaphore_mem>>) src(%arg9 : memref<128x128xf32, #tpu.memory_space<vmem>>) dst(%dma_wait3A_143 : memref<10112x128xf32, #tpu.memory_space<vmem_shared>>)
          tpu.yield
        }) : () -> ()
      }
      %scan3A_87 = arith.constant 20 : i32
      %dma_wait3A_88 = arith.constant 39 : i32
      %dma_wait3A_89 = arith.constant 0 : i32
      %dma_wait3A_90 = tpu.memref_slice %arg6[%dma_wait3A_88, %dma_wait3A_89] : memref<40x128xi32, #tpu.memory_space<vmem>> -> memref<1x128xi32, #tpu.memory_space<vmem>>
      %dma_wait3A_91 = tpu.memref_squeeze %dma_wait3A_90 : memref<1x128xi32, #tpu.memory_space<vmem>> -> memref<128xi32, #tpu.memory_space<vmem>>
      %dma_wait3A_92 = arith.constant 0 : i32
      %dma_wait3A_93 = arith.constant 0 : i32
      %dma_wait3A_94 = tpu.memref_slice %arg2[%dma_wait3A_92, %dma_wait3A_93] : memref<10000x128xf32, #tpu.memory_space<hbm>> -> memref<10000x128xf32, #tpu.memory_space<hbm>>
      tpu.wait_indirect_dma semaphore(%arg11 : memref<!tpu.dma_semaphore, #tpu.memory_space<semaphore_mem>>) src(%dma_wait3A_94 : memref<10000x128xf32, #tpu.memory_space<hbm>>) dst(%arg8 : memref<128x128xf32, #tpu.memory_space<vmem>>)
      %barrier3A_95 = arith.constant 0 : index
      tpu.barrier barrier_id(%barrier3A_95)
      "tpu.region"() ({
        %run_scoped3A = tpu.sem_alloc : memref<!tpu.dma_semaphore, #tpu.memory_space<semaphore_mem>>
        %dma_start3A_96 = arith.constant 0 : i32
        %dma_start3A_97 = tpu.memref_slice %arg5[%mul3A_0, %dma_start3A_96] : memref<10112x128xf32, #tpu.memory_space<hbm>> -> memref<632x128xf32, #tpu.memory_space<hbm>>
        %dma_start3A_98 = arith.constant 0 : i32
        %dma_start3A_99 = tpu.memref_slice %arg10[%mul3A_0, %dma_start3A_98] : memref<10112x128xf32, #tpu.memory_space<vmem_shared>> -> memref<632x128xf32, #tpu.memory_space<vmem_shared>>
        tpu.enqueue_dma source(%dma_start3A_99 : memref<632x128xf32, #tpu.memory_space<vmem_shared>>) target(%dma_start3A_97 : memref<632x128xf32, #tpu.memory_space<hbm>>) target_semaphore(%run_scoped3A : memref<!tpu.dma_semaphore, #tpu.memory_space<semaphore_mem>>)
        %dma_wait3A_100 = arith.constant 0 : i32
        %dma_wait3A_101 = tpu.memref_slice %arg5[%mul3A_0, %dma_wait3A_100] : memref<10112x128xf32, #tpu.memory_space<hbm>> -> memref<632x128xf32, #tpu.memory_space<hbm>>
        %dma_wait3A_102 = arith.constant 0 : i32
        %dma_wait3A_103 = tpu.memref_slice %arg10[%mul3A_0, %dma_wait3A_102] : memref<10112x128xf32, #tpu.memory_space<vmem_shared>> -> memref<632x128xf32, #tpu.memory_space<vmem_shared>>
        tpu.wait_dma2 semaphore(%run_scoped3A : memref<!tpu.dma_semaphore, #tpu.memory_space<semaphore_mem>>) src(%dma_wait3A_103 : memref<632x128xf32, #tpu.memory_space<vmem_shared>>) dst(%dma_wait3A_101 : memref<632x128xf32, #tpu.memory_space<hbm>>)
        tpu.yield
      }) : () -> ()
    } else {
    }
    return
  }
}

module attributes {stable_mosaic.version = 14 : i64} {
  func.func @_tc_pre_body(%arg0: i32, %arg1: memref<2000x143xf32, #tpu.memory_space<vmem>>, %arg2: memref<143x128xf32, #tpu.memory_space<vmem>>, %arg3: memref<1x128xf32, #tpu.memory_space<vmem>>, %arg4: memref<2000x128xf32, #tpu.memory_space<vmem>>) attributes {dimension_semantics = [#tpu.dimension_semantics<arbitrary>], iteration_bounds = array<i64: 5>, scalar_prefetch = 0 : i64, scratch_operands = 0 : i64, tpu.core_type = #tpu.core_type<tc>, window_params = [{transform_indices = @transform_0, window_bounds = array<i64: 2000, 143>}, {pipeline_mode = #tpu.pipeline_mode<synchronous>, transform_indices = @transform_1, window_bounds = array<i64: 143, 128>}, {pipeline_mode = #tpu.pipeline_mode<synchronous>, transform_indices = @transform_2, window_bounds = array<i64: 1, 128>}, {transform_indices = @transform_3, window_bounds = array<i64: 2000, 128>}]} {
    %get3A = arith.constant 0 : index
    %get3A_0 = arith.constant 0 : index
    %get3A_1 = vector.load %arg1[%get3A, %get3A_0] : memref<2000x143xf32, #tpu.memory_space<vmem>>, vector<2000x143xf32>
    %get3A_2 = arith.constant 0 : index
    %get3A_3 = arith.constant 0 : index
    %get3A_4 = vector.load %arg2[%get3A_2, %get3A_3] : memref<143x128xf32, #tpu.memory_space<vmem>>, vector<143x128xf32>
    %dot_general3A = arith.constant dense<0.000000e+00> : vector<2000x128xf32>
    %dot_general3A_5 = tpu.matmul %get3A_1, %get3A_4, %dot_general3A {dimension_numbers = #tpu.dot_dimension_numbers<[1], [0], [0], [1], [0, 0, 1, 1], [], []>, transpose_lhs_hint = false} : vector<2000x143xf32>, vector<143x128xf32>, vector<2000x128xf32> -> vector<2000x128xf32>
    %get3A_6 = arith.constant 0 : index
    %get3A_7 = arith.constant 0 : index
    %get3A_8 = vector.load %arg3[%get3A_6, %get3A_7] : memref<1x128xf32, #tpu.memory_space<vmem>>, vector<1x128xf32>
    %add3A = vector.broadcast %get3A_8 : vector<1x128xf32> to vector<2000x128xf32>
    %add3A_9 = arith.addf %dot_general3A_5, %add3A : vector<2000x128xf32>
    %max3A = arith.constant 0.000000e+00 : f32
    %max3A_10 = vector.broadcast %max3A : f32 to vector<2000x128xf32>
    %max3A_11 = arith.maximumf %add3A_9, %max3A_10 : vector<2000x128xf32>
    %swap3A = arith.constant 0 : index
    %swap3A_12 = arith.constant 0 : index
    %swap3A_13 = vector.load %arg4[%swap3A, %swap3A_12] : memref<2000x128xf32, #tpu.memory_space<vmem>>, vector<2000x128xf32>
    tpu.vector_store %arg4[%swap3A, %swap3A_12], %max3A_11 {strides = array<i32>} : memref<2000x128xf32, #tpu.memory_space<vmem>>, vector<2000x128xf32>,
    return
  }
  func.func @transform_0(%arg0: i32) -> (i32, i32) {
    %c0_i32 = arith.constant 0 : i32
    %c0_i32_0 = arith.constant 0 : i32
    return %arg0, %c0_i32 : i32, i32
  }
  func.func @transform_1(%arg0: i32) -> (i32, i32) {
    %c0_i32 = arith.constant 0 : i32
    %c0_i32_0 = arith.constant 0 : i32
    %c0_i32_1 = arith.constant 0 : i32
    return %c0_i32, %c0_i32_0 : i32, i32
  }
  func.func @transform_2(%arg0: i32) -> (i32, i32) {
    %c0_i32 = arith.constant 0 : i32
    %c0_i32_0 = arith.constant 0 : i32
    %c0_i32_1 = arith.constant 0 : i32
    return %c0_i32, %c0_i32_0 : i32, i32
  }
  func.func @transform_3(%arg0: i32) -> (i32, i32) {
    %c0_i32 = arith.constant 0 : i32
    %c0_i32_0 = arith.constant 0 : i32
    return %arg0, %c0_i32 : i32, i32
  }
}

module attributes {stable_mosaic.version = 14 : i64} {
  func.func @_tc_layer_body(%arg0: i32, %arg1: memref<2000x128xf32, #tpu.memory_space<vmem>>, %arg2: memref<2000x16xf32, #tpu.memory_space<vmem>>, %arg3: memref<2000x16xf32, #tpu.memory_space<vmem>>, %arg4: memref<2000x128xf32, #tpu.memory_space<vmem>>, %arg5: memref<128x128xf32, #tpu.memory_space<vmem>>, %arg6: memref<128x128xf32, #tpu.memory_space<vmem>>, %arg7: memref<1x128xf32, #tpu.memory_space<vmem>>, %arg8: memref<2000x128xf32, #tpu.memory_space<vmem>>, %arg9: memref<1x1xf32, #tpu.memory_space<vmem>>, %arg10: memref<1x1xf32, #tpu.memory_space<vmem>>) attributes {dimension_semantics = [#tpu.dimension_semantics<arbitrary>], iteration_bounds = array<i64: 5>, scalar_prefetch = 0 : i64, scratch_operands = 0 : i64, tpu.core_type = #tpu.core_type<tc>, window_params = [{transform_indices = @transform_0, window_bounds = array<i64: 2000, 128>}, {transform_indices = @transform_1, window_bounds = array<i64: 2000, 16>}, {transform_indices = @transform_2, window_bounds = array<i64: 2000, 16>}, {transform_indices = @transform_3, window_bounds = array<i64: 2000, 128>}, {pipeline_mode = #tpu.pipeline_mode<synchronous>, transform_indices = @transform_4, window_bounds = array<i64: 128, 128>}, {pipeline_mode = #tpu.pipeline_mode<synchronous>, transform_indices = @transform_5, window_bounds = array<i64: 128, 128>}, {pipeline_mode = #tpu.pipeline_mode<synchronous>, transform_indices = @transform_6, window_bounds = array<i64: 1, 128>}, {transform_indices = @transform_7, window_bounds = array<i64: 2000, 128>}, {pipeline_mode = #tpu.pipeline_mode<synchronous>, transform_indices = @transform_8, window_bounds = array<i64: 1, 1>}, {pipeline_mode = #tpu.pipeline_mode<synchronous>, transform_indices = @transform_9, window_bounds = array<i64: 1, 1>}]} {
    %get3A = arith.constant 0 : index
    %get3A_0 = arith.constant 0 : index
    %get3A_1 = vector.load %arg2[%get3A, %get3A_0] : memref<2000x16xf32, #tpu.memory_space<vmem>>, vector<2000x1xf32>
    %get3A_2 = arith.constant 0 : index
    %get3A_3 = arith.constant 0 : index
    %get3A_4 = vector.load %arg3[%get3A_2, %get3A_3] : memref<2000x16xf32, #tpu.memory_space<vmem>>, vector<2000x1xf32>
    %add3A = arith.addf %get3A_1, %get3A_4 : vector<2000x1xf32>
    %max3A = arith.constant 1.000000e+00 : f32
    %max3A_5 = vector.broadcast %max3A : f32 to vector<2000x1xf32>
    %max3A_6 = arith.maximumf %add3A, %max3A_5 : vector<2000x1xf32>
    %div3A = arith.constant 1.000000e+00 : f32
    %div3A_7 = vector.broadcast %div3A : f32 to vector<2000x1xf32>
    %div3A_8 = arith.divf %div3A_7, %max3A_6 : vector<2000x1xf32>
    %get3A_9 = arith.constant 0 : index
    %get3A_10 = arith.constant 0 : index
    %get3A_11 = vector.load %arg1[%get3A_9, %get3A_10] : memref<2000x128xf32, #tpu.memory_space<vmem>>, vector<2000x128xf32>
    %mul3A = vector.broadcast %div3A_8 : vector<2000x1xf32> to vector<2000x128xf32>
    %mul3A_12 = arith.mulf %get3A_11, %mul3A : vector<2000x128xf32>
    %get3A_13 = arith.constant 0 : index
    %get3A_14 = arith.constant 0 : index
    %get3A_15 = vector.load %arg5[%get3A_13, %get3A_14] : memref<128x128xf32, #tpu.memory_space<vmem>>, vector<128x128xf32>
    %dot_general3A = arith.constant dense<0.000000e+00> : vector<2000x128xf32>
    %dot_general3A_16 = tpu.matmul %mul3A_12, %get3A_15, %dot_general3A {dimension_numbers = #tpu.dot_dimension_numbers<[1], [0], [0], [1], [0, 0, 1, 1], [], []>, transpose_lhs_hint = false} : vector<2000x128xf32>, vector<128x128xf32>, vector<2000x128xf32> -> vector<2000x128xf32>
    %get3A_17 = arith.constant 0 : index
    %get3A_18 = arith.constant 0 : index
    %get3A_19 = vector.load %arg4[%get3A_17, %get3A_18] : memref<2000x128xf32, #tpu.memory_space<vmem>>, vector<2000x128xf32>
    %get3A_20 = arith.constant 0 : index
    %get3A_21 = arith.constant 0 : index
    %get3A_22 = vector.load %arg6[%get3A_20, %get3A_21] : memref<128x128xf32, #tpu.memory_space<vmem>>, vector<128x128xf32>
    %dot_general3A_23 = arith.constant dense<0.000000e+00> : vector<2000x128xf32>
    %dot_general3A_24 = tpu.matmul %get3A_19, %get3A_22, %dot_general3A_23 {dimension_numbers = #tpu.dot_dimension_numbers<[1], [0], [0], [1], [0, 0, 1, 1], [], []>, transpose_lhs_hint = false} : vector<2000x128xf32>, vector<128x128xf32>, vector<2000x128xf32> -> vector<2000x128xf32>
    %add3A_25 = arith.addf %dot_general3A_16, %dot_general3A_24 : vector<2000x128xf32>
    %get3A_26 = arith.constant 0 : index
    %get3A_27 = arith.constant 0 : index
    %get3A_28 = vector.load %arg7[%get3A_26, %get3A_27] : memref<1x128xf32, #tpu.memory_space<vmem>>, vector<1x128xf32>
    %add3A_29 = vector.broadcast %get3A_28 : vector<1x128xf32> to vector<2000x128xf32>
    %add3A_30 = arith.addf %add3A_25, %add3A_29 : vector<2000x128xf32>
    %max3A_31 = arith.constant 0.000000e+00 : f32
    %max3A_32 = vector.broadcast %max3A_31 : f32 to vector<2000x128xf32>
    %max3A_33 = arith.maximumf %add3A_30, %max3A_32 : vector<2000x128xf32>
    %swap3A = arith.constant 0 : index
    %swap3A_34 = arith.constant 0 : index
    %swap3A_35 = vector.load %arg8[%swap3A, %swap3A_34] : memref<2000x128xf32, #tpu.memory_space<vmem>>, vector<2000x128xf32>
    tpu.vector_store %arg8[%swap3A, %swap3A_34], %max3A_33 {strides = array<i32>} : memref<2000x128xf32, #tpu.memory_space<vmem>>, vector<2000x128xf32>,
    %eq3A = arith.constant 0 : i32
    %eq3A_36 = arith.cmpi eq, %arg0, %eq3A : i32
    %convert_element_type3A = arith.extui %eq3A_36 : i1 to i32
    %cond3A = arith.constant 0 : i32
    %cond3A_37 = arith.cmpi ne, %convert_element_type3A, %cond3A : i32
    scf.if %cond3A_37 {
      %broadcast_in_dim3A = arith.constant 0.000000e+00 : f32
      %broadcast_in_dim3A_64 = vector.broadcast %broadcast_in_dim3A : f32 to vector<1x1xf32>
      %swap3A_65 = arith.constant 0 : index
      %swap3A_66 = arith.constant 0 : index
      %swap3A_67 = vector.load %arg9[%swap3A_65, %swap3A_66] : memref<1x1xf32, #tpu.memory_space<vmem>>, vector<1x1xf32>
      tpu.vector_store %arg9[%swap3A_65, %swap3A_66], %broadcast_in_dim3A_64 {strides = array<i32>} : memref<1x1xf32, #tpu.memory_space<vmem>>, vector<1x1xf32>,
      %broadcast_in_dim3A_68 = arith.constant 0.000000e+00 : f32
      %broadcast_in_dim3A_69 = vector.broadcast %broadcast_in_dim3A_68 : f32 to vector<1x1xf32>
      %swap3A_70 = arith.constant 0 : index
      %swap3A_71 = arith.constant 0 : index
      %swap3A_72 = vector.load %arg10[%swap3A_70, %swap3A_71] : memref<1x1xf32, #tpu.memory_space<vmem>>, vector<1x1xf32>
      tpu.vector_store %arg10[%swap3A_70, %swap3A_71], %broadcast_in_dim3A_69 {strides = array<i32>} : memref<1x1xf32, #tpu.memory_space<vmem>>, vector<1x1xf32>,
    } else {
    }
    %get3A_38 = arith.constant 0 : index
    %get3A_39 = arith.constant 0 : index
    %get3A_40 = vector.load %arg9[%get3A_38, %get3A_39] : memref<1x1xf32, #tpu.memory_space<vmem>>, vector<1x1xf32>
    %reduce_sum3A = vector.shape_cast %max3A_33 : vector<2000x128xf32> to vector<1x2000x128xf32>
    %reduce_sum3A_41 = arith.constant dense<0.000000e+00> : vector<1xf32>
    %reduce_sum3A_42 = vector.multi_reduction <add>, %reduce_sum3A, %reduce_sum3A_41 [1, 2] : vector<1x2000x128xf32> to vector<1xf32>
    %reduce_sum3A_43 = vector.shape_cast %reduce_sum3A_42 : vector<1xf32> to vector<1x1x1xf32>
    %reduce_sum3A_44 = vector.extract %reduce_sum3A_43[0, 0, 0] : f32 from vector<1x1x1xf32>
    %add3A_45 = vector.broadcast %reduce_sum3A_44 : f32 to vector<1x1xf32>
    %add3A_46 = arith.addf %get3A_40, %add3A_45 : vector<1x1xf32>
    %swap3A_47 = arith.constant 0 : index
    %swap3A_48 = arith.constant 0 : index
    %swap3A_49 = vector.load %arg9[%swap3A_47, %swap3A_48] : memref<1x1xf32, #tpu.memory_space<vmem>>, vector<1x1xf32>
    tpu.vector_store %arg9[%swap3A_47, %swap3A_48], %add3A_46 {strides = array<i32>} : memref<1x1xf32, #tpu.memory_space<vmem>>, vector<1x1xf32>,
    %get3A_50 = arith.constant 0 : index
    %get3A_51 = arith.constant 0 : index
    %get3A_52 = vector.load %arg10[%get3A_50, %get3A_51] : memref<1x1xf32, #tpu.memory_space<vmem>>, vector<1x1xf32>
    %mul3A_53 = arith.mulf %max3A_33, %max3A_33 : vector<2000x128xf32>
    %reduce_sum3A_54 = vector.shape_cast %mul3A_53 : vector<2000x128xf32> to vector<1x2000x128xf32>
    %reduce_sum3A_55 = arith.constant dense<0.000000e+00> : vector<1xf32>
    %reduce_sum3A_56 = vector.multi_reduction <add>, %reduce_sum3A_54, %reduce_sum3A_55 [1, 2] : vector<1x2000x128xf32> to vector<1xf32>
    %reduce_sum3A_57 = vector.shape_cast %reduce_sum3A_56 : vector<1xf32> to vector<1x1x1xf32>
    %reduce_sum3A_58 = vector.extract %reduce_sum3A_57[0, 0, 0] : f32 from vector<1x1x1xf32>
    %add3A_59 = vector.broadcast %reduce_sum3A_58 : f32 to vector<1x1xf32>
    %add3A_60 = arith.addf %get3A_52, %add3A_59 : vector<1x1xf32>
    %swap3A_61 = arith.constant 0 : index
    %swap3A_62 = arith.constant 0 : index
    %swap3A_63 = vector.load %arg10[%swap3A_61, %swap3A_62] : memref<1x1xf32, #tpu.memory_space<vmem>>, vector<1x1xf32>
    tpu.vector_store %arg10[%swap3A_61, %swap3A_62], %add3A_60 {strides = array<i32>} : memref<1x1xf32, #tpu.memory_space<vmem>>, vector<1x1xf32>,
    return
  }
  func.func @transform_0(%arg0: i32) -> (i32, i32) {
    %c0_i32 = arith.constant 0 : i32
    %c0_i32_0 = arith.constant 0 : i32
    return %arg0, %c0_i32 : i32, i32
  }
  func.func @transform_1(%arg0: i32) -> (i32, i32) {
    %c0_i32 = arith.constant 0 : i32
    %c0_i32_0 = arith.constant 0 : i32
    return %arg0, %c0_i32 : i32, i32
  }
  func.func @transform_2(%arg0: i32) -> (i32, i32) {
    %c0_i32 = arith.constant 0 : i32
    %c0_i32_0 = arith.constant 0 : i32
    return %arg0, %c0_i32 : i32, i32
  }
  func.func @transform_3(%arg0: i32) -> (i32, i32) {
    %c0_i32 = arith.constant 0 : i32
    %c0_i32_0 = arith.constant 0 : i32
    return %arg0, %c0_i32 : i32, i32
  }
  func.func @transform_4(%arg0: i32) -> (i32, i32) {
    %c0_i32 = arith.constant 0 : i32
    %c0_i32_0 = arith.constant 0 : i32
    %c0_i32_1 = arith.constant 0 : i32
    return %c0_i32, %c0_i32_0 : i32, i32
  }
  func.func @transform_5(%arg0: i32) -> (i32, i32) {
    %c0_i32 = arith.constant 0 : i32
    %c0_i32_0 = arith.constant 0 : i32
    %c0_i32_1 = arith.constant 0 : i32
    return %c0_i32, %c0_i32_0 : i32, i32
  }
  func.func @transform_6(%arg0: i32) -> (i32, i32) {
    %c0_i32 = arith.constant 0 : i32
    %c0_i32_0 = arith.constant 0 : i32
    %c0_i32_1 = arith.constant 0 : i32
    return %c0_i32, %c0_i32_0 : i32, i32
  }
  func.func @transform_7(%arg0: i32) -> (i32, i32) {
    %c0_i32 = arith.constant 0 : i32
    %c0_i32_0 = arith.constant 0 : i32
    return %arg0, %c0_i32 : i32, i32
  }
  func.func @transform_8(%arg0: i32) -> (i32, i32) {
    %c0_i32 = arith.constant 0 : i32
    %c0_i32_0 = arith.constant 0 : i32
    %c0_i32_1 = arith.constant 0 : i32
    return %c0_i32, %c0_i32_0 : i32, i32
  }
  func.func @transform_9(%arg0: i32) -> (i32, i32) {
    %c0_i32 = arith.constant 0 : i32
    %c0_i32_0 = arith.constant 0 : i32
    %c0_i32_1 = arith.constant 0 : i32
    return %c0_i32, %c0_i32_0 : i32, i32
  }
}

module attributes {stable_mosaic.version = 14 : i64} {
  func.func @_tc_norm_body(%arg0: i32, %arg1: memref<2000x128xf32, #tpu.memory_space<vmem>>, %arg2: memref<1x1xf32, #tpu.memory_space<vmem>>, %arg3: memref<1x1xf32, #tpu.memory_space<vmem>>, %arg4: memref<1x128xf32, #tpu.memory_space<vmem>>, %arg5: memref<1x128xf32, #tpu.memory_space<vmem>>, %arg6: memref<2000x128xf32, #tpu.memory_space<vmem>>) attributes {dimension_semantics = [#tpu.dimension_semantics<arbitrary>], iteration_bounds = array<i64: 5>, scalar_prefetch = 0 : i64, scratch_operands = 0 : i64, tpu.core_type = #tpu.core_type<tc>, window_params = [{transform_indices = @transform_0, window_bounds = array<i64: 2000, 128>}, {pipeline_mode = #tpu.pipeline_mode<synchronous>, transform_indices = @transform_1, window_bounds = array<i64: 1, 1>}, {pipeline_mode = #tpu.pipeline_mode<synchronous>, transform_indices = @transform_2, window_bounds = array<i64: 1, 1>}, {pipeline_mode = #tpu.pipeline_mode<synchronous>, transform_indices = @transform_3, window_bounds = array<i64: 1, 128>}, {pipeline_mode = #tpu.pipeline_mode<synchronous>, transform_indices = @transform_4, window_bounds = array<i64: 1, 128>}, {transform_indices = @transform_5, window_bounds = array<i64: 2000, 128>}]} {
    %get3A = arith.constant 0 : index
    %get3A_0 = arith.constant 0 : index
    %get3A_1 = vector.load %arg2[%get3A, %get3A_0] : memref<1x1xf32, #tpu.memory_space<vmem>>, vector<1x1xf32>
    %mul3A = arith.constant 7.812500e-07 : f32
    %mul3A_2 = vector.broadcast %mul3A : f32 to vector<1x1xf32>
    %mul3A_3 = arith.mulf %get3A_1, %mul3A_2 : vector<1x1xf32>
    %get3A_4 = arith.constant 0 : index
    %get3A_5 = arith.constant 0 : index
    %get3A_6 = vector.load %arg3[%get3A_4, %get3A_5] : memref<1x1xf32, #tpu.memory_space<vmem>>, vector<1x1xf32>
    %mul3A_7 = arith.constant 7.812500e-07 : f32
    %mul3A_8 = vector.broadcast %mul3A_7 : f32 to vector<1x1xf32>
    %mul3A_9 = arith.mulf %get3A_6, %mul3A_8 : vector<1x1xf32>
    %mul3A_10 = arith.mulf %mul3A_3, %mul3A_3 : vector<1x1xf32>
    %sub3A = arith.subf %mul3A_9, %mul3A_10 : vector<1x1xf32>
    %add3A = arith.constant 9.99999974E-6 : f32
    %add3A_11 = vector.broadcast %add3A : f32 to vector<1x1xf32>
    %add3A_12 = arith.addf %sub3A, %add3A_11 : vector<1x1xf32>
    %rsqrt3A = math.rsqrt %add3A_12 : vector<1x1xf32>
    %get3A_13 = arith.constant 0 : index
    %get3A_14 = arith.constant 0 : index
    %get3A_15 = vector.load %arg1[%get3A_13, %get3A_14] : memref<2000x128xf32, #tpu.memory_space<vmem>>, vector<2000x128xf32>
    %sub3A_16 = vector.broadcast %mul3A_3 : vector<1x1xf32> to vector<2000x128xf32>
    %sub3A_17 = arith.subf %get3A_15, %sub3A_16 : vector<2000x128xf32>
    %mul3A_18 = vector.broadcast %rsqrt3A : vector<1x1xf32> to vector<2000x128xf32>
    %mul3A_19 = arith.mulf %sub3A_17, %mul3A_18 : vector<2000x128xf32>
    %get3A_20 = arith.constant 0 : index
    %get3A_21 = arith.constant 0 : index
    %get3A_22 = vector.load %arg4[%get3A_20, %get3A_21] : memref<1x128xf32, #tpu.memory_space<vmem>>, vector<1x128xf32>
    %mul3A_23 = vector.broadcast %get3A_22 : vector<1x128xf32> to vector<2000x128xf32>
    %mul3A_24 = arith.mulf %mul3A_19, %mul3A_23 : vector<2000x128xf32>
    %get3A_25 = arith.constant 0 : index
    %get3A_26 = arith.constant 0 : index
    %get3A_27 = vector.load %arg5[%get3A_25, %get3A_26] : memref<1x128xf32, #tpu.memory_space<vmem>>, vector<1x128xf32>
    %add3A_28 = vector.broadcast %get3A_27 : vector<1x128xf32> to vector<2000x128xf32>
    %add3A_29 = arith.addf %mul3A_24, %add3A_28 : vector<2000x128xf32>
    %swap3A = arith.constant 0 : index
    %swap3A_30 = arith.constant 0 : index
    %swap3A_31 = vector.load %arg6[%swap3A, %swap3A_30] : memref<2000x128xf32, #tpu.memory_space<vmem>>, vector<2000x128xf32>
    tpu.vector_store %arg6[%swap3A, %swap3A_30], %add3A_29 {strides = array<i32>} : memref<2000x128xf32, #tpu.memory_space<vmem>>, vector<2000x128xf32>,
    return
  }
  func.func @transform_0(%arg0: i32) -> (i32, i32) {
    %c0_i32 = arith.constant 0 : i32
    %c0_i32_0 = arith.constant 0 : i32
    return %arg0, %c0_i32 : i32, i32
  }
  func.func @transform_1(%arg0: i32) -> (i32, i32) {
    %c0_i32 = arith.constant 0 : i32
    %c0_i32_0 = arith.constant 0 : i32
    %c0_i32_1 = arith.constant 0 : i32
    return %c0_i32, %c0_i32_0 : i32, i32
  }
  func.func @transform_2(%arg0: i32) -> (i32, i32) {
    %c0_i32 = arith.constant 0 : i32
    %c0_i32_0 = arith.constant 0 : i32
    %c0_i32_1 = arith.constant 0 : i32
    return %c0_i32, %c0_i32_0 : i32, i32
  }
  func.func @transform_3(%arg0: i32) -> (i32, i32) {
    %c0_i32 = arith.constant 0 : i32
    %c0_i32_0 = arith.constant 0 : i32
    %c0_i32_1 = arith.constant 0 : i32
    return %c0_i32, %c0_i32_0 : i32, i32
  }
  func.func @transform_4(%arg0: i32) -> (i32, i32) {
    %c0_i32 = arith.constant 0 : i32
    %c0_i32_0 = arith.constant 0 : i32
    %c0_i32_1 = arith.constant 0 : i32
    return %c0_i32, %c0_i32_0 : i32, i32
  }
  func.func @transform_5(%arg0: i32) -> (i32, i32) {
    %c0_i32 = arith.constant 0 : i32
    %c0_i32_0 = arith.constant 0 : i32
    return %arg0, %c0_i32 : i32, i32
  }
}

module attributes {stable_mosaic.version = 14 : i64} {
  func.func @_tc_norm_body(%arg0: i32, %arg1: memref<2000x128xf32, #tpu.memory_space<vmem>>, %arg2: memref<1x1xf32, #tpu.memory_space<vmem>>, %arg3: memref<1x1xf32, #tpu.memory_space<vmem>>, %arg4: memref<1x128xf32, #tpu.memory_space<vmem>>, %arg5: memref<1x128xf32, #tpu.memory_space<vmem>>, %arg6: memref<2000x128xf32, #tpu.memory_space<vmem>>) attributes {dimension_semantics = [#tpu.dimension_semantics<arbitrary>], iteration_bounds = array<i64: 5>, scalar_prefetch = 0 : i64, scratch_operands = 0 : i64, tpu.core_type = #tpu.core_type<tc>, window_params = [{transform_indices = @transform_0, window_bounds = array<i64: 2000, 128>}, {pipeline_mode = #tpu.pipeline_mode<synchronous>, transform_indices = @transform_1, window_bounds = array<i64: 1, 1>}, {pipeline_mode = #tpu.pipeline_mode<synchronous>, transform_indices = @transform_2, window_bounds = array<i64: 1, 1>}, {pipeline_mode = #tpu.pipeline_mode<synchronous>, transform_indices = @transform_3, window_bounds = array<i64: 1, 128>}, {pipeline_mode = #tpu.pipeline_mode<synchronous>, transform_indices = @transform_4, window_bounds = array<i64: 1, 128>}, {transform_indices = @transform_5, window_bounds = array<i64: 2000, 128>}]} {
    %get3A = arith.constant 0 : index
    %get3A_0 = arith.constant 0 : index
    %get3A_1 = vector.load %arg2[%get3A, %get3A_0] : memref<1x1xf32, #tpu.memory_space<vmem>>, vector<1x1xf32>
    %mul3A = arith.constant 7.812500e-07 : f32
    %mul3A_2 = vector.broadcast %mul3A : f32 to vector<1x1xf32>
    %mul3A_3 = arith.mulf %get3A_1, %mul3A_2 : vector<1x1xf32>
    %get3A_4 = arith.constant 0 : index
    %get3A_5 = arith.constant 0 : index
    %get3A_6 = vector.load %arg3[%get3A_4, %get3A_5] : memref<1x1xf32, #tpu.memory_space<vmem>>, vector<1x1xf32>
    %mul3A_7 = arith.constant 7.812500e-07 : f32
    %mul3A_8 = vector.broadcast %mul3A_7 : f32 to vector<1x1xf32>
    %mul3A_9 = arith.mulf %get3A_6, %mul3A_8 : vector<1x1xf32>
    %mul3A_10 = arith.mulf %mul3A_3, %mul3A_3 : vector<1x1xf32>
    %sub3A = arith.subf %mul3A_9, %mul3A_10 : vector<1x1xf32>
    %add3A = arith.constant 9.99999974E-6 : f32
    %add3A_11 = vector.broadcast %add3A : f32 to vector<1x1xf32>
    %add3A_12 = arith.addf %sub3A, %add3A_11 : vector<1x1xf32>
    %rsqrt3A = math.rsqrt %add3A_12 : vector<1x1xf32>
    %get3A_13 = arith.constant 0 : index
    %get3A_14 = arith.constant 0 : index
    %get3A_15 = vector.load %arg1[%get3A_13, %get3A_14] : memref<2000x128xf32, #tpu.memory_space<vmem>>, vector<2000x128xf32>
    %sub3A_16 = vector.broadcast %mul3A_3 : vector<1x1xf32> to vector<2000x128xf32>
    %sub3A_17 = arith.subf %get3A_15, %sub3A_16 : vector<2000x128xf32>
    %mul3A_18 = vector.broadcast %rsqrt3A : vector<1x1xf32> to vector<2000x128xf32>
    %mul3A_19 = arith.mulf %sub3A_17, %mul3A_18 : vector<2000x128xf32>
    %get3A_20 = arith.constant 0 : index
    %get3A_21 = arith.constant 0 : index
    %get3A_22 = vector.load %arg4[%get3A_20, %get3A_21] : memref<1x128xf32, #tpu.memory_space<vmem>>, vector<1x128xf32>
    %mul3A_23 = vector.broadcast %get3A_22 : vector<1x128xf32> to vector<2000x128xf32>
    %mul3A_24 = arith.mulf %mul3A_19, %mul3A_23 : vector<2000x128xf32>
    %get3A_25 = arith.constant 0 : index
    %get3A_26 = arith.constant 0 : index
    %get3A_27 = vector.load %arg5[%get3A_25, %get3A_26] : memref<1x128xf32, #tpu.memory_space<vmem>>, vector<1x128xf32>
    %add3A_28 = vector.broadcast %get3A_27 : vector<1x128xf32> to vector<2000x128xf32>
    %add3A_29 = arith.addf %mul3A_24, %add3A_28 : vector<2000x128xf32>
    %swap3A = arith.constant 0 : index
    %swap3A_30 = arith.constant 0 : index
    %swap3A_31 = vector.load %arg6[%swap3A, %swap3A_30] : memref<2000x128xf32, #tpu.memory_space<vmem>>, vector<2000x128xf32>
    tpu.vector_store %arg6[%swap3A, %swap3A_30], %add3A_29 {strides = array<i32>} : memref<2000x128xf32, #tpu.memory_space<vmem>>, vector<2000x128xf32>,
    return
  }
  func.func @transform_0(%arg0: i32) -> (i32, i32) {
    %c0_i32 = arith.constant 0 : i32
    %c0_i32_0 = arith.constant 0 : i32
    return %arg0, %c0_i32 : i32, i32
  }
  func.func @transform_1(%arg0: i32) -> (i32, i32) {
    %c0_i32 = arith.constant 0 : i32
    %c0_i32_0 = arith.constant 0 : i32
    %c0_i32_1 = arith.constant 0 : i32
    return %c0_i32, %c0_i32_0 : i32, i32
  }
  func.func @transform_2(%arg0: i32) -> (i32, i32) {
    %c0_i32 = arith.constant 0 : i32
    %c0_i32_0 = arith.constant 0 : i32
    %c0_i32_1 = arith.constant 0 : i32
    return %c0_i32, %c0_i32_0 : i32, i32
  }
  func.func @transform_3(%arg0: i32) -> (i32, i32) {
    %c0_i32 = arith.constant 0 : i32
    %c0_i32_0 = arith.constant 0 : i32
    %c0_i32_1 = arith.constant 0 : i32
    return %c0_i32, %c0_i32_0 : i32, i32
  }
  func.func @transform_4(%arg0: i32) -> (i32, i32) {
    %c0_i32 = arith.constant 0 : i32
    %c0_i32_0 = arith.constant 0 : i32
    %c0_i32_1 = arith.constant 0 : i32
    return %c0_i32, %c0_i32_0 : i32, i32
  }
  func.func @transform_5(%arg0: i32) -> (i32, i32) {
    %c0_i32 = arith.constant 0 : i32
    %c0_i32_0 = arith.constant 0 : i32
    return %arg0, %c0_i32 : i32, i32
  }
}

</mosaic_0001>

<sc_bundles>
// kernel: kernel.13.cloned.1.call-start
scs
__scs_entry_jumppad:
0x0: {  	(pc) =	sbr.rel $0x88, $3  }
0x1: {  	(tag) =	ssettag $0x0;
	lr =	simm.s32 $0x1  }
0x2: {  	[smem:$0x3F98] =	sst lr;
	_ =	strace $0xD0000000  }
0x3: {  	_ = 	snop  }
0x4: {  	_ = 	snop  }
0x5: {  	_ = 	snop  }
0x6: {  	_ = 	snop  }
0x7: {  	_ = 	snop  }
__scs_overlays_trampoline_lowered:
0x8: {  	[smem:$0x3FA7] =	sst s0  }
0x9: {  	[smem:$0x3FA8] =	sst s1  }
0xa: {  	[smem:$0x3FA9] =	sst s2  }
0xb: {  	[smem:$0x3FAA] =	sst s3  }
0xc: {  	[smem:$0x3FAB] =	sst s4  }
0xd: {  	[smem:$0x3FAC] =	sst s5  }
0xe: {  	[smem:$0x3FAD] =	sst s6  }
0xf: {  	[smem:$0x3FAE] =	sst s7  }
0x10: {  	[smem:$0x3FAF] =	sst s8  }
0x11: {  	[smem:$0x3FB0] =	sst s9;
	s0 =	simm.s32 @!p0 $0x0  }
0x12: {  	s1 =	sld [smem:$0x3F96];
	s0 =	simm.s32 @p0 $0x1  }
0x13: {  	[smem:$0x3FB1] =	sst s0;
	s0 =	simm.s32 @!p1 $0x0  }
0x14: {  	s2 =	sld [smem:$0x3F95];
	s0 =	simm.s32 @p1 $0x1  }
0x15: {  	[smem:$0x3FB2] =	sst s0;
	s0 =	simm.s32 @!p2 $0x0  }
0x16: {  	s3 =	sld [smem:$0x3FDB];
	s0 =	simm.s32 @p2 $0x1  }
0x17: {  	s4 =	simm.s32 $0x1BF5;
	[smem:$0x3FB4] =	sst s0  }
0x18: {  	s0 =	sld [smem:$0x3F97];
	_ =	swait.ge [sflag:s4], $0x0  }
0x19: {  	s7 =	sld [smem:$0x3F98]  }
0x1a: {  	s8 =	sadd.s32 $0xFFFFE003, lr  }
0x1b: {  	s9 =	sadd.s32 $0xFFFFFEF7, lr;
	s5 =	simm.s32 $0xFFFFFFFF;
	p2 =	slt.u32 s8, $0xFFFFF086  }
0x1c: {  	p1 =	slt.u32 s9, $0xF7A;
	s5 =	simm.s32 @!p2 $0x0  }
0x1d: {  	s5 =	simm.s32 @p1 $0x1;
	p0 =	seq.s32 s7, s2  }
0x1e: {  	s7 =	smul.u32 @!p0 $0xF7A, s2;
	p2 =	seq.s32 @!p0 s5, $0x0  }
0x1f: {  	s9 =	smul.u32 $0xF7A, s1;
	s8 =	simm.s32 @!p0 $0x1BF5;
	p2 =	por !p2, p0  }
0x20: {  	[sflag:s8] =	ssyncset.s32 @!p0 $0xFFFFF086;
	s6 =	sadd.s32 @!p0 s3, s7;
	s7 =	simm.s32 @!p0 $0x108  }
0x21: {  	s3 =	sadd.s32 s3, s9;
	s6 =	sadd.s32 @!p0 $0x88, s6;
	s7 =	simm.s32 @p2 $0x1082  }
0x22: {  	[simem:s7], [sflag:s8] =	dma.local @!p0 [hbm:s6], $0xF7A  }
0x23: {  	s9 =	sor.u32 $0xD0000000, s2;
	s6 =	simm.s32 $0x108;
	_ =	swait.ge @!p0 [sflag:s8], $0x0  }
0x24: {  	s3 =	sadd.s32 $0x88, s3;
	s6 =	simm.s32 @!p1 $0x1082;
	[sflag:s4] =	ssyncset.s32 $0xFFFFF086  }
0x25: {  	[simem:s6], [sflag:s4] =	dma.local [hbm:s3], $0xF7A  }
0x26: {  	[smem:$0x3F98] =	sst s1;
	(tag) =	ssettag s2;
	_ =	strace s9  }
0x27: {  	s1 =	sld [smem:$0x3FA8]  }
0x28: {  	s2 =	sld [smem:$0x3FA9]  }
0x29: {  	s4 =	sld [smem:$0x3FAB]  }
0x2a: {  	p0 =	seq.s32 s5, $0x0;
	s5 =	sld [smem:$0x3FAC]  }
0x2b: {  	s6 =	sld [smem:$0x3FAD]  }
0x2c: {  	s7 =	sld [smem:$0x3FAE]  }
0x2d: {  	s3 =	simm.s32 $0x108;
	s8 =	sld [smem:$0x3FAF]  }
0x2e: {  	s3 =	simm.s32 @!p0 $0x1082;
	s9 =	sld [smem:$0x3FB0]  }
0x2f: {  	lr =	sadd.s32 s0, s3;
	s0 =	sld [smem:$0x3FA7]  }
0x30: {  	s3 =	sld [smem:$0x3FAA]  }
0x31: {  	[smem:$0x3FB3] =	sst s10  }
0x32: {  	s10 =	sld [smem:$0x3FB1];
	_ =	sdelay $0x3  }
0x33: {  	p0 =	seq.s32 s10, $0x1;
	s10 =	sld [smem:$0x3FB3];
	_ =	sdelay $0x3  }
0x34: {  	[smem:$0x3FB3] =	sst s10  }
0x35: {  	s10 =	sld [smem:$0x3FB2];
	_ =	sdelay $0x3  }
0x36: {  	p1 =	seq.s32 s10, $0x1;
	s10 =	sld [smem:$0x3FB3];
	_ =	sdelay $0x3  }
0x37: {  	[smem:$0x3FB3] =	sst s10  }
0x38: {  	s10 =	sld [smem:$0x3FB4]  }
0x39: {  	_ = 	snop;
	(pc) =	sbr.ind lr, $3  }
0x3a: {  	_ = 	snop  }
0x3b: {  	_ = 	snop  }
0x3c: {  	p2 =	seq.s32 s10, $0x1;
	s10 =	sld [smem:$0x3FB3]  }
0x3d: {  	_ =	shalt  }
0x3e: {  	_ =	shalt  }
0x3f: {  	_ =	shalt  }
0x40: {  	_ =	shalt  }
0x41: {  	_ =	shalt  }
0x42: {  	_ =	shalt  }
0x43: {  	_ =	shalt  }
0x44: {  	_ =	shalt  }
0x45: {  	_ =	shalt  }
0x46: {  	_ =	shalt  }
0x47: {  	_ =	shalt  }
0x48: {  	_ =	shalt  }
0x49: {  	_ =	shalt  }
0x4a: {  	_ =	shalt  }
0x4b: {  	_ =	shalt  }
0x4c: {  	_ =	shalt  }
0x4d: {  	_ =	shalt  }
0x4e: {  	_ =	shalt  }
0x4f: {  	_ =	shalt  }
0x50: {  	_ =	shalt  }
0x51: {  	_ =	shalt  }
0x52: {  	_ =	shalt  }
0x53: {  	_ =	shalt  }
0x54: {  	_ =	shalt  }
0x55: {  	_ =	shalt  }
0x56: {  	_ =	shalt  }
0x57: {  	_ =	shalt  }
0x58: {  	_ =	shalt  }
0x59: {  	_ =	shalt  }
0x5a: {  	_ =	shalt  }
0x5b: {  	_ =	shalt  }
0x5c: {  	_ =	shalt  }
0x5d: {  	_ =	shalt  }
0x5e: {  	_ =	shalt  }
0x5f: {  	_ =	shalt  }
0x60: {  	_ =	shalt  }
0x61: {  	_ =	shalt  }
0x62: {  	_ =	shalt  }
0x63: {  	_ =	shalt  }
0x64: {  	_ =	shalt  }
0x65: {  	_ =	shalt  }
0x66: {  	_ =	shalt  }
0x67: {  	_ =	shalt  }
0x68: {  	_ =	shalt  }
0x69: {  	_ =	shalt  }
0x6a: {  	_ =	shalt  }
0x6b: {  	_ =	shalt  }
0x6c: {  	_ =	shalt  }
0x6d: {  	_ =	shalt  }
0x6e: {  	_ =	shalt  }
0x6f: {  	_ =	shalt  }
0x70: {  	_ =	shalt  }
0x71: {  	_ =	shalt  }
0x72: {  	_ =	shalt  }
0x73: {  	_ =	shalt  }
0x74: {  	_ =	shalt  }
0x75: {  	_ =	shalt  }
0x76: {  	_ =	shalt  }
0x77: {  	_ =	shalt  }
0x78: {  	_ =	shalt  }
0x79: {  	_ =	shalt  }
0x7a: {  	_ =	shalt  }
0x7b: {  	_ =	shalt  }
0x7c: {  	_ =	shalt  }
0x7d: {  	_ =	shalt  }
0x7e: {  	_ =	shalt  }
0x7f: {  	_ =	shalt  }
0x80: {  	_ =	shalt  }
0x81: {  	_ =	shalt  }
0x82: {  	_ =	shalt  }
0x83: {  	_ =	shalt  }
0x84: {  	_ =	shalt  }
0x85: {  	_ =	shalt  }
0x86: {  	_ =	shalt  }
0x87: {  	_ =	shalt  }
.Lfunc_end0:
.L_simem_size_0:
called_computation_lowered:
.L_overlay_start_0:
0x88: {  	s2 =	sld [smem:$0x3FD9]  }
0x89: {  	s3 =	sld [smem:$0x3FFE];
	_ =	sdelay $0x1  }
0x8a: {  	s1 =	srdreg.scid  }
0x8b: {  	s0 =	sand.u32 $0x1, s1  }
0x8c: {  	s16 =	sshll.u32 s0, $0xA;
	s2 =	sadd.s32 s3, s2  }
0x8d: {  	s2 =	sadd.s32 s2, s16  }
0x8e: {  	[smem:$0x3FBF] =	sst s2  }
0x8f: {  	_ = 	snop  }
0x90: {  	(tm) =	ssettm $0x1  }
0x91: {  	s17 =	sld [smem:$0x3FFB];
	_ =	sdelay $0x3  }
0x92: {  	_ =	strace s17  }
0x93: {  	s2 =	sld [smem:$0x3FFC];
	_ =	sdelay $0x3  }
0x94: {  	_ =	strace s2  }
0x95: {  	s2 =	sld [smem:$0x3FFD];
	_ =	sdelay $0x3  }
0x96: {  	_ =	strace s2  }
0x97: {  	_ =	strace $0x8FFFFFFF  }
0x98: {  	s18 =	sld [smem:$0x3FDB];
	_ =	sdelay $0x1  }
0x99: {  	s19 =	simm.s32 $_scs_section_size  }
0x9a: {  	s4 =	simm.s32 $_size__tile_overlayer_lowered;
	s5 =	simm.s32 $_tile_overlayer_lowered  }
0x9b: {  	s22 =	simm.s32 $0x1BFF;
	s21 =	sshll.u32 s5, $0x1;
	s2 =	sadd.s32 s19, s18  }
0x9c: {  	s6 =	simm.s32 $0x0;
	s20 =	sshll.u32 s4, $0x1;
	s4 =	sadd.s32 s21, s2  }
0x9d: {  	[timem:s6], [sflag:s22] =	dma.local [hbm:s4], s20  }
0x9e: {  	_ =	swait.ge [sflag:s22], s20  }
0x9f: {  	s3 =	ssub.s32 $0x0, s20;
	[sflag:s22] =	ssyncset.done $0x0  }
0xa0: {  	[sflag:s22] =	ssyncadd.s32 s3;
	_ =	sdelay $0x1  }
0xa1: {  	s23 =	simm.s32 $0x1B8B  }
0xa2: {  	_ =	swait.ge [sflag:s23], $0x1  }
0xa3: {  	[sflag:s23] =	ssyncset.done $0x0  }
0xa4: {  	s25 =	simm.s32 $0x1B8E;
	s24 =	sld [smem:$0x3FFE];
	[sflag:s23] =	ssyncadd.s32 $0xFFFFFFFF  }
0xa5: {  	s26 =	simm.s32 $execute0_lowered;
	[smem:$0x3FD2] =	sst s25  }
0xa6: {  	s4 =	sshll.u32 s26, $0x1;
	_ =	strace $0x80000046;
	[dreg:$0x1] =	wrdreg $0xFFFFFFFF  }
0xa7: {  	s28 =	simm.s32 $_size_execute0_lowered;
	s2 =	sadd.s32 s2, s4;
	[dreg:$0x0] =	wrdreg $0x0  }
0xa8: {  	s4 =	sshll.u32 s28, $0x1;
	[dreg:$0x2] =	wrdreg s2  }
0xa9: {  	[dreg:$0x3] =	wrdreg s4  }
0xaa: {  	[dreg:$0x4] =	wrdreg $0xC0  }
0xab: {  	_ =	task [dreg:s6], $0x5FFFF  }
0xac: {  	[dreg:$0x1] =	wrdreg $0xFFFFFFFF  }
0xad: {  	[dreg:$0x0] =	wrdreg $0x60  }
0xae: {  	[dreg:$0x2] =	wrdreg s24  }
0xaf: {  	[dreg:$0x3] =	wrdreg $0x68000  }
0xb0: {  	[dreg:$0x4] =	wrdreg $0x9  }
0xb1: {  	_ =	task.clear_ibuf [dreg:s6], $0x5FFFF;
	_ =	strace $0x90000046  }
0xb2: {  	s29 =	simm.s32 $0x9;
	_ =	strace $0x80000048  }
0xb3: {  	_ =	swait.ge [sflag:s29], $0x1  }
0xb4: {  	[sflag:s29] =	ssyncadd.s32 $0xFFFFFFFF  }
0xb5: {  	_ =	strace $0x90000048  }
0xb6: {  	_ =	sfence  }
0xb7: {  	s30 =	sld [smem:$0x0];
	_ =	sdelay $0x2  }
0xb8: {  	s31 =	sshll.u32 s1, $0xD;
	s1 =	sshrl.u32 s1, $0x2  }
0xb9: {  	s3 =	sand.u32 $0x4000, s31;
	s1 =	sadd.s32 s1, s30  }
0xba: {  	s0 =	sor.u32 s3, s0;
	s1 =	sshll.u32 s1, $0x11  }
0xbb: {  	s0 =	sor.u32 s1, s0  }
0xbc: {  	s0 =	sadd.s32 $0x8F2B, s0  }
0xbd: {  	[sflag:s0] =	ssyncadd.remote.s32 $0x1  }
0xbe: {  	_ =	sfence.sel $0xFFFF  }
0xbf: {  	[dreg:$0x0] =	wrdreg $0xFFFFFFFF;
	(pc) =	sbr.abs _section_cstart, $3  }
0xc0: {  	[dreg:$0x1] =	wrdreg $0xFFFFFFFF  }
0xc1: {  	_ =	task.clear_ibuf [dreg:s6], $0x2FFFF;
	_ =	strace $0x9FFFFFFF  }
0xc2: {  	(tm) =	ssettm $0x7FFFFFFF  }
0xc3: {  	_ =	shalt  }
tec
execute0_lowered:
.L_overlay_start_1:
0x0: {  	(tag) =	ssettag $0x1  }
0x1: {  	s1 =	srdreg.scid;
	s5 =	rddreg [dreg:$0x0]  }
0x2: {  	s0 =	stileid.u32;
	s2 =	rddreg [dreg:$0x1]  }
0x3: {  	s3 =	simm.s32 $0x0;
	s13 =	simm.s32 $0x1;
	s14 =	simm.s32 $0x80  }
0x4: {  	s4 =	sand.u32 $0x1, s1;
	s26 =	sshll.u32 s0, $0x1;
	s8 =	smul.u32 $0x13C00, s0  }
0x5: {  	[smem:$0x7FF] =	sst s3;
	s9 =	smul.u32 $0x4F000, s0;
	s15 =	sshll.u32 s0, $0x6  }
0x6: {  	s1 =	sor.u32 s4, s26;
	s7 =	smul.u32 $0x13C000, s4;
	s29 =	ssub.s32 $0x2, s4  }
0x7: {  	s15 =	sor.u32 $0x1C01, s15;
	s6 =	smul.u32 $0x500, s1;
	s1 =	rddreg [dreg:$0x2]  }
0x8: {  	_ =	strace $0x80000047;
	s30 =	sshrl.u32 s9, $0x2;
	s31 =	sshrl.u32 s29, $0x1  }
0x9: {  	s28 =	sadd.s32 s8, s7;
	s4 =	sadd.s32 s30, s2;
	s12 =	ssub.s32 s29, s31  }
0xa: {  	s10 =	sadd.s32 s6, s5;
	s6 =	sshrl.u32 s28, $0x3;
	s7 =	sadd.s32 $0xC000, s4  }
0xb: {  	s8 =	sadd.s32 $0x10000, s4;
	s16 =	sshrl.u32 s4, $0x3;
	s11 =	sadd.s32 s6, s5  }
0xc: {  	s5 =	sadd.s32 $0x4000, s4;
	s6 =	sadd.s32 $0x8000, s4;
	s9 =	sadd.s32 $0x3E00, s10  }
0xd: {  	v0 =	vimm.f32 $0.0e+00;
	v1 =	vimm.f32 $1.000000000e+00;
	s10 =	sadd.s32 $0xDE00, s11;
	s11 =	smax.u32 s12, $0x1;
	s12 =	simm.s32 $0x2800  }
.LBB2_1:
0xe: {  	s17 =	simm.s32 $0x0;
	s18 =	simm.s32 $0x200  }
.LBB2_2:
0xf: {  	p0 =	sne.s32 s18, $0xFE00;
	[tilespmem:s17+$0x2870] =	vst v0  }
0x10: {  	[tilespmem:s17+$0x2800] =	vst v0  }
0x11: {  	[tilespmem:s17+$0x2810] =	vst v0  }
.Ltmp0:
0x12: {  	[tilespmem:s17+$0x2820] =	vst v0;
	(pc) =	sbr.rel @p0 .LBB2_2-.Ltmp0, $4  }
0x13: {  	[tilespmem:s17+$0x2830] =	vst v0  }
0x14: {  	[tilespmem:s17+$0x2840] =	vst v0  }
0x15: {  	[tilespmem:s17+$0x2850] =	vst v0  }
0x16: {  	[tilespmem:s17+$0x2860] =	vst v0;
	s17 =	sshra.s32 s18, $0x2;
	s18 =	sadd.s32 $0x200, s18  }
0x17: {  	[tilespmem:s17+$0x2870] =	vst v0  }
0x18: {  	[tilespmem:s17+$0x2800] =	vst v0  }
0x19: {  	[tilespmem:s17+$0x2810] =	vst v0  }
0x1a: {  	[tilespmem:s17+$0x2820] =	vst v0  }
0x1b: {  	[tilespmem:s17+$0x2830] =	vst v0  }
0x1c: {  	[tilespmem:s17+$0x2840] =	vst v0  }
0x1d: {  	[tilespmem:s17+$0x2850] =	vst v0  }
0x1e: {  	[tilespmem:s17+$0x2860] =	vst v0  }
0x1f: {  	[spmem:s4] =	stream.linear.scatter [tilespmem:s12], [sflag:$0x1], $0x4000, $0x38;
	[tilespmem:$0x1A400] =	vst v63  }
0x20: {  	_ =	swait.ge [sflag:s13], $0x4000  }
0x21: {  	[sflag:s13] =	ssyncset.done $0x0  }
0x22: {  	[sflag:s13] =	ssyncadd.s32 $0xFFFFC000  }
0x23: {  	[spmem:s5] =	stream.linear.scatter [tilespmem:s12], [sflag:$0x1], $0x4000, $0x38;
	[tilespmem:$0x1A400] =	vst v63  }
0x24: {  	_ =	swait.ge [sflag:s13], $0x4000  }
0x25: {  	[sflag:s13] =	ssyncset.done $0x0  }
0x26: {  	[sflag:s13] =	ssyncadd.s32 $0xFFFFC000  }
0x27: {  	[spmem:s6] =	stream.linear.scatter [tilespmem:s12], [sflag:$0x1], $0x4000, $0x38;
	[tilespmem:$0x1A400] =	vst v63  }
0x28: {  	_ =	swait.ge [sflag:s13], $0x4000  }
0x29: {  	[sflag:s13] =	ssyncset.done $0x0  }
0x2a: {  	[sflag:s13] =	ssyncadd.s32 $0xFFFFC000  }
0x2b: {  	[spmem:s7] =	stream.linear.scatter [tilespmem:s12], [sflag:$0x1], $0x4000, $0x38;
	[tilespmem:$0x1A400] =	vst v63  }
0x2c: {  	_ =	swait.ge [sflag:s13], $0x4000  }
0x2d: {  	[sflag:s13] =	ssyncset.done $0x0  }
0x2e: {  	[sflag:s13] =	ssyncadd.s32 $0xFFFFC000  }
0x2f: {  	[spmem:s8] =	stream.linear.scatter [tilespmem:s12], [sflag:$0x1], $0x3C00, $0x38;
	[tilespmem:$0x1A400] =	vst v63  }
0x30: {  	_ =	swait.ge [sflag:s13], $0x3C00  }
0x31: {  	[sflag:s13] =	ssyncset.done $0x0  }
0x32: {  	s17 =	simm.s32 $0x0;
	s18 =	simm.s32 $0x200;
	[sflag:s13] =	ssyncadd.s32 $0xFFFFC400  }
.LBB2_4:
0x33: {  	p0 =	sne.s32 s18, $0xFE00;
	[tilespmem:s17+$0x2870] =	vst v1  }
0x34: {  	[tilespmem:s17+$0x2800] =	vst v1  }
0x35: {  	[tilespmem:s17+$0x2810] =	vst v1  }
.Ltmp1:
0x36: {  	[tilespmem:s17+$0x2820] =	vst v1;
	(pc) =	sbr.rel @p0 .LBB2_4-.Ltmp1, $4  }
0x37: {  	[tilespmem:s17+$0x2830] =	vst v1  }
0x38: {  	[tilespmem:s17+$0x2840] =	vst v1  }
0x39: {  	[tilespmem:s17+$0x2850] =	vst v1  }
0x3a: {  	[tilespmem:s17+$0x2860] =	vst v1;
	s17 =	sshra.s32 s18, $0x2;
	s18 =	sadd.s32 $0x200, s18  }
0x3b: {  	[tilespmem:s17+$0x2870] =	vst v1  }
0x3c: {  	[tilespmem:s17+$0x2800] =	vst v1  }
0x3d: {  	[tilespmem:s17+$0x2810] =	vst v1  }
0x3e: {  	[tilespmem:s17+$0x2820] =	vst v1  }
0x3f: {  	[tilespmem:s17+$0x2830] =	vst v1  }
0x40: {  	[tilespmem:s17+$0x2840] =	vst v1  }
0x41: {  	[tilespmem:s17+$0x2850] =	vst v1  }
0x42: {  	[tilespmem:s17+$0x2860] =	vst v1;
	s30 =	simm.s32 $0x0  }
0x43: {  	[tilespmem:s30], [sflag:$0x1] =	stream.linear.gather [hbm4b:s9+s30], $0x2800, $0x38;
	[tilespmem:$0x1A400] =	vst v63  }
0x44: {  	_ =	swait.ge [sflag:s13], $0x2800  }
0x45: {  	[sflag:s13] =	ssyncset.done $0x0  }
0x46: {  	[sflag:s13] =	ssyncadd.s32 $0xFFFFD800  }
0x47: {  	s31 =	simm.s32 $0x0;
	[bflag:$0x0] =	sbarrier.arrive $0xFFFF  }
0x48: {  	[spmem:s2] =	stream.indirect.scatter.add.f32 [tilespmem:s12], [sflag:$0x1], $0x80, s31, s14, $0xb8;
	[tilespmem:$0x1A400] =	vst v63  }
0x49: {  	_ =	swait.ge [sflag:s13], $0x4000  }
0x4a: {  	s17 =	simm.s32 $0x200;
	[sflag:s13] =	ssyncset.done $0x0  }
.LBB2_6:
0x4b: {  	s18 =	sshra.s32 s17, $0x2;
	[sflag:s13] =	ssyncadd.s32 $0xFFFFC000;
	p0 =	sne.s32 s17, $0x9E00  }
0x4c: {  	[spmem:s2] =	stream.indirect.scatter.add.f32 [tilespmem:s12], [sflag:$0x1], $0x80, s18, s14, $0xb8;
	[tilespmem:$0x1A400] =	vst v63  }
.Ltmp2:
0x4d: {  	_ = 	snop;
	(pc) =	sbr.rel @p0 .LBB2_6-.Ltmp2, $4  }
0x4e: {  	_ = 	snop  }
0x4f: {  	s17 =	sadd.s32 $0x200, s17  }
0x50: {  	_ =	swait.ge [sflag:s13], $0x4000  }
0x51: {  	[sflag:s13] =	ssyncset.done $0x0  }
0x52: {  	s3 =	sadd.s32 $0x1, s3  }
0x53: {  	[sflag:s13] =	ssyncadd.s32 $0xFFFFC000;
	p0 =	sne.s32 s3, s11  }
.Ltmp3:
0x54: {  	[bflag:$0x0] =	sbarrier.arrive $0xFFFF;
	(pc) =	sbr.rel @p0 .LBB2_1-.Ltmp3, $4  }
0x55: {  	[hbm:s10], [sflag:s15] =	dma.local [spmem:s16], $0x2780  }
0x56: {  	_ =	swait.ge [sflag:s13], $0x2780  }
0x57: {  	[sflag:s13] =	ssyncset.done $0x0  }
0x58: {  	[sflag:s13] =	ssyncadd.s32 $0xFFFFD880  }
0x59: {  	_ =	sfence.sel $0x180000  }
0x5a: {  	[bflag:$0x0] =	sbarrier.arrive $0xFFFF  }
0x5b: {  	p0 =	sne.s32 s0, $0x0;
	_ =	strace $0x90000047  }
0x5c: {  	s0 =	sadd.s32 @!p0 $0x100000, s1;
	[bflag:$0x2] =	sbarrier.arrive $0xFFFF  }
0x5d: {  	[sflag:s0] =	ssyncadd.tile.s32 @!p0 $0x1;
	_ =	shalt  }
.Lfunc_end2:
_tile_overlayer_lowered:
.L_overlay_start_2:
0x5e: {  	(tag) =	ssettag $0x2  }
0x5f: {  	s0 =	rddreg [dreg:$0x0];
	s2 =	stileid.u32  }
0x60: {  	s1 =	rddreg [dreg:$0x1];
	p0 =	sne.s32 s2, $0x0  }
0x61: {  	s3 =	rddreg [dreg:$0x2];
	[bflag:$0x3] =	sbarrier.arrive $0xFFFF;
	s2 =	simm.s32 @!p0 $0x1C01  }
0x62: {  	[timem:s3], [sflag:s2] =	dma.local @!p0 [hbm:s0], s1  }
0x63: {  	s0 =	simm.s32 @!p0 $0x1  }
0x64: {  	_ =	swait.ge @!p0 [sflag:s0], s1  }
0x65: {  	s1 =	ssub.s32 @!p0 $0x0, s1;
	[sflag:s0] =	ssyncset.done @!p0 $0x0  }
0x66: {  	[sflag:s0] =	ssyncadd.s32 @!p0 s1  }
0x67: {  	[bflag:$0x3] =	sbarrier.arrive $0xFFFF  }
0x68: {  	_ =	shalt  }

// kernel: kernel.16.cloned.1.call-start
scs
__scs_entry_jumppad:
0x0: {  	(pc) =	sbr.rel $0x88, $3  }
0x1: {  	(tag) =	ssettag $0x0;
	lr =	simm.s32 $0x1  }
0x2: {  	[smem:$0x3F98] =	sst lr;
	_ =	strace $0xD0000000  }
0x3: {  	_ = 	snop  }
0x4: {  	_ = 	snop  }
0x5: {  	_ = 	snop  }
0x6: {  	_ = 	snop  }
0x7: {  	_ = 	snop  }
__scs_overlays_trampoline_lowered:
0x8: {  	[smem:$0x3FA7] =	sst s0  }
0x9: {  	[smem:$0x3FA8] =	sst s1  }
0xa: {  	[smem:$0x3FA9] =	sst s2  }
0xb: {  	[smem:$0x3FAA] =	sst s3  }
0xc: {  	[smem:$0x3FAB] =	sst s4  }
0xd: {  	[smem:$0x3FAC] =	sst s5  }
0xe: {  	[smem:$0x3FAD] =	sst s6  }
0xf: {  	[smem:$0x3FAE] =	sst s7  }
0x10: {  	[smem:$0x3FAF] =	sst s8  }
0x11: {  	[smem:$0x3FB0] =	sst s9;
	s0 =	simm.s32 @!p0 $0x0  }
0x12: {  	s1 =	sld [smem:$0x3F96];
	s0 =	simm.s32 @p0 $0x1  }
0x13: {  	[smem:$0x3FB1] =	sst s0;
	s0 =	simm.s32 @!p1 $0x0  }
0x14: {  	s2 =	sld [smem:$0x3F95];
	s0 =	simm.s32 @p1 $0x1  }
0x15: {  	[smem:$0x3FB2] =	sst s0;
	s0 =	simm.s32 @!p2 $0x0  }
0x16: {  	s3 =	sld [smem:$0x3FDB];
	s0 =	simm.s32 @p2 $0x1  }
0x17: {  	s4 =	simm.s32 $0x1BF5;
	[smem:$0x3FB4] =	sst s0  }
0x18: {  	s0 =	sld [smem:$0x3F97];
	_ =	swait.ge [sflag:s4], $0x0  }
0x19: {  	s7 =	sld [smem:$0x3F98]  }
0x1a: {  	s8 =	sadd.s32 $0xFFFFE003, lr  }
0x1b: {  	s9 =	sadd.s32 $0xFFFFFEF7, lr;
	s5 =	simm.s32 $0xFFFFFFFF;
	p2 =	slt.u32 s8, $0xFFFFF086  }
0x1c: {  	p1 =	slt.u32 s9, $0xF7A;
	s5 =	simm.s32 @!p2 $0x0  }
0x1d: {  	s5 =	simm.s32 @p1 $0x1;
	p0 =	seq.s32 s7, s2  }
0x1e: {  	s7 =	smul.u32 @!p0 $0xF7A, s2;
	p2 =	seq.s32 @!p0 s5, $0x0  }
0x1f: {  	s9 =	smul.u32 $0xF7A, s1;
	s8 =	simm.s32 @!p0 $0x1BF5;
	p2 =	por !p2, p0  }
0x20: {  	[sflag:s8] =	ssyncset.s32 @!p0 $0xFFFFF086;
	s6 =	sadd.s32 @!p0 s3, s7;
	s7 =	simm.s32 @!p0 $0x108  }
0x21: {  	s3 =	sadd.s32 s3, s9;
	s6 =	sadd.s32 @!p0 $0x88, s6;
	s7 =	simm.s32 @p2 $0x1082  }
0x22: {  	[simem:s7], [sflag:s8] =	dma.local @!p0 [hbm:s6], $0xF7A  }
0x23: {  	s9 =	sor.u32 $0xD0000000, s2;
	s6 =	simm.s32 $0x108;
	_ =	swait.ge @!p0 [sflag:s8], $0x0  }
0x24: {  	s3 =	sadd.s32 $0x88, s3;
	s6 =	simm.s32 @!p1 $0x1082;
	[sflag:s4] =	ssyncset.s32 $0xFFFFF086  }
0x25: {  	[simem:s6], [sflag:s4] =	dma.local [hbm:s3], $0xF7A  }
0x26: {  	[smem:$0x3F98] =	sst s1;
	(tag) =	ssettag s2;
	_ =	strace s9  }
0x27: {  	s1 =	sld [smem:$0x3FA8]  }
0x28: {  	s2 =	sld [smem:$0x3FA9]  }
0x29: {  	s4 =	sld [smem:$0x3FAB]  }
0x2a: {  	p0 =	seq.s32 s5, $0x0;
	s5 =	sld [smem:$0x3FAC]  }
0x2b: {  	s6 =	sld [smem:$0x3FAD]  }
0x2c: {  	s7 =	sld [smem:$0x3FAE]  }
0x2d: {  	s3 =	simm.s32 $0x108;
	s8 =	sld [smem:$0x3FAF]  }
0x2e: {  	s3 =	simm.s32 @!p0 $0x1082;
	s9 =	sld [smem:$0x3FB0]  }
0x2f: {  	lr =	sadd.s32 s0, s3;
	s0 =	sld [smem:$0x3FA7]  }
0x30: {  	s3 =	sld [smem:$0x3FAA]  }
0x31: {  	[smem:$0x3FB3] =	sst s10  }
0x32: {  	s10 =	sld [smem:$0x3FB1];
	_ =	sdelay $0x3  }
0x33: {  	p0 =	seq.s32 s10, $0x1;
	s10 =	sld [smem:$0x3FB3];
	_ =	sdelay $0x3  }
0x34: {  	[smem:$0x3FB3] =	sst s10  }
0x35: {  	s10 =	sld [smem:$0x3FB2];
	_ =	sdelay $0x3  }
0x36: {  	p1 =	seq.s32 s10, $0x1;
	s10 =	sld [smem:$0x3FB3];
	_ =	sdelay $0x3  }
0x37: {  	[smem:$0x3FB3] =	sst s10  }
0x38: {  	s10 =	sld [smem:$0x3FB4]  }
0x39: {  	_ = 	snop;
	(pc) =	sbr.ind lr, $3  }
0x3a: {  	_ = 	snop  }
0x3b: {  	_ = 	snop  }
0x3c: {  	p2 =	seq.s32 s10, $0x1;
	s10 =	sld [smem:$0x3FB3]  }
0x3d: {  	_ =	shalt  }
0x3e: {  	_ =	shalt  }
0x3f: {  	_ =	shalt  }
0x40: {  	_ =	shalt  }
0x41: {  	_ =	shalt  }
0x42: {  	_ =	shalt  }
0x43: {  	_ =	shalt  }
0x44: {  	_ =	shalt  }
0x45: {  	_ =	shalt  }
0x46: {  	_ =	shalt  }
0x47: {  	_ =	shalt  }
0x48: {  	_ =	shalt  }
0x49: {  	_ =	shalt  }
0x4a: {  	_ =	shalt  }
0x4b: {  	_ =	shalt  }
0x4c: {  	_ =	shalt  }
0x4d: {  	_ =	shalt  }
0x4e: {  	_ =	shalt  }
0x4f: {  	_ =	shalt  }
0x50: {  	_ =	shalt  }
0x51: {  	_ =	shalt  }
0x52: {  	_ =	shalt  }
0x53: {  	_ =	shalt  }
0x54: {  	_ =	shalt  }
0x55: {  	_ =	shalt  }
0x56: {  	_ =	shalt  }
0x57: {  	_ =	shalt  }
0x58: {  	_ =	shalt  }
0x59: {  	_ =	shalt  }
0x5a: {  	_ =	shalt  }
0x5b: {  	_ =	shalt  }
0x5c: {  	_ =	shalt  }
0x5d: {  	_ =	shalt  }
0x5e: {  	_ =	shalt  }
0x5f: {  	_ =	shalt  }
0x60: {  	_ =	shalt  }
0x61: {  	_ =	shalt  }
0x62: {  	_ =	shalt  }
0x63: {  	_ =	shalt  }
0x64: {  	_ =	shalt  }
0x65: {  	_ =	shalt  }
0x66: {  	_ =	shalt  }
0x67: {  	_ =	shalt  }
0x68: {  	_ =	shalt  }
0x69: {  	_ =	shalt  }
0x6a: {  	_ =	shalt  }
0x6b: {  	_ =	shalt  }
0x6c: {  	_ =	shalt  }
0x6d: {  	_ =	shalt  }
0x6e: {  	_ =	shalt  }
0x6f: {  	_ =	shalt  }
0x70: {  	_ =	shalt  }
0x71: {  	_ =	shalt  }
0x72: {  	_ =	shalt  }
0x73: {  	_ =	shalt  }
0x74: {  	_ =	shalt  }
0x75: {  	_ =	shalt  }
0x76: {  	_ =	shalt  }
0x77: {  	_ =	shalt  }
0x78: {  	_ =	shalt  }
0x79: {  	_ =	shalt  }
0x7a: {  	_ =	shalt  }
0x7b: {  	_ =	shalt  }
0x7c: {  	_ =	shalt  }
0x7d: {  	_ =	shalt  }
0x7e: {  	_ =	shalt  }
0x7f: {  	_ =	shalt  }
0x80: {  	_ =	shalt  }
0x81: {  	_ =	shalt  }
0x82: {  	_ =	shalt  }
0x83: {  	_ =	shalt  }
0x84: {  	_ =	shalt  }
0x85: {  	_ =	shalt  }
0x86: {  	_ =	shalt  }
0x87: {  	_ =	shalt  }
.Lfunc_end0:
.L_simem_size_0:
called_computation.1_lowered:
.L_overlay_start_0:
0x88: {  	s2 =	sld [smem:$0x3FD9]  }
0x89: {  	s3 =	sld [smem:$0x3FFE];
	_ =	sdelay $0x1  }
0x8a: {  	s1 =	srdreg.scid  }
0x8b: {  	s0 =	sand.u32 $0x1, s1  }
0x8c: {  	s17 =	sshll.u32 s0, $0xA;
	s2 =	sadd.s32 s3, s2  }
0x8d: {  	s2 =	sadd.s32 s2, s17  }
0x8e: {  	[smem:$0x3FBF] =	sst s2  }
0x8f: {  	_ = 	snop  }
0x90: {  	s18 =	sld [smem:$0x3FD0];
	(tm) =	ssettm $0x1  }
0x91: {  	s19 =	sld [smem:$0x3FFB];
	_ =	sdelay $0x3  }
0x92: {  	_ =	strace s19  }
0x93: {  	s2 =	sld [smem:$0x3FFC];
	_ =	sdelay $0x3  }
0x94: {  	_ =	strace s2  }
0x95: {  	s2 =	sld [smem:$0x3FFD];
	_ =	sdelay $0x3  }
0x96: {  	_ =	strace s2  }
0x97: {  	_ =	strace $0x8FFFFFFF  }
0x98: {  	s20 =	sld [smem:$0x3FDB];
	_ =	sdelay $0x1  }
0x99: {  	s4 =	simm.s32 $_scs_section_size  }
0x9a: {  	s5 =	simm.s32 $_size__tile_overlayer_lowered;
	s6 =	simm.s32 $_tile_overlayer_lowered  }
0x9b: {  	s7 =	simm.s32 $0x1BFF;
	s21 =	sshll.u32 s6, $0x1;
	s4 =	sadd.s32 s4, s20  }
0x9c: {  	s22 =	simm.s32 $0x0;
	s5 =	sshll.u32 s5, $0x1;
	s6 =	sadd.s32 s21, s4  }
0x9d: {  	[timem:s22], [sflag:s7] =	dma.local [hbm:s6], s5  }
0x9e: {  	_ =	swait.ge [sflag:s7], s5  }
0x9f: {  	s5 =	ssub.s32 $0x0, s5;
	[sflag:s7] =	ssyncset.done $0x0  }
0xa0: {  	[sflag:s7] =	ssyncadd.s32 s5;
	_ =	sdelay $0x1  }
0xa1: {  	s23 =	simm.s32 $0x1B8B  }
0xa2: {  	_ =	swait.ge [sflag:s23], $0x1  }
0xa3: {  	[sflag:s23] =	ssyncset.done $0x0  }
0xa4: {  	[sflag:s23] =	ssyncadd.s32 $0xFFFFFFFF  }
0xa5: {  	s5 =	sld [smem:$0x0]  }
0xa6: {  	s6 =	sand.u32 $0xFFFFFFFE, s1  }
0xa7: {  	p0 =	sne.s32 s1, s6  }
0xa8: {  	s6 =	sshll.u32 @p0 s6, $0xE  }
0xa9: {  	s6 =	sadd.s32 @p0 $0x11B8D, s6;
	s7 =	sshll.u32 @p0 s5, $0x11  }
0xaa: {  	s6 =	sor.u32 @p0 s7, s6  }
0xab: {  	[sflag:s6] =	ssyncadd.remote.s32 @p0 $0x1;
	_ =	sdelay $0x1  }
0xac: {  	s6 =	simm.s32 @p0 $0x1B8D  }
0xad: {  	_ =	swait.eq @p0 [sflag:s6], $0x1  }
0xae: {  	[sflag:s6] =	ssyncadd.s32 @p0 $0xFFFFFFFF  }
0xaf: {  	s7 =	sshll.u32 @!p0 s1, $0xE  }
0xb0: {  	s7 =	sor.u32 @!p0 $0x4000, s7;
	s6 =	simm.s32 @!p0 $0x1B8D  }
0xb1: {  	s5 =	sshll.u32 @!p0 s5, $0x11;
	s7 =	sadd.s32 @!p0 $0x11B8D, s7;
	_ =	swait.eq @!p0 [sflag:s6], $0x1  }
0xb2: {  	s5 =	sor.u32 @!p0 s5, s7;
	[sflag:s6] =	ssyncadd.s32 @!p0 $0xFFFFFFFF  }
0xb3: {  	s25 =	simm.s32 $0x1B8E;
	s24 =	sld [smem:$0x3FFE];
	[sflag:s5] =	ssyncadd.remote.s32 @!p0 $0x1  }
0xb4: {  	s26 =	simm.s32 $execute0_lowered;
	[smem:$0x3FD2] =	sst s25  }
0xb5: {  	s6 =	sshll.u32 s26, $0x1;
	_ =	strace $0x80000049;
	[dreg:$0x1] =	wrdreg $0xFFFFFFFF  }
0xb6: {  	s28 =	simm.s32 $_size_execute0_lowered;
	s4 =	sadd.s32 s4, s6;
	[dreg:$0x0] =	wrdreg $0x0  }
0xb7: {  	s6 =	sshll.u32 s28, $0x1;
	[dreg:$0x2] =	wrdreg s4  }
0xb8: {  	[dreg:$0x3] =	wrdreg s6  }
0xb9: {  	[dreg:$0x4] =	wrdreg $0xC0  }
0xba: {  	_ =	task [dreg:s22], $0x5FFFF  }
0xbb: {  	[dreg:$0x1] =	wrdreg $0xFFFFFFFF  }
0xbc: {  	[dreg:$0x0] =	wrdreg $0x60  }
0xbd: {  	[dreg:$0x2] =	wrdreg s18  }
0xbe: {  	[dreg:$0x3] =	wrdreg s24  }
0xbf: {  	[dreg:$0x4] =	wrdreg $0xA8000  }
0xc0: {  	[dreg:$0x5] =	wrdreg $0xA  }
0xc1: {  	_ =	task.clear_ibuf [dreg:s22], $0x6FFFF;
	_ =	strace $0x90000049  }
0xc2: {  	s29 =	simm.s32 $0xA;
	_ =	strace $0x8000004B  }
0xc3: {  	_ =	swait.ge [sflag:s29], $0x1  }
0xc4: {  	[sflag:s29] =	ssyncadd.s32 $0xFFFFFFFF  }
0xc5: {  	_ =	strace $0x9000004B  }
0xc6: {  	_ =	sfence  }
0xc7: {  	s30 =	sld [smem:$0x0];
	_ =	sdelay $0x2  }
0xc8: {  	s31 =	sshll.u32 s1, $0xD;
	s1 =	sshrl.u32 s1, $0x2  }
0xc9: {  	s4 =	sand.u32 $0x4000, s31;
	s1 =	sadd.s32 s1, s30  }
0xca: {  	s0 =	sor.u32 s4, s0;
	s1 =	sshll.u32 s1, $0x11  }
0xcb: {  	s0 =	sor.u32 s1, s0  }
0xcc: {  	s0 =	sadd.s32 $0x8F2B, s0  }
0xcd: {  	[sflag:s0] =	ssyncadd.remote.s32 $0x1  }
0xce: {  	_ =	sfence.sel $0xFFFF  }
0xcf: {  	[dreg:$0x0] =	wrdreg $0xFFFFFFFF;
	(pc) =	sbr.abs _section_cstart, $3  }
0xd0: {  	[dreg:$0x1] =	wrdreg $0xFFFFFFFF  }
0xd1: {  	_ =	task.clear_ibuf [dreg:s22], $0x2FFFF;
	_ =	strace $0x9FFFFFFF  }
0xd2: {  	(tm) =	ssettm $0x7FFFFFFF  }
0xd3: {  	_ =	shalt  }
tec
execute0_lowered:
.L_overlay_start_1:
0x0: {  	(tag) =	ssettag $0x1  }
0x1: {  	s1 =	srdreg.scid  }
0x2: {  	s1 =	sand.u32 $0x1, s1  }
0x3: {  	p0 =	seq.s32 s1, $0x1  }
.Ltmp0:
0x4: {  	s3 =	rddreg [dreg:$0x0];
	(pc) =	sbr.rel @p0 .LBB2_12-.Ltmp0, $4  }
0x5: {  	s5 =	rddreg [dreg:$0x1]  }
0x6: {  	s2 =	rddreg [dreg:$0x2];
	s4 =	simm.s32 $0x0  }
0x7: {  	[smem:$0x7FF] =	sst s4  }
0x8: {  	s0 =	rddreg [dreg:$0x3];
	_ =	strace $0x8000004A;
	s1 =	stileid.u32  }
0x9: {  	s4 =	smul.u32 $0x4F000, s1  }
0xa: {  	s6 =	smul.u32 $0x2780, s1  }
0xb: {  	s8 =	smul.u32 $0x5000, s1  }
0xc: {  	s7 =	sadd.s32 $0x5CE00, s5;
	s12 =	sadd.s32 $0x3E00, s5;
	s4 =	sshrl.u32 s4, $0x2  }
0xd: {  	s30 =	sadd.s32 s6, s5;
	s31 =	sshrl.u32 s8, $0x3;
	s4 =	sadd.s32 s4, s2  }
0xe: {  	s15 =	sadd.s32 s7, s31;
	s8 =	sadd.s32 $0x280, s31;
	s14 =	sadd.s32 s12, s31  }
0xf: {  	s13 =	sadd.s32 $0x500, s31;
	s6 =	sadd.s32 $0x780, s31;
	s5 =	sadd.s32 $0x66E00, s30  }
0x10: {  	s19 =	sadd.s32 $0x4000, s4;
	s18 =	sadd.s32 $0x8000, s4;
	s17 =	sadd.s32 $0xC000, s4  }
0x11: {  	s16 =	sadd.s32 $0x10000, s4;
	s11 =	sadd.s32 s7, s8;
	s10 =	sadd.s32 s12, s8  }
0x12: {  	s9 =	sadd.s32 s7, s13;
	s8 =	sadd.s32 s12, s13;
	s7 =	sadd.s32 s7, s6  }
0x13: {  	v0 =	vimm.f32 $0.0e+00;
	s6 =	sadd.s32 s12, s6;
	s12 =	simm.s32 $0x0;
	s13 =	simm.s32 $0x200  }
.LBB2_2:
0x14: {  	p0 =	sne.s32 s13, $0xFE00;
	[tilespmem:s12+$0x2870] =	vst v0  }
0x15: {  	[tilespmem:s12+$0x2800] =	vst v0  }
0x16: {  	[tilespmem:s12+$0x2810] =	vst v0  }
.Ltmp1:
0x17: {  	[tilespmem:s12+$0x2820] =	vst v0;
	(pc) =	sbr.rel @p0 .LBB2_2-.Ltmp1, $4  }
0x18: {  	[tilespmem:s12+$0x2830] =	vst v0  }
0x19: {  	[tilespmem:s12+$0x2840] =	vst v0  }
0x1a: {  	[tilespmem:s12+$0x2850] =	vst v0  }
0x1b: {  	[tilespmem:s12+$0x2860] =	vst v0;
	s12 =	sshra.s32 s13, $0x2;
	s13 =	sadd.s32 $0x200, s13  }
0x1c: {  	[tilespmem:s12+$0x2870] =	vst v0  }
0x1d: {  	[tilespmem:s12+$0x2800] =	vst v0  }
0x1e: {  	[tilespmem:s12+$0x2810] =	vst v0  }
0x1f: {  	[tilespmem:s12+$0x2820] =	vst v0  }
0x20: {  	[tilespmem:s12+$0x2830] =	vst v0  }
0x21: {  	[tilespmem:s12+$0x2840] =	vst v0  }
0x22: {  	[tilespmem:s12+$0x2850] =	vst v0  }
0x23: {  	[tilespmem:s12+$0x2860] =	vst v0;
	s13 =	simm.s32 $0x2800;
	s12 =	simm.s32 $0x2  }
0x24: {  	[spmem:s4] =	stream.linear.scatter [tilespmem:s13], [sflag:$0x2], $0x4000, $0x38;
	[tilespmem:$0x1E400] =	vst v63  }
0x25: {  	_ =	swait.ge [sflag:s12], $0x4000  }
0x26: {  	[sflag:s12] =	ssyncset.done $0x0  }
0x27: {  	[sflag:s12] =	ssyncadd.s32 $0xFFFFC000  }
0x28: {  	[spmem:s19] =	stream.linear.scatter [tilespmem:s13], [sflag:$0x2], $0x4000, $0x38;
	[tilespmem:$0x1E400] =	vst v63  }
0x29: {  	_ =	swait.ge [sflag:s12], $0x4000  }
0x2a: {  	[sflag:s12] =	ssyncset.done $0x0  }
0x2b: {  	[sflag:s12] =	ssyncadd.s32 $0xFFFFC000  }
0x2c: {  	[spmem:s18] =	stream.linear.scatter [tilespmem:s13], [sflag:$0x2], $0x4000, $0x38;
	[tilespmem:$0x1E400] =	vst v63  }
0x2d: {  	_ =	swait.ge [sflag:s12], $0x4000  }
0x2e: {  	[sflag:s12] =	ssyncset.done $0x0  }
0x2f: {  	[sflag:s12] =	ssyncadd.s32 $0xFFFFC000  }
0x30: {  	[spmem:s17] =	stream.linear.scatter [tilespmem:s13], [sflag:$0x2], $0x4000, $0x38;
	[tilespmem:$0x1E400] =	vst v63  }
0x31: {  	_ =	swait.ge [sflag:s12], $0x4000  }
0x32: {  	[sflag:s12] =	ssyncset.done $0x0  }
0x33: {  	[sflag:s12] =	ssyncadd.s32 $0xFFFFC000  }
0x34: {  	[spmem:s16] =	stream.linear.scatter [tilespmem:s13], [sflag:$0x2], $0x3C00, $0x38;
	[tilespmem:$0x1E400] =	vst v63  }
0x35: {  	_ =	swait.ge [sflag:s12], $0x3C00  }
0x36: {  	[sflag:s12] =	ssyncset.done $0x0  }
0x37: {  	[sflag:s12] =	ssyncadd.s32 $0xFFFFC400  }
0x38: {  	s25 =	simm.s32 $0x0;
	[bflag:$0x0] =	sbarrier.arrive $0xFFFF  }
0x39: {  	[tilespmem:s25], [sflag:$0x2] =	stream.linear.gather [hbm4b:s15+s25], $0x1400, $0x38;
	[tilespmem:$0x1E400] =	vst v63  }
0x3a: {  	_ =	swait.ge [sflag:s12], $0x1400  }
0x3b: {  	[sflag:s12] =	ssyncset.done $0x0  }
0x3c: {  	s26 =	simm.s32 $0x1400;
	[sflag:s12] =	ssyncadd.s32 $0xFFFFEC00  }
0x3d: {  	[tilespmem:s26], [sflag:$0x2] =	stream.linear.gather [hbm4b:s14+s25], $0x1400, $0x38;
	[tilespmem:$0x1E400] =	vst v63  }
0x3e: {  	_ =	swait.ge [sflag:s12], $0x1400  }
0x3f: {  	[sflag:s12] =	ssyncset.done $0x0  }
0x40: {  	s14 =	simm.s32 $0x80;
	[sflag:s12] =	ssyncadd.s32 $0xFFFFEC00  }
0x41: {  	[tilespmem:s13], [sflag:$0x1] =	stream.indirect.gather [hbm4b:s3+s14], $0x80, s25, s14, $0xb8;
	[tilespmem:$0x1E400] =	vst v63  }
0x42: {  	s28 =	simm.s32 $0x80;
	s16 =	simm.s32 $0x1;
	s15 =	simm.s32 $0x6800  }
0x43: {  	[tilespmem:s15], [sflag:$0x1] =	stream.indirect.gather [hbm4b:s3+s14], $0x80, s28, s14, $0xb8;
	[tilespmem:$0x1E400] =	vst v63  }
0x44: {  	_ =	swait.ge [sflag:s16], $0x4000  }
0x45: {  	[sflag:s16] =	ssyncset.done $0x0  }
0x46: {  	s29 =	simm.s32 $0x1400;
	[sflag:s16] =	ssyncadd.s32 $0xFFFFC000  }
0x47: {  	[spmem:s2] =	stream.indirect.scatter.add.f32 [tilespmem:s13], [sflag:$0x2], $0x80, s29, s14, $0xb8;
	[tilespmem:$0x1E400] =	vst v63  }
0x48: {  	_ =	swait.ge [sflag:s12], $0x4000  }
0x49: {  	[sflag:s12] =	ssyncset.done $0x0  }
0x4a: {  	s30 =	simm.s32 $0x100;
	[sflag:s12] =	ssyncadd.s32 $0xFFFFC000  }
0x4b: {  	[tilespmem:s13], [sflag:$0x1] =	stream.indirect.gather [hbm4b:s3+s14], $0x80, s30, s14, $0xb8;
	[tilespmem:$0x1E400] =	vst v63  }
0x4c: {  	_ =	swait.ge [sflag:s16], $0x4000  }
0x4d: {  	[sflag:s16] =	ssyncset.done $0x0  }
0x4e: {  	s31 =	simm.s32 $0x1480;
	[sflag:s16] =	ssyncadd.s32 $0xFFFFC000  }
0x4f: {  	[spmem:s2] =	stream.indirect.scatter.add.f32 [tilespmem:s15], [sflag:$0x2], $0x80, s31, s14, $0xb8;
	[tilespmem:$0x1E400] =	vst v63  }
0x50: {  	_ =	swait.ge [sflag:s12], $0x4000  }
0x51: {  	s18 =	simm.s32 $0x800;
	s17 =	simm.s32 $0x100;
	[sflag:s12] =	ssyncset.done $0x0  }
.LBB2_4:
0x52: {  	s19 =	sadd.s32 $0x80, s17  }
0x53: {  	[sflag:s12] =	ssyncadd.s32 $0xFFFFC000;
	s20 =	smov.u32 s18;
	s21 =	sadd.s32 $0x400, s18  }
0x54: {  	[tilespmem:s15], [sflag:$0x1] =	stream.indirect.gather [hbm4b:s3+s14], $0x80, s19, s14, $0xb8;
	[tilespmem:$0x1E400] =	vst v63  }
0x55: {  	p0 =	sne.s32 s18, $0x4800;
	_ =	swait.ge [sflag:s16], $0x4000  }
0x56: {  	[sflag:s16] =	ssyncset.done $0x0  }
0x57: {  	s18 =	sadd.s32 $0x1400, s17;
	[sflag:s16] =	ssyncadd.s32 $0xFFFFC000  }
0x58: {  	[spmem:s2] =	stream.indirect.scatter.add.f32 [tilespmem:s13], [sflag:$0x2], $0x80, s18, s14, $0xb8;
	[tilespmem:$0x1E400] =	vst v63  }
0x59: {  	_ =	swait.ge [sflag:s12], $0x4000  }
0x5a: {  	[sflag:s12] =	ssyncset.done $0x0  }
0x5b: {  	s18 =	sadd.s32 $0x100, s17;
	[sflag:s12] =	ssyncadd.s32 $0xFFFFC000  }
0x5c: {  	[tilespmem:s13], [sflag:$0x1] =	stream.indirect.gather [hbm4b:s3+s14], $0x80, s18, s14, $0xb8;
	[tilespmem:$0x1E400] =	vst v63  }
0x5d: {  	_ =	swait.ge [sflag:s16], $0x4000  }
.Ltmp2:
0x5e: {  	[sflag:s16] =	ssyncset.done $0x0;
	(pc) =	sbr.rel @p0 .LBB2_4-.Ltmp2, $4  }
0x5f: {  	s17 =	sadd.s32 $0x1480, s17;
	[sflag:s16] =	ssyncadd.s32 $0xFFFFC000  }
0x60: {  	[spmem:s2] =	stream.indirect.scatter.add.f32 [tilespmem:s15], [sflag:$0x2], $0x80, s17, s14, $0xb8;
	[tilespmem:$0x1E400] =	vst v63  }
0x61: {  	_ =	swait.ge [sflag:s12], $0x4000  }
0x62: {  	s18 =	smov.u32 s21;
	s17 =	sshra.s32 s20, $0x2;
	[sflag:s12] =	ssyncset.done $0x0  }
0x63: {  	s18 =	sadd.s32 $0x80, s17;
	[sflag:s12] =	ssyncadd.s32 $0xFFFFC000  }
0x64: {  	[tilespmem:s15], [sflag:$0x1] =	stream.indirect.gather [hbm4b:s3+s14], $0x80, s18, s14, $0xb8;
	[tilespmem:$0x1E400] =	vst v63  }
0x65: {  	_ =	swait.ge [sflag:s16], $0x4000  }
0x66: {  	[sflag:s16] =	ssyncset.done $0x0  }
0x67: {  	s19 =	sadd.s32 $0x1400, s17;
	[sflag:s16] =	ssyncadd.s32 $0xFFFFC000  }
0x68: {  	[spmem:s2] =	stream.indirect.scatter.add.f32 [tilespmem:s13], [sflag:$0x2], $0x80, s19, s14, $0xb8;
	[tilespmem:$0x1E400] =	vst v63  }
0x69: {  	_ =	swait.ge [sflag:s12], $0x4000  }
0x6a: {  	[sflag:s12] =	ssyncset.done $0x0  }
0x6b: {  	s20 =	sadd.s32 $0x100, s17;
	[sflag:s12] =	ssyncadd.s32 $0xFFFFC000  }
0x6c: {  	[tilespmem:s13], [sflag:$0x1] =	stream.indirect.gather [hbm4b:s3+s14], $0x80, s20, s14, $0xb8;
	[tilespmem:$0x1E400] =	vst v63  }
0x6d: {  	_ =	swait.ge [sflag:s16], $0x4000  }
0x6e: {  	[sflag:s16] =	ssyncset.done $0x0  }
0x6f: {  	s21 =	sadd.s32 $0x1480, s17;
	[sflag:s16] =	ssyncadd.s32 $0xFFFFC000  }
0x70: {  	[spmem:s2] =	stream.indirect.scatter.add.f32 [tilespmem:s15], [sflag:$0x2], $0x80, s21, s14, $0xb8;
	[tilespmem:$0x1E400] =	vst v63  }
0x71: {  	_ =	swait.ge [sflag:s12], $0x4000  }
0x72: {  	s22 =	simm.s32 $0x1380;
	s13 =	simm.s32 $0x6800;
	[sflag:s12] =	ssyncset.done $0x0  }
0x73: {  	s14 =	simm.s32 $0x1;
	[sflag:s12] =	ssyncadd.s32 $0xFFFFC000;
	s12 =	simm.s32 $0x80  }
0x74: {  	[tilespmem:s13], [sflag:$0x1] =	stream.indirect.gather [hbm4b:s3+s12], $0x80, s22, s12, $0xb8;
	[tilespmem:$0x1E400] =	vst v63  }
0x75: {  	_ =	swait.ge [sflag:s14], $0x4000  }
0x76: {  	s23 =	simm.s32 $0x2700;
	[sflag:s14] =	ssyncset.done $0x0  }
0x77: {  	s16 =	simm.s32 $0x2800;
	s15 =	simm.s32 $0x2;
	[sflag:s14] =	ssyncadd.s32 $0xFFFFC000  }
0x78: {  	[spmem:s2] =	stream.indirect.scatter.add.f32 [tilespmem:s16], [sflag:$0x2], $0x80, s23, s12, $0xb8;
	[tilespmem:$0x1E400] =	vst v63  }
0x79: {  	_ =	swait.ge [sflag:s15], $0x4000  }
0x7a: {  	[sflag:s15] =	ssyncset.done $0x0  }
0x7b: {  	[sflag:s15] =	ssyncadd.s32 $0xFFFFC000  }
0x7c: {  	[tilespmem:s16], [sflag:$0x1] =	stream.indirect.gather [hbm4b:s3+s12], $0x80, s22, s12, $0xb8;
	[tilespmem:$0x1E400] =	vst v63  }
0x7d: {  	_ =	swait.ge [sflag:s14], $0x4000  }
0x7e: {  	[sflag:s14] =	ssyncset.done $0x0  }
0x7f: {  	s24 =	simm.s32 $0x2780;
	[sflag:s14] =	ssyncadd.s32 $0xFFFFC000  }
0x80: {  	[spmem:s2] =	stream.indirect.scatter.add.f32 [tilespmem:s13], [sflag:$0x2], $0x80, s24, s12, $0xb8;
	[tilespmem:$0x1E400] =	vst v63  }
0x81: {  	_ =	swait.ge [sflag:s15], $0x4000  }
0x82: {  	[sflag:s15] =	ssyncset.done $0x0  }
0x83: {  	[sflag:s15] =	ssyncadd.s32 $0xFFFFC000  }
0x84: {  	_ =	swait.ge [sflag:s14], $0x4000  }
0x85: {  	[sflag:s14] =	ssyncset.done $0x0  }
0x86: {  	s25 =	simm.s32 $0x0;
	[sflag:s14] =	ssyncadd.s32 $0xFFFFC000  }
0x87: {  	[tilespmem:s25], [sflag:$0x2] =	stream.linear.gather [hbm4b:s11+s25], $0x1400, $0x38;
	[tilespmem:$0x1E400] =	vst v63  }
0x88: {  	_ =	swait.ge [sflag:s15], $0x1400  }
0x89: {  	[sflag:s15] =	ssyncset.done $0x0  }
0x8a: {  	s26 =	simm.s32 $0x1400;
	[sflag:s15] =	ssyncadd.s32 $0xFFFFEC00  }
0x8b: {  	[tilespmem:s26], [sflag:$0x2] =	stream.linear.gather [hbm4b:s10+s25], $0x1400, $0x38;
	[tilespmem:$0x1E400] =	vst v63  }
0x8c: {  	_ =	swait.ge [sflag:s15], $0x1400  }
0x8d: {  	[sflag:s15] =	ssyncset.done $0x0  }
0x8e: {  	[sflag:s15] =	ssyncadd.s32 $0xFFFFEC00  }
0x8f: {  	[tilespmem:s16], [sflag:$0x1] =	stream.indirect.gather [hbm4b:s3+s12], $0x80, s25, s12, $0xb8;
	[tilespmem:$0x1E400] =	vst v63  }
0x90: {  	s28 =	simm.s32 $0x80  }
0x91: {  	[tilespmem:s13], [sflag:$0x1] =	stream.indirect.gather [hbm4b:s3+s12], $0x80, s28, s12, $0xb8;
	[tilespmem:$0x1E400] =	vst v63  }
0x92: {  	_ =	swait.ge [sflag:s14], $0x4000  }
0x93: {  	[sflag:s14] =	ssyncset.done $0x0  }
0x94: {  	s29 =	simm.s32 $0x1400;
	[sflag:s14] =	ssyncadd.s32 $0xFFFFC000  }
0x95: {  	[spmem:s2] =	stream.indirect.scatter.add.f32 [tilespmem:s16], [sflag:$0x2], $0x80, s29, s12, $0xb8;
	[tilespmem:$0x1E400] =	vst v63  }
0x96: {  	_ =	swait.ge [sflag:s15], $0x4000  }
0x97: {  	[sflag:s15] =	ssyncset.done $0x0  }
0x98: {  	s30 =	simm.s32 $0x100;
	[sflag:s15] =	ssyncadd.s32 $0xFFFFC000  }
0x99: {  	[tilespmem:s16], [sflag:$0x1] =	stream.indirect.gather [hbm4b:s3+s12], $0x80, s30, s12, $0xb8;
	[tilespmem:$0x1E400] =	vst v63  }
0x9a: {  	_ =	swait.ge [sflag:s14], $0x4000  }
0x9b: {  	[sflag:s14] =	ssyncset.done $0x0  }
0x9c: {  	s31 =	simm.s32 $0x1480;
	[sflag:s14] =	ssyncadd.s32 $0xFFFFC000  }
0x9d: {  	[spmem:s2] =	stream.indirect.scatter.add.f32 [tilespmem:s13], [sflag:$0x2], $0x80, s31, s12, $0xb8;
	[tilespmem:$0x1E400] =	vst v63  }
0x9e: {  	_ =	swait.ge [sflag:s15], $0x4000  }
0x9f: {  	s11 =	simm.s32 $0x800;
	s10 =	simm.s32 $0x100;
	[sflag:s15] =	ssyncset.done $0x0  }
.LBB2_6:
0xa0: {  	s17 =	sadd.s32 $0x80, s10  }
0xa1: {  	[sflag:s15] =	ssyncadd.s32 $0xFFFFC000;
	s18 =	smov.u32 s11;
	s19 =	sadd.s32 $0x400, s11  }
0xa2: {  	[tilespmem:s13], [sflag:$0x1] =	stream.indirect.gather [hbm4b:s3+s12], $0x80, s17, s12, $0xb8;
	[tilespmem:$0x1E400] =	vst v63  }
0xa3: {  	p0 =	sne.s32 s11, $0x4800;
	_ =	swait.ge [sflag:s14], $0x4000  }
0xa4: {  	[sflag:s14] =	ssyncset.done $0x0  }
0xa5: {  	s11 =	sadd.s32 $0x1400, s10;
	[sflag:s14] =	ssyncadd.s32 $0xFFFFC000  }
0xa6: {  	[spmem:s2] =	stream.indirect.scatter.add.f32 [tilespmem:s16], [sflag:$0x2], $0x80, s11, s12, $0xb8;
	[tilespmem:$0x1E400] =	vst v63  }
0xa7: {  	_ =	swait.ge [sflag:s15], $0x4000  }
0xa8: {  	[sflag:s15] =	ssyncset.done $0x0  }
0xa9: {  	s11 =	sadd.s32 $0x100, s10;
	[sflag:s15] =	ssyncadd.s32 $0xFFFFC000  }
0xaa: {  	[tilespmem:s16], [sflag:$0x1] =	stream.indirect.gather [hbm4b:s3+s12], $0x80, s11, s12, $0xb8;
	[tilespmem:$0x1E400] =	vst v63  }
0xab: {  	_ =	swait.ge [sflag:s14], $0x4000  }
.Ltmp3:
0xac: {  	[sflag:s14] =	ssyncset.done $0x0;
	(pc) =	sbr.rel @p0 .LBB2_6-.Ltmp3, $4  }
0xad: {  	s10 =	sadd.s32 $0x1480, s10;
	[sflag:s14] =	ssyncadd.s32 $0xFFFFC000  }
0xae: {  	[spmem:s2] =	stream.indirect.scatter.add.f32 [tilespmem:s13], [sflag:$0x2], $0x80, s10, s12, $0xb8;
	[tilespmem:$0x1E400] =	vst v63  }
0xaf: {  	_ =	swait.ge [sflag:s15], $0x4000  }
0xb0: {  	s11 =	smov.u32 s19;
	s10 =	sshra.s32 s18, $0x2;
	[sflag:s15] =	ssyncset.done $0x0  }
0xb1: {  	s11 =	sadd.s32 $0x80, s10;
	[sflag:s15] =	ssyncadd.s32 $0xFFFFC000  }
0xb2: {  	[tilespmem:s13], [sflag:$0x1] =	stream.indirect.gather [hbm4b:s3+s12], $0x80, s11, s12, $0xb8;
	[tilespmem:$0x1E400] =	vst v63  }
0xb3: {  	_ =	swait.ge [sflag:s14], $0x4000  }
0xb4: {  	[sflag:s14] =	ssyncset.done $0x0  }
0xb5: {  	s19 =	sadd.s32 $0x1400, s10;
	[sflag:s14] =	ssyncadd.s32 $0xFFFFC000  }
0xb6: {  	[spmem:s2] =	stream.indirect.scatter.add.f32 [tilespmem:s16], [sflag:$0x2], $0x80, s19, s12, $0xb8;
	[tilespmem:$0x1E400] =	vst v63  }
0xb7: {  	_ =	swait.ge [sflag:s15], $0x4000  }
0xb8: {  	[sflag:s15] =	ssyncset.done $0x0  }
0xb9: {  	s20 =	sadd.s32 $0x100, s10;
	[sflag:s15] =	ssyncadd.s32 $0xFFFFC000  }
0xba: {  	[tilespmem:s16], [sflag:$0x1] =	stream.indirect.gather [hbm4b:s3+s12], $0x80, s20, s12, $0xb8;
	[tilespmem:$0x1E400] =	vst v63  }
0xbb: {  	_ =	swait.ge [sflag:s14], $0x4000  }
0xbc: {  	[sflag:s14] =	ssyncset.done $0x0  }
0xbd: {  	s21 =	sadd.s32 $0x1480, s10;
	[sflag:s14] =	ssyncadd.s32 $0xFFFFC000  }
0xbe: {  	[spmem:s2] =	stream.indirect.scatter.add.f32 [tilespmem:s13], [sflag:$0x2], $0x80, s21, s12, $0xb8;
	[tilespmem:$0x1E400] =	vst v63  }
0xbf: {  	_ =	swait.ge [sflag:s15], $0x4000  }
0xc0: {  	s10 =	simm.s32 $0x80;
	s22 =	simm.s32 $0x1380;
	[sflag:s15] =	ssyncset.done $0x0  }
0xc1: {  	s11 =	simm.s32 $0x6800;
	s12 =	simm.s32 $0x1;
	[sflag:s15] =	ssyncadd.s32 $0xFFFFC000  }
0xc2: {  	[tilespmem:s11], [sflag:$0x1] =	stream.indirect.gather [hbm4b:s3+s10], $0x80, s22, s10, $0xb8;
	[tilespmem:$0x1E400] =	vst v63  }
0xc3: {  	_ =	swait.ge [sflag:s12], $0x4000  }
0xc4: {  	s23 =	simm.s32 $0x2700;
	[sflag:s12] =	ssyncset.done $0x0  }
0xc5: {  	s14 =	simm.s32 $0x2800;
	s13 =	simm.s32 $0x2;
	[sflag:s12] =	ssyncadd.s32 $0xFFFFC000  }
0xc6: {  	[spmem:s2] =	stream.indirect.scatter.add.f32 [tilespmem:s14], [sflag:$0x2], $0x80, s23, s10, $0xb8;
	[tilespmem:$0x1E400] =	vst v63  }
0xc7: {  	_ =	swait.ge [sflag:s13], $0x4000  }
0xc8: {  	[sflag:s13] =	ssyncset.done $0x0  }
0xc9: {  	[sflag:s13] =	ssyncadd.s32 $0xFFFFC000  }
0xca: {  	[tilespmem:s14], [sflag:$0x1] =	stream.indirect.gather [hbm4b:s3+s10], $0x80, s22, s10, $0xb8;
	[tilespmem:$0x1E400] =	vst v63  }
0xcb: {  	_ =	swait.ge [sflag:s12], $0x4000  }
0xcc: {  	[sflag:s12] =	ssyncset.done $0x0  }
0xcd: {  	s24 =	simm.s32 $0x2780;
	[sflag:s12] =	ssyncadd.s32 $0xFFFFC000  }
0xce: {  	[spmem:s2] =	stream.indirect.scatter.add.f32 [tilespmem:s11], [sflag:$0x2], $0x80, s24, s10, $0xb8;
	[tilespmem:$0x1E400] =	vst v63  }
0xcf: {  	_ =	swait.ge [sflag:s13], $0x4000  }
0xd0: {  	[sflag:s13] =	ssyncset.done $0x0  }
0xd1: {  	[sflag:s13] =	ssyncadd.s32 $0xFFFFC000  }
0xd2: {  	_ =	swait.ge [sflag:s12], $0x4000  }
0xd3: {  	[sflag:s12] =	ssyncset.done $0x0  }
0xd4: {  	s25 =	simm.s32 $0x0;
	[sflag:s12] =	ssyncadd.s32 $0xFFFFC000  }
0xd5: {  	[tilespmem:s25], [sflag:$0x2] =	stream.linear.gather [hbm4b:s9+s25], $0x1400, $0x38;
	[tilespmem:$0x1E400] =	vst v63  }
0xd6: {  	_ =	swait.ge [sflag:s13], $0x1400  }
0xd7: {  	[sflag:s13] =	ssyncset.done $0x0  }
0xd8: {  	s26 =	simm.s32 $0x1400;
	[sflag:s13] =	ssyncadd.s32 $0xFFFFEC00  }
0xd9: {  	[tilespmem:s26], [sflag:$0x2] =	stream.linear.gather [hbm4b:s8+s25], $0x1400, $0x38;
	[tilespmem:$0x1E400] =	vst v63  }
0xda: {  	_ =	swait.ge [sflag:s13], $0x1400  }
0xdb: {  	[sflag:s13] =	ssyncset.done $0x0  }
0xdc: {  	[sflag:s13] =	ssyncadd.s32 $0xFFFFEC00  }
0xdd: {  	[tilespmem:s14], [sflag:$0x1] =	stream.indirect.gather [hbm4b:s3+s10], $0x80, s25, s10, $0xb8;
	[tilespmem:$0x1E400] =	vst v63  }
0xde: {  	s28 =	simm.s32 $0x80  }
0xdf: {  	[tilespmem:s11], [sflag:$0x1] =	stream.indirect.gather [hbm4b:s3+s10], $0x80, s28, s10, $0xb8;
	[tilespmem:$0x1E400] =	vst v63  }
0xe0: {  	_ =	swait.ge [sflag:s12], $0x4000  }
0xe1: {  	[sflag:s12] =	ssyncset.done $0x0  }
0xe2: {  	s29 =	simm.s32 $0x1400;
	[sflag:s12] =	ssyncadd.s32 $0xFFFFC000  }
0xe3: {  	[spmem:s2] =	stream.indirect.scatter.add.f32 [tilespmem:s14], [sflag:$0x2], $0x80, s29, s10, $0xb8;
	[tilespmem:$0x1E400] =	vst v63  }
0xe4: {  	_ =	swait.ge [sflag:s13], $0x4000  }
0xe5: {  	[sflag:s13] =	ssyncset.done $0x0  }
0xe6: {  	s30 =	simm.s32 $0x100;
	[sflag:s13] =	ssyncadd.s32 $0xFFFFC000  }
0xe7: {  	[tilespmem:s14], [sflag:$0x1] =	stream.indirect.gather [hbm4b:s3+s10], $0x80, s30, s10, $0xb8;
	[tilespmem:$0x1E400] =	vst v63  }
0xe8: {  	_ =	swait.ge [sflag:s12], $0x4000  }
0xe9: {  	[sflag:s12] =	ssyncset.done $0x0  }
0xea: {  	s31 =	simm.s32 $0x1480;
	[sflag:s12] =	ssyncadd.s32 $0xFFFFC000  }
0xeb: {  	[spmem:s2] =	stream.indirect.scatter.add.f32 [tilespmem:s11], [sflag:$0x2], $0x80, s31, s10, $0xb8;
	[tilespmem:$0x1E400] =	vst v63  }
0xec: {  	_ =	swait.ge [sflag:s13], $0x4000  }
0xed: {  	s9 =	simm.s32 $0x800;
	s8 =	simm.s32 $0x100;
	[sflag:s13] =	ssyncset.done $0x0  }
.LBB2_8:
0xee: {  	s15 =	sadd.s32 $0x80, s8  }
0xef: {  	[sflag:s13] =	ssyncadd.s32 $0xFFFFC000;
	s16 =	smov.u32 s9;
	s17 =	sadd.s32 $0x400, s9  }
0xf0: {  	[tilespmem:s11], [sflag:$0x1] =	stream.indirect.gather [hbm4b:s3+s10], $0x80, s15, s10, $0xb8;
	[tilespmem:$0x1E400] =	vst v63  }
0xf1: {  	p0 =	sne.s32 s9, $0x4800;
	_ =	swait.ge [sflag:s12], $0x4000  }
0xf2: {  	[sflag:s12] =	ssyncset.done $0x0  }
0xf3: {  	s9 =	sadd.s32 $0x1400, s8;
	[sflag:s12] =	ssyncadd.s32 $0xFFFFC000  }
0xf4: {  	[spmem:s2] =	stream.indirect.scatter.add.f32 [tilespmem:s14], [sflag:$0x2], $0x80, s9, s10, $0xb8;
	[tilespmem:$0x1E400] =	vst v63  }
0xf5: {  	_ =	swait.ge [sflag:s13], $0x4000  }
0xf6: {  	[sflag:s13] =	ssyncset.done $0x0  }
0xf7: {  	s9 =	sadd.s32 $0x100, s8;
	[sflag:s13] =	ssyncadd.s32 $0xFFFFC000  }
0xf8: {  	[tilespmem:s14], [sflag:$0x1] =	stream.indirect.gather [hbm4b:s3+s10], $0x80, s9, s10, $0xb8;
	[tilespmem:$0x1E400] =	vst v63  }
0xf9: {  	_ =	swait.ge [sflag:s12], $0x4000  }
.Ltmp4:
0xfa: {  	[sflag:s12] =	ssyncset.done $0x0;
	(pc) =	sbr.rel @p0 .LBB2_8-.Ltmp4, $4  }
0xfb: {  	s8 =	sadd.s32 $0x1480, s8;
	[sflag:s12] =	ssyncadd.s32 $0xFFFFC000  }
0xfc: {  	[spmem:s2] =	stream.indirect.scatter.add.f32 [tilespmem:s11], [sflag:$0x2], $0x80, s8, s10, $0xb8;
	[tilespmem:$0x1E400] =	vst v63  }
0xfd: {  	_ =	swait.ge [sflag:s13], $0x4000  }
0xfe: {  	s9 =	smov.u32 s17;
	s8 =	sshra.s32 s16, $0x2;
	[sflag:s13] =	ssyncset.done $0x0  }
0xff: {  	s9 =	sadd.s32 $0x80, s8;
	[sflag:s13] =	ssyncadd.s32 $0xFFFFC000  }
0x100: {  	[tilespmem:s11], [sflag:$0x1] =	stream.indirect.gather [hbm4b:s3+s10], $0x80, s9, s10, $0xb8;
	[tilespmem:$0x1E400] =	vst v63  }
0x101: {  	_ =	swait.ge [sflag:s12], $0x4000  }
0x102: {  	[sflag:s12] =	ssyncset.done $0x0  }
0x103: {  	s19 =	sadd.s32 $0x1400, s8;
	[sflag:s12] =	ssyncadd.s32 $0xFFFFC000  }
0x104: {  	[spmem:s2] =	stream.indirect.scatter.add.f32 [tilespmem:s14], [sflag:$0x2], $0x80, s19, s10, $0xb8;
	[tilespmem:$0x1E400] =	vst v63  }
0x105: {  	_ =	swait.ge [sflag:s13], $0x4000  }
0x106: {  	[sflag:s13] =	ssyncset.done $0x0  }
0x107: {  	s20 =	sadd.s32 $0x100, s8;
	[sflag:s13] =	ssyncadd.s32 $0xFFFFC000  }
0x108: {  	[tilespmem:s14], [sflag:$0x1] =	stream.indirect.gather [hbm4b:s3+s10], $0x80, s20, s10, $0xb8;
	[tilespmem:$0x1E400] =	vst v63  }
0x109: {  	_ =	swait.ge [sflag:s12], $0x4000  }
0x10a: {  	[sflag:s12] =	ssyncset.done $0x0  }
0x10b: {  	s21 =	sadd.s32 $0x1480, s8;
	[sflag:s12] =	ssyncadd.s32 $0xFFFFC000  }
0x10c: {  	[spmem:s2] =	stream.indirect.scatter.add.f32 [tilespmem:s11], [sflag:$0x2], $0x80, s21, s10, $0xb8;
	[tilespmem:$0x1E400] =	vst v63  }
0x10d: {  	_ =	swait.ge [sflag:s13], $0x4000  }
0x10e: {  	s8 =	simm.s32 $0x80;
	s22 =	simm.s32 $0x1380;
	[sflag:s13] =	ssyncset.done $0x0  }
0x10f: {  	s9 =	simm.s32 $0x6800;
	s10 =	simm.s32 $0x1;
	[sflag:s13] =	ssyncadd.s32 $0xFFFFC000  }
0x110: {  	[tilespmem:s9], [sflag:$0x1] =	stream.indirect.gather [hbm4b:s3+s8], $0x80, s22, s8, $0xb8;
	[tilespmem:$0x1E400] =	vst v63  }
0x111: {  	_ =	swait.ge [sflag:s10], $0x4000  }
0x112: {  	s23 =	simm.s32 $0x2700;
	[sflag:s10] =	ssyncset.done $0x0  }
0x113: {  	s12 =	simm.s32 $0x2800;
	s11 =	simm.s32 $0x2;
	[sflag:s10] =	ssyncadd.s32 $0xFFFFC000  }
0x114: {  	[spmem:s2] =	stream.indirect.scatter.add.f32 [tilespmem:s12], [sflag:$0x2], $0x80, s23, s8, $0xb8;
	[tilespmem:$0x1E400] =	vst v63  }
0x115: {  	_ =	swait.ge [sflag:s11], $0x4000  }
0x116: {  	[sflag:s11] =	ssyncset.done $0x0  }
0x117: {  	[sflag:s11] =	ssyncadd.s32 $0xFFFFC000  }
0x118: {  	[tilespmem:s12], [sflag:$0x1] =	stream.indirect.gather [hbm4b:s3+s8], $0x80, s22, s8, $0xb8;
	[tilespmem:$0x1E400] =	vst v63  }
0x119: {  	_ =	swait.ge [sflag:s10], $0x4000  }
0x11a: {  	[sflag:s10] =	ssyncset.done $0x0  }
0x11b: {  	s24 =	simm.s32 $0x2780;
	[sflag:s10] =	ssyncadd.s32 $0xFFFFC000  }
0x11c: {  	[spmem:s2] =	stream.indirect.scatter.add.f32 [tilespmem:s9], [sflag:$0x2], $0x80, s24, s8, $0xb8;
	[tilespmem:$0x1E400] =	vst v63  }
0x11d: {  	_ =	swait.ge [sflag:s11], $0x4000  }
0x11e: {  	[sflag:s11] =	ssyncset.done $0x0  }
0x11f: {  	[sflag:s11] =	ssyncadd.s32 $0xFFFFC000  }
0x120: {  	_ =	swait.ge [sflag:s10], $0x4000  }
0x121: {  	[sflag:s10] =	ssyncset.done $0x0  }
0x122: {  	s25 =	simm.s32 $0x0;
	[sflag:s10] =	ssyncadd.s32 $0xFFFFC000  }
0x123: {  	[tilespmem:s25], [sflag:$0x2] =	stream.linear.gather [hbm4b:s7+s25], $0x1400, $0x38;
	[tilespmem:$0x1E400] =	vst v63  }
0x124: {  	_ =	swait.ge [sflag:s11], $0x1400  }
0x125: {  	[sflag:s11] =	ssyncset.done $0x0  }
0x126: {  	s26 =	simm.s32 $0x1400;
	[sflag:s11] =	ssyncadd.s32 $0xFFFFEC00  }
0x127: {  	[tilespmem:s26], [sflag:$0x2] =	stream.linear.gather [hbm4b:s6+s25], $0x1400, $0x38;
	[tilespmem:$0x1E400] =	vst v63  }
0x128: {  	_ =	swait.ge [sflag:s11], $0x1400  }
0x129: {  	[sflag:s11] =	ssyncset.done $0x0  }
0x12a: {  	[sflag:s11] =	ssyncadd.s32 $0xFFFFEC00  }
0x12b: {  	[tilespmem:s12], [sflag:$0x1] =	stream.indirect.gather [hbm4b:s3+s8], $0x80, s25, s8, $0xb8;
	[tilespmem:$0x1E400] =	vst v63  }
0x12c: {  	s28 =	simm.s32 $0x80  }
0x12d: {  	[tilespmem:s9], [sflag:$0x1] =	stream.indirect.gather [hbm4b:s3+s8], $0x80, s28, s8, $0xb8;
	[tilespmem:$0x1E400] =	vst v63  }
0x12e: {  	_ =	swait.ge [sflag:s10], $0x4000  }
0x12f: {  	[sflag:s10] =	ssyncset.done $0x0  }
0x130: {  	s29 =	simm.s32 $0x1400;
	[sflag:s10] =	ssyncadd.s32 $0xFFFFC000  }
0x131: {  	[spmem:s2] =	stream.indirect.scatter.add.f32 [tilespmem:s12], [sflag:$0x2], $0x80, s29, s8, $0xb8;
	[tilespmem:$0x1E400] =	vst v63  }
0x132: {  	_ =	swait.ge [sflag:s11], $0x4000  }
0x133: {  	[sflag:s11] =	ssyncset.done $0x0  }
0x134: {  	s30 =	simm.s32 $0x100;
	[sflag:s11] =	ssyncadd.s32 $0xFFFFC000  }
0x135: {  	[tilespmem:s12], [sflag:$0x1] =	stream.indirect.gather [hbm4b:s3+s8], $0x80, s30, s8, $0xb8;
	[tilespmem:$0x1E400] =	vst v63  }
0x136: {  	_ =	swait.ge [sflag:s10], $0x4000  }
0x137: {  	[sflag:s10] =	ssyncset.done $0x0  }
0x138: {  	s31 =	simm.s32 $0x1480;
	[sflag:s10] =	ssyncadd.s32 $0xFFFFC000  }
0x139: {  	[spmem:s2] =	stream.indirect.scatter.add.f32 [tilespmem:s9], [sflag:$0x2], $0x80, s31, s8, $0xb8;
	[tilespmem:$0x1E400] =	vst v63  }
0x13a: {  	_ =	swait.ge [sflag:s11], $0x4000  }
0x13b: {  	s7 =	simm.s32 $0x800;
	s6 =	simm.s32 $0x100;
	[sflag:s11] =	ssyncset.done $0x0  }
.LBB2_10:
0x13c: {  	s13 =	sadd.s32 $0x80, s6  }
0x13d: {  	[sflag:s11] =	ssyncadd.s32 $0xFFFFC000;
	s14 =	smov.u32 s7;
	s15 =	sadd.s32 $0x400, s7  }
0x13e: {  	[tilespmem:s9], [sflag:$0x1] =	stream.indirect.gather [hbm4b:s3+s8], $0x80, s13, s8, $0xb8;
	[tilespmem:$0x1E400] =	vst v63  }
0x13f: {  	p0 =	sne.s32 s7, $0x4800;
	_ =	swait.ge [sflag:s10], $0x4000  }
0x140: {  	[sflag:s10] =	ssyncset.done $0x0  }
0x141: {  	s7 =	sadd.s32 $0x1400, s6;
	[sflag:s10] =	ssyncadd.s32 $0xFFFFC000  }
0x142: {  	[spmem:s2] =	stream.indirect.scatter.add.f32 [tilespmem:s12], [sflag:$0x2], $0x80, s7, s8, $0xb8;
	[tilespmem:$0x1E400] =	vst v63  }
0x143: {  	_ =	swait.ge [sflag:s11], $0x4000  }
0x144: {  	[sflag:s11] =	ssyncset.done $0x0  }
0x145: {  	s7 =	sadd.s32 $0x100, s6;
	[sflag:s11] =	ssyncadd.s32 $0xFFFFC000  }
0x146: {  	[tilespmem:s12], [sflag:$0x1] =	stream.indirect.gather [hbm4b:s3+s8], $0x80, s7, s8, $0xb8;
	[tilespmem:$0x1E400] =	vst v63  }
0x147: {  	_ =	swait.ge [sflag:s10], $0x4000  }
.Ltmp5:
0x148: {  	[sflag:s10] =	ssyncset.done $0x0;
	(pc) =	sbr.rel @p0 .LBB2_10-.Ltmp5, $4  }
0x149: {  	s6 =	sadd.s32 $0x1480, s6;
	[sflag:s10] =	ssyncadd.s32 $0xFFFFC000  }
0x14a: {  	[spmem:s2] =	stream.indirect.scatter.add.f32 [tilespmem:s9], [sflag:$0x2], $0x80, s6, s8, $0xb8;
	[tilespmem:$0x1E400] =	vst v63  }
0x14b: {  	_ =	swait.ge [sflag:s11], $0x4000  }
0x14c: {  	s7 =	smov.u32 s15;
	s6 =	sshra.s32 s14, $0x2;
	[sflag:s11] =	ssyncset.done $0x0  }
0x14d: {  	s7 =	sadd.s32 $0x80, s6;
	[sflag:s11] =	ssyncadd.s32 $0xFFFFC000  }
0x14e: {  	[tilespmem:s9], [sflag:$0x1] =	stream.indirect.gather [hbm4b:s3+s8], $0x80, s7, s8, $0xb8;
	[tilespmem:$0x1E400] =	vst v63  }
0x14f: {  	_ =	swait.ge [sflag:s10], $0x4000  }
0x150: {  	[sflag:s10] =	ssyncset.done $0x0  }
0x151: {  	s18 =	sadd.s32 $0x1400, s6;
	[sflag:s10] =	ssyncadd.s32 $0xFFFFC000  }
0x152: {  	[spmem:s2] =	stream.indirect.scatter.add.f32 [tilespmem:s12], [sflag:$0x2], $0x80, s18, s8, $0xb8;
	[tilespmem:$0x1E400] =	vst v63  }
0x153: {  	_ =	swait.ge [sflag:s11], $0x4000  }
0x154: {  	[sflag:s11] =	ssyncset.done $0x0  }
0x155: {  	s19 =	sadd.s32 $0x100, s6;
	[sflag:s11] =	ssyncadd.s32 $0xFFFFC000  }
0x156: {  	[tilespmem:s12], [sflag:$0x1] =	stream.indirect.gather [hbm4b:s3+s8], $0x80, s19, s8, $0xb8;
	[tilespmem:$0x1E400] =	vst v63  }
0x157: {  	_ =	swait.ge [sflag:s10], $0x4000  }
0x158: {  	[sflag:s10] =	ssyncset.done $0x0  }
0x159: {  	s20 =	sadd.s32 $0x1480, s6;
	[sflag:s10] =	ssyncadd.s32 $0xFFFFC000  }
0x15a: {  	[spmem:s2] =	stream.indirect.scatter.add.f32 [tilespmem:s9], [sflag:$0x2], $0x80, s20, s8, $0xb8;
	[tilespmem:$0x1E400] =	vst v63  }
0x15b: {  	_ =	swait.ge [sflag:s11], $0x4000  }
0x15c: {  	s21 =	simm.s32 $0x80;
	s22 =	simm.s32 $0x1380;
	[sflag:s11] =	ssyncset.done $0x0  }
0x15d: {  	s23 =	simm.s32 $0x6800;
	s24 =	simm.s32 $0x1;
	[sflag:s11] =	ssyncadd.s32 $0xFFFFC000  }
0x15e: {  	[tilespmem:s23], [sflag:$0x1] =	stream.indirect.gather [hbm4b:s3+s21], $0x80, s22, s21, $0xb8;
	[tilespmem:$0x1E400] =	vst v63  }
0x15f: {  	_ =	swait.ge [sflag:s24], $0x4000  }
0x160: {  	s25 =	simm.s32 $0x2700;
	[sflag:s24] =	ssyncset.done $0x0  }
0x161: {  	s26 =	simm.s32 $0x2800;
	s28 =	simm.s32 $0x2;
	[sflag:s24] =	ssyncadd.s32 $0xFFFFC000  }
0x162: {  	[spmem:s2] =	stream.indirect.scatter.add.f32 [tilespmem:s26], [sflag:$0x2], $0x80, s25, s21, $0xb8;
	[tilespmem:$0x1E400] =	vst v63  }
0x163: {  	_ =	swait.ge [sflag:s28], $0x4000  }
0x164: {  	[sflag:s28] =	ssyncset.done $0x0  }
0x165: {  	[sflag:s28] =	ssyncadd.s32 $0xFFFFC000  }
0x166: {  	[tilespmem:s26], [sflag:$0x1] =	stream.indirect.gather [hbm4b:s3+s21], $0x80, s22, s21, $0xb8;
	[tilespmem:$0x1E400] =	vst v63  }
0x167: {  	_ =	swait.ge [sflag:s24], $0x4000  }
0x168: {  	[sflag:s24] =	ssyncset.done $0x0  }
0x169: {  	s29 =	simm.s32 $0x2780;
	[sflag:s24] =	ssyncadd.s32 $0xFFFFC000  }
0x16a: {  	[spmem:s2] =	stream.indirect.scatter.add.f32 [tilespmem:s23], [sflag:$0x2], $0x80, s29, s21, $0xb8;
	[tilespmem:$0x1E400] =	vst v63  }
0x16b: {  	_ =	swait.ge [sflag:s28], $0x4000  }
0x16c: {  	[sflag:s28] =	ssyncset.done $0x0  }
0x16d: {  	[sflag:s28] =	ssyncadd.s32 $0xFFFFC000  }
0x16e: {  	_ =	swait.ge [sflag:s24], $0x4000  }
0x16f: {  	[sflag:s24] =	ssyncset.done $0x0  }
0x170: {  	s30 =	sshll.u32 s1, $0x6;
	[sflag:s24] =	ssyncadd.s32 $0xFFFFC000  }
0x171: {  	s31 =	sshrl.u32 s4, $0x3;
	s2 =	sor.u32 $0x1C02, s30;
	[bflag:$0x0] =	sbarrier.arrive $0xFFFF  }
0x172: {  	[hbm:s5], [sflag:s2] =	dma.local [spmem:s31], $0x2780  }
0x173: {  	_ =	swait.ge [sflag:s28], $0x2780  }
0x174: {  	[sflag:s28] =	ssyncset.done $0x0  }
0x175: {  	[sflag:s28] =	ssyncadd.s32 $0xFFFFD880  }
.LBB2_12:
0x176: {  	_ =	sfence.sel $0x180000  }
0x177: {  	[bflag:$0x0] =	sbarrier.arrive $0xFFFF  }
0x178: {  	p0 =	sne.s32 s1, $0x0;
	_ =	strace $0x9000004A  }
0x179: {  	s0 =	sadd.s32 @!p0 $0x100000, s0;
	[bflag:$0x2] =	sbarrier.arrive $0xFFFF  }
0x17a: {  	[sflag:s0] =	ssyncadd.tile.s32 @!p0 $0x1;
	_ =	shalt  }
.Lfunc_end2:
_tile_overlayer_lowered:
.L_overlay_start_2:
0x17b: {  	(tag) =	ssettag $0x2  }
0x17c: {  	s0 =	rddreg [dreg:$0x0];
	s2 =	stileid.u32  }
0x17d: {  	s1 =	rddreg [dreg:$0x1];
	p0 =	sne.s32 s2, $0x0  }
0x17e: {  	s3 =	rddreg [dreg:$0x2];
	[bflag:$0x3] =	sbarrier.arrive $0xFFFF;
	s2 =	simm.s32 @!p0 $0x1C02  }
0x17f: {  	[timem:s3], [sflag:s2] =	dma.local @!p0 [hbm:s0], s1  }
0x180: {  	s0 =	simm.s32 @!p0 $0x2  }
0x181: {  	_ =	swait.ge @!p0 [sflag:s0], s1  }
0x182: {  	s1 =	ssub.s32 @!p0 $0x0, s1;
	[sflag:s0] =	ssyncset.done @!p0 $0x0  }
0x183: {  	[sflag:s0] =	ssyncadd.s32 @!p0 s1  }
0x184: {  	[bflag:$0x3] =	sbarrier.arrive $0xFFFF  }
0x185: {  	_ =	shalt  }

// kernel: kernel.19.cloned.1.call-start
scs
__scs_entry_jumppad:
0x0: {  	(pc) =	sbr.rel $0x88, $3  }
0x1: {  	(tag) =	ssettag $0x0;
	lr =	simm.s32 $0x1  }
0x2: {  	[smem:$0x3F98] =	sst lr;
	_ =	strace $0xD0000000  }
0x3: {  	_ = 	snop  }
0x4: {  	_ = 	snop  }
0x5: {  	_ = 	snop  }
0x6: {  	_ = 	snop  }
0x7: {  	_ = 	snop  }
__scs_overlays_trampoline_lowered:
0x8: {  	[smem:$0x3FA7] =	sst s0  }
0x9: {  	[smem:$0x3FA8] =	sst s1  }
0xa: {  	[smem:$0x3FA9] =	sst s2  }
0xb: {  	[smem:$0x3FAA] =	sst s3  }
0xc: {  	[smem:$0x3FAB] =	sst s4  }
0xd: {  	[smem:$0x3FAC] =	sst s5  }
0xe: {  	[smem:$0x3FAD] =	sst s6  }
0xf: {  	[smem:$0x3FAE] =	sst s7  }
0x10: {  	[smem:$0x3FAF] =	sst s8  }
0x11: {  	[smem:$0x3FB0] =	sst s9;
	s0 =	simm.s32 @!p0 $0x0  }
0x12: {  	s1 =	sld [smem:$0x3F96];
	s0 =	simm.s32 @p0 $0x1  }
0x13: {  	[smem:$0x3FB1] =	sst s0;
	s0 =	simm.s32 @!p1 $0x0  }
0x14: {  	s2 =	sld [smem:$0x3F95];
	s0 =	simm.s32 @p1 $0x1  }
0x15: {  	[smem:$0x3FB2] =	sst s0;
	s0 =	simm.s32 @!p2 $0x0  }
0x16: {  	s3 =	sld [smem:$0x3FDB];
	s0 =	simm.s32 @p2 $0x1  }
0x17: {  	s4 =	simm.s32 $0x1BF5;
	[smem:$0x3FB4] =	sst s0  }
0x18: {  	s0 =	sld [smem:$0x3F97];
	_ =	swait.ge [sflag:s4], $0x0  }
0x19: {  	s7 =	sld [smem:$0x3F98]  }
0x1a: {  	s8 =	sadd.s32 $0xFFFFE003, lr  }
0x1b: {  	s9 =	sadd.s32 $0xFFFFFEF7, lr;
	s5 =	simm.s32 $0xFFFFFFFF;
	p2 =	slt.u32 s8, $0xFFFFF086  }
0x1c: {  	p1 =	slt.u32 s9, $0xF7A;
	s5 =	simm.s32 @!p2 $0x0  }
0x1d: {  	s5 =	simm.s32 @p1 $0x1;
	p0 =	seq.s32 s7, s2  }
0x1e: {  	s7 =	smul.u32 @!p0 $0xF7A, s2;
	p2 =	seq.s32 @!p0 s5, $0x0  }
0x1f: {  	s9 =	smul.u32 $0xF7A, s1;
	s8 =	simm.s32 @!p0 $0x1BF5;
	p2 =	por !p2, p0  }
0x20: {  	[sflag:s8] =	ssyncset.s32 @!p0 $0xFFFFF086;
	s6 =	sadd.s32 @!p0 s3, s7;
	s7 =	simm.s32 @!p0 $0x108  }
0x21: {  	s3 =	sadd.s32 s3, s9;
	s6 =	sadd.s32 @!p0 $0x88, s6;
	s7 =	simm.s32 @p2 $0x1082  }
0x22: {  	[simem:s7], [sflag:s8] =	dma.local @!p0 [hbm:s6], $0xF7A  }
0x23: {  	s9 =	sor.u32 $0xD0000000, s2;
	s6 =	simm.s32 $0x108;
	_ =	swait.ge @!p0 [sflag:s8], $0x0  }
0x24: {  	s3 =	sadd.s32 $0x88, s3;
	s6 =	simm.s32 @!p1 $0x1082;
	[sflag:s4] =	ssyncset.s32 $0xFFFFF086  }
0x25: {  	[simem:s6], [sflag:s4] =	dma.local [hbm:s3], $0xF7A  }
0x26: {  	[smem:$0x3F98] =	sst s1;
	(tag) =	ssettag s2;
	_ =	strace s9  }
0x27: {  	s1 =	sld [smem:$0x3FA8]  }
0x28: {  	s2 =	sld [smem:$0x3FA9]  }
0x29: {  	s4 =	sld [smem:$0x3FAB]  }
0x2a: {  	p0 =	seq.s32 s5, $0x0;
	s5 =	sld [smem:$0x3FAC]  }
0x2b: {  	s6 =	sld [smem:$0x3FAD]  }
0x2c: {  	s7 =	sld [smem:$0x3FAE]  }
0x2d: {  	s3 =	simm.s32 $0x108;
	s8 =	sld [smem:$0x3FAF]  }
0x2e: {  	s3 =	simm.s32 @!p0 $0x1082;
	s9 =	sld [smem:$0x3FB0]  }
0x2f: {  	lr =	sadd.s32 s0, s3;
	s0 =	sld [smem:$0x3FA7]  }
0x30: {  	s3 =	sld [smem:$0x3FAA]  }
0x31: {  	[smem:$0x3FB3] =	sst s10  }
0x32: {  	s10 =	sld [smem:$0x3FB1];
	_ =	sdelay $0x3  }
0x33: {  	p0 =	seq.s32 s10, $0x1;
	s10 =	sld [smem:$0x3FB3];
	_ =	sdelay $0x3  }
0x34: {  	[smem:$0x3FB3] =	sst s10  }
0x35: {  	s10 =	sld [smem:$0x3FB2];
	_ =	sdelay $0x3  }
0x36: {  	p1 =	seq.s32 s10, $0x1;
	s10 =	sld [smem:$0x3FB3];
	_ =	sdelay $0x3  }
0x37: {  	[smem:$0x3FB3] =	sst s10  }
0x38: {  	s10 =	sld [smem:$0x3FB4]  }
0x39: {  	_ = 	snop;
	(pc) =	sbr.ind lr, $3  }
0x3a: {  	_ = 	snop  }
0x3b: {  	_ = 	snop  }
0x3c: {  	p2 =	seq.s32 s10, $0x1;
	s10 =	sld [smem:$0x3FB3]  }
0x3d: {  	_ =	shalt  }
0x3e: {  	_ =	shalt  }
0x3f: {  	_ =	shalt  }
0x40: {  	_ =	shalt  }
0x41: {  	_ =	shalt  }
0x42: {  	_ =	shalt  }
0x43: {  	_ =	shalt  }
0x44: {  	_ =	shalt  }
0x45: {  	_ =	shalt  }
0x46: {  	_ =	shalt  }
0x47: {  	_ =	shalt  }
0x48: {  	_ =	shalt  }
0x49: {  	_ =	shalt  }
0x4a: {  	_ =	shalt  }
0x4b: {  	_ =	shalt  }
0x4c: {  	_ =	shalt  }
0x4d: {  	_ =	shalt  }
0x4e: {  	_ =	shalt  }
0x4f: {  	_ =	shalt  }
0x50: {  	_ =	shalt  }
0x51: {  	_ =	shalt  }
0x52: {  	_ =	shalt  }
0x53: {  	_ =	shalt  }
0x54: {  	_ =	shalt  }
0x55: {  	_ =	shalt  }
0x56: {  	_ =	shalt  }
0x57: {  	_ =	shalt  }
0x58: {  	_ =	shalt  }
0x59: {  	_ =	shalt  }
0x5a: {  	_ =	shalt  }
0x5b: {  	_ =	shalt  }
0x5c: {  	_ =	shalt  }
0x5d: {  	_ =	shalt  }
0x5e: {  	_ =	shalt  }
0x5f: {  	_ =	shalt  }
0x60: {  	_ =	shalt  }
0x61: {  	_ =	shalt  }
0x62: {  	_ =	shalt  }
0x63: {  	_ =	shalt  }
0x64: {  	_ =	shalt  }
0x65: {  	_ =	shalt  }
0x66: {  	_ =	shalt  }
0x67: {  	_ =	shalt  }
0x68: {  	_ =	shalt  }
0x69: {  	_ =	shalt  }
0x6a: {  	_ =	shalt  }
0x6b: {  	_ =	shalt  }
0x6c: {  	_ =	shalt  }
0x6d: {  	_ =	shalt  }
0x6e: {  	_ =	shalt  }
0x6f: {  	_ =	shalt  }
0x70: {  	_ =	shalt  }
0x71: {  	_ =	shalt  }
0x72: {  	_ =	shalt  }
0x73: {  	_ =	shalt  }
0x74: {  	_ =	shalt  }
0x75: {  	_ =	shalt  }
0x76: {  	_ =	shalt  }
0x77: {  	_ =	shalt  }
0x78: {  	_ =	shalt  }
0x79: {  	_ =	shalt  }
0x7a: {  	_ =	shalt  }
0x7b: {  	_ =	shalt  }
0x7c: {  	_ =	shalt  }
0x7d: {  	_ =	shalt  }
0x7e: {  	_ =	shalt  }
0x7f: {  	_ =	shalt  }
0x80: {  	_ =	shalt  }
0x81: {  	_ =	shalt  }
0x82: {  	_ =	shalt  }
0x83: {  	_ =	shalt  }
0x84: {  	_ =	shalt  }
0x85: {  	_ =	shalt  }
0x86: {  	_ =	shalt  }
0x87: {  	_ =	shalt  }
.Lfunc_end0:
.L_simem_size_0:
called_computation.2_lowered:
.L_overlay_start_0:
0x88: {  	s2 =	sld [smem:$0x3FD9]  }
0x89: {  	s3 =	sld [smem:$0x3FFE];
	_ =	sdelay $0x1  }
0x8a: {  	s1 =	srdreg.scid  }
0x8b: {  	s0 =	sand.u32 $0x1, s1  }
0x8c: {  	s17 =	sshll.u32 s0, $0xA;
	s2 =	sadd.s32 s3, s2  }
0x8d: {  	s2 =	sadd.s32 s2, s17  }
0x8e: {  	[smem:$0x3FBF] =	sst s2  }
0x8f: {  	_ = 	snop  }
0x90: {  	s2 =	sld [smem:$0x3FD0];
	(tm) =	ssettm $0x1  }
0x91: {  	s18 =	sld [smem:$0x3FFB];
	_ =	sdelay $0x3  }
0x92: {  	_ =	strace s18  }
0x93: {  	s3 =	sld [smem:$0x3FFC];
	_ =	sdelay $0x3  }
0x94: {  	_ =	strace s3  }
0x95: {  	s3 =	sld [smem:$0x3FFD];
	_ =	sdelay $0x3  }
0x96: {  	_ =	strace s3  }
0x97: {  	_ =	strace $0x8FFFFFFF  }
0x98: {  	s19 =	sld [smem:$0x3FDB];
	_ =	sdelay $0x1  }
0x99: {  	s4 =	simm.s32 $_scs_section_size  }
0x9a: {  	s5 =	simm.s32 $_size__tile_overlayer_lowered;
	s6 =	simm.s32 $_tile_overlayer_lowered  }
0x9b: {  	s22 =	simm.s32 $0x1BFF;
	s21 =	sshll.u32 s6, $0x1;
	s3 =	sadd.s32 s4, s19  }
0x9c: {  	s7 =	simm.s32 $0x0;
	s20 =	sshll.u32 s5, $0x1;
	s5 =	sadd.s32 s21, s3  }
0x9d: {  	[timem:s7], [sflag:s22] =	dma.local [hbm:s5], s20  }
0x9e: {  	_ =	swait.ge [sflag:s22], s20  }
0x9f: {  	s4 =	ssub.s32 $0x0, s20;
	[sflag:s22] =	ssyncset.done $0x0  }
0xa0: {  	[sflag:s22] =	ssyncadd.s32 s4;
	_ =	sdelay $0x1  }
0xa1: {  	s23 =	simm.s32 $0x1B8B  }
0xa2: {  	_ =	swait.ge [sflag:s23], $0x1  }
0xa3: {  	[sflag:s23] =	ssyncset.done $0x0  }
0xa4: {  	s25 =	simm.s32 $0x1B8E;
	s24 =	sld [smem:$0x3FFE];
	[sflag:s23] =	ssyncadd.s32 $0xFFFFFFFF  }
0xa5: {  	s26 =	simm.s32 $execute0_lowered;
	[smem:$0x3FD2] =	sst s25  }
0xa6: {  	s5 =	sshll.u32 s26, $0x1;
	_ =	strace $0x8000004C;
	[dreg:$0x1] =	wrdreg $0xFFFFFFFF  }
0xa7: {  	s28 =	simm.s32 $_size_execute0_lowered;
	s3 =	sadd.s32 s3, s5;
	[dreg:$0x0] =	wrdreg $0x0  }
0xa8: {  	s5 =	sshll.u32 s28, $0x1;
	[dreg:$0x2] =	wrdreg s3  }
0xa9: {  	[dreg:$0x3] =	wrdreg s5  }
0xaa: {  	[dreg:$0x4] =	wrdreg $0xC0  }
0xab: {  	_ =	task [dreg:s7], $0x5FFFF  }
0xac: {  	[dreg:$0x1] =	wrdreg $0xFFFFFFFF  }
0xad: {  	[dreg:$0x0] =	wrdreg $0x60  }
0xae: {  	[dreg:$0x2] =	wrdreg s2  }
0xaf: {  	[dreg:$0x3] =	wrdreg s24  }
0xb0: {  	[dreg:$0x4] =	wrdreg $0xA8000  }
0xb1: {  	[dreg:$0x5] =	wrdreg $0x9  }
0xb2: {  	_ =	task.clear_ibuf [dreg:s7], $0x6FFFF;
	_ =	strace $0x9000004C  }
0xb3: {  	s29 =	simm.s32 $0x9;
	_ =	strace $0x8000004E  }
0xb4: {  	_ =	swait.ge [sflag:s29], $0x1  }
0xb5: {  	[sflag:s29] =	ssyncadd.s32 $0xFFFFFFFF  }
0xb6: {  	_ =	strace $0x9000004E  }
0xb7: {  	_ =	sfence  }
0xb8: {  	s30 =	sld [smem:$0x0];
	_ =	sdelay $0x2  }
0xb9: {  	s31 =	sshll.u32 s1, $0xD;
	s1 =	sshrl.u32 s1, $0x2  }
0xba: {  	s3 =	sand.u32 $0x4000, s31;
	s1 =	sadd.s32 s1, s30  }
0xbb: {  	s0 =	sor.u32 s3, s0;
	s1 =	sshll.u32 s1, $0x11  }
0xbc: {  	s0 =	sor.u32 s1, s0  }
0xbd: {  	s0 =	sadd.s32 $0x8F2B, s0  }
0xbe: {  	[sflag:s0] =	ssyncadd.remote.s32 $0x1  }
0xbf: {  	_ =	sfence.sel $0xFFFF  }
0xc0: {  	[dreg:$0x0] =	wrdreg $0xFFFFFFFF;
	(pc) =	sbr.abs _section_cstart, $3  }
0xc1: {  	[dreg:$0x1] =	wrdreg $0xFFFFFFFF  }
0xc2: {  	_ =	task.clear_ibuf [dreg:s7], $0x2FFFF;
	_ =	strace $0x9FFFFFFF  }
0xc3: {  	(tm) =	ssettm $0x7FFFFFFF  }
tec
execute0_lowered:
.L_overlay_start_1:
0x0: {  	(tag) =	ssettag $0x1  }
0x1: {  	s1 =	srdreg.scid  }
0x2: {  	s1 =	sand.u32 $0x1, s1  }
0x3: {  	p0 =	seq.s32 s1, $0x1  }
.Ltmp0:
0x4: {  	s3 =	rddreg [dreg:$0x0];
	(pc) =	sbr.rel @p0 .LBB2_12-.Ltmp0, $4  }
0x5: {  	s5 =	rddreg [dreg:$0x1]  }
0x6: {  	s2 =	rddreg [dreg:$0x2];
	s4 =	simm.s32 $0x0  }
0x7: {  	[smem:$0x7FF] =	sst s4  }
0x8: {  	s0 =	rddreg [dreg:$0x3];
	_ =	strace $0x8000004D;
	s1 =	stileid.u32  }
0x9: {  	s4 =	smul.u32 $0x4F000, s1  }
0xa: {  	s6 =	smul.u32 $0x2780, s1  }
0xb: {  	s8 =	smul.u32 $0x5000, s1  }
0xc: {  	s7 =	sadd.s32 $0x5CE00, s5;
	s12 =	sadd.s32 $0x3E00, s5;
	s4 =	sshrl.u32 s4, $0x2  }
0xd: {  	s30 =	sadd.s32 s6, s5;
	s31 =	sshrl.u32 s8, $0x3;
	s4 =	sadd.s32 s4, s2  }
0xe: {  	s15 =	sadd.s32 s7, s31;
	s8 =	sadd.s32 $0x280, s31;
	s14 =	sadd.s32 s12, s31  }
0xf: {  	s13 =	sadd.s32 $0x500, s31;
	s6 =	sadd.s32 $0x780, s31;
	s5 =	sadd.s32 $0xDE00, s30  }
0x10: {  	s19 =	sadd.s32 $0x4000, s4;
	s18 =	sadd.s32 $0x8000, s4;
	s17 =	sadd.s32 $0xC000, s4  }
0x11: {  	s16 =	sadd.s32 $0x10000, s4;
	s11 =	sadd.s32 s7, s8;
	s10 =	sadd.s32 s12, s8  }
0x12: {  	s9 =	sadd.s32 s7, s13;
	s8 =	sadd.s32 s12, s13;
	s7 =	sadd.s32 s7, s6  }
0x13: {  	v0 =	vimm.f32 $0.0e+00;
	s6 =	sadd.s32 s12, s6;
	s12 =	simm.s32 $0x0;
	s13 =	simm.s32 $0x200  }
.LBB2_2:
0x14: {  	p0 =	sne.s32 s13, $0xFE00;
	[tilespmem:s12+$0x2870] =	vst v0  }
0x15: {  	[tilespmem:s12+$0x2800] =	vst v0  }
0x16: {  	[tilespmem:s12+$0x2810] =	vst v0  }
.Ltmp1:
0x17: {  	[tilespmem:s12+$0x2820] =	vst v0;
	(pc) =	sbr.rel @p0 .LBB2_2-.Ltmp1, $4  }
0x18: {  	[tilespmem:s12+$0x2830] =	vst v0  }
0x19: {  	[tilespmem:s12+$0x2840] =	vst v0  }
0x1a: {  	[tilespmem:s12+$0x2850] =	vst v0  }
0x1b: {  	[tilespmem:s12+$0x2860] =	vst v0;
	s12 =	sshra.s32 s13, $0x2;
	s13 =	sadd.s32 $0x200, s13  }
0x1c: {  	[tilespmem:s12+$0x2870] =	vst v0  }
0x1d: {  	[tilespmem:s12+$0x2800] =	vst v0  }
0x1e: {  	[tilespmem:s12+$0x2810] =	vst v0  }
0x1f: {  	[tilespmem:s12+$0x2820] =	vst v0  }
0x20: {  	[tilespmem:s12+$0x2830] =	vst v0  }
0x21: {  	[tilespmem:s12+$0x2840] =	vst v0  }
0x22: {  	[tilespmem:s12+$0x2850] =	vst v0  }
0x23: {  	[tilespmem:s12+$0x2860] =	vst v0;
	s13 =	simm.s32 $0x2800;
	s12 =	simm.s32 $0x2  }
0x24: {  	[spmem:s4] =	stream.linear.scatter [tilespmem:s13], [sflag:$0x2], $0x4000, $0x38;
	[tilespmem:$0x1E400] =	vst v63  }
0x25: {  	_ =	swait.ge [sflag:s12], $0x4000  }
0x26: {  	[sflag:s12] =	ssyncset.done $0x0  }
0x27: {  	[sflag:s12] =	ssyncadd.s32 $0xFFFFC000  }
0x28: {  	[spmem:s19] =	stream.linear.scatter [tilespmem:s13], [sflag:$0x2], $0x4000, $0x38;
	[tilespmem:$0x1E400] =	vst v63  }
0x29: {  	_ =	swait.ge [sflag:s12], $0x4000  }
0x2a: {  	[sflag:s12] =	ssyncset.done $0x0  }
0x2b: {  	[sflag:s12] =	ssyncadd.s32 $0xFFFFC000  }
0x2c: {  	[spmem:s18] =	stream.linear.scatter [tilespmem:s13], [sflag:$0x2], $0x4000, $0x38;
	[tilespmem:$0x1E400] =	vst v63  }
0x2d: {  	_ =	swait.ge [sflag:s12], $0x4000  }
0x2e: {  	[sflag:s12] =	ssyncset.done $0x0  }
0x2f: {  	[sflag:s12] =	ssyncadd.s32 $0xFFFFC000  }
0x30: {  	[spmem:s17] =	stream.linear.scatter [tilespmem:s13], [sflag:$0x2], $0x4000, $0x38;
	[tilespmem:$0x1E400] =	vst v63  }
0x31: {  	_ =	swait.ge [sflag:s12], $0x4000  }
0x32: {  	[sflag:s12] =	ssyncset.done $0x0  }
0x33: {  	[sflag:s12] =	ssyncadd.s32 $0xFFFFC000  }
0x34: {  	[spmem:s16] =	stream.linear.scatter [tilespmem:s13], [sflag:$0x2], $0x3C00, $0x38;
	[tilespmem:$0x1E400] =	vst v63  }
0x35: {  	_ =	swait.ge [sflag:s12], $0x3C00  }
0x36: {  	[sflag:s12] =	ssyncset.done $0x0  }
0x37: {  	[sflag:s12] =	ssyncadd.s32 $0xFFFFC400  }
0x38: {  	s25 =	simm.s32 $0x0;
	[bflag:$0x0] =	sbarrier.arrive $0xFFFF  }
0x39: {  	[tilespmem:s25], [sflag:$0x2] =	stream.linear.gather [hbm4b:s15+s25], $0x1400, $0x38;
	[tilespmem:$0x1E400] =	vst v63  }
0x3a: {  	_ =	swait.ge [sflag:s12], $0x1400  }
0x3b: {  	[sflag:s12] =	ssyncset.done $0x0  }
0x3c: {  	s26 =	simm.s32 $0x1400;
	[sflag:s12] =	ssyncadd.s32 $0xFFFFEC00  }
0x3d: {  	[tilespmem:s26], [sflag:$0x2] =	stream.linear.gather [hbm4b:s14+s25], $0x1400, $0x38;
	[tilespmem:$0x1E400] =	vst v63  }
0x3e: {  	_ =	swait.ge [sflag:s12], $0x1400  }
0x3f: {  	[sflag:s12] =	ssyncset.done $0x0  }
0x40: {  	s14 =	simm.s32 $0x80;
	[sflag:s12] =	ssyncadd.s32 $0xFFFFEC00  }
0x41: {  	[tilespmem:s13], [sflag:$0x1] =	stream.indirect.gather [hbm4b:s3+s14], $0x80, s25, s14, $0xb8;
	[tilespmem:$0x1E400] =	vst v63  }
0x42: {  	s28 =	simm.s32 $0x80;
	s16 =	simm.s32 $0x1;
	s15 =	simm.s32 $0x6800  }
0x43: {  	[tilespmem:s15], [sflag:$0x1] =	stream.indirect.gather [hbm4b:s3+s14], $0x80, s28, s14, $0xb8;
	[tilespmem:$0x1E400] =	vst v63  }
0x44: {  	_ =	swait.ge [sflag:s16], $0x4000  }
0x45: {  	[sflag:s16] =	ssyncset.done $0x0  }
0x46: {  	s29 =	simm.s32 $0x1400;
	[sflag:s16] =	ssyncadd.s32 $0xFFFFC000  }
0x47: {  	[spmem:s2] =	stream.indirect.scatter.add.f32 [tilespmem:s13], [sflag:$0x2], $0x80, s29, s14, $0xb8;
	[tilespmem:$0x1E400] =	vst v63  }
0x48: {  	_ =	swait.ge [sflag:s12], $0x4000  }
0x49: {  	[sflag:s12] =	ssyncset.done $0x0  }
0x4a: {  	s30 =	simm.s32 $0x100;
	[sflag:s12] =	ssyncadd.s32 $0xFFFFC000  }
0x4b: {  	[tilespmem:s13], [sflag:$0x1] =	stream.indirect.gather [hbm4b:s3+s14], $0x80, s30, s14, $0xb8;
	[tilespmem:$0x1E400] =	vst v63  }
0x4c: {  	_ =	swait.ge [sflag:s16], $0x4000  }
0x4d: {  	[sflag:s16] =	ssyncset.done $0x0  }
0x4e: {  	s31 =	simm.s32 $0x1480;
	[sflag:s16] =	ssyncadd.s32 $0xFFFFC000  }
0x4f: {  	[spmem:s2] =	stream.indirect.scatter.add.f32 [tilespmem:s15], [sflag:$0x2], $0x80, s31, s14, $0xb8;
	[tilespmem:$0x1E400] =	vst v63  }
0x50: {  	_ =	swait.ge [sflag:s12], $0x4000  }
0x51: {  	s18 =	simm.s32 $0x800;
	s17 =	simm.s32 $0x100;
	[sflag:s12] =	ssyncset.done $0x0  }
.LBB2_4:
0x52: {  	s19 =	sadd.s32 $0x80, s17  }
0x53: {  	[sflag:s12] =	ssyncadd.s32 $0xFFFFC000;
	s20 =	smov.u32 s18;
	s21 =	sadd.s32 $0x400, s18  }
0x54: {  	[tilespmem:s15], [sflag:$0x1] =	stream.indirect.gather [hbm4b:s3+s14], $0x80, s19, s14, $0xb8;
	[tilespmem:$0x1E400] =	vst v63  }
0x55: {  	p0 =	sne.s32 s18, $0x4800;
	_ =	swait.ge [sflag:s16], $0x4000  }
0x56: {  	[sflag:s16] =	ssyncset.done $0x0  }
0x57: {  	s18 =	sadd.s32 $0x1400, s17;
	[sflag:s16] =	ssyncadd.s32 $0xFFFFC000  }
0x58: {  	[spmem:s2] =	stream.indirect.scatter.add.f32 [tilespmem:s13], [sflag:$0x2], $0x80, s18, s14, $0xb8;
	[tilespmem:$0x1E400] =	vst v63  }
0x59: {  	_ =	swait.ge [sflag:s12], $0x4000  }
0x5a: {  	[sflag:s12] =	ssyncset.done $0x0  }
0x5b: {  	s18 =	sadd.s32 $0x100, s17;
	[sflag:s12] =	ssyncadd.s32 $0xFFFFC000  }
0x5c: {  	[tilespmem:s13], [sflag:$0x1] =	stream.indirect.gather [hbm4b:s3+s14], $0x80, s18, s14, $0xb8;
	[tilespmem:$0x1E400] =	vst v63  }
0x5d: {  	_ =	swait.ge [sflag:s16], $0x4000  }
.Ltmp2:
0x5e: {  	[sflag:s16] =	ssyncset.done $0x0;
	(pc) =	sbr.rel @p0 .LBB2_4-.Ltmp2, $4  }
0x5f: {  	s17 =	sadd.s32 $0x1480, s17;
	[sflag:s16] =	ssyncadd.s32 $0xFFFFC000  }
0x60: {  	[spmem:s2] =	stream.indirect.scatter.add.f32 [tilespmem:s15], [sflag:$0x2], $0x80, s17, s14, $0xb8;
	[tilespmem:$0x1E400] =	vst v63  }
0x61: {  	_ =	swait.ge [sflag:s12], $0x4000  }
0x62: {  	s18 =	smov.u32 s21;
	s17 =	sshra.s32 s20, $0x2;
	[sflag:s12] =	ssyncset.done $0x0  }
0x63: {  	s18 =	sadd.s32 $0x80, s17;
	[sflag:s12] =	ssyncadd.s32 $0xFFFFC000  }
0x64: {  	[tilespmem:s15], [sflag:$0x1] =	stream.indirect.gather [hbm4b:s3+s14], $0x80, s18, s14, $0xb8;
	[tilespmem:$0x1E400] =	vst v63  }
0x65: {  	_ =	swait.ge [sflag:s16], $0x4000  }
0x66: {  	[sflag:s16] =	ssyncset.done $0x0  }
0x67: {  	s19 =	sadd.s32 $0x1400, s17;
	[sflag:s16] =	ssyncadd.s32 $0xFFFFC000  }
0x68: {  	[spmem:s2] =	stream.indirect.scatter.add.f32 [tilespmem:s13], [sflag:$0x2], $0x80, s19, s14, $0xb8;
	[tilespmem:$0x1E400] =	vst v63  }
0x69: {  	_ =	swait.ge [sflag:s12], $0x4000  }
0x6a: {  	[sflag:s12] =	ssyncset.done $0x0  }
0x6b: {  	s20 =	sadd.s32 $0x100, s17;
	[sflag:s12] =	ssyncadd.s32 $0xFFFFC000  }
0x6c: {  	[tilespmem:s13], [sflag:$0x1] =	stream.indirect.gather [hbm4b:s3+s14], $0x80, s20, s14, $0xb8;
	[tilespmem:$0x1E400] =	vst v63  }
0x6d: {  	_ =	swait.ge [sflag:s16], $0x4000  }
0x6e: {  	[sflag:s16] =	ssyncset.done $0x0  }
0x6f: {  	s21 =	sadd.s32 $0x1480, s17;
	[sflag:s16] =	ssyncadd.s32 $0xFFFFC000  }
0x70: {  	[spmem:s2] =	stream.indirect.scatter.add.f32 [tilespmem:s15], [sflag:$0x2], $0x80, s21, s14, $0xb8;
	[tilespmem:$0x1E400] =	vst v63  }
0x71: {  	_ =	swait.ge [sflag:s12], $0x4000  }
0x72: {  	s22 =	simm.s32 $0x1380;
	s13 =	simm.s32 $0x6800;
	[sflag:s12] =	ssyncset.done $0x0  }
0x73: {  	s14 =	simm.s32 $0x1;
	[sflag:s12] =	ssyncadd.s32 $0xFFFFC000;
	s12 =	simm.s32 $0x80  }
0x74: {  	[tilespmem:s13], [sflag:$0x1] =	stream.indirect.gather [hbm4b:s3+s12], $0x80, s22, s12, $0xb8;
	[tilespmem:$0x1E400] =	vst v63  }
0x75: {  	_ =	swait.ge [sflag:s14], $0x4000  }
0x76: {  	s23 =	simm.s32 $0x2700;
	[sflag:s14] =	ssyncset.done $0x0  }
0x77: {  	s16 =	simm.s32 $0x2800;
	s15 =	simm.s32 $0x2;
	[sflag:s14] =	ssyncadd.s32 $0xFFFFC000  }
0x78: {  	[spmem:s2] =	stream.indirect.scatter.add.f32 [tilespmem:s16], [sflag:$0x2], $0x80, s23, s12, $0xb8;
	[tilespmem:$0x1E400] =	vst v63  }
0x79: {  	_ =	swait.ge [sflag:s15], $0x4000  }
0x7a: {  	[sflag:s15] =	ssyncset.done $0x0  }
0x7b: {  	[sflag:s15] =	ssyncadd.s32 $0xFFFFC000  }
0x7c: {  	[tilespmem:s16], [sflag:$0x1] =	stream.indirect.gather [hbm4b:s3+s12], $0x80, s22, s12, $0xb8;
	[tilespmem:$0x1E400] =	vst v63  }
0x7d: {  	_ =	swait.ge [sflag:s14], $0x4000  }
0x7e: {  	[sflag:s14] =	ssyncset.done $0x0  }
0x7f: {  	s24 =	simm.s32 $0x2780;
	[sflag:s14] =	ssyncadd.s32 $0xFFFFC000  }
0x80: {  	[spmem:s2] =	stream.indirect.scatter.add.f32 [tilespmem:s13], [sflag:$0x2], $0x80, s24, s12, $0xb8;
	[tilespmem:$0x1E400] =	vst v63  }
0x81: {  	_ =	swait.ge [sflag:s15], $0x4000  }
0x82: {  	[sflag:s15] =	ssyncset.done $0x0  }
0x83: {  	[sflag:s15] =	ssyncadd.s32 $0xFFFFC000  }
0x84: {  	_ =	swait.ge [sflag:s14], $0x4000  }
0x85: {  	[sflag:s14] =	ssyncset.done $0x0  }
0x86: {  	s25 =	simm.s32 $0x0;
	[sflag:s14] =	ssyncadd.s32 $0xFFFFC000  }
0x87: {  	[tilespmem:s25], [sflag:$0x2] =	stream.linear.gather [hbm4b:s11+s25], $0x1400, $0x38;
	[tilespmem:$0x1E400] =	vst v63  }
0x88: {  	_ =	swait.ge [sflag:s15], $0x1400  }
0x89: {  	[sflag:s15] =	ssyncset.done $0x0  }
0x8a: {  	s26 =	simm.s32 $0x1400;
	[sflag:s15] =	ssyncadd.s32 $0xFFFFEC00  }
0x8b: {  	[tilespmem:s26], [sflag:$0x2] =	stream.linear.gather [hbm4b:s10+s25], $0x1400, $0x38;
	[tilespmem:$0x1E400] =	vst v63  }
0x8c: {  	_ =	swait.ge [sflag:s15], $0x1400  }
0x8d: {  	[sflag:s15] =	ssyncset.done $0x0  }
0x8e: {  	[sflag:s15] =	ssyncadd.s32 $0xFFFFEC00  }
0x8f: {  	[tilespmem:s16], [sflag:$0x1] =	stream.indirect.gather [hbm4b:s3+s12], $0x80, s25, s12, $0xb8;
	[tilespmem:$0x1E400] =	vst v63  }
0x90: {  	s28 =	simm.s32 $0x80  }
0x91: {  	[tilespmem:s13], [sflag:$0x1] =	stream.indirect.gather [hbm4b:s3+s12], $0x80, s28, s12, $0xb8;
	[tilespmem:$0x1E400] =	vst v63  }
0x92: {  	_ =	swait.ge [sflag:s14], $0x4000  }
0x93: {  	[sflag:s14] =	ssyncset.done $0x0  }
0x94: {  	s29 =	simm.s32 $0x1400;
	[sflag:s14] =	ssyncadd.s32 $0xFFFFC000  }
0x95: {  	[spmem:s2] =	stream.indirect.scatter.add.f32 [tilespmem:s16], [sflag:$0x2], $0x80, s29, s12, $0xb8;
	[tilespmem:$0x1E400] =	vst v63  }
0x96: {  	_ =	swait.ge [sflag:s15], $0x4000  }
0x97: {  	[sflag:s15] =	ssyncset.done $0x0  }
0x98: {  	s30 =	simm.s32 $0x100;
	[sflag:s15] =	ssyncadd.s32 $0xFFFFC000  }
0x99: {  	[tilespmem:s16], [sflag:$0x1] =	stream.indirect.gather [hbm4b:s3+s12], $0x80, s30, s12, $0xb8;
	[tilespmem:$0x1E400] =	vst v63  }
0x9a: {  	_ =	swait.ge [sflag:s14], $0x4000  }
0x9b: {  	[sflag:s14] =	ssyncset.done $0x0  }
0x9c: {  	s31 =	simm.s32 $0x1480;
	[sflag:s14] =	ssyncadd.s32 $0xFFFFC000  }
0x9d: {  	[spmem:s2] =	stream.indirect.scatter.add.f32 [tilespmem:s13], [sflag:$0x2], $0x80, s31, s12, $0xb8;
	[tilespmem:$0x1E400] =	vst v63  }
0x9e: {  	_ =	swait.ge [sflag:s15], $0x4000  }
0x9f: {  	s11 =	simm.s32 $0x800;
	s10 =	simm.s32 $0x100;
	[sflag:s15] =	ssyncset.done $0x0  }
.LBB2_6:
0xa0: {  	s17 =	sadd.s32 $0x80, s10  }
0xa1: {  	[sflag:s15] =	ssyncadd.s32 $0xFFFFC000;
	s18 =	smov.u32 s11;
	s19 =	sadd.s32 $0x400, s11  }
0xa2: {  	[tilespmem:s13], [sflag:$0x1] =	stream.indirect.gather [hbm4b:s3+s12], $0x80, s17, s12, $0xb8;
	[tilespmem:$0x1E400] =	vst v63  }
0xa3: {  	p0 =	sne.s32 s11, $0x4800;
	_ =	swait.ge [sflag:s14], $0x4000  }
0xa4: {  	[sflag:s14] =	ssyncset.done $0x0  }
0xa5: {  	s11 =	sadd.s32 $0x1400, s10;
	[sflag:s14] =	ssyncadd.s32 $0xFFFFC000  }
0xa6: {  	[spmem:s2] =	stream.indirect.scatter.add.f32 [tilespmem:s16], [sflag:$0x2], $0x80, s11, s12, $0xb8;
	[tilespmem:$0x1E400] =	vst v63  }
0xa7: {  	_ =	swait.ge [sflag:s15], $0x4000  }
0xa8: {  	[sflag:s15] =	ssyncset.done $0x0  }
0xa9: {  	s11 =	sadd.s32 $0x100, s10;
	[sflag:s15] =	ssyncadd.s32 $0xFFFFC000  }
0xaa: {  	[tilespmem:s16], [sflag:$0x1] =	stream.indirect.gather [hbm4b:s3+s12], $0x80, s11, s12, $0xb8;
	[tilespmem:$0x1E400] =	vst v63  }
0xab: {  	_ =	swait.ge [sflag:s14], $0x4000  }
.Ltmp3:
0xac: {  	[sflag:s14] =	ssyncset.done $0x0;
	(pc) =	sbr.rel @p0 .LBB2_6-.Ltmp3, $4  }
0xad: {  	s10 =	sadd.s32 $0x1480, s10;
	[sflag:s14] =	ssyncadd.s32 $0xFFFFC000  }
0xae: {  	[spmem:s2] =	stream.indirect.scatter.add.f32 [tilespmem:s13], [sflag:$0x2], $0x80, s10, s12, $0xb8;
	[tilespmem:$0x1E400] =	vst v63  }
0xaf: {  	_ =	swait.ge [sflag:s15], $0x4000  }
0xb0: {  	s11 =	smov.u32 s19;
	s10 =	sshra.s32 s18, $0x2;
	[sflag:s15] =	ssyncset.done $0x0  }
0xb1: {  	s11 =	sadd.s32 $0x80, s10;
	[sflag:s15] =	ssyncadd.s32 $0xFFFFC000  }
0xb2: {  	[tilespmem:s13], [sflag:$0x1] =	stream.indirect.gather [hbm4b:s3+s12], $0x80, s11, s12, $0xb8;
	[tilespmem:$0x1E400] =	vst v63  }
0xb3: {  	_ =	swait.ge [sflag:s14], $0x4000  }
0xb4: {  	[sflag:s14] =	ssyncset.done $0x0  }
0xb5: {  	s19 =	sadd.s32 $0x1400, s10;
	[sflag:s14] =	ssyncadd.s32 $0xFFFFC000  }
0xb6: {  	[spmem:s2] =	stream.indirect.scatter.add.f32 [tilespmem:s16], [sflag:$0x2], $0x80, s19, s12, $0xb8;
	[tilespmem:$0x1E400] =	vst v63  }
0xb7: {  	_ =	swait.ge [sflag:s15], $0x4000  }
0xb8: {  	[sflag:s15] =	ssyncset.done $0x0  }
0xb9: {  	s20 =	sadd.s32 $0x100, s10;
	[sflag:s15] =	ssyncadd.s32 $0xFFFFC000  }
0xba: {  	[tilespmem:s16], [sflag:$0x1] =	stream.indirect.gather [hbm4b:s3+s12], $0x80, s20, s12, $0xb8;
	[tilespmem:$0x1E400] =	vst v63  }
0xbb: {  	_ =	swait.ge [sflag:s14], $0x4000  }
0xbc: {  	[sflag:s14] =	ssyncset.done $0x0  }
0xbd: {  	s21 =	sadd.s32 $0x1480, s10;
	[sflag:s14] =	ssyncadd.s32 $0xFFFFC000  }
0xbe: {  	[spmem:s2] =	stream.indirect.scatter.add.f32 [tilespmem:s13], [sflag:$0x2], $0x80, s21, s12, $0xb8;
	[tilespmem:$0x1E400] =	vst v63  }
0xbf: {  	_ =	swait.ge [sflag:s15], $0x4000  }
0xc0: {  	s10 =	simm.s32 $0x80;
	s22 =	simm.s32 $0x1380;
	[sflag:s15] =	ssyncset.done $0x0  }
0xc1: {  	s11 =	simm.s32 $0x6800;
	s12 =	simm.s32 $0x1;
	[sflag:s15] =	ssyncadd.s32 $0xFFFFC000  }
0xc2: {  	[tilespmem:s11], [sflag:$0x1] =	stream.indirect.gather [hbm4b:s3+s10], $0x80, s22, s10, $0xb8;
	[tilespmem:$0x1E400] =	vst v63  }
0xc3: {  	_ =	swait.ge [sflag:s12], $0x4000  }
0xc4: {  	s23 =	simm.s32 $0x2700;
	[sflag:s12] =	ssyncset.done $0x0  }
0xc5: {  	s14 =	simm.s32 $0x2800;
	s13 =	simm.s32 $0x2;
	[sflag:s12] =	ssyncadd.s32 $0xFFFFC000  }
0xc6: {  	[spmem:s2] =	stream.indirect.scatter.add.f32 [tilespmem:s14], [sflag:$0x2], $0x80, s23, s10, $0xb8;
	[tilespmem:$0x1E400] =	vst v63  }
0xc7: {  	_ =	swait.ge [sflag:s13], $0x4000  }
0xc8: {  	[sflag:s13] =	ssyncset.done $0x0  }
0xc9: {  	[sflag:s13] =	ssyncadd.s32 $0xFFFFC000  }
0xca: {  	[tilespmem:s14], [sflag:$0x1] =	stream.indirect.gather [hbm4b:s3+s10], $0x80, s22, s10, $0xb8;
	[tilespmem:$0x1E400] =	vst v63  }
0xcb: {  	_ =	swait.ge [sflag:s12], $0x4000  }
0xcc: {  	[sflag:s12] =	ssyncset.done $0x0  }
0xcd: {  	s24 =	simm.s32 $0x2780;
	[sflag:s12] =	ssyncadd.s32 $0xFFFFC000  }
0xce: {  	[spmem:s2] =	stream.indirect.scatter.add.f32 [tilespmem:s11], [sflag:$0x2], $0x80, s24, s10, $0xb8;
	[tilespmem:$0x1E400] =	vst v63  }
0xcf: {  	_ =	swait.ge [sflag:s13], $0x4000  }
0xd0: {  	[sflag:s13] =	ssyncset.done $0x0  }
0xd1: {  	[sflag:s13] =	ssyncadd.s32 $0xFFFFC000  }
0xd2: {  	_ =	swait.ge [sflag:s12], $0x4000  }
0xd3: {  	[sflag:s12] =	ssyncset.done $0x0  }
0xd4: {  	s25 =	simm.s32 $0x0;
	[sflag:s12] =	ssyncadd.s32 $0xFFFFC000  }
0xd5: {  	[tilespmem:s25], [sflag:$0x2] =	stream.linear.gather [hbm4b:s9+s25], $0x1400, $0x38;
	[tilespmem:$0x1E400] =	vst v63  }
0xd6: {  	_ =	swait.ge [sflag:s13], $0x1400  }
0xd7: {  	[sflag:s13] =	ssyncset.done $0x0  }
0xd8: {  	s26 =	simm.s32 $0x1400;
	[sflag:s13] =	ssyncadd.s32 $0xFFFFEC00  }
0xd9: {  	[tilespmem:s26], [sflag:$0x2] =	stream.linear.gather [hbm4b:s8+s25], $0x1400, $0x38;
	[tilespmem:$0x1E400] =	vst v63  }
0xda: {  	_ =	swait.ge [sflag:s13], $0x1400  }
0xdb: {  	[sflag:s13] =	ssyncset.done $0x0  }
0xdc: {  	[sflag:s13] =	ssyncadd.s32 $0xFFFFEC00  }
0xdd: {  	[tilespmem:s14], [sflag:$0x1] =	stream.indirect.gather [hbm4b:s3+s10], $0x80, s25, s10, $0xb8;
	[tilespmem:$0x1E400] =	vst v63  }
0xde: {  	s28 =	simm.s32 $0x80  }
0xdf: {  	[tilespmem:s11], [sflag:$0x1] =	stream.indirect.gather [hbm4b:s3+s10], $0x80, s28, s10, $0xb8;
	[tilespmem:$0x1E400] =	vst v63  }
0xe0: {  	_ =	swait.ge [sflag:s12], $0x4000  }
0xe1: {  	[sflag:s12] =	ssyncset.done $0x0  }
0xe2: {  	s29 =	simm.s32 $0x1400;
	[sflag:s12] =	ssyncadd.s32 $0xFFFFC000  }
0xe3: {  	[spmem:s2] =	stream.indirect.scatter.add.f32 [tilespmem:s14], [sflag:$0x2], $0x80, s29, s10, $0xb8;
	[tilespmem:$0x1E400] =	vst v63  }
0xe4: {  	_ =	swait.ge [sflag:s13], $0x4000  }
0xe5: {  	[sflag:s13] =	ssyncset.done $0x0  }
0xe6: {  	s30 =	simm.s32 $0x100;
	[sflag:s13] =	ssyncadd.s32 $0xFFFFC000  }
0xe7: {  	[tilespmem:s14], [sflag:$0x1] =	stream.indirect.gather [hbm4b:s3+s10], $0x80, s30, s10, $0xb8;
	[tilespmem:$0x1E400] =	vst v63  }
0xe8: {  	_ =	swait.ge [sflag:s12], $0x4000  }
0xe9: {  	[sflag:s12] =	ssyncset.done $0x0  }
0xea: {  	s31 =	simm.s32 $0x1480;
	[sflag:s12] =	ssyncadd.s32 $0xFFFFC000  }
0xeb: {  	[spmem:s2] =	stream.indirect.scatter.add.f32 [tilespmem:s11], [sflag:$0x2], $0x80, s31, s10, $0xb8;
	[tilespmem:$0x1E400] =	vst v63  }
0xec: {  	_ =	swait.ge [sflag:s13], $0x4000  }
0xed: {  	s9 =	simm.s32 $0x800;
	s8 =	simm.s32 $0x100;
	[sflag:s13] =	ssyncset.done $0x0  }
.LBB2_8:
0xee: {  	s15 =	sadd.s32 $0x80, s8  }
0xef: {  	[sflag:s13] =	ssyncadd.s32 $0xFFFFC000;
	s16 =	smov.u32 s9;
	s17 =	sadd.s32 $0x400, s9  }
0xf0: {  	[tilespmem:s11], [sflag:$0x1] =	stream.indirect.gather [hbm4b:s3+s10], $0x80, s15, s10, $0xb8;
	[tilespmem:$0x1E400] =	vst v63  }
0xf1: {  	p0 =	sne.s32 s9, $0x4800;
	_ =	swait.ge [sflag:s12], $0x4000  }
0xf2: {  	[sflag:s12] =	ssyncset.done $0x0  }
0xf3: {  	s9 =	sadd.s32 $0x1400, s8;
	[sflag:s12] =	ssyncadd.s32 $0xFFFFC000  }
0xf4: {  	[spmem:s2] =	stream.indirect.scatter.add.f32 [tilespmem:s14], [sflag:$0x2], $0x80, s9, s10, $0xb8;
	[tilespmem:$0x1E400] =	vst v63  }
0xf5: {  	_ =	swait.ge [sflag:s13], $0x4000  }
0xf6: {  	[sflag:s13] =	ssyncset.done $0x0  }
0xf7: {  	s9 =	sadd.s32 $0x100, s8;
	[sflag:s13] =	ssyncadd.s32 $0xFFFFC000  }
0xf8: {  	[tilespmem:s14], [sflag:$0x1] =	stream.indirect.gather [hbm4b:s3+s10], $0x80, s9, s10, $0xb8;
	[tilespmem:$0x1E400] =	vst v63  }
0xf9: {  	_ =	swait.ge [sflag:s12], $0x4000  }
.Ltmp4:
0xfa: {  	[sflag:s12] =	ssyncset.done $0x0;
	(pc) =	sbr.rel @p0 .LBB2_8-.Ltmp4, $4  }
0xfb: {  	s8 =	sadd.s32 $0x1480, s8;
	[sflag:s12] =	ssyncadd.s32 $0xFFFFC000  }
0xfc: {  	[spmem:s2] =	stream.indirect.scatter.add.f32 [tilespmem:s11], [sflag:$0x2], $0x80, s8, s10, $0xb8;
	[tilespmem:$0x1E400] =	vst v63  }
0xfd: {  	_ =	swait.ge [sflag:s13], $0x4000  }
0xfe: {  	s9 =	smov.u32 s17;
	s8 =	sshra.s32 s16, $0x2;
	[sflag:s13] =	ssyncset.done $0x0  }
0xff: {  	s9 =	sadd.s32 $0x80, s8;
	[sflag:s13] =	ssyncadd.s32 $0xFFFFC000  }
0x100: {  	[tilespmem:s11], [sflag:$0x1] =	stream.indirect.gather [hbm4b:s3+s10], $0x80, s9, s10, $0xb8;
	[tilespmem:$0x1E400] =	vst v63  }
0x101: {  	_ =	swait.ge [sflag:s12], $0x4000  }
0x102: {  	[sflag:s12] =	ssyncset.done $0x0  }
0x103: {  	s19 =	sadd.s32 $0x1400, s8;
	[sflag:s12] =	ssyncadd.s32 $0xFFFFC000  }
0x104: {  	[spmem:s2] =	stream.indirect.scatter.add.f32 [tilespmem:s14], [sflag:$0x2], $0x80, s19, s10, $0xb8;
	[tilespmem:$0x1E400] =	vst v63  }
0x105: {  	_ =	swait.ge [sflag:s13], $0x4000  }
0x106: {  	[sflag:s13] =	ssyncset.done $0x0  }
0x107: {  	s20 =	sadd.s32 $0x100, s8;
	[sflag:s13] =	ssyncadd.s32 $0xFFFFC000  }
0x108: {  	[tilespmem:s14], [sflag:$0x1] =	stream.indirect.gather [hbm4b:s3+s10], $0x80, s20, s10, $0xb8;
	[tilespmem:$0x1E400] =	vst v63  }
0x109: {  	_ =	swait.ge [sflag:s12], $0x4000  }
0x10a: {  	[sflag:s12] =	ssyncset.done $0x0  }
0x10b: {  	s21 =	sadd.s32 $0x1480, s8;
	[sflag:s12] =	ssyncadd.s32 $0xFFFFC000  }
0x10c: {  	[spmem:s2] =	stream.indirect.scatter.add.f32 [tilespmem:s11], [sflag:$0x2], $0x80, s21, s10, $0xb8;
	[tilespmem:$0x1E400] =	vst v63  }
0x10d: {  	_ =	swait.ge [sflag:s13], $0x4000  }
0x10e: {  	s8 =	simm.s32 $0x80;
	s22 =	simm.s32 $0x1380;
	[sflag:s13] =	ssyncset.done $0x0  }
0x10f: {  	s9 =	simm.s32 $0x6800;
	s10 =	simm.s32 $0x1;
	[sflag:s13] =	ssyncadd.s32 $0xFFFFC000  }
0x110: {  	[tilespmem:s9], [sflag:$0x1] =	stream.indirect.gather [hbm4b:s3+s8], $0x80, s22, s8, $0xb8;
	[tilespmem:$0x1E400] =	vst v63  }
0x111: {  	_ =	swait.ge [sflag:s10], $0x4000  }
0x112: {  	s23 =	simm.s32 $0x2700;
	[sflag:s10] =	ssyncset.done $0x0  }
0x113: {  	s12 =	simm.s32 $0x2800;
	s11 =	simm.s32 $0x2;
	[sflag:s10] =	ssyncadd.s32 $0xFFFFC000  }
0x114: {  	[spmem:s2] =	stream.indirect.scatter.add.f32 [tilespmem:s12], [sflag:$0x2], $0x80, s23, s8, $0xb8;
	[tilespmem:$0x1E400] =	vst v63  }
0x115: {  	_ =	swait.ge [sflag:s11], $0x4000  }
0x116: {  	[sflag:s11] =	ssyncset.done $0x0  }
0x117: {  	[sflag:s11] =	ssyncadd.s32 $0xFFFFC000  }
0x118: {  	[tilespmem:s12], [sflag:$0x1] =	stream.indirect.gather [hbm4b:s3+s8], $0x80, s22, s8, $0xb8;
	[tilespmem:$0x1E400] =	vst v63  }
0x119: {  	_ =	swait.ge [sflag:s10], $0x4000  }
0x11a: {  	[sflag:s10] =	ssyncset.done $0x0  }
0x11b: {  	s24 =	simm.s32 $0x2780;
	[sflag:s10] =	ssyncadd.s32 $0xFFFFC000  }
0x11c: {  	[spmem:s2] =	stream.indirect.scatter.add.f32 [tilespmem:s9], [sflag:$0x2], $0x80, s24, s8, $0xb8;
	[tilespmem:$0x1E400] =	vst v63  }
0x11d: {  	_ =	swait.ge [sflag:s11], $0x4000  }
0x11e: {  	[sflag:s11] =	ssyncset.done $0x0  }
0x11f: {  	[sflag:s11] =	ssyncadd.s32 $0xFFFFC000  }
0x120: {  	_ =	swait.ge [sflag:s10], $0x4000  }
0x121: {  	[sflag:s10] =	ssyncset.done $0x0  }
0x122: {  	s25 =	simm.s32 $0x0;
	[sflag:s10] =	ssyncadd.s32 $0xFFFFC000  }
0x123: {  	[tilespmem:s25], [sflag:$0x2] =	stream.linear.gather [hbm4b:s7+s25], $0x1400, $0x38;
	[tilespmem:$0x1E400] =	vst v63  }
0x124: {  	_ =	swait.ge [sflag:s11], $0x1400  }
0x125: {  	[sflag:s11] =	ssyncset.done $0x0  }
0x126: {  	s26 =	simm.s32 $0x1400;
	[sflag:s11] =	ssyncadd.s32 $0xFFFFEC00  }
0x127: {  	[tilespmem:s26], [sflag:$0x2] =	stream.linear.gather [hbm4b:s6+s25], $0x1400, $0x38;
	[tilespmem:$0x1E400] =	vst v63  }
0x128: {  	_ =	swait.ge [sflag:s11], $0x1400  }
0x129: {  	[sflag:s11] =	ssyncset.done $0x0  }
0x12a: {  	[sflag:s11] =	ssyncadd.s32 $0xFFFFEC00  }
0x12b: {  	[tilespmem:s12], [sflag:$0x1] =	stream.indirect.gather [hbm4b:s3+s8], $0x80, s25, s8, $0xb8;
	[tilespmem:$0x1E400] =	vst v63  }
0x12c: {  	s28 =	simm.s32 $0x80  }
0x12d: {  	[tilespmem:s9], [sflag:$0x1] =	stream.indirect.gather [hbm4b:s3+s8], $0x80, s28, s8, $0xb8;
	[tilespmem:$0x1E400] =	vst v63  }
0x12e: {  	_ =	swait.ge [sflag:s10], $0x4000  }
0x12f: {  	[sflag:s10] =	ssyncset.done $0x0  }
0x130: {  	s29 =	simm.s32 $0x1400;
	[sflag:s10] =	ssyncadd.s32 $0xFFFFC000  }
0x131: {  	[spmem:s2] =	stream.indirect.scatter.add.f32 [tilespmem:s12], [sflag:$0x2], $0x80, s29, s8, $0xb8;
	[tilespmem:$0x1E400] =	vst v63  }
0x132: {  	_ =	swait.ge [sflag:s11], $0x4000  }
0x133: {  	[sflag:s11] =	ssyncset.done $0x0  }
0x134: {  	s30 =	simm.s32 $0x100;
	[sflag:s11] =	ssyncadd.s32 $0xFFFFC000  }
0x135: {  	[tilespmem:s12], [sflag:$0x1] =	stream.indirect.gather [hbm4b:s3+s8], $0x80, s30, s8, $0xb8;
	[tilespmem:$0x1E400] =	vst v63  }
0x136: {  	_ =	swait.ge [sflag:s10], $0x4000  }
0x137: {  	[sflag:s10] =	ssyncset.done $0x0  }
0x138: {  	s31 =	simm.s32 $0x1480;
	[sflag:s10] =	ssyncadd.s32 $0xFFFFC000  }
0x139: {  	[spmem:s2] =	stream.indirect.scatter.add.f32 [tilespmem:s9], [sflag:$0x2], $0x80, s31, s8, $0xb8;
	[tilespmem:$0x1E400] =	vst v63  }
0x13a: {  	_ =	swait.ge [sflag:s11], $0x4000  }
0x13b: {  	s7 =	simm.s32 $0x800;
	s6 =	simm.s32 $0x100;
	[sflag:s11] =	ssyncset.done $0x0  }
.LBB2_10:
0x13c: {  	s13 =	sadd.s32 $0x80, s6  }
0x13d: {  	[sflag:s11] =	ssyncadd.s32 $0xFFFFC000;
	s14 =	smov.u32 s7;
	s15 =	sadd.s32 $0x400, s7  }
0x13e: {  	[tilespmem:s9], [sflag:$0x1] =	stream.indirect.gather [hbm4b:s3+s8], $0x80, s13, s8, $0xb8;
	[tilespmem:$0x1E400] =	vst v63  }
0x13f: {  	p0 =	sne.s32 s7, $0x4800;
	_ =	swait.ge [sflag:s10], $0x4000  }
0x140: {  	[sflag:s10] =	ssyncset.done $0x0  }
0x141: {  	s7 =	sadd.s32 $0x1400, s6;
	[sflag:s10] =	ssyncadd.s32 $0xFFFFC000  }
0x142: {  	[spmem:s2] =	stream.indirect.scatter.add.f32 [tilespmem:s12], [sflag:$0x2], $0x80, s7, s8, $0xb8;
	[tilespmem:$0x1E400] =	vst v63  }
0x143: {  	_ =	swait.ge [sflag:s11], $0x4000  }
0x144: {  	[sflag:s11] =	ssyncset.done $0x0  }
0x145: {  	s7 =	sadd.s32 $0x100, s6;
	[sflag:s11] =	ssyncadd.s32 $0xFFFFC000  }
0x146: {  	[tilespmem:s12], [sflag:$0x1] =	stream.indirect.gather [hbm4b:s3+s8], $0x80, s7, s8, $0xb8;
	[tilespmem:$0x1E400] =	vst v63  }
0x147: {  	_ =	swait.ge [sflag:s10], $0x4000  }
.Ltmp5:
0x148: {  	[sflag:s10] =	ssyncset.done $0x0;
	(pc) =	sbr.rel @p0 .LBB2_10-.Ltmp5, $4  }
0x149: {  	s6 =	sadd.s32 $0x1480, s6;
	[sflag:s10] =	ssyncadd.s32 $0xFFFFC000  }
0x14a: {  	[spmem:s2] =	stream.indirect.scatter.add.f32 [tilespmem:s9], [sflag:$0x2], $0x80, s6, s8, $0xb8;
	[tilespmem:$0x1E400] =	vst v63  }
0x14b: {  	_ =	swait.ge [sflag:s11], $0x4000  }
0x14c: {  	s7 =	smov.u32 s15;
	s6 =	sshra.s32 s14, $0x2;
	[sflag:s11] =	ssyncset.done $0x0  }
0x14d: {  	s7 =	sadd.s32 $0x80, s6;
	[sflag:s11] =	ssyncadd.s32 $0xFFFFC000  }
0x14e: {  	[tilespmem:s9], [sflag:$0x1] =	stream.indirect.gather [hbm4b:s3+s8], $0x80, s7, s8, $0xb8;
	[tilespmem:$0x1E400] =	vst v63  }
0x14f: {  	_ =	swait.ge [sflag:s10], $0x4000  }
0x150: {  	[sflag:s10] =	ssyncset.done $0x0  }
0x151: {  	s18 =	sadd.s32 $0x1400, s6;
	[sflag:s10] =	ssyncadd.s32 $0xFFFFC000  }
0x152: {  	[spmem:s2] =	stream.indirect.scatter.add.f32 [tilespmem:s12], [sflag:$0x2], $0x80, s18, s8, $0xb8;
	[tilespmem:$0x1E400] =	vst v63  }
0x153: {  	_ =	swait.ge [sflag:s11], $0x4000  }
0x154: {  	[sflag:s11] =	ssyncset.done $0x0  }
0x155: {  	s19 =	sadd.s32 $0x100, s6;
	[sflag:s11] =	ssyncadd.s32 $0xFFFFC000  }
0x156: {  	[tilespmem:s12], [sflag:$0x1] =	stream.indirect.gather [hbm4b:s3+s8], $0x80, s19, s8, $0xb8;
	[tilespmem:$0x1E400] =	vst v63  }
0x157: {  	_ =	swait.ge [sflag:s10], $0x4000  }
0x158: {  	[sflag:s10] =	ssyncset.done $0x0  }
0x159: {  	s20 =	sadd.s32 $0x1480, s6;
	[sflag:s10] =	ssyncadd.s32 $0xFFFFC000  }
0x15a: {  	[spmem:s2] =	stream.indirect.scatter.add.f32 [tilespmem:s9], [sflag:$0x2], $0x80, s20, s8, $0xb8;
	[tilespmem:$0x1E400] =	vst v63  }
0x15b: {  	_ =	swait.ge [sflag:s11], $0x4000  }
0x15c: {  	s21 =	simm.s32 $0x80;
	s22 =	simm.s32 $0x1380;
	[sflag:s11] =	ssyncset.done $0x0  }
0x15d: {  	s23 =	simm.s32 $0x6800;
	s24 =	simm.s32 $0x1;
	[sflag:s11] =	ssyncadd.s32 $0xFFFFC000  }
0x15e: {  	[tilespmem:s23], [sflag:$0x1] =	stream.indirect.gather [hbm4b:s3+s21], $0x80, s22, s21, $0xb8;
	[tilespmem:$0x1E400] =	vst v63  }
0x15f: {  	_ =	swait.ge [sflag:s24], $0x4000  }
0x160: {  	s25 =	simm.s32 $0x2700;
	[sflag:s24] =	ssyncset.done $0x0  }
0x161: {  	s26 =	simm.s32 $0x2800;
	s28 =	simm.s32 $0x2;
	[sflag:s24] =	ssyncadd.s32 $0xFFFFC000  }
0x162: {  	[spmem:s2] =	stream.indirect.scatter.add.f32 [tilespmem:s26], [sflag:$0x2], $0x80, s25, s21, $0xb8;
	[tilespmem:$0x1E400] =	vst v63  }
0x163: {  	_ =	swait.ge [sflag:s28], $0x4000  }
0x164: {  	[sflag:s28] =	ssyncset.done $0x0  }
0x165: {  	[sflag:s28] =	ssyncadd.s32 $0xFFFFC000  }
0x166: {  	[tilespmem:s26], [sflag:$0x1] =	stream.indirect.gather [hbm4b:s3+s21], $0x80, s22, s21, $0xb8;
	[tilespmem:$0x1E400] =	vst v63  }
0x167: {  	_ =	swait.ge [sflag:s24], $0x4000  }
0x168: {  	[sflag:s24] =	ssyncset.done $0x0  }
0x169: {  	s29 =	simm.s32 $0x2780;
	[sflag:s24] =	ssyncadd.s32 $0xFFFFC000  }
0x16a: {  	[spmem:s2] =	stream.indirect.scatter.add.f32 [tilespmem:s23], [sflag:$0x2], $0x80, s29, s21, $0xb8;
	[tilespmem:$0x1E400] =	vst v63  }
0x16b: {  	_ =	swait.ge [sflag:s28], $0x4000  }
0x16c: {  	[sflag:s28] =	ssyncset.done $0x0  }
0x16d: {  	[sflag:s28] =	ssyncadd.s32 $0xFFFFC000  }
0x16e: {  	_ =	swait.ge [sflag:s24], $0x4000  }
0x16f: {  	[sflag:s24] =	ssyncset.done $0x0  }
0x170: {  	s30 =	sshll.u32 s1, $0x6;
	[sflag:s24] =	ssyncadd.s32 $0xFFFFC000  }
0x171: {  	s31 =	sshrl.u32 s4, $0x3;
	s2 =	sor.u32 $0x1C02, s30;
	[bflag:$0x0] =	sbarrier.arrive $0xFFFF  }
0x172: {  	[hbm:s5], [sflag:s2] =	dma.local [spmem:s31], $0x2780  }
0x173: {  	_ =	swait.ge [sflag:s28], $0x2780  }
0x174: {  	[sflag:s28] =	ssyncset.done $0x0  }
0x175: {  	[sflag:s28] =	ssyncadd.s32 $0xFFFFD880  }
.LBB2_12:
0x176: {  	_ =	sfence.sel $0x180000  }
0x177: {  	[bflag:$0x0] =	sbarrier.arrive $0xFFFF  }
0x178: {  	p0 =	sne.s32 s1, $0x0;
	_ =	strace $0x9000004D  }
0x179: {  	s0 =	sadd.s32 @!p0 $0x100000, s0;
	[bflag:$0x2] =	sbarrier.arrive $0xFFFF  }
0x17a: {  	[sflag:s0] =	ssyncadd.tile.s32 @!p0 $0x1;
	_ =	shalt  }
.Lfunc_end2:
_tile_overlayer_lowered:
.L_overlay_start_2:
0x17b: {  	(tag) =	ssettag $0x2  }
0x17c: {  	s0 =	rddreg [dreg:$0x0];
	s2 =	stileid.u32  }
0x17d: {  	s1 =	rddreg [dreg:$0x1];
	p0 =	sne.s32 s2, $0x0  }
0x17e: {  	s3 =	rddreg [dreg:$0x2];
	[bflag:$0x3] =	sbarrier.arrive $0xFFFF;
	s2 =	simm.s32 @!p0 $0x1C02  }
0x17f: {  	[timem:s3], [sflag:s2] =	dma.local @!p0 [hbm:s0], s1  }
0x180: {  	s0 =	simm.s32 @!p0 $0x2  }
0x181: {  	_ =	swait.ge @!p0 [sflag:s0], s1  }
0x182: {  	s1 =	ssub.s32 @!p0 $0x0, s1;
	[sflag:s0] =	ssyncset.done @!p0 $0x0  }
0x183: {  	[sflag:s0] =	ssyncadd.s32 @!p0 s1  }
0x184: {  	[bflag:$0x3] =	sbarrier.arrive $0xFFFF  }
0x185: {  	_ =	shalt  }

// kernel: kernel.22.cloned.1.call-start
scs
__scs_entry_jumppad:
0x0: {  	(pc) =	sbr.rel $0x88, $3  }
0x1: {  	(tag) =	ssettag $0x0;
	lr =	simm.s32 $0x1  }
0x2: {  	[smem:$0x3F98] =	sst lr;
	_ =	strace $0xD0000000  }
0x3: {  	_ = 	snop  }
0x4: {  	_ = 	snop  }
0x5: {  	_ = 	snop  }
0x6: {  	_ = 	snop  }
0x7: {  	_ = 	snop  }
__scs_overlays_trampoline_lowered:
0x8: {  	[smem:$0x3FA7] =	sst s0  }
0x9: {  	[smem:$0x3FA8] =	sst s1  }
0xa: {  	[smem:$0x3FA9] =	sst s2  }
0xb: {  	[smem:$0x3FAA] =	sst s3  }
0xc: {  	[smem:$0x3FAB] =	sst s4  }
0xd: {  	[smem:$0x3FAC] =	sst s5  }
0xe: {  	[smem:$0x3FAD] =	sst s6  }
0xf: {  	[smem:$0x3FAE] =	sst s7  }
0x10: {  	[smem:$0x3FAF] =	sst s8  }
0x11: {  	[smem:$0x3FB0] =	sst s9;
	s0 =	simm.s32 @!p0 $0x0  }
0x12: {  	s1 =	sld [smem:$0x3F96];
	s0 =	simm.s32 @p0 $0x1  }
0x13: {  	[smem:$0x3FB1] =	sst s0;
	s0 =	simm.s32 @!p1 $0x0  }
0x14: {  	s2 =	sld [smem:$0x3F95];
	s0 =	simm.s32 @p1 $0x1  }
0x15: {  	[smem:$0x3FB2] =	sst s0;
	s0 =	simm.s32 @!p2 $0x0  }
0x16: {  	s3 =	sld [smem:$0x3FDB];
	s0 =	simm.s32 @p2 $0x1  }
0x17: {  	s4 =	simm.s32 $0x1BF5;
	[smem:$0x3FB4] =	sst s0  }
0x18: {  	s0 =	sld [smem:$0x3F97];
	_ =	swait.ge [sflag:s4], $0x0  }
0x19: {  	s7 =	sld [smem:$0x3F98]  }
0x1a: {  	s8 =	sadd.s32 $0xFFFFE003, lr  }
0x1b: {  	s9 =	sadd.s32 $0xFFFFFEF7, lr;
	s5 =	simm.s32 $0xFFFFFFFF;
	p2 =	slt.u32 s8, $0xFFFFF086  }
0x1c: {  	p1 =	slt.u32 s9, $0xF7A;
	s5 =	simm.s32 @!p2 $0x0  }
0x1d: {  	s5 =	simm.s32 @p1 $0x1;
	p0 =	seq.s32 s7, s2  }
0x1e: {  	s7 =	smul.u32 @!p0 $0xF7A, s2;
	p2 =	seq.s32 @!p0 s5, $0x0  }
0x1f: {  	s9 =	smul.u32 $0xF7A, s1;
	s8 =	simm.s32 @!p0 $0x1BF5;
	p2 =	por !p2, p0  }
0x20: {  	[sflag:s8] =	ssyncset.s32 @!p0 $0xFFFFF086;
	s6 =	sadd.s32 @!p0 s3, s7;
	s7 =	simm.s32 @!p0 $0x108  }
0x21: {  	s3 =	sadd.s32 s3, s9;
	s6 =	sadd.s32 @!p0 $0x88, s6;
	s7 =	simm.s32 @p2 $0x1082  }
0x22: {  	[simem:s7], [sflag:s8] =	dma.local @!p0 [hbm:s6], $0xF7A  }
0x23: {  	s9 =	sor.u32 $0xD0000000, s2;
	s6 =	simm.s32 $0x108;
	_ =	swait.ge @!p0 [sflag:s8], $0x0  }
0x24: {  	s3 =	sadd.s32 $0x88, s3;
	s6 =	simm.s32 @!p1 $0x1082;
	[sflag:s4] =	ssyncset.s32 $0xFFFFF086  }
0x25: {  	[simem:s6], [sflag:s4] =	dma.local [hbm:s3], $0xF7A  }
0x26: {  	[smem:$0x3F98] =	sst s1;
	(tag) =	ssettag s2;
	_ =	strace s9  }
0x27: {  	s1 =	sld [smem:$0x3FA8]  }
0x28: {  	s2 =	sld [smem:$0x3FA9]  }
0x29: {  	s4 =	sld [smem:$0x3FAB]  }
0x2a: {  	p0 =	seq.s32 s5, $0x0;
	s5 =	sld [smem:$0x3FAC]  }
0x2b: {  	s6 =	sld [smem:$0x3FAD]  }
0x2c: {  	s7 =	sld [smem:$0x3FAE]  }
0x2d: {  	s3 =	simm.s32 $0x108;
	s8 =	sld [smem:$0x3FAF]  }
0x2e: {  	s3 =	simm.s32 @!p0 $0x1082;
	s9 =	sld [smem:$0x3FB0]  }
0x2f: {  	lr =	sadd.s32 s0, s3;
	s0 =	sld [smem:$0x3FA7]  }
0x30: {  	s3 =	sld [smem:$0x3FAA]  }
0x31: {  	[smem:$0x3FB3] =	sst s10  }
0x32: {  	s10 =	sld [smem:$0x3FB1];
	_ =	sdelay $0x3  }
0x33: {  	p0 =	seq.s32 s10, $0x1;
	s10 =	sld [smem:$0x3FB3];
	_ =	sdelay $0x3  }
0x34: {  	[smem:$0x3FB3] =	sst s10  }
0x35: {  	s10 =	sld [smem:$0x3FB2];
	_ =	sdelay $0x3  }
0x36: {  	p1 =	seq.s32 s10, $0x1;
	s10 =	sld [smem:$0x3FB3];
	_ =	sdelay $0x3  }
0x37: {  	[smem:$0x3FB3] =	sst s10  }
0x38: {  	s10 =	sld [smem:$0x3FB4]  }
0x39: {  	_ = 	snop;
	(pc) =	sbr.ind lr, $3  }
0x3a: {  	_ = 	snop  }
0x3b: {  	_ = 	snop  }
0x3c: {  	p2 =	seq.s32 s10, $0x1;
	s10 =	sld [smem:$0x3FB3]  }
0x3d: {  	_ =	shalt  }
0x3e: {  	_ =	shalt  }
0x3f: {  	_ =	shalt  }
0x40: {  	_ =	shalt  }
0x41: {  	_ =	shalt  }
0x42: {  	_ =	shalt  }
0x43: {  	_ =	shalt  }
0x44: {  	_ =	shalt  }
0x45: {  	_ =	shalt  }
0x46: {  	_ =	shalt  }
0x47: {  	_ =	shalt  }
0x48: {  	_ =	shalt  }
0x49: {  	_ =	shalt  }
0x4a: {  	_ =	shalt  }
0x4b: {  	_ =	shalt  }
0x4c: {  	_ =	shalt  }
0x4d: {  	_ =	shalt  }
0x4e: {  	_ =	shalt  }
0x4f: {  	_ =	shalt  }
0x50: {  	_ =	shalt  }
0x51: {  	_ =	shalt  }
0x52: {  	_ =	shalt  }
0x53: {  	_ =	shalt  }
0x54: {  	_ =	shalt  }
0x55: {  	_ =	shalt  }
0x56: {  	_ =	shalt  }
0x57: {  	_ =	shalt  }
0x58: {  	_ =	shalt  }
0x59: {  	_ =	shalt  }
0x5a: {  	_ =	shalt  }
0x5b: {  	_ =	shalt  }
0x5c: {  	_ =	shalt  }
0x5d: {  	_ =	shalt  }
0x5e: {  	_ =	shalt  }
0x5f: {  	_ =	shalt  }
0x60: {  	_ =	shalt  }
0x61: {  	_ =	shalt  }
0x62: {  	_ =	shalt  }
0x63: {  	_ =	shalt  }
0x64: {  	_ =	shalt  }
0x65: {  	_ =	shalt  }
0x66: {  	_ =	shalt  }
0x67: {  	_ =	shalt  }
0x68: {  	_ =	shalt  }
0x69: {  	_ =	shalt  }
0x6a: {  	_ =	shalt  }
0x6b: {  	_ =	shalt  }
0x6c: {  	_ =	shalt  }
0x6d: {  	_ =	shalt  }
0x6e: {  	_ =	shalt  }
0x6f: {  	_ =	shalt  }
0x70: {  	_ =	shalt  }
0x71: {  	_ =	shalt  }
0x72: {  	_ =	shalt  }
0x73: {  	_ =	shalt  }
0x74: {  	_ =	shalt  }
0x75: {  	_ =	shalt  }
0x76: {  	_ =	shalt  }
0x77: {  	_ =	shalt  }
0x78: {  	_ =	shalt  }
0x79: {  	_ =	shalt  }
0x7a: {  	_ =	shalt  }
0x7b: {  	_ =	shalt  }
0x7c: {  	_ =	shalt  }
0x7d: {  	_ =	shalt  }
0x7e: {  	_ =	shalt  }
0x7f: {  	_ =	shalt  }
0x80: {  	_ =	shalt  }
0x81: {  	_ =	shalt  }
0x82: {  	_ =	shalt  }
0x83: {  	_ =	shalt  }
0x84: {  	_ =	shalt  }
0x85: {  	_ =	shalt  }
0x86: {  	_ =	shalt  }
0x87: {  	_ =	shalt  }
.Lfunc_end0:
.L_simem_size_0:
called_computation.3_lowered:
.L_overlay_start_0:
0x88: {  	s2 =	sld [smem:$0x3FD9]  }
0x89: {  	s3 =	sld [smem:$0x3FFE];
	_ =	sdelay $0x1  }
0x8a: {  	s1 =	srdreg.scid  }
0x8b: {  	s0 =	sand.u32 $0x1, s1  }
0x8c: {  	s17 =	sshll.u32 s0, $0xA;
	s2 =	sadd.s32 s3, s2  }
0x8d: {  	s2 =	sadd.s32 s2, s17  }
0x8e: {  	[smem:$0x3FBF] =	sst s2  }
0x8f: {  	_ = 	snop  }
0x90: {  	s2 =	sld [smem:$0x3FD0];
	(tm) =	ssettm $0x1  }
0x91: {  	s18 =	sld [smem:$0x3FFB];
	_ =	sdelay $0x3  }
0x92: {  	_ =	strace s18  }
0x93: {  	s3 =	sld [smem:$0x3FFC];
	_ =	sdelay $0x3  }
0x94: {  	_ =	strace s3  }
0x95: {  	s3 =	sld [smem:$0x3FFD];
	_ =	sdelay $0x3  }
0x96: {  	_ =	strace s3  }
0x97: {  	_ =	strace $0x8FFFFFFF  }
0x98: {  	s19 =	sld [smem:$0x3FDB];
	_ =	sdelay $0x1  }
0x99: {  	s4 =	simm.s32 $_scs_section_size  }
0x9a: {  	s5 =	simm.s32 $_size__tile_overlayer_lowered;
	s6 =	simm.s32 $_tile_overlayer_lowered  }
0x9b: {  	s22 =	simm.s32 $0x1BFF;
	s21 =	sshll.u32 s6, $0x1;
	s3 =	sadd.s32 s4, s19  }
0x9c: {  	s7 =	simm.s32 $0x0;
	s20 =	sshll.u32 s5, $0x1;
	s5 =	sadd.s32 s21, s3  }
0x9d: {  	[timem:s7], [sflag:s22] =	dma.local [hbm:s5], s20  }
0x9e: {  	_ =	swait.ge [sflag:s22], s20  }
0x9f: {  	s4 =	ssub.s32 $0x0, s20;
	[sflag:s22] =	ssyncset.done $0x0  }
0xa0: {  	[sflag:s22] =	ssyncadd.s32 s4;
	_ =	sdelay $0x1  }
0xa1: {  	s23 =	simm.s32 $0x1B8B  }
0xa2: {  	_ =	swait.ge [sflag:s23], $0x1  }
0xa3: {  	[sflag:s23] =	ssyncset.done $0x0  }
0xa4: {  	s25 =	simm.s32 $0x1B8E;
	s24 =	sld [smem:$0x3FFE];
	[sflag:s23] =	ssyncadd.s32 $0xFFFFFFFF  }
0xa5: {  	s26 =	simm.s32 $execute0_lowered;
	[smem:$0x3FD2] =	sst s25  }
0xa6: {  	s5 =	sshll.u32 s26, $0x1;
	_ =	strace $0x8000004F;
	[dreg:$0x1] =	wrdreg $0xFFFFFFFF  }
0xa7: {  	s28 =	simm.s32 $_size_execute0_lowered;
	s3 =	sadd.s32 s3, s5;
	[dreg:$0x0] =	wrdreg $0x0  }
0xa8: {  	s5 =	sshll.u32 s28, $0x1;
	[dreg:$0x2] =	wrdreg s3  }
0xa9: {  	[dreg:$0x3] =	wrdreg s5  }
0xaa: {  	[dreg:$0x4] =	wrdreg $0xC0  }
0xab: {  	_ =	task [dreg:s7], $0x5FFFF  }
0xac: {  	[dreg:$0x1] =	wrdreg $0xFFFFFFFF  }
0xad: {  	[dreg:$0x0] =	wrdreg $0x60  }
0xae: {  	[dreg:$0x2] =	wrdreg s2  }
0xaf: {  	[dreg:$0x3] =	wrdreg s24  }
0xb0: {  	[dreg:$0x4] =	wrdreg $0xA8000  }
0xb1: {  	[dreg:$0x5] =	wrdreg $0x9  }
0xb2: {  	_ =	task.clear_ibuf [dreg:s7], $0x6FFFF;
	_ =	strace $0x9000004F  }
0xb3: {  	s29 =	simm.s32 $0x9;
	_ =	strace $0x80000051  }
0xb4: {  	_ =	swait.ge [sflag:s29], $0x1  }
0xb5: {  	[sflag:s29] =	ssyncadd.s32 $0xFFFFFFFF  }
0xb6: {  	_ =	strace $0x90000051  }
0xb7: {  	_ =	sfence  }
0xb8: {  	s30 =	sld [smem:$0x0];
	_ =	sdelay $0x2  }
0xb9: {  	s31 =	sshll.u32 s1, $0xD;
	s1 =	sshrl.u32 s1, $0x2  }
0xba: {  	s3 =	sand.u32 $0x4000, s31;
	s1 =	sadd.s32 s1, s30  }
0xbb: {  	s0 =	sor.u32 s3, s0;
	s1 =	sshll.u32 s1, $0x11  }
0xbc: {  	s0 =	sor.u32 s1, s0  }
0xbd: {  	s0 =	sadd.s32 $0x8F2B, s0  }
0xbe: {  	[sflag:s0] =	ssyncadd.remote.s32 $0x1  }
0xbf: {  	_ =	sfence.sel $0xFFFF  }
0xc0: {  	[dreg:$0x0] =	wrdreg $0xFFFFFFFF;
	(pc) =	sbr.abs _section_cstart, $3  }
0xc1: {  	[dreg:$0x1] =	wrdreg $0xFFFFFFFF  }
0xc2: {  	_ =	task.clear_ibuf [dreg:s7], $0x2FFFF;
	_ =	strace $0x9FFFFFFF  }
0xc3: {  	(tm) =	ssettm $0x7FFFFFFF  }
tec
execute0_lowered:
.L_overlay_start_1:
0x0: {  	(tag) =	ssettag $0x1  }
0x1: {  	s1 =	srdreg.scid  }
0x2: {  	s1 =	sand.u32 $0x1, s1  }
0x3: {  	p0 =	seq.s32 s1, $0x1  }
.Ltmp0:
0x4: {  	s3 =	rddreg [dreg:$0x0];
	(pc) =	sbr.rel @p0 .LBB2_12-.Ltmp0, $4  }
0x5: {  	s5 =	rddreg [dreg:$0x1]  }
0x6: {  	s2 =	rddreg [dreg:$0x2];
	s4 =	simm.s32 $0x0  }
0x7: {  	[smem:$0x7FF] =	sst s4  }
0x8: {  	s0 =	rddreg [dreg:$0x3];
	_ =	strace $0x80000050;
	s1 =	stileid.u32  }
0x9: {  	s4 =	smul.u32 $0x4F000, s1  }
0xa: {  	s6 =	smul.u32 $0x2780, s1  }
0xb: {  	s8 =	smul.u32 $0x5000, s1  }
0xc: {  	s7 =	sadd.s32 $0x5CE00, s5;
	s12 =	sadd.s32 $0x3E00, s5;
	s4 =	sshrl.u32 s4, $0x2  }
0xd: {  	s30 =	sadd.s32 s6, s5;
	s31 =	sshrl.u32 s8, $0x3;
	s4 =	sadd.s32 s4, s2  }
0xe: {  	s15 =	sadd.s32 s7, s31;
	s8 =	sadd.s32 $0x280, s31;
	s14 =	sadd.s32 s12, s31  }
0xf: {  	s13 =	sadd.s32 $0x500, s31;
	s6 =	sadd.s32 $0x780, s31;
	s5 =	sadd.s32 $0xDE00, s30  }
0x10: {  	s19 =	sadd.s32 $0x4000, s4;
	s18 =	sadd.s32 $0x8000, s4;
	s17 =	sadd.s32 $0xC000, s4  }
0x11: {  	s16 =	sadd.s32 $0x10000, s4;
	s11 =	sadd.s32 s7, s8;
	s10 =	sadd.s32 s12, s8  }
0x12: {  	s9 =	sadd.s32 s7, s13;
	s8 =	sadd.s32 s12, s13;
	s7 =	sadd.s32 s7, s6  }
0x13: {  	v0 =	vimm.f32 $0.0e+00;
	s6 =	sadd.s32 s12, s6;
	s12 =	simm.s32 $0x0;
	s13 =	simm.s32 $0x200  }
.LBB2_2:
0x14: {  	p0 =	sne.s32 s13, $0xFE00;
	[tilespmem:s12+$0x2870] =	vst v0  }
0x15: {  	[tilespmem:s12+$0x2800] =	vst v0  }
0x16: {  	[tilespmem:s12+$0x2810] =	vst v0  }
.Ltmp1:
0x17: {  	[tilespmem:s12+$0x2820] =	vst v0;
	(pc) =	sbr.rel @p0 .LBB2_2-.Ltmp1, $4  }
0x18: {  	[tilespmem:s12+$0x2830] =	vst v0  }
0x19: {  	[tilespmem:s12+$0x2840] =	vst v0  }
0x1a: {  	[tilespmem:s12+$0x2850] =	vst v0  }
0x1b: {  	[tilespmem:s12+$0x2860] =	vst v0;
	s12 =	sshra.s32 s13, $0x2;
	s13 =	sadd.s32 $0x200, s13  }
0x1c: {  	[tilespmem:s12+$0x2870] =	vst v0  }
0x1d: {  	[tilespmem:s12+$0x2800] =	vst v0  }
0x1e: {  	[tilespmem:s12+$0x2810] =	vst v0  }
0x1f: {  	[tilespmem:s12+$0x2820] =	vst v0  }
0x20: {  	[tilespmem:s12+$0x2830] =	vst v0  }
0x21: {  	[tilespmem:s12+$0x2840] =	vst v0  }
0x22: {  	[tilespmem:s12+$0x2850] =	vst v0  }
0x23: {  	[tilespmem:s12+$0x2860] =	vst v0;
	s13 =	simm.s32 $0x2800;
	s12 =	simm.s32 $0x2  }
0x24: {  	[spmem:s4] =	stream.linear.scatter [tilespmem:s13], [sflag:$0x2], $0x4000, $0x38;
	[tilespmem:$0x1E400] =	vst v63  }
0x25: {  	_ =	swait.ge [sflag:s12], $0x4000  }
0x26: {  	[sflag:s12] =	ssyncset.done $0x0  }
0x27: {  	[sflag:s12] =	ssyncadd.s32 $0xFFFFC000  }
0x28: {  	[spmem:s19] =	stream.linear.scatter [tilespmem:s13], [sflag:$0x2], $0x4000, $0x38;
	[tilespmem:$0x1E400] =	vst v63  }
0x29: {  	_ =	swait.ge [sflag:s12], $0x4000  }
0x2a: {  	[sflag:s12] =	ssyncset.done $0x0  }
0x2b: {  	[sflag:s12] =	ssyncadd.s32 $0xFFFFC000  }
0x2c: {  	[spmem:s18] =	stream.linear.scatter [tilespmem:s13], [sflag:$0x2], $0x4000, $0x38;
	[tilespmem:$0x1E400] =	vst v63  }
0x2d: {  	_ =	swait.ge [sflag:s12], $0x4000  }
0x2e: {  	[sflag:s12] =	ssyncset.done $0x0  }
0x2f: {  	[sflag:s12] =	ssyncadd.s32 $0xFFFFC000  }
0x30: {  	[spmem:s17] =	stream.linear.scatter [tilespmem:s13], [sflag:$0x2], $0x4000, $0x38;
	[tilespmem:$0x1E400] =	vst v63  }
0x31: {  	_ =	swait.ge [sflag:s12], $0x4000  }
0x32: {  	[sflag:s12] =	ssyncset.done $0x0  }
0x33: {  	[sflag:s12] =	ssyncadd.s32 $0xFFFFC000  }
0x34: {  	[spmem:s16] =	stream.linear.scatter [tilespmem:s13], [sflag:$0x2], $0x3C00, $0x38;
	[tilespmem:$0x1E400] =	vst v63  }
0x35: {  	_ =	swait.ge [sflag:s12], $0x3C00  }
0x36: {  	[sflag:s12] =	ssyncset.done $0x0  }
0x37: {  	[sflag:s12] =	ssyncadd.s32 $0xFFFFC400  }
0x38: {  	s25 =	simm.s32 $0x0;
	[bflag:$0x0] =	sbarrier.arrive $0xFFFF  }
0x39: {  	[tilespmem:s25], [sflag:$0x2] =	stream.linear.gather [hbm4b:s15+s25], $0x1400, $0x38;
	[tilespmem:$0x1E400] =	vst v63  }
0x3a: {  	_ =	swait.ge [sflag:s12], $0x1400  }
0x3b: {  	[sflag:s12] =	ssyncset.done $0x0  }
0x3c: {  	s26 =	simm.s32 $0x1400;
	[sflag:s12] =	ssyncadd.s32 $0xFFFFEC00  }
0x3d: {  	[tilespmem:s26], [sflag:$0x2] =	stream.linear.gather [hbm4b:s14+s25], $0x1400, $0x38;
	[tilespmem:$0x1E400] =	vst v63  }
0x3e: {  	_ =	swait.ge [sflag:s12], $0x1400  }
0x3f: {  	[sflag:s12] =	ssyncset.done $0x0  }
0x40: {  	s14 =	simm.s32 $0x80;
	[sflag:s12] =	ssyncadd.s32 $0xFFFFEC00  }
0x41: {  	[tilespmem:s13], [sflag:$0x1] =	stream.indirect.gather [hbm4b:s3+s14], $0x80, s25, s14, $0xb8;
	[tilespmem:$0x1E400] =	vst v63  }
0x42: {  	s28 =	simm.s32 $0x80;
	s16 =	simm.s32 $0x1;
	s15 =	simm.s32 $0x6800  }
0x43: {  	[tilespmem:s15], [sflag:$0x1] =	stream.indirect.gather [hbm4b:s3+s14], $0x80, s28, s14, $0xb8;
	[tilespmem:$0x1E400] =	vst v63  }
0x44: {  	_ =	swait.ge [sflag:s16], $0x4000  }
0x45: {  	[sflag:s16] =	ssyncset.done $0x0  }
0x46: {  	s29 =	simm.s32 $0x1400;
	[sflag:s16] =	ssyncadd.s32 $0xFFFFC000  }
0x47: {  	[spmem:s2] =	stream.indirect.scatter.add.f32 [tilespmem:s13], [sflag:$0x2], $0x80, s29, s14, $0xb8;
	[tilespmem:$0x1E400] =	vst v63  }
0x48: {  	_ =	swait.ge [sflag:s12], $0x4000  }
0x49: {  	[sflag:s12] =	ssyncset.done $0x0  }
0x4a: {  	s30 =	simm.s32 $0x100;
	[sflag:s12] =	ssyncadd.s32 $0xFFFFC000  }
0x4b: {  	[tilespmem:s13], [sflag:$0x1] =	stream.indirect.gather [hbm4b:s3+s14], $0x80, s30, s14, $0xb8;
	[tilespmem:$0x1E400] =	vst v63  }
0x4c: {  	_ =	swait.ge [sflag:s16], $0x4000  }
0x4d: {  	[sflag:s16] =	ssyncset.done $0x0  }
0x4e: {  	s31 =	simm.s32 $0x1480;
	[sflag:s16] =	ssyncadd.s32 $0xFFFFC000  }
0x4f: {  	[spmem:s2] =	stream.indirect.scatter.add.f32 [tilespmem:s15], [sflag:$0x2], $0x80, s31, s14, $0xb8;
	[tilespmem:$0x1E400] =	vst v63  }
0x50: {  	_ =	swait.ge [sflag:s12], $0x4000  }
0x51: {  	s18 =	simm.s32 $0x800;
	s17 =	simm.s32 $0x100;
	[sflag:s12] =	ssyncset.done $0x0  }
.LBB2_4:
0x52: {  	s19 =	sadd.s32 $0x80, s17  }
0x53: {  	[sflag:s12] =	ssyncadd.s32 $0xFFFFC000;
	s20 =	smov.u32 s18;
	s21 =	sadd.s32 $0x400, s18  }
0x54: {  	[tilespmem:s15], [sflag:$0x1] =	stream.indirect.gather [hbm4b:s3+s14], $0x80, s19, s14, $0xb8;
	[tilespmem:$0x1E400] =	vst v63  }
0x55: {  	p0 =	sne.s32 s18, $0x4800;
	_ =	swait.ge [sflag:s16], $0x4000  }
0x56: {  	[sflag:s16] =	ssyncset.done $0x0  }
0x57: {  	s18 =	sadd.s32 $0x1400, s17;
	[sflag:s16] =	ssyncadd.s32 $0xFFFFC000  }
0x58: {  	[spmem:s2] =	stream.indirect.scatter.add.f32 [tilespmem:s13], [sflag:$0x2], $0x80, s18, s14, $0xb8;
	[tilespmem:$0x1E400] =	vst v63  }
0x59: {  	_ =	swait.ge [sflag:s12], $0x4000  }
0x5a: {  	[sflag:s12] =	ssyncset.done $0x0  }
0x5b: {  	s18 =	sadd.s32 $0x100, s17;
	[sflag:s12] =	ssyncadd.s32 $0xFFFFC000  }
0x5c: {  	[tilespmem:s13], [sflag:$0x1] =	stream.indirect.gather [hbm4b:s3+s14], $0x80, s18, s14, $0xb8;
	[tilespmem:$0x1E400] =	vst v63  }
0x5d: {  	_ =	swait.ge [sflag:s16], $0x4000  }
.Ltmp2:
0x5e: {  	[sflag:s16] =	ssyncset.done $0x0;
	(pc) =	sbr.rel @p0 .LBB2_4-.Ltmp2, $4  }
0x5f: {  	s17 =	sadd.s32 $0x1480, s17;
	[sflag:s16] =	ssyncadd.s32 $0xFFFFC000  }
0x60: {  	[spmem:s2] =	stream.indirect.scatter.add.f32 [tilespmem:s15], [sflag:$0x2], $0x80, s17, s14, $0xb8;
	[tilespmem:$0x1E400] =	vst v63  }
0x61: {  	_ =	swait.ge [sflag:s12], $0x4000  }
0x62: {  	s18 =	smov.u32 s21;
	s17 =	sshra.s32 s20, $0x2;
	[sflag:s12] =	ssyncset.done $0x0  }
0x63: {  	s18 =	sadd.s32 $0x80, s17;
	[sflag:s12] =	ssyncadd.s32 $0xFFFFC000  }
0x64: {  	[tilespmem:s15], [sflag:$0x1] =	stream.indirect.gather [hbm4b:s3+s14], $0x80, s18, s14, $0xb8;
	[tilespmem:$0x1E400] =	vst v63  }
0x65: {  	_ =	swait.ge [sflag:s16], $0x4000  }
0x66: {  	[sflag:s16] =	ssyncset.done $0x0  }
0x67: {  	s19 =	sadd.s32 $0x1400, s17;
	[sflag:s16] =	ssyncadd.s32 $0xFFFFC000  }
0x68: {  	[spmem:s2] =	stream.indirect.scatter.add.f32 [tilespmem:s13], [sflag:$0x2], $0x80, s19, s14, $0xb8;
	[tilespmem:$0x1E400] =	vst v63  }
0x69: {  	_ =	swait.ge [sflag:s12], $0x4000  }
0x6a: {  	[sflag:s12] =	ssyncset.done $0x0  }
0x6b: {  	s20 =	sadd.s32 $0x100, s17;
	[sflag:s12] =	ssyncadd.s32 $0xFFFFC000  }
0x6c: {  	[tilespmem:s13], [sflag:$0x1] =	stream.indirect.gather [hbm4b:s3+s14], $0x80, s20, s14, $0xb8;
	[tilespmem:$0x1E400] =	vst v63  }
0x6d: {  	_ =	swait.ge [sflag:s16], $0x4000  }
0x6e: {  	[sflag:s16] =	ssyncset.done $0x0  }
0x6f: {  	s21 =	sadd.s32 $0x1480, s17;
	[sflag:s16] =	ssyncadd.s32 $0xFFFFC000  }
0x70: {  	[spmem:s2] =	stream.indirect.scatter.add.f32 [tilespmem:s15], [sflag:$0x2], $0x80, s21, s14, $0xb8;
	[tilespmem:$0x1E400] =	vst v63  }
0x71: {  	_ =	swait.ge [sflag:s12], $0x4000  }
0x72: {  	s22 =	simm.s32 $0x1380;
	s13 =	simm.s32 $0x6800;
	[sflag:s12] =	ssyncset.done $0x0  }
0x73: {  	s14 =	simm.s32 $0x1;
	[sflag:s12] =	ssyncadd.s32 $0xFFFFC000;
	s12 =	simm.s32 $0x80  }
0x74: {  	[tilespmem:s13], [sflag:$0x1] =	stream.indirect.gather [hbm4b:s3+s12], $0x80, s22, s12, $0xb8;
	[tilespmem:$0x1E400] =	vst v63  }
0x75: {  	_ =	swait.ge [sflag:s14], $0x4000  }
0x76: {  	s23 =	simm.s32 $0x2700;
	[sflag:s14] =	ssyncset.done $0x0  }
0x77: {  	s16 =	simm.s32 $0x2800;
	s15 =	simm.s32 $0x2;
	[sflag:s14] =	ssyncadd.s32 $0xFFFFC000  }
0x78: {  	[spmem:s2] =	stream.indirect.scatter.add.f32 [tilespmem:s16], [sflag:$0x2], $0x80, s23, s12, $0xb8;
	[tilespmem:$0x1E400] =	vst v63  }
0x79: {  	_ =	swait.ge [sflag:s15], $0x4000  }
0x7a: {  	[sflag:s15] =	ssyncset.done $0x0  }
0x7b: {  	[sflag:s15] =	ssyncadd.s32 $0xFFFFC000  }
0x7c: {  	[tilespmem:s16], [sflag:$0x1] =	stream.indirect.gather [hbm4b:s3+s12], $0x80, s22, s12, $0xb8;
	[tilespmem:$0x1E400] =	vst v63  }
0x7d: {  	_ =	swait.ge [sflag:s14], $0x4000  }
0x7e: {  	[sflag:s14] =	ssyncset.done $0x0  }
0x7f: {  	s24 =	simm.s32 $0x2780;
	[sflag:s14] =	ssyncadd.s32 $0xFFFFC000  }
0x80: {  	[spmem:s2] =	stream.indirect.scatter.add.f32 [tilespmem:s13], [sflag:$0x2], $0x80, s24, s12, $0xb8;
	[tilespmem:$0x1E400] =	vst v63  }
0x81: {  	_ =	swait.ge [sflag:s15], $0x4000  }
0x82: {  	[sflag:s15] =	ssyncset.done $0x0  }
0x83: {  	[sflag:s15] =	ssyncadd.s32 $0xFFFFC000  }
0x84: {  	_ =	swait.ge [sflag:s14], $0x4000  }
0x85: {  	[sflag:s14] =	ssyncset.done $0x0  }
0x86: {  	s25 =	simm.s32 $0x0;
	[sflag:s14] =	ssyncadd.s32 $0xFFFFC000  }
0x87: {  	[tilespmem:s25], [sflag:$0x2] =	stream.linear.gather [hbm4b:s11+s25], $0x1400, $0x38;
	[tilespmem:$0x1E400] =	vst v63  }
0x88: {  	_ =	swait.ge [sflag:s15], $0x1400  }
0x89: {  	[sflag:s15] =	ssyncset.done $0x0  }
0x8a: {  	s26 =	simm.s32 $0x1400;
	[sflag:s15] =	ssyncadd.s32 $0xFFFFEC00  }
0x8b: {  	[tilespmem:s26], [sflag:$0x2] =	stream.linear.gather [hbm4b:s10+s25], $0x1400, $0x38;
	[tilespmem:$0x1E400] =	vst v63  }
0x8c: {  	_ =	swait.ge [sflag:s15], $0x1400  }
0x8d: {  	[sflag:s15] =	ssyncset.done $0x0  }
0x8e: {  	[sflag:s15] =	ssyncadd.s32 $0xFFFFEC00  }
0x8f: {  	[tilespmem:s16], [sflag:$0x1] =	stream.indirect.gather [hbm4b:s3+s12], $0x80, s25, s12, $0xb8;
	[tilespmem:$0x1E400] =	vst v63  }
0x90: {  	s28 =	simm.s32 $0x80  }
0x91: {  	[tilespmem:s13], [sflag:$0x1] =	stream.indirect.gather [hbm4b:s3+s12], $0x80, s28, s12, $0xb8;
	[tilespmem:$0x1E400] =	vst v63  }
0x92: {  	_ =	swait.ge [sflag:s14], $0x4000  }
0x93: {  	[sflag:s14] =	ssyncset.done $0x0  }
0x94: {  	s29 =	simm.s32 $0x1400;
	[sflag:s14] =	ssyncadd.s32 $0xFFFFC000  }
0x95: {  	[spmem:s2] =	stream.indirect.scatter.add.f32 [tilespmem:s16], [sflag:$0x2], $0x80, s29, s12, $0xb8;
	[tilespmem:$0x1E400] =	vst v63  }
0x96: {  	_ =	swait.ge [sflag:s15], $0x4000  }
0x97: {  	[sflag:s15] =	ssyncset.done $0x0  }
0x98: {  	s30 =	simm.s32 $0x100;
	[sflag:s15] =	ssyncadd.s32 $0xFFFFC000  }
0x99: {  	[tilespmem:s16], [sflag:$0x1] =	stream.indirect.gather [hbm4b:s3+s12], $0x80, s30, s12, $0xb8;
	[tilespmem:$0x1E400] =	vst v63  }
0x9a: {  	_ =	swait.ge [sflag:s14], $0x4000  }
0x9b: {  	[sflag:s14] =	ssyncset.done $0x0  }
0x9c: {  	s31 =	simm.s32 $0x1480;
	[sflag:s14] =	ssyncadd.s32 $0xFFFFC000  }
0x9d: {  	[spmem:s2] =	stream.indirect.scatter.add.f32 [tilespmem:s13], [sflag:$0x2], $0x80, s31, s12, $0xb8;
	[tilespmem:$0x1E400] =	vst v63  }
0x9e: {  	_ =	swait.ge [sflag:s15], $0x4000  }
0x9f: {  	s11 =	simm.s32 $0x800;
	s10 =	simm.s32 $0x100;
	[sflag:s15] =	ssyncset.done $0x0  }
.LBB2_6:
0xa0: {  	s17 =	sadd.s32 $0x80, s10  }
0xa1: {  	[sflag:s15] =	ssyncadd.s32 $0xFFFFC000;
	s18 =	smov.u32 s11;
	s19 =	sadd.s32 $0x400, s11  }
0xa2: {  	[tilespmem:s13], [sflag:$0x1] =	stream.indirect.gather [hbm4b:s3+s12], $0x80, s17, s12, $0xb8;
	[tilespmem:$0x1E400] =	vst v63  }
0xa3: {  	p0 =	sne.s32 s11, $0x4800;
	_ =	swait.ge [sflag:s14], $0x4000  }
0xa4: {  	[sflag:s14] =	ssyncset.done $0x0  }
0xa5: {  	s11 =	sadd.s32 $0x1400, s10;
	[sflag:s14] =	ssyncadd.s32 $0xFFFFC000  }
0xa6: {  	[spmem:s2] =	stream.indirect.scatter.add.f32 [tilespmem:s16], [sflag:$0x2], $0x80, s11, s12, $0xb8;
	[tilespmem:$0x1E400] =	vst v63  }
0xa7: {  	_ =	swait.ge [sflag:s15], $0x4000  }
0xa8: {  	[sflag:s15] =	ssyncset.done $0x0  }
0xa9: {  	s11 =	sadd.s32 $0x100, s10;
	[sflag:s15] =	ssyncadd.s32 $0xFFFFC000  }
0xaa: {  	[tilespmem:s16], [sflag:$0x1] =	stream.indirect.gather [hbm4b:s3+s12], $0x80, s11, s12, $0xb8;
	[tilespmem:$0x1E400] =	vst v63  }
0xab: {  	_ =	swait.ge [sflag:s14], $0x4000  }
.Ltmp3:
0xac: {  	[sflag:s14] =	ssyncset.done $0x0;
	(pc) =	sbr.rel @p0 .LBB2_6-.Ltmp3, $4  }
0xad: {  	s10 =	sadd.s32 $0x1480, s10;
	[sflag:s14] =	ssyncadd.s32 $0xFFFFC000  }
0xae: {  	[spmem:s2] =	stream.indirect.scatter.add.f32 [tilespmem:s13], [sflag:$0x2], $0x80, s10, s12, $0xb8;
	[tilespmem:$0x1E400] =	vst v63  }
0xaf: {  	_ =	swait.ge [sflag:s15], $0x4000  }
0xb0: {  	s11 =	smov.u32 s19;
	s10 =	sshra.s32 s18, $0x2;
	[sflag:s15] =	ssyncset.done $0x0  }
0xb1: {  	s11 =	sadd.s32 $0x80, s10;
	[sflag:s15] =	ssyncadd.s32 $0xFFFFC000  }
0xb2: {  	[tilespmem:s13], [sflag:$0x1] =	stream.indirect.gather [hbm4b:s3+s12], $0x80, s11, s12, $0xb8;
	[tilespmem:$0x1E400] =	vst v63  }
0xb3: {  	_ =	swait.ge [sflag:s14], $0x4000  }
0xb4: {  	[sflag:s14] =	ssyncset.done $0x0  }
0xb5: {  	s19 =	sadd.s32 $0x1400, s10;
	[sflag:s14] =	ssyncadd.s32 $0xFFFFC000  }
0xb6: {  	[spmem:s2] =	stream.indirect.scatter.add.f32 [tilespmem:s16], [sflag:$0x2], $0x80, s19, s12, $0xb8;
	[tilespmem:$0x1E400] =	vst v63  }
0xb7: {  	_ =	swait.ge [sflag:s15], $0x4000  }
0xb8: {  	[sflag:s15] =	ssyncset.done $0x0  }
0xb9: {  	s20 =	sadd.s32 $0x100, s10;
	[sflag:s15] =	ssyncadd.s32 $0xFFFFC000  }
0xba: {  	[tilespmem:s16], [sflag:$0x1] =	stream.indirect.gather [hbm4b:s3+s12], $0x80, s20, s12, $0xb8;
	[tilespmem:$0x1E400] =	vst v63  }
0xbb: {  	_ =	swait.ge [sflag:s14], $0x4000  }
0xbc: {  	[sflag:s14] =	ssyncset.done $0x0  }
0xbd: {  	s21 =	sadd.s32 $0x1480, s10;
	[sflag:s14] =	ssyncadd.s32 $0xFFFFC000  }
0xbe: {  	[spmem:s2] =	stream.indirect.scatter.add.f32 [tilespmem:s13], [sflag:$0x2], $0x80, s21, s12, $0xb8;
	[tilespmem:$0x1E400] =	vst v63  }
0xbf: {  	_ =	swait.ge [sflag:s15], $0x4000  }
0xc0: {  	s10 =	simm.s32 $0x80;
	s22 =	simm.s32 $0x1380;
	[sflag:s15] =	ssyncset.done $0x0  }
0xc1: {  	s11 =	simm.s32 $0x6800;
	s12 =	simm.s32 $0x1;
	[sflag:s15] =	ssyncadd.s32 $0xFFFFC000  }
0xc2: {  	[tilespmem:s11], [sflag:$0x1] =	stream.indirect.gather [hbm4b:s3+s10], $0x80, s22, s10, $0xb8;
	[tilespmem:$0x1E400] =	vst v63  }
0xc3: {  	_ =	swait.ge [sflag:s12], $0x4000  }
0xc4: {  	s23 =	simm.s32 $0x2700;
	[sflag:s12] =	ssyncset.done $0x0  }
0xc5: {  	s14 =	simm.s32 $0x2800;
	s13 =	simm.s32 $0x2;
	[sflag:s12] =	ssyncadd.s32 $0xFFFFC000  }
0xc6: {  	[spmem:s2] =	stream.indirect.scatter.add.f32 [tilespmem:s14], [sflag:$0x2], $0x80, s23, s10, $0xb8;
	[tilespmem:$0x1E400] =	vst v63  }
0xc7: {  	_ =	swait.ge [sflag:s13], $0x4000  }
0xc8: {  	[sflag:s13] =	ssyncset.done $0x0  }
0xc9: {  	[sflag:s13] =	ssyncadd.s32 $0xFFFFC000  }
0xca: {  	[tilespmem:s14], [sflag:$0x1] =	stream.indirect.gather [hbm4b:s3+s10], $0x80, s22, s10, $0xb8;
	[tilespmem:$0x1E400] =	vst v63  }
0xcb: {  	_ =	swait.ge [sflag:s12], $0x4000  }
0xcc: {  	[sflag:s12] =	ssyncset.done $0x0  }
0xcd: {  	s24 =	simm.s32 $0x2780;
	[sflag:s12] =	ssyncadd.s32 $0xFFFFC000  }
0xce: {  	[spmem:s2] =	stream.indirect.scatter.add.f32 [tilespmem:s11], [sflag:$0x2], $0x80, s24, s10, $0xb8;
	[tilespmem:$0x1E400] =	vst v63  }
0xcf: {  	_ =	swait.ge [sflag:s13], $0x4000  }
0xd0: {  	[sflag:s13] =	ssyncset.done $0x0  }
0xd1: {  	[sflag:s13] =	ssyncadd.s32 $0xFFFFC000  }
0xd2: {  	_ =	swait.ge [sflag:s12], $0x4000  }
0xd3: {  	[sflag:s12] =	ssyncset.done $0x0  }
0xd4: {  	s25 =	simm.s32 $0x0;
	[sflag:s12] =	ssyncadd.s32 $0xFFFFC000  }
0xd5: {  	[tilespmem:s25], [sflag:$0x2] =	stream.linear.gather [hbm4b:s9+s25], $0x1400, $0x38;
	[tilespmem:$0x1E400] =	vst v63  }
0xd6: {  	_ =	swait.ge [sflag:s13], $0x1400  }
0xd7: {  	[sflag:s13] =	ssyncset.done $0x0  }
0xd8: {  	s26 =	simm.s32 $0x1400;
	[sflag:s13] =	ssyncadd.s32 $0xFFFFEC00  }
0xd9: {  	[tilespmem:s26], [sflag:$0x2] =	stream.linear.gather [hbm4b:s8+s25], $0x1400, $0x38;
	[tilespmem:$0x1E400] =	vst v63  }
0xda: {  	_ =	swait.ge [sflag:s13], $0x1400  }
0xdb: {  	[sflag:s13] =	ssyncset.done $0x0  }
0xdc: {  	[sflag:s13] =	ssyncadd.s32 $0xFFFFEC00  }
0xdd: {  	[tilespmem:s14], [sflag:$0x1] =	stream.indirect.gather [hbm4b:s3+s10], $0x80, s25, s10, $0xb8;
	[tilespmem:$0x1E400] =	vst v63  }
0xde: {  	s28 =	simm.s32 $0x80  }
0xdf: {  	[tilespmem:s11], [sflag:$0x1] =	stream.indirect.gather [hbm4b:s3+s10], $0x80, s28, s10, $0xb8;
	[tilespmem:$0x1E400] =	vst v63  }
0xe0: {  	_ =	swait.ge [sflag:s12], $0x4000  }
0xe1: {  	[sflag:s12] =	ssyncset.done $0x0  }
0xe2: {  	s29 =	simm.s32 $0x1400;
	[sflag:s12] =	ssyncadd.s32 $0xFFFFC000  }
0xe3: {  	[spmem:s2] =	stream.indirect.scatter.add.f32 [tilespmem:s14], [sflag:$0x2], $0x80, s29, s10, $0xb8;
	[tilespmem:$0x1E400] =	vst v63  }
0xe4: {  	_ =	swait.ge [sflag:s13], $0x4000  }
0xe5: {  	[sflag:s13] =	ssyncset.done $0x0  }
0xe6: {  	s30 =	simm.s32 $0x100;
	[sflag:s13] =	ssyncadd.s32 $0xFFFFC000  }
0xe7: {  	[tilespmem:s14], [sflag:$0x1] =	stream.indirect.gather [hbm4b:s3+s10], $0x80, s30, s10, $0xb8;
	[tilespmem:$0x1E400] =	vst v63  }
0xe8: {  	_ =	swait.ge [sflag:s12], $0x4000  }
0xe9: {  	[sflag:s12] =	ssyncset.done $0x0  }
0xea: {  	s31 =	simm.s32 $0x1480;
	[sflag:s12] =	ssyncadd.s32 $0xFFFFC000  }
0xeb: {  	[spmem:s2] =	stream.indirect.scatter.add.f32 [tilespmem:s11], [sflag:$0x2], $0x80, s31, s10, $0xb8;
	[tilespmem:$0x1E400] =	vst v63  }
0xec: {  	_ =	swait.ge [sflag:s13], $0x4000  }
0xed: {  	s9 =	simm.s32 $0x800;
	s8 =	simm.s32 $0x100;
	[sflag:s13] =	ssyncset.done $0x0  }
.LBB2_8:
0xee: {  	s15 =	sadd.s32 $0x80, s8  }
0xef: {  	[sflag:s13] =	ssyncadd.s32 $0xFFFFC000;
	s16 =	smov.u32 s9;
	s17 =	sadd.s32 $0x400, s9  }
0xf0: {  	[tilespmem:s11], [sflag:$0x1] =	stream.indirect.gather [hbm4b:s3+s10], $0x80, s15, s10, $0xb8;
	[tilespmem:$0x1E400] =	vst v63  }
0xf1: {  	p0 =	sne.s32 s9, $0x4800;
	_ =	swait.ge [sflag:s12], $0x4000  }
0xf2: {  	[sflag:s12] =	ssyncset.done $0x0  }
0xf3: {  	s9 =	sadd.s32 $0x1400, s8;
	[sflag:s12] =	ssyncadd.s32 $0xFFFFC000  }
0xf4: {  	[spmem:s2] =	stream.indirect.scatter.add.f32 [tilespmem:s14], [sflag:$0x2], $0x80, s9, s10, $0xb8;
	[tilespmem:$0x1E400] =	vst v63  }
0xf5: {  	_ =	swait.ge [sflag:s13], $0x4000  }
0xf6: {  	[sflag:s13] =	ssyncset.done $0x0  }
0xf7: {  	s9 =	sadd.s32 $0x100, s8;
	[sflag:s13] =	ssyncadd.s32 $0xFFFFC000  }
0xf8: {  	[tilespmem:s14], [sflag:$0x1] =	stream.indirect.gather [hbm4b:s3+s10], $0x80, s9, s10, $0xb8;
	[tilespmem:$0x1E400] =	vst v63  }
0xf9: {  	_ =	swait.ge [sflag:s12], $0x4000  }
.Ltmp4:
0xfa: {  	[sflag:s12] =	ssyncset.done $0x0;
	(pc) =	sbr.rel @p0 .LBB2_8-.Ltmp4, $4  }
0xfb: {  	s8 =	sadd.s32 $0x1480, s8;
	[sflag:s12] =	ssyncadd.s32 $0xFFFFC000  }
0xfc: {  	[spmem:s2] =	stream.indirect.scatter.add.f32 [tilespmem:s11], [sflag:$0x2], $0x80, s8, s10, $0xb8;
	[tilespmem:$0x1E400] =	vst v63  }
0xfd: {  	_ =	swait.ge [sflag:s13], $0x4000  }
0xfe: {  	s9 =	smov.u32 s17;
	s8 =	sshra.s32 s16, $0x2;
	[sflag:s13] =	ssyncset.done $0x0  }
0xff: {  	s9 =	sadd.s32 $0x80, s8;
	[sflag:s13] =	ssyncadd.s32 $0xFFFFC000  }
0x100: {  	[tilespmem:s11], [sflag:$0x1] =	stream.indirect.gather [hbm4b:s3+s10], $0x80, s9, s10, $0xb8;
	[tilespmem:$0x1E400] =	vst v63  }
0x101: {  	_ =	swait.ge [sflag:s12], $0x4000  }
0x102: {  	[sflag:s12] =	ssyncset.done $0x0  }
0x103: {  	s19 =	sadd.s32 $0x1400, s8;
	[sflag:s12] =	ssyncadd.s32 $0xFFFFC000  }
0x104: {  	[spmem:s2] =	stream.indirect.scatter.add.f32 [tilespmem:s14], [sflag:$0x2], $0x80, s19, s10, $0xb8;
	[tilespmem:$0x1E400] =	vst v63  }
0x105: {  	_ =	swait.ge [sflag:s13], $0x4000  }
0x106: {  	[sflag:s13] =	ssyncset.done $0x0  }
0x107: {  	s20 =	sadd.s32 $0x100, s8;
	[sflag:s13] =	ssyncadd.s32 $0xFFFFC000  }
0x108: {  	[tilespmem:s14], [sflag:$0x1] =	stream.indirect.gather [hbm4b:s3+s10], $0x80, s20, s10, $0xb8;
	[tilespmem:$0x1E400] =	vst v63  }
0x109: {  	_ =	swait.ge [sflag:s12], $0x4000  }
0x10a: {  	[sflag:s12] =	ssyncset.done $0x0  }
0x10b: {  	s21 =	sadd.s32 $0x1480, s8;
	[sflag:s12] =	ssyncadd.s32 $0xFFFFC000  }
0x10c: {  	[spmem:s2] =	stream.indirect.scatter.add.f32 [tilespmem:s11], [sflag:$0x2], $0x80, s21, s10, $0xb8;
	[tilespmem:$0x1E400] =	vst v63  }
0x10d: {  	_ =	swait.ge [sflag:s13], $0x4000  }
0x10e: {  	s8 =	simm.s32 $0x80;
	s22 =	simm.s32 $0x1380;
	[sflag:s13] =	ssyncset.done $0x0  }
0x10f: {  	s9 =	simm.s32 $0x6800;
	s10 =	simm.s32 $0x1;
	[sflag:s13] =	ssyncadd.s32 $0xFFFFC000  }
0x110: {  	[tilespmem:s9], [sflag:$0x1] =	stream.indirect.gather [hbm4b:s3+s8], $0x80, s22, s8, $0xb8;
	[tilespmem:$0x1E400] =	vst v63  }
0x111: {  	_ =	swait.ge [sflag:s10], $0x4000  }
0x112: {  	s23 =	simm.s32 $0x2700;
	[sflag:s10] =	ssyncset.done $0x0  }
0x113: {  	s12 =	simm.s32 $0x2800;
	s11 =	simm.s32 $0x2;
	[sflag:s10] =	ssyncadd.s32 $0xFFFFC000  }
0x114: {  	[spmem:s2] =	stream.indirect.scatter.add.f32 [tilespmem:s12], [sflag:$0x2], $0x80, s23, s8, $0xb8;
	[tilespmem:$0x1E400] =	vst v63  }
0x115: {  	_ =	swait.ge [sflag:s11], $0x4000  }
0x116: {  	[sflag:s11] =	ssyncset.done $0x0  }
0x117: {  	[sflag:s11] =	ssyncadd.s32 $0xFFFFC000  }
0x118: {  	[tilespmem:s12], [sflag:$0x1] =	stream.indirect.gather [hbm4b:s3+s8], $0x80, s22, s8, $0xb8;
	[tilespmem:$0x1E400] =	vst v63  }
0x119: {  	_ =	swait.ge [sflag:s10], $0x4000  }
0x11a: {  	[sflag:s10] =	ssyncset.done $0x0  }
0x11b: {  	s24 =	simm.s32 $0x2780;
	[sflag:s10] =	ssyncadd.s32 $0xFFFFC000  }
0x11c: {  	[spmem:s2] =	stream.indirect.scatter.add.f32 [tilespmem:s9], [sflag:$0x2], $0x80, s24, s8, $0xb8;
	[tilespmem:$0x1E400] =	vst v63  }
0x11d: {  	_ =	swait.ge [sflag:s11], $0x4000  }
0x11e: {  	[sflag:s11] =	ssyncset.done $0x0  }
0x11f: {  	[sflag:s11] =	ssyncadd.s32 $0xFFFFC000  }
0x120: {  	_ =	swait.ge [sflag:s10], $0x4000  }
0x121: {  	[sflag:s10] =	ssyncset.done $0x0  }
0x122: {  	s25 =	simm.s32 $0x0;
	[sflag:s10] =	ssyncadd.s32 $0xFFFFC000  }
0x123: {  	[tilespmem:s25], [sflag:$0x2] =	stream.linear.gather [hbm4b:s7+s25], $0x1400, $0x38;
	[tilespmem:$0x1E400] =	vst v63  }
0x124: {  	_ =	swait.ge [sflag:s11], $0x1400  }
0x125: {  	[sflag:s11] =	ssyncset.done $0x0  }
0x126: {  	s26 =	simm.s32 $0x1400;
	[sflag:s11] =	ssyncadd.s32 $0xFFFFEC00  }
0x127: {  	[tilespmem:s26], [sflag:$0x2] =	stream.linear.gather [hbm4b:s6+s25], $0x1400, $0x38;
	[tilespmem:$0x1E400] =	vst v63  }
0x128: {  	_ =	swait.ge [sflag:s11], $0x1400  }
0x129: {  	[sflag:s11] =	ssyncset.done $0x0  }
0x12a: {  	[sflag:s11] =	ssyncadd.s32 $0xFFFFEC00  }
0x12b: {  	[tilespmem:s12], [sflag:$0x1] =	stream.indirect.gather [hbm4b:s3+s8], $0x80, s25, s8, $0xb8;
	[tilespmem:$0x1E400] =	vst v63  }
0x12c: {  	s28 =	simm.s32 $0x80  }
0x12d: {  	[tilespmem:s9], [sflag:$0x1] =	stream.indirect.gather [hbm4b:s3+s8], $0x80, s28, s8, $0xb8;
	[tilespmem:$0x1E400] =	vst v63  }
0x12e: {  	_ =	swait.ge [sflag:s10], $0x4000  }
0x12f: {  	[sflag:s10] =	ssyncset.done $0x0  }
0x130: {  	s29 =	simm.s32 $0x1400;
	[sflag:s10] =	ssyncadd.s32 $0xFFFFC000  }
0x131: {  	[spmem:s2] =	stream.indirect.scatter.add.f32 [tilespmem:s12], [sflag:$0x2], $0x80, s29, s8, $0xb8;
	[tilespmem:$0x1E400] =	vst v63  }
0x132: {  	_ =	swait.ge [sflag:s11], $0x4000  }
0x133: {  	[sflag:s11] =	ssyncset.done $0x0  }
0x134: {  	s30 =	simm.s32 $0x100;
	[sflag:s11] =	ssyncadd.s32 $0xFFFFC000  }
0x135: {  	[tilespmem:s12], [sflag:$0x1] =	stream.indirect.gather [hbm4b:s3+s8], $0x80, s30, s8, $0xb8;
	[tilespmem:$0x1E400] =	vst v63  }
0x136: {  	_ =	swait.ge [sflag:s10], $0x4000  }
0x137: {  	[sflag:s10] =	ssyncset.done $0x0  }
0x138: {  	s31 =	simm.s32 $0x1480;
	[sflag:s10] =	ssyncadd.s32 $0xFFFFC000  }
0x139: {  	[spmem:s2] =	stream.indirect.scatter.add.f32 [tilespmem:s9], [sflag:$0x2], $0x80, s31, s8, $0xb8;
	[tilespmem:$0x1E400] =	vst v63  }
0x13a: {  	_ =	swait.ge [sflag:s11], $0x4000  }
0x13b: {  	s7 =	simm.s32 $0x800;
	s6 =	simm.s32 $0x100;
	[sflag:s11] =	ssyncset.done $0x0  }
.LBB2_10:
0x13c: {  	s13 =	sadd.s32 $0x80, s6  }
0x13d: {  	[sflag:s11] =	ssyncadd.s32 $0xFFFFC000;
	s14 =	smov.u32 s7;
	s15 =	sadd.s32 $0x400, s7  }
0x13e: {  	[tilespmem:s9], [sflag:$0x1] =	stream.indirect.gather [hbm4b:s3+s8], $0x80, s13, s8, $0xb8;
	[tilespmem:$0x1E400] =	vst v63  }
0x13f: {  	p0 =	sne.s32 s7, $0x4800;
	_ =	swait.ge [sflag:s10], $0x4000  }
0x140: {  	[sflag:s10] =	ssyncset.done $0x0  }
0x141: {  	s7 =	sadd.s32 $0x1400, s6;
	[sflag:s10] =	ssyncadd.s32 $0xFFFFC000  }
0x142: {  	[spmem:s2] =	stream.indirect.scatter.add.f32 [tilespmem:s12], [sflag:$0x2], $0x80, s7, s8, $0xb8;
	[tilespmem:$0x1E400] =	vst v63  }
0x143: {  	_ =	swait.ge [sflag:s11], $0x4000  }
0x144: {  	[sflag:s11] =	ssyncset.done $0x0  }
0x145: {  	s7 =	sadd.s32 $0x100, s6;
	[sflag:s11] =	ssyncadd.s32 $0xFFFFC000  }
0x146: {  	[tilespmem:s12], [sflag:$0x1] =	stream.indirect.gather [hbm4b:s3+s8], $0x80, s7, s8, $0xb8;
	[tilespmem:$0x1E400] =	vst v63  }
0x147: {  	_ =	swait.ge [sflag:s10], $0x4000  }
.Ltmp5:
0x148: {  	[sflag:s10] =	ssyncset.done $0x0;
	(pc) =	sbr.rel @p0 .LBB2_10-.Ltmp5, $4  }
0x149: {  	s6 =	sadd.s32 $0x1480, s6;
	[sflag:s10] =	ssyncadd.s32 $0xFFFFC000  }
0x14a: {  	[spmem:s2] =	stream.indirect.scatter.add.f32 [tilespmem:s9], [sflag:$0x2], $0x80, s6, s8, $0xb8;
	[tilespmem:$0x1E400] =	vst v63  }
0x14b: {  	_ =	swait.ge [sflag:s11], $0x4000  }
0x14c: {  	s7 =	smov.u32 s15;
	s6 =	sshra.s32 s14, $0x2;
	[sflag:s11] =	ssyncset.done $0x0  }
0x14d: {  	s7 =	sadd.s32 $0x80, s6;
	[sflag:s11] =	ssyncadd.s32 $0xFFFFC000  }
0x14e: {  	[tilespmem:s9], [sflag:$0x1] =	stream.indirect.gather [hbm4b:s3+s8], $0x80, s7, s8, $0xb8;
	[tilespmem:$0x1E400] =	vst v63  }
0x14f: {  	_ =	swait.ge [sflag:s10], $0x4000  }
0x150: {  	[sflag:s10] =	ssyncset.done $0x0  }
0x151: {  	s18 =	sadd.s32 $0x1400, s6;
	[sflag:s10] =	ssyncadd.s32 $0xFFFFC000  }
0x152: {  	[spmem:s2] =	stream.indirect.scatter.add.f32 [tilespmem:s12], [sflag:$0x2], $0x80, s18, s8, $0xb8;
	[tilespmem:$0x1E400] =	vst v63  }
0x153: {  	_ =	swait.ge [sflag:s11], $0x4000  }
0x154: {  	[sflag:s11] =	ssyncset.done $0x0  }
0x155: {  	s19 =	sadd.s32 $0x100, s6;
	[sflag:s11] =	ssyncadd.s32 $0xFFFFC000  }
0x156: {  	[tilespmem:s12], [sflag:$0x1] =	stream.indirect.gather [hbm4b:s3+s8], $0x80, s19, s8, $0xb8;
	[tilespmem:$0x1E400] =	vst v63  }
0x157: {  	_ =	swait.ge [sflag:s10], $0x4000  }
0x158: {  	[sflag:s10] =	ssyncset.done $0x0  }
0x159: {  	s20 =	sadd.s32 $0x1480, s6;
	[sflag:s10] =	ssyncadd.s32 $0xFFFFC000  }
0x15a: {  	[spmem:s2] =	stream.indirect.scatter.add.f32 [tilespmem:s9], [sflag:$0x2], $0x80, s20, s8, $0xb8;
	[tilespmem:$0x1E400] =	vst v63  }
0x15b: {  	_ =	swait.ge [sflag:s11], $0x4000  }
0x15c: {  	s21 =	simm.s32 $0x80;
	s22 =	simm.s32 $0x1380;
	[sflag:s11] =	ssyncset.done $0x0  }
0x15d: {  	s23 =	simm.s32 $0x6800;
	s24 =	simm.s32 $0x1;
	[sflag:s11] =	ssyncadd.s32 $0xFFFFC000  }
0x15e: {  	[tilespmem:s23], [sflag:$0x1] =	stream.indirect.gather [hbm4b:s3+s21], $0x80, s22, s21, $0xb8;
	[tilespmem:$0x1E400] =	vst v63  }
0x15f: {  	_ =	swait.ge [sflag:s24], $0x4000  }
0x160: {  	s25 =	simm.s32 $0x2700;
	[sflag:s24] =	ssyncset.done $0x0  }
0x161: {  	s26 =	simm.s32 $0x2800;
	s28 =	simm.s32 $0x2;
	[sflag:s24] =	ssyncadd.s32 $0xFFFFC000  }
0x162: {  	[spmem:s2] =	stream.indirect.scatter.add.f32 [tilespmem:s26], [sflag:$0x2], $0x80, s25, s21, $0xb8;
	[tilespmem:$0x1E400] =	vst v63  }
0x163: {  	_ =	swait.ge [sflag:s28], $0x4000  }
0x164: {  	[sflag:s28] =	ssyncset.done $0x0  }
0x165: {  	[sflag:s28] =	ssyncadd.s32 $0xFFFFC000  }
0x166: {  	[tilespmem:s26], [sflag:$0x1] =	stream.indirect.gather [hbm4b:s3+s21], $0x80, s22, s21, $0xb8;
	[tilespmem:$0x1E400] =	vst v63  }
0x167: {  	_ =	swait.ge [sflag:s24], $0x4000  }
0x168: {  	[sflag:s24] =	ssyncset.done $0x0  }
0x169: {  	s29 =	simm.s32 $0x2780;
	[sflag:s24] =	ssyncadd.s32 $0xFFFFC000  }
0x16a: {  	[spmem:s2] =	stream.indirect.scatter.add.f32 [tilespmem:s23], [sflag:$0x2], $0x80, s29, s21, $0xb8;
	[tilespmem:$0x1E400] =	vst v63  }
0x16b: {  	_ =	swait.ge [sflag:s28], $0x4000  }
0x16c: {  	[sflag:s28] =	ssyncset.done $0x0  }
0x16d: {  	[sflag:s28] =	ssyncadd.s32 $0xFFFFC000  }
0x16e: {  	_ =	swait.ge [sflag:s24], $0x4000  }
0x16f: {  	[sflag:s24] =	ssyncset.done $0x0  }
0x170: {  	s30 =	sshll.u32 s1, $0x6;
	[sflag:s24] =	ssyncadd.s32 $0xFFFFC000  }
0x171: {  	s31 =	sshrl.u32 s4, $0x3;
	s2 =	sor.u32 $0x1C02, s30;
	[bflag:$0x0] =	sbarrier.arrive $0xFFFF  }
0x172: {  	[hbm:s5], [sflag:s2] =	dma.local [spmem:s31], $0x2780  }
0x173: {  	_ =	swait.ge [sflag:s28], $0x2780  }
0x174: {  	[sflag:s28] =	ssyncset.done $0x0  }
0x175: {  	[sflag:s28] =	ssyncadd.s32 $0xFFFFD880  }
.LBB2_12:
0x176: {  	_ =	sfence.sel $0x180000  }
0x177: {  	[bflag:$0x0] =	sbarrier.arrive $0xFFFF  }
0x178: {  	p0 =	sne.s32 s1, $0x0;
	_ =	strace $0x90000050  }
0x179: {  	s0 =	sadd.s32 @!p0 $0x100000, s0;
	[bflag:$0x2] =	sbarrier.arrive $0xFFFF  }
0x17a: {  	[sflag:s0] =	ssyncadd.tile.s32 @!p0 $0x1;
	_ =	shalt  }
.Lfunc_end2:
_tile_overlayer_lowered:
.L_overlay_start_2:
0x17b: {  	(tag) =	ssettag $0x2  }
0x17c: {  	s0 =	rddreg [dreg:$0x0];
	s2 =	stileid.u32  }
0x17d: {  	s1 =	rddreg [dreg:$0x1];
	p0 =	sne.s32 s2, $0x0  }
0x17e: {  	s3 =	rddreg [dreg:$0x2];
	[bflag:$0x3] =	sbarrier.arrive $0xFFFF;
	s2 =	simm.s32 @!p0 $0x1C02  }
0x17f: {  	[timem:s3], [sflag:s2] =	dma.local @!p0 [hbm:s0], s1  }
0x180: {  	s0 =	simm.s32 @!p0 $0x2  }
0x181: {  	_ =	swait.ge @!p0 [sflag:s0], s1  }
0x182: {  	s1 =	ssub.s32 @!p0 $0x0, s1;
	[sflag:s0] =	ssyncset.done @!p0 $0x0  }
0x183: {  	[sflag:s0] =	ssyncadd.s32 @!p0 s1  }
0x184: {  	[bflag:$0x3] =	sbarrier.arrive $0xFFFF  }
0x185: {  	_ =	shalt  }

</sc_bundles>
